<compile_context>
chip_gen: v7x
topology: tpu7x:2x2x1
jax: 0.10.2.dev20260603
libtpu: 0.0.44.dev20260713+nightly
codegen_flags: <defaults>
</compile_context>

<pallas_src>
import jax
import jax.numpy as jnp
from jax import lax
from jax.experimental import pallas as pl
from jax.experimental.pallas import tpu as pltpu
from jax.experimental.pallas import tpu_sc as plsc

_K = 64
_BB = 8
_L = 16
_U = 8
_FULL_ITERS = 6
_TAIL1_ITERS = 4
_TAIL2_ITERS = 31 - _FULL_ITERS - _TAIL1_ITERS


def _matvec_body(x_ref, w_ref, o_ref):
    bb, d, n = x_ref.shape
    x = x_ref[...].reshape(bb * d, n)
    w = w_ref[...]
    s = jax.lax.dot_general(w, x, (((1,), (0,)), ((), ())),
                            preferred_element_type=jnp.float32)
    o_ref[...] = jnp.maximum(s, 0.0)


def _sc_stage2_body(s_hbm, o_hbm, sv, nv, ids):
    n = s_hbm.shape[1]
    nchunk = n // _L
    sent = jnp.int32(nchunk)
    wid = lax.axis_index("s") * 2 + lax.axis_index("c")
    izeros = jnp.zeros((_L,), jnp.int32)

    def one_batch(b):
        pltpu.sync_copy(s_hbm.at[b], sv.at[pl.ds(0, n)])
        sv[pl.ds(n, _L)] = plsc.bitcast(
            jnp.full((_L,), 0x7FFFFFFF, jnp.int32), jnp.float32)

        def bits_of(c):
            return plsc.bitcast(sv[pl.ds(c * _L, _L)], jnp.int32)

        def count_full(mid):
            def grp(g, acc):
                for j in range(_U):
                    acc = acc + (bits_of(g * _U + j) >= mid).astype(jnp.int32)
                return acc

            acc = lax.fori_loop(0, nchunk // _U, grp, izeros)
            return jnp.sum(acc)

        def step_full(_, lohi):
            lo, hi = lohi
            mid = lo + ((hi - lo + 1) >> 1)
            ge = count_full(mid) >= _K
            return jnp.where(ge, mid, lo), jnp.where(ge, hi, mid - 1)

        lo, hi = lax.fori_loop(0, _FULL_ITERS, step_full,
                               (jnp.int32(0), jnp.int32(0x7F7FFFFF)))

        def cgrp(g, carry):
            cnt, abv = carry
            for j in range(_U):
                c = g * _U + j
                v = bits_of(c)
                pc = plsc.all_reduce_population_count(
                    jnp.logical_and(v >= lo, v <= hi))
                ids[cnt] = jnp.int32(c)
                cnt = cnt + jnp.where(pc[0] > 0, 1, 0).astype(jnp.int32)
                abv = abv + (v > hi).astype(jnp.int32)
            return cnt, abv

        cnt1, above_v = lax.fori_loop(0, nchunk // _U, cgrp,
                                      (jnp.int32(0), izeros))
        above1 = jnp.sum(above_v)
        for j in range(_U):
            ids[cnt1 + j] = sent
        hi_c1 = hi
        trips1 = (cnt1 + _U - 1) // _U

        def count_ids(mid, trips, hic, above):
            def grp(g, acc):
                for j in range(_U):
                    v = bits_of(ids[g * _U + j])
                    acc = acc + jnp.logical_and(
                        v >= mid, v <= hic).astype(jnp.int32)
                return acc

            acc = lax.fori_loop(0, trips, grp, izeros)
            return above + jnp.sum(acc)

        def step_t1(_, lohi):
            lo, hi = lohi
            mid = lo + ((hi - lo + 1) >> 1)
            ge = count_ids(mid, trips1, hi_c1, above1) >= _K
            return jnp.where(ge, mid, lo), jnp.where(ge, hi, mid - 1)

        lo, hi = lax.fori_loop(0, _TAIL1_ITERS, step_t1, (lo, hi))

        def rgrp(g, carry):
            cnt, abv = carry
            for j in range(_U):
                cid = ids[g * _U + j]
                v = bits_of(cid)
                pc = plsc.all_reduce_population_count(
                    jnp.logical_and(v >= lo, v <= hi))
                ids[cnt] = cid
                cnt = cnt + jnp.where(pc[0] > 0, 1, 0).astype(jnp.int32)
                abv = abv + jnp.logical_and(
                    v > hi, v <= hi_c1).astype(jnp.int32)
            return cnt, abv

        cnt2, above2_v = lax.fori_loop(0, trips1, rgrp,
                                       (jnp.int32(0), izeros))
        above2 = above1 + jnp.sum(above2_v)
        for j in range(_U):
            ids[cnt2 + j] = sent
        hi_c2 = hi
        trips2 = (cnt2 + _U - 1) // _U

        def step_t2(_, lohi):
            lo, hi = lohi
            mid = lo + ((hi - lo + 1) >> 1)
            ge = count_ids(mid, trips2, hi_c2, above2) >= _K
            return jnp.where(ge, mid, lo), jnp.where(ge, hi, mid - 1)

        lo, hi = lax.fori_loop(0, _TAIL2_ITERS, step_t2, (lo, hi))

        def egrp(g, dacc):
            for j in range(_U):
                c = g * _U + j
                v = sv[pl.ds(c * _L, _L)]
                bb = plsc.bitcast(v, jnp.int32)
                num = jnp.where(bb >= lo, jnp.exp(v), jnp.float32(0.0))
                nv[pl.ds(c * _L, _L)] = num
                dacc = dacc + num
            return dacc

        dacc = lax.fori_loop(0, nchunk // _U, egrp,
                             jnp.zeros((_L,), jnp.float32))
        den_v = jnp.broadcast_to(jnp.sum(dacc), (_L,))
        inv_v = jnp.ones((_L,), jnp.float32) / den_v

        def sgrp(g, carry):
            for j in range(_U):
                c = g * _U + j
                sv[pl.ds(c * _L, _L)] = nv[pl.ds(c * _L, _L)] * inv_v
            return carry

        lax.fori_loop(0, nchunk // _U, sgrp, 0)
        pltpu.sync_copy(sv.at[pl.ds(0, n)], o_hbm.at[b])

    nb = s_hbm.shape[0]
    for r in range(nb // 32):
        one_batch(wid + r * 32)


def _sc_stage2(scores):
    B, N = scores.shape
    mesh = plsc.VectorSubcoreMesh(
        core_axis_name="c", subcore_axis_name="s", num_cores=2,
        num_subcores=16)
    fn = pl.kernel(
        _sc_stage2_body,
        out_type=jax.ShapeDtypeStruct((B, N), jnp.float32),
        mesh=mesh,
        scratch_types=[
            pltpu.VMEM((N + _L,), jnp.float32),
            pltpu.VMEM((N,), jnp.float32),
            pltpu.SMEM((N // _L + _U,), jnp.int32),
        ],
        compiler_params=pltpu.CompilerParams(needs_layout_passes=False),
    )
    return fn(scores)


def kernel(x0, wa):
    B, N, D = x0.shape
    xt = jnp.transpose(x0, (0, 2, 1))
    wrow = wa.reshape(1, D)
    wbd = jnp.kron(jnp.eye(_BB, dtype=x0.dtype), wrow)

    half = B // 2
    outs = []
    for s in range(2):
        off = s * (half // _BB)
        scores = pl.pallas_call(
            _matvec_body,
            grid=(half // _BB,),
            in_specs=[
                pl.BlockSpec((_BB, D, N), lambda i, off=off: (i + off, 0, 0)),
                pl.BlockSpec((_BB, _BB * D), lambda i: (0, 0)),
            ],
            out_specs=pl.BlockSpec((_BB, N), lambda i: (i, 0)),
            out_shape=jax.ShapeDtypeStruct((half, N), jnp.float32),
        )(xt, wbd)
        outs.append(_sc_stage2(scores))

    out = jnp.concatenate(outs, axis=0)
    return out.reshape(B, N, 1)

# --- scband reference (transcript-rebuilt; emitter-appended) ---
"""Pipeline reference for scband-attention-66640712565009 (READ-ONLY COPY).

The authoritative reference and input builder live on the scoring server;
editing this copy changes nothing except your own understanding.
"""

import jax, jax.numpy as jnp
import numpy as np

K = 64


def setup_inputs(seed: int = 0) -> dict:
    key = jax.random.key(seed)
    k1, k2 = jax.random.split(key)
    x0 = jax.random.normal(k1, (64, 8192, 64), dtype=jnp.float32)
    # Learned parameter: Dense(1, use_bias=False) kernel, shape [d_in, 1]
    wa = jax.random.normal(k2, (64, 1), dtype=jnp.float32) * 0.1
    return {"x0": x0, "wa": wa}


def reference(x0, wa):
    # a = relu(x0 @ wa)  -> [B, N, 1]
    a = jax.nn.relu(jnp.einsum('bnd,do->bno', x0, wa))
    # top-k over the sequence axis (reshape [-1, N] as in the TF code)
    a2 = a.reshape(-1, a.shape[1])
    topk_vals, _ = jax.lax.top_k(a2, K)
    min_a = jnp.min(topk_vals, axis=1, keepdims=True)
    min_a = min_a.reshape(-1, 1, 1)
    # threshold mask: keep entries >= k-th largest score
    m = (a >= min_a).astype(jnp.float32)
    num = jnp.exp(a) * m
    out = num / jnp.sum(num, axis=1, keepdims=True)
    return out

if __name__ == "__main__":
    import jax
    _d = setup_inputs()
    print(jax.jit(kernel)(*tuple(_d.values())))

</pallas_src>

<mosaic_0001>
#map = affine_map<(d0, d1) -> (0, 0)>
module attributes {stable_mosaic.version = 14 : i64} {
  func.func @_sc_stage2_body(%arg0: i32, %arg1: i32, %arg2: memref<32x8192xf32, #tpu.memory_space<hbm>>, %arg3: memref<32x8192xf32, #tpu.memory_space<hbm>>, %arg4: memref<8208xf32, #tpu.memory_space<vmem>>, %arg5: memref<8192xf32, #tpu.memory_space<vmem>>, %arg6: memref<520xi32, #tpu.memory_space<smem>>) attributes {dimension_semantics = [#tpu.dimension_semantics<core_parallel>, #tpu.dimension_semantics<subcore_parallel>], iteration_bounds = array<i64: 2, 16>, scalar_prefetch = 0 : i64, scratch_operands = 3 : i64, tpu.core_type = #tpu.core_type<sc_vector_subcore>, window_params = [{transform_indices = #map}, {transform_indices = #map}]} {
    %mul3A = arith.constant 2 : i32
    %mul3A_0 = arith.muli %arg1, %mul3A : i32
    %add3A = arith.addi %mul3A_0, %arg0 : i32
    %broadcast_in_dim3A = arith.constant 0 : i32
    %broadcast_in_dim3A_1 = vector.broadcast %broadcast_in_dim3A : i32 to vector<16xi32>
    %add3A_2 = arith.constant 0 : i32
    %add3A_3 = arith.addi %add3A, %add3A_2 : i32
    "tpu.region"() ({
      %run_scoped3A = tpu.sem_alloc : memref<!tpu.dma_semaphore, #tpu.memory_space<semaphore_mem>>
      %dma_start3A = arith.constant 0 : i32
      %dma_start3A_202 = tpu.memref_slice %arg4[%dma_start3A] : memref<8208xf32, #tpu.memory_space<vmem>> -> memref<8192xf32, #tpu.memory_space<vmem>>
      %dma_start3A_203 = arith.constant 0 : i32
      %dma_start3A_204 = tpu.memref_slice %arg2[%add3A_3, %dma_start3A_203] : memref<32x8192xf32, #tpu.memory_space<hbm>> -> memref<1x8192xf32, #tpu.memory_space<hbm>>
      %dma_start3A_205 = tpu.memref_squeeze %dma_start3A_204 : memref<1x8192xf32, #tpu.memory_space<hbm>> -> memref<8192xf32, #tpu.memory_space<hbm>>
      %dma_start3A_206 = arith.constant 0 : i32
      %dma_start3A_207 = tpu.memref_slice %arg4[%dma_start3A_206] : memref<8208xf32, #tpu.memory_space<vmem>> -> memref<8192xf32, #tpu.memory_space<vmem>>
      %dma_start3A_208 = arith.constant 0 : i32
      %dma_start3A_209 = tpu.memref_slice %arg2[%add3A_3, %dma_start3A_208] : memref<32x8192xf32, #tpu.memory_space<hbm>> -> memref<1x8192xf32, #tpu.memory_space<hbm>>
      %dma_start3A_210 = tpu.memref_squeeze %dma_start3A_209 : memref<1x8192xf32, #tpu.memory_space<hbm>> -> memref<8192xf32, #tpu.memory_space<hbm>>
      tpu.enqueue_dma source(%dma_start3A_210 : memref<8192xf32, #tpu.memory_space<hbm>>) target(%dma_start3A_207 : memref<8192xf32, #tpu.memory_space<vmem>>) target_semaphore(%run_scoped3A : memref<!tpu.dma_semaphore, #tpu.memory_space<semaphore_mem>>)
      %dma_wait3A = arith.constant 0 : i32
      %dma_wait3A_211 = tpu.memref_slice %arg4[%dma_wait3A] : memref<8208xf32, #tpu.memory_space<vmem>> -> memref<8192xf32, #tpu.memory_space<vmem>>
      %dma_wait3A_212 = arith.constant 0 : i32
      %dma_wait3A_213 = tpu.memref_slice %arg2[%add3A_3, %dma_wait3A_212] : memref<32x8192xf32, #tpu.memory_space<hbm>> -> memref<1x8192xf32, #tpu.memory_space<hbm>>
      %dma_wait3A_214 = tpu.memref_squeeze %dma_wait3A_213 : memref<1x8192xf32, #tpu.memory_space<hbm>> -> memref<8192xf32, #tpu.memory_space<hbm>>
      %dma_wait3A_215 = arith.constant 0 : i32
      %dma_wait3A_216 = tpu.memref_slice %arg4[%dma_wait3A_215] : memref<8208xf32, #tpu.memory_space<vmem>> -> memref<8192xf32, #tpu.memory_space<vmem>>
      %dma_wait3A_217 = arith.constant 0 : i32
      %dma_wait3A_218 = tpu.memref_slice %arg2[%add3A_3, %dma_wait3A_217] : memref<32x8192xf32, #tpu.memory_space<hbm>> -> memref<1x8192xf32, #tpu.memory_space<hbm>>
      %dma_wait3A_219 = tpu.memref_squeeze %dma_wait3A_218 : memref<1x8192xf32, #tpu.memory_space<hbm>> -> memref<8192xf32, #tpu.memory_space<hbm>>
      tpu.wait_dma2 semaphore(%run_scoped3A : memref<!tpu.dma_semaphore, #tpu.memory_space<semaphore_mem>>) src(%dma_wait3A_219 : memref<8192xf32, #tpu.memory_space<hbm>>) dst(%dma_wait3A_216 : memref<8192xf32, #tpu.memory_space<vmem>>)
      tpu.yield
    }) : () -> ()
    %broadcast_in_dim3A_4 = arith.constant 2147483647 : i32
    %broadcast_in_dim3A_5 = vector.broadcast %broadcast_in_dim3A_4 : i32 to vector<16xi32>
    %bitcast3A = vector.bitcast %broadcast_in_dim3A_5 : vector<16xi32> to vector<16xf32>
    %swap3A = arith.constant 8192 : index
    %swap3A_6 = tpu.vector_load %arg4[%swap3A] {strides = array<i32>} : memref<8208xf32, #tpu.memory_space<vmem>>, vector<16xf32>,
    tpu.vector_store %arg4[%swap3A], %bitcast3A {strides = array<i32>} : memref<8208xf32, #tpu.memory_space<vmem>>, vector<16xf32>,
    %scan3A = arith.constant 0 : i32
    %scan3A_7 = arith.constant 2139095039 : i32
    %scan3A_8 = arith.constant 0 : i32
    %scan3A_9 = arith.constant 6 : i32
    %scan3A_10 = arith.addi %scan3A_8, %scan3A_9 : i32
    %scan3A_11 = arith.constant 1 : i32
    %scan3A_12:2 = scf.for %scan3A_202 = %scan3A_8 to %scan3A_10 step %scan3A_11 iter_args(%scan3A_203 = %scan3A, %scan3A_204 = %scan3A_7) -> (i32, i32)  : i32 {
      %sub3A_205 = arith.subi %scan3A_204, %scan3A_203 : i32
      %add3A_206 = arith.constant 1 : i32
      %add3A_207 = arith.addi %sub3A_205, %add3A_206 : i32
      %shift_right_arithmetic3A = arith.constant 1 : i32
      %shift_right_arithmetic3A_208 = arith.shrsi %add3A_207, %shift_right_arithmetic3A : i32
      %add3A_209 = arith.addi %scan3A_203, %shift_right_arithmetic3A_208 : i32
      %scan3A_210 = arith.constant 0 : i32
      %scan3A_211 = arith.constant 64 : i32
      %scan3A_212 = arith.addi %scan3A_210, %scan3A_211 : i32
      %scan3A_213 = arith.constant 1 : i32
      %scan3A_214 = scf.for %scan3A_225 = %scan3A_210 to %scan3A_212 step %scan3A_213 iter_args(%scan3A_226 = %broadcast_in_dim3A_1) -> (vector<16xi32>)  : i32 {
        %mul3A_227 = arith.constant 8 : i32
        %mul3A_228 = arith.muli %scan3A_225, %mul3A_227 : i32
        %add3A_229 = arith.constant 0 : i32
        %add3A_230 = arith.addi %mul3A_228, %add3A_229 : i32
        %mul3A_231 = arith.constant 16 : i32
        %mul3A_232 = arith.muli %add3A_230, %mul3A_231 : i32
        %get3A = arith.index_cast %mul3A_232 : i32 to index
        %get3A_233 = tpu.vector_load %arg4[%get3A] {strides = array<i32>} : memref<8208xf32, #tpu.memory_space<vmem>>, vector<16xf32>,
        %bitcast3A_234 = vector.bitcast %get3A_233 : vector<16xf32> to vector<16xi32>
        %ge3A_235 = vector.broadcast %add3A_209 : i32 to vector<16xi32>
        %ge3A_236 = arith.cmpi sge, %bitcast3A_234, %ge3A_235 : vector<16xi32>
        %convert_element_type3A = arith.extui %ge3A_236 : vector<16xi1> to vector<16xi32>
        %add3A_237 = arith.addi %scan3A_226, %convert_element_type3A : vector<16xi32>
        %mul3A_238 = arith.constant 8 : i32
        %mul3A_239 = arith.muli %scan3A_225, %mul3A_238 : i32
        %add3A_240 = arith.constant 1 : i32
        %add3A_241 = arith.addi %mul3A_239, %add3A_240 : i32
        %mul3A_242 = arith.constant 16 : i32
        %mul3A_243 = arith.muli %add3A_241, %mul3A_242 : i32
        %get3A_244 = arith.index_cast %mul3A_243 : i32 to index
        %get3A_245 = tpu.vector_load %arg4[%get3A_244] {strides = array<i32>} : memref<8208xf32, #tpu.memory_space<vmem>>, vector<16xf32>,
        %bitcast3A_246 = vector.bitcast %get3A_245 : vector<16xf32> to vector<16xi32>
        %ge3A_247 = vector.broadcast %add3A_209 : i32 to vector<16xi32>
        %ge3A_248 = arith.cmpi sge, %bitcast3A_246, %ge3A_247 : vector<16xi32>
        %convert_element_type3A_249 = arith.extui %ge3A_248 : vector<16xi1> to vector<16xi32>
        %add3A_250 = arith.addi %add3A_237, %convert_element_type3A_249 : vector<16xi32>
        %mul3A_251 = arith.constant 8 : i32
        %mul3A_252 = arith.muli %scan3A_225, %mul3A_251 : i32
        %add3A_253 = arith.constant 2 : i32
        %add3A_254 = arith.addi %mul3A_252, %add3A_253 : i32
        %mul3A_255 = arith.constant 16 : i32
        %mul3A_256 = arith.muli %add3A_254, %mul3A_255 : i32
        %get3A_257 = arith.index_cast %mul3A_256 : i32 to index
        %get3A_258 = tpu.vector_load %arg4[%get3A_257] {strides = array<i32>} : memref<8208xf32, #tpu.memory_space<vmem>>, vector<16xf32>,
        %bitcast3A_259 = vector.bitcast %get3A_258 : vector<16xf32> to vector<16xi32>
        %ge3A_260 = vector.broadcast %add3A_209 : i32 to vector<16xi32>
        %ge3A_261 = arith.cmpi sge, %bitcast3A_259, %ge3A_260 : vector<16xi32>
        %convert_element_type3A_262 = arith.extui %ge3A_261 : vector<16xi1> to vector<16xi32>
        %add3A_263 = arith.addi %add3A_250, %convert_element_type3A_262 : vector<16xi32>
        %mul3A_264 = arith.constant 8 : i32
        %mul3A_265 = arith.muli %scan3A_225, %mul3A_264 : i32
        %add3A_266 = arith.constant 3 : i32
        %add3A_267 = arith.addi %mul3A_265, %add3A_266 : i32
        %mul3A_268 = arith.constant 16 : i32
        %mul3A_269 = arith.muli %add3A_267, %mul3A_268 : i32
        %get3A_270 = arith.index_cast %mul3A_269 : i32 to index
        %get3A_271 = tpu.vector_load %arg4[%get3A_270] {strides = array<i32>} : memref<8208xf32, #tpu.memory_space<vmem>>, vector<16xf32>,
        %bitcast3A_272 = vector.bitcast %get3A_271 : vector<16xf32> to vector<16xi32>
        %ge3A_273 = vector.broadcast %add3A_209 : i32 to vector<16xi32>
        %ge3A_274 = arith.cmpi sge, %bitcast3A_272, %ge3A_273 : vector<16xi32>
        %convert_element_type3A_275 = arith.extui %ge3A_274 : vector<16xi1> to vector<16xi32>
        %add3A_276 = arith.addi %add3A_263, %convert_element_type3A_275 : vector<16xi32>
        %mul3A_277 = arith.constant 8 : i32
        %mul3A_278 = arith.muli %scan3A_225, %mul3A_277 : i32
        %add3A_279 = arith.constant 4 : i32
        %add3A_280 = arith.addi %mul3A_278, %add3A_279 : i32
        %mul3A_281 = arith.constant 16 : i32
        %mul3A_282 = arith.muli %add3A_280, %mul3A_281 : i32
        %get3A_283 = arith.index_cast %mul3A_282 : i32 to index
        %get3A_284 = tpu.vector_load %arg4[%get3A_283] {strides = array<i32>} : memref<8208xf32, #tpu.memory_space<vmem>>, vector<16xf32>,
        %bitcast3A_285 = vector.bitcast %get3A_284 : vector<16xf32> to vector<16xi32>
        %ge3A_286 = vector.broadcast %add3A_209 : i32 to vector<16xi32>
        %ge3A_287 = arith.cmpi sge, %bitcast3A_285, %ge3A_286 : vector<16xi32>
        %convert_element_type3A_288 = arith.extui %ge3A_287 : vector<16xi1> to vector<16xi32>
        %add3A_289 = arith.addi %add3A_276, %convert_element_type3A_288 : vector<16xi32>
        %mul3A_290 = arith.constant 8 : i32
        %mul3A_291 = arith.muli %scan3A_225, %mul3A_290 : i32
        %add3A_292 = arith.constant 5 : i32
        %add3A_293 = arith.addi %mul3A_291, %add3A_292 : i32
        %mul3A_294 = arith.constant 16 : i32
        %mul3A_295 = arith.muli %add3A_293, %mul3A_294 : i32
        %get3A_296 = arith.index_cast %mul3A_295 : i32 to index
        %get3A_297 = tpu.vector_load %arg4[%get3A_296] {strides = array<i32>} : memref<8208xf32, #tpu.memory_space<vmem>>, vector<16xf32>,
        %bitcast3A_298 = vector.bitcast %get3A_297 : vector<16xf32> to vector<16xi32>
        %ge3A_299 = vector.broadcast %add3A_209 : i32 to vector<16xi32>
        %ge3A_300 = arith.cmpi sge, %bitcast3A_298, %ge3A_299 : vector<16xi32>
        %convert_element_type3A_301 = arith.extui %ge3A_300 : vector<16xi1> to vector<16xi32>
        %add3A_302 = arith.addi %add3A_289, %convert_element_type3A_301 : vector<16xi32>
        %mul3A_303 = arith.constant 8 : i32
        %mul3A_304 = arith.muli %scan3A_225, %mul3A_303 : i32
        %add3A_305 = arith.constant 6 : i32
        %add3A_306 = arith.addi %mul3A_304, %add3A_305 : i32
        %mul3A_307 = arith.constant 16 : i32
        %mul3A_308 = arith.muli %add3A_306, %mul3A_307 : i32
        %get3A_309 = arith.index_cast %mul3A_308 : i32 to index
        %get3A_310 = tpu.vector_load %arg4[%get3A_309] {strides = array<i32>} : memref<8208xf32, #tpu.memory_space<vmem>>, vector<16xf32>,
        %bitcast3A_311 = vector.bitcast %get3A_310 : vector<16xf32> to vector<16xi32>
        %ge3A_312 = vector.broadcast %add3A_209 : i32 to vector<16xi32>
        %ge3A_313 = arith.cmpi sge, %bitcast3A_311, %ge3A_312 : vector<16xi32>
        %convert_element_type3A_314 = arith.extui %ge3A_313 : vector<16xi1> to vector<16xi32>
        %add3A_315 = arith.addi %add3A_302, %convert_element_type3A_314 : vector<16xi32>
        %mul3A_316 = arith.constant 8 : i32
        %mul3A_317 = arith.muli %scan3A_225, %mul3A_316 : i32
        %add3A_318 = arith.constant 7 : i32
        %add3A_319 = arith.addi %mul3A_317, %add3A_318 : i32
        %mul3A_320 = arith.constant 16 : i32
        %mul3A_321 = arith.muli %add3A_319, %mul3A_320 : i32
        %get3A_322 = arith.index_cast %mul3A_321 : i32 to index
        %get3A_323 = tpu.vector_load %arg4[%get3A_322] {strides = array<i32>} : memref<8208xf32, #tpu.memory_space<vmem>>, vector<16xf32>,
        %bitcast3A_324 = vector.bitcast %get3A_323 : vector<16xf32> to vector<16xi32>
        %ge3A_325 = vector.broadcast %add3A_209 : i32 to vector<16xi32>
        %ge3A_326 = arith.cmpi sge, %bitcast3A_324, %ge3A_325 : vector<16xi32>
        %convert_element_type3A_327 = arith.extui %ge3A_326 : vector<16xi1> to vector<16xi32>
        %add3A_328 = arith.addi %add3A_315, %convert_element_type3A_327 : vector<16xi32>
        scf.yield %add3A_328 : vector<16xi32>
      }
      %scan3A_215 = arith.constant 64 : i32
      %reduce_sum3A_216 = arith.constant true
      %reduce_sum3A_217 = vector.broadcast %reduce_sum3A_216 : i1 to vector<16xi1>
      %reduce_sum3A_218 = tpu.scan <sum>, %scan3A_214 masked %reduce_sum3A_217 : vector<16xi32>, vector<16xi1> -> vector<16xi32>
      %reduce_sum3A_219 = vector.extract %reduce_sum3A_218[15] : i32 from vector<16xi32>
      %ge3A = arith.constant 64 : i32
      %ge3A_220 = arith.cmpi sge, %reduce_sum3A_219, %ge3A : i32
      %select_n3A_221 = arith.select %ge3A_220, %add3A_209, %scan3A_203 : i32
      %sub3A_222 = arith.constant 1 : i32
      %sub3A_223 = arith.subi %add3A_209, %sub3A_222 : i32
      %select_n3A_224 = arith.select %ge3A_220, %scan3A_204, %sub3A_223 : i32
      scf.yield %select_n3A_221, %select_n3A_224 : i32, i32
    }
    %scan3A_13 = arith.constant 6 : i32
    %scan3A_14 = arith.constant 0 : i32
    %scan3A_15 = arith.constant 0 : i32
    %scan3A_16 = arith.constant 64 : i32
    %scan3A_17 = arith.addi %scan3A_15, %scan3A_16 : i32
    %scan3A_18 = arith.constant 1 : i32
    %scan3A_19:2 = scf.for %scan3A_202 = %scan3A_15 to %scan3A_17 step %scan3A_18 iter_args(%scan3A_203 = %scan3A_14, %scan3A_204 = %broadcast_in_dim3A_1) -> (i32, vector<16xi32>)  : i32 {
      %mul3A_205 = arith.constant 8 : i32
      %mul3A_206 = arith.muli %scan3A_202, %mul3A_205 : i32
      %add3A_207 = arith.constant 0 : i32
      %add3A_208 = arith.addi %mul3A_206, %add3A_207 : i32
      %mul3A_209 = arith.constant 16 : i32
      %mul3A_210 = arith.muli %add3A_208, %mul3A_209 : i32
      %get3A = arith.index_cast %mul3A_210 : i32 to index
      %get3A_211 = tpu.vector_load %arg4[%get3A] {strides = array<i32>} : memref<8208xf32, #tpu.memory_space<vmem>>, vector<16xf32>,
      %bitcast3A_212 = vector.bitcast %get3A_211 : vector<16xf32> to vector<16xi32>
      %ge3A = vector.broadcast %scan3A_12#0 : i32 to vector<16xi32>
      %ge3A_213 = arith.cmpi sge, %bitcast3A_212, %ge3A : vector<16xi32>
      %le3A = vector.broadcast %scan3A_12#1 : i32 to vector<16xi32>
      %le3A_214 = arith.cmpi sle, %bitcast3A_212, %le3A : vector<16xi32>
      %and3A_215 = arith.andi %ge3A_213, %le3A_214 : vector<16xi1>
      %all_reduce_population_count3A = tpu.all_reduce %and3A_215 {dim = 0 : i64, kind = #tpu.reduction_kind<sum>} : vector<16xi1> -> vector<16xi32>
      %swap3A_216 = arith.index_cast %scan3A_203 : i32 to index
      %swap3A_217 = memref.load %arg6[%swap3A_216] : memref<520xi32, #tpu.memory_space<smem>>
      memref.store %add3A_208, %arg6[%swap3A_216] : memref<520xi32, #tpu.memory_space<smem>>
      %slice3A = vector.extract_strided_slice %all_reduce_population_count3A {offsets = [0], sizes = [1], strides = [1]} : vector<16xi32> to vector<1xi32>
      %squeeze3A = vector.extract %slice3A[0] : i32 from vector<1xi32>
      %gt3A = arith.constant 0 : i32
      %gt3A_218 = arith.cmpi sgt, %squeeze3A, %gt3A : i32
      %jit3A_219 = arith.constant 1 : i32
      %jit3A_220 = arith.constant 0 : i32
      %select_n3A_221 = arith.select %gt3A_218, %jit3A_219, %jit3A_220 : i32
      %add3A_222 = arith.addi %scan3A_203, %select_n3A_221 : i32
      %gt3A_223 = vector.broadcast %scan3A_12#1 : i32 to vector<16xi32>
      %gt3A_224 = arith.cmpi sgt, %bitcast3A_212, %gt3A_223 : vector<16xi32>
      %convert_element_type3A = arith.extui %gt3A_224 : vector<16xi1> to vector<16xi32>
      %add3A_225 = arith.addi %scan3A_204, %convert_element_type3A : vector<16xi32>
      %mul3A_226 = arith.constant 8 : i32
      %mul3A_227 = arith.muli %scan3A_202, %mul3A_226 : i32
      %add3A_228 = arith.constant 1 : i32
      %add3A_229 = arith.addi %mul3A_227, %add3A_228 : i32
      %mul3A_230 = arith.constant 16 : i32
      %mul3A_231 = arith.muli %add3A_229, %mul3A_230 : i32
      %get3A_232 = arith.index_cast %mul3A_231 : i32 to index
      %get3A_233 = tpu.vector_load %arg4[%get3A_232] {strides = array<i32>} : memref<8208xf32, #tpu.memory_space<vmem>>, vector<16xf32>,
      %bitcast3A_234 = vector.bitcast %get3A_233 : vector<16xf32> to vector<16xi32>
      %ge3A_235 = vector.broadcast %scan3A_12#0 : i32 to vector<16xi32>
      %ge3A_236 = arith.cmpi sge, %bitcast3A_234, %ge3A_235 : vector<16xi32>
      %le3A_237 = vector.broadcast %scan3A_12#1 : i32 to vector<16xi32>
      %le3A_238 = arith.cmpi sle, %bitcast3A_234, %le3A_237 : vector<16xi32>
      %and3A_239 = arith.andi %ge3A_236, %le3A_238 : vector<16xi1>
      %all_reduce_population_count3A_240 = tpu.all_reduce %and3A_239 {dim = 0 : i64, kind = #tpu.reduction_kind<sum>} : vector<16xi1> -> vector<16xi32>
      %swap3A_241 = arith.index_cast %add3A_222 : i32 to index
      %swap3A_242 = memref.load %arg6[%swap3A_241] : memref<520xi32, #tpu.memory_space<smem>>
      memref.store %add3A_229, %arg6[%swap3A_241] : memref<520xi32, #tpu.memory_space<smem>>
      %slice3A_243 = vector.extract_strided_slice %all_reduce_population_count3A_240 {offsets = [0], sizes = [1], strides = [1]} : vector<16xi32> to vector<1xi32>
      %squeeze3A_244 = vector.extract %slice3A_243[0] : i32 from vector<1xi32>
      %gt3A_245 = arith.constant 0 : i32
      %gt3A_246 = arith.cmpi sgt, %squeeze3A_244, %gt3A_245 : i32
      %jit3A_247 = arith.constant 1 : i32
      %jit3A_248 = arith.constant 0 : i32
      %select_n3A_249 = arith.select %gt3A_246, %jit3A_247, %jit3A_248 : i32
      %add3A_250 = arith.addi %add3A_222, %select_n3A_249 : i32
      %gt3A_251 = vector.broadcast %scan3A_12#1 : i32 to vector<16xi32>
      %gt3A_252 = arith.cmpi sgt, %bitcast3A_234, %gt3A_251 : vector<16xi32>
      %convert_element_type3A_253 = arith.extui %gt3A_252 : vector<16xi1> to vector<16xi32>
      %add3A_254 = arith.addi %add3A_225, %convert_element_type3A_253 : vector<16xi32>
      %mul3A_255 = arith.constant 8 : i32
      %mul3A_256 = arith.muli %scan3A_202, %mul3A_255 : i32
      %add3A_257 = arith.constant 2 : i32
      %add3A_258 = arith.addi %mul3A_256, %add3A_257 : i32
      %mul3A_259 = arith.constant 16 : i32
      %mul3A_260 = arith.muli %add3A_258, %mul3A_259 : i32
      %get3A_261 = arith.index_cast %mul3A_260 : i32 to index
      %get3A_262 = tpu.vector_load %arg4[%get3A_261] {strides = array<i32>} : memref<8208xf32, #tpu.memory_space<vmem>>, vector<16xf32>,
      %bitcast3A_263 = vector.bitcast %get3A_262 : vector<16xf32> to vector<16xi32>
      %ge3A_264 = vector.broadcast %scan3A_12#0 : i32 to vector<16xi32>
      %ge3A_265 = arith.cmpi sge, %bitcast3A_263, %ge3A_264 : vector<16xi32>
      %le3A_266 = vector.broadcast %scan3A_12#1 : i32 to vector<16xi32>
      %le3A_267 = arith.cmpi sle, %bitcast3A_263, %le3A_266 : vector<16xi32>
      %and3A_268 = arith.andi %ge3A_265, %le3A_267 : vector<16xi1>
      %all_reduce_population_count3A_269 = tpu.all_reduce %and3A_268 {dim = 0 : i64, kind = #tpu.reduction_kind<sum>} : vector<16xi1> -> vector<16xi32>
      %swap3A_270 = arith.index_cast %add3A_250 : i32 to index
      %swap3A_271 = memref.load %arg6[%swap3A_270] : memref<520xi32, #tpu.memory_space<smem>>
      memref.store %add3A_258, %arg6[%swap3A_270] : memref<520xi32, #tpu.memory_space<smem>>
      %slice3A_272 = vector.extract_strided_slice %all_reduce_population_count3A_269 {offsets = [0], sizes = [1], strides = [1]} : vector<16xi32> to vector<1xi32>
      %squeeze3A_273 = vector.extract %slice3A_272[0] : i32 from vector<1xi32>
      %gt3A_274 = arith.constant 0 : i32
      %gt3A_275 = arith.cmpi sgt, %squeeze3A_273, %gt3A_274 : i32
      %jit3A_276 = arith.constant 1 : i32
      %jit3A_277 = arith.constant 0 : i32
      %select_n3A_278 = arith.select %gt3A_275, %jit3A_276, %jit3A_277 : i32
      %add3A_279 = arith.addi %add3A_250, %select_n3A_278 : i32
      %gt3A_280 = vector.broadcast %scan3A_12#1 : i32 to vector<16xi32>
      %gt3A_281 = arith.cmpi sgt, %bitcast3A_263, %gt3A_280 : vector<16xi32>
      %convert_element_type3A_282 = arith.extui %gt3A_281 : vector<16xi1> to vector<16xi32>
      %add3A_283 = arith.addi %add3A_254, %convert_element_type3A_282 : vector<16xi32>
      %mul3A_284 = arith.constant 8 : i32
      %mul3A_285 = arith.muli %scan3A_202, %mul3A_284 : i32
      %add3A_286 = arith.constant 3 : i32
      %add3A_287 = arith.addi %mul3A_285, %add3A_286 : i32
      %mul3A_288 = arith.constant 16 : i32
      %mul3A_289 = arith.muli %add3A_287, %mul3A_288 : i32
      %get3A_290 = arith.index_cast %mul3A_289 : i32 to index
      %get3A_291 = tpu.vector_load %arg4[%get3A_290] {strides = array<i32>} : memref<8208xf32, #tpu.memory_space<vmem>>, vector<16xf32>,
      %bitcast3A_292 = vector.bitcast %get3A_291 : vector<16xf32> to vector<16xi32>
      %ge3A_293 = vector.broadcast %scan3A_12#0 : i32 to vector<16xi32>
      %ge3A_294 = arith.cmpi sge, %bitcast3A_292, %ge3A_293 : vector<16xi32>
      %le3A_295 = vector.broadcast %scan3A_12#1 : i32 to vector<16xi32>
      %le3A_296 = arith.cmpi sle, %bitcast3A_292, %le3A_295 : vector<16xi32>
      %and3A_297 = arith.andi %ge3A_294, %le3A_296 : vector<16xi1>
      %all_reduce_population_count3A_298 = tpu.all_reduce %and3A_297 {dim = 0 : i64, kind = #tpu.reduction_kind<sum>} : vector<16xi1> -> vector<16xi32>
      %swap3A_299 = arith.index_cast %add3A_279 : i32 to index
      %swap3A_300 = memref.load %arg6[%swap3A_299] : memref<520xi32, #tpu.memory_space<smem>>
      memref.store %add3A_287, %arg6[%swap3A_299] : memref<520xi32, #tpu.memory_space<smem>>
      %slice3A_301 = vector.extract_strided_slice %all_reduce_population_count3A_298 {offsets = [0], sizes = [1], strides = [1]} : vector<16xi32> to vector<1xi32>
      %squeeze3A_302 = vector.extract %slice3A_301[0] : i32 from vector<1xi32>
      %gt3A_303 = arith.constant 0 : i32
      %gt3A_304 = arith.cmpi sgt, %squeeze3A_302, %gt3A_303 : i32
      %jit3A_305 = arith.constant 1 : i32
      %jit3A_306 = arith.constant 0 : i32
      %select_n3A_307 = arith.select %gt3A_304, %jit3A_305, %jit3A_306 : i32
      %add3A_308 = arith.addi %add3A_279, %select_n3A_307 : i32
      %gt3A_309 = vector.broadcast %scan3A_12#1 : i32 to vector<16xi32>
      %gt3A_310 = arith.cmpi sgt, %bitcast3A_292, %gt3A_309 : vector<16xi32>
      %convert_element_type3A_311 = arith.extui %gt3A_310 : vector<16xi1> to vector<16xi32>
      %add3A_312 = arith.addi %add3A_283, %convert_element_type3A_311 : vector<16xi32>
      %mul3A_313 = arith.constant 8 : i32
      %mul3A_314 = arith.muli %scan3A_202, %mul3A_313 : i32
      %add3A_315 = arith.constant 4 : i32
      %add3A_316 = arith.addi %mul3A_314, %add3A_315 : i32
      %mul3A_317 = arith.constant 16 : i32
      %mul3A_318 = arith.muli %add3A_316, %mul3A_317 : i32
      %get3A_319 = arith.index_cast %mul3A_318 : i32 to index
      %get3A_320 = tpu.vector_load %arg4[%get3A_319] {strides = array<i32>} : memref<8208xf32, #tpu.memory_space<vmem>>, vector<16xf32>,
      %bitcast3A_321 = vector.bitcast %get3A_320 : vector<16xf32> to vector<16xi32>
      %ge3A_322 = vector.broadcast %scan3A_12#0 : i32 to vector<16xi32>
      %ge3A_323 = arith.cmpi sge, %bitcast3A_321, %ge3A_322 : vector<16xi32>
      %le3A_324 = vector.broadcast %scan3A_12#1 : i32 to vector<16xi32>
      %le3A_325 = arith.cmpi sle, %bitcast3A_321, %le3A_324 : vector<16xi32>
      %and3A_326 = arith.andi %ge3A_323, %le3A_325 : vector<16xi1>
      %all_reduce_population_count3A_327 = tpu.all_reduce %and3A_326 {dim = 0 : i64, kind = #tpu.reduction_kind<sum>} : vector<16xi1> -> vector<16xi32>
      %swap3A_328 = arith.index_cast %add3A_308 : i32 to index
      %swap3A_329 = memref.load %arg6[%swap3A_328] : memref<520xi32, #tpu.memory_space<smem>>
      memref.store %add3A_316, %arg6[%swap3A_328] : memref<520xi32, #tpu.memory_space<smem>>
      %slice3A_330 = vector.extract_strided_slice %all_reduce_population_count3A_327 {offsets = [0], sizes = [1], strides = [1]} : vector<16xi32> to vector<1xi32>
      %squeeze3A_331 = vector.extract %slice3A_330[0] : i32 from vector<1xi32>
      %gt3A_332 = arith.constant 0 : i32
      %gt3A_333 = arith.cmpi sgt, %squeeze3A_331, %gt3A_332 : i32
      %jit3A_334 = arith.constant 1 : i32
      %jit3A_335 = arith.constant 0 : i32
      %select_n3A_336 = arith.select %gt3A_333, %jit3A_334, %jit3A_335 : i32
      %add3A_337 = arith.addi %add3A_308, %select_n3A_336 : i32
      %gt3A_338 = vector.broadcast %scan3A_12#1 : i32 to vector<16xi32>
      %gt3A_339 = arith.cmpi sgt, %bitcast3A_321, %gt3A_338 : vector<16xi32>
      %convert_element_type3A_340 = arith.extui %gt3A_339 : vector<16xi1> to vector<16xi32>
      %add3A_341 = arith.addi %add3A_312, %convert_element_type3A_340 : vector<16xi32>
      %mul3A_342 = arith.constant 8 : i32
      %mul3A_343 = arith.muli %scan3A_202, %mul3A_342 : i32
      %add3A_344 = arith.constant 5 : i32
      %add3A_345 = arith.addi %mul3A_343, %add3A_344 : i32
      %mul3A_346 = arith.constant 16 : i32
      %mul3A_347 = arith.muli %add3A_345, %mul3A_346 : i32
      %get3A_348 = arith.index_cast %mul3A_347 : i32 to index
      %get3A_349 = tpu.vector_load %arg4[%get3A_348] {strides = array<i32>} : memref<8208xf32, #tpu.memory_space<vmem>>, vector<16xf32>,
      %bitcast3A_350 = vector.bitcast %get3A_349 : vector<16xf32> to vector<16xi32>
      %ge3A_351 = vector.broadcast %scan3A_12#0 : i32 to vector<16xi32>
      %ge3A_352 = arith.cmpi sge, %bitcast3A_350, %ge3A_351 : vector<16xi32>
      %le3A_353 = vector.broadcast %scan3A_12#1 : i32 to vector<16xi32>
      %le3A_354 = arith.cmpi sle, %bitcast3A_350, %le3A_353 : vector<16xi32>
      %and3A_355 = arith.andi %ge3A_352, %le3A_354 : vector<16xi1>
      %all_reduce_population_count3A_356 = tpu.all_reduce %and3A_355 {dim = 0 : i64, kind = #tpu.reduction_kind<sum>} : vector<16xi1> -> vector<16xi32>
      %swap3A_357 = arith.index_cast %add3A_337 : i32 to index
      %swap3A_358 = memref.load %arg6[%swap3A_357] : memref<520xi32, #tpu.memory_space<smem>>
      memref.store %add3A_345, %arg6[%swap3A_357] : memref<520xi32, #tpu.memory_space<smem>>
      %slice3A_359 = vector.extract_strided_slice %all_reduce_population_count3A_356 {offsets = [0], sizes = [1], strides = [1]} : vector<16xi32> to vector<1xi32>
      %squeeze3A_360 = vector.extract %slice3A_359[0] : i32 from vector<1xi32>
      %gt3A_361 = arith.constant 0 : i32
      %gt3A_362 = arith.cmpi sgt, %squeeze3A_360, %gt3A_361 : i32
      %jit3A_363 = arith.constant 1 : i32
      %jit3A_364 = arith.constant 0 : i32
      %select_n3A_365 = arith.select %gt3A_362, %jit3A_363, %jit3A_364 : i32
      %add3A_366 = arith.addi %add3A_337, %select_n3A_365 : i32
      %gt3A_367 = vector.broadcast %scan3A_12#1 : i32 to vector<16xi32>
      %gt3A_368 = arith.cmpi sgt, %bitcast3A_350, %gt3A_367 : vector<16xi32>
      %convert_element_type3A_369 = arith.extui %gt3A_368 : vector<16xi1> to vector<16xi32>
      %add3A_370 = arith.addi %add3A_341, %convert_element_type3A_369 : vector<16xi32>
      %mul3A_371 = arith.constant 8 : i32
      %mul3A_372 = arith.muli %scan3A_202, %mul3A_371 : i32
      %add3A_373 = arith.constant 6 : i32
      %add3A_374 = arith.addi %mul3A_372, %add3A_373 : i32
      %mul3A_375 = arith.constant 16 : i32
      %mul3A_376 = arith.muli %add3A_374, %mul3A_375 : i32
      %get3A_377 = arith.index_cast %mul3A_376 : i32 to index
      %get3A_378 = tpu.vector_load %arg4[%get3A_377] {strides = array<i32>} : memref<8208xf32, #tpu.memory_space<vmem>>, vector<16xf32>,
      %bitcast3A_379 = vector.bitcast %get3A_378 : vector<16xf32> to vector<16xi32>
      %ge3A_380 = vector.broadcast %scan3A_12#0 : i32 to vector<16xi32>
      %ge3A_381 = arith.cmpi sge, %bitcast3A_379, %ge3A_380 : vector<16xi32>
      %le3A_382 = vector.broadcast %scan3A_12#1 : i32 to vector<16xi32>
      %le3A_383 = arith.cmpi sle, %bitcast3A_379, %le3A_382 : vector<16xi32>
      %and3A_384 = arith.andi %ge3A_381, %le3A_383 : vector<16xi1>
      %all_reduce_population_count3A_385 = tpu.all_reduce %and3A_384 {dim = 0 : i64, kind = #tpu.reduction_kind<sum>} : vector<16xi1> -> vector<16xi32>
      %swap3A_386 = arith.index_cast %add3A_366 : i32 to index
      %swap3A_387 = memref.load %arg6[%swap3A_386] : memref<520xi32, #tpu.memory_space<smem>>
      memref.store %add3A_374, %arg6[%swap3A_386] : memref<520xi32, #tpu.memory_space<smem>>
      %slice3A_388 = vector.extract_strided_slice %all_reduce_population_count3A_385 {offsets = [0], sizes = [1], strides = [1]} : vector<16xi32> to vector<1xi32>
      %squeeze3A_389 = vector.extract %slice3A_388[0] : i32 from vector<1xi32>
      %gt3A_390 = arith.constant 0 : i32
      %gt3A_391 = arith.cmpi sgt, %squeeze3A_389, %gt3A_390 : i32
      %jit3A_392 = arith.constant 1 : i32
      %jit3A_393 = arith.constant 0 : i32
      %select_n3A_394 = arith.select %gt3A_391, %jit3A_392, %jit3A_393 : i32
      %add3A_395 = arith.addi %add3A_366, %select_n3A_394 : i32
      %gt3A_396 = vector.broadcast %scan3A_12#1 : i32 to vector<16xi32>
      %gt3A_397 = arith.cmpi sgt, %bitcast3A_379, %gt3A_396 : vector<16xi32>
      %convert_element_type3A_398 = arith.extui %gt3A_397 : vector<16xi1> to vector<16xi32>
      %add3A_399 = arith.addi %add3A_370, %convert_element_type3A_398 : vector<16xi32>
      %mul3A_400 = arith.constant 8 : i32
      %mul3A_401 = arith.muli %scan3A_202, %mul3A_400 : i32
      %add3A_402 = arith.constant 7 : i32
      %add3A_403 = arith.addi %mul3A_401, %add3A_402 : i32
      %mul3A_404 = arith.constant 16 : i32
      %mul3A_405 = arith.muli %add3A_403, %mul3A_404 : i32
      %get3A_406 = arith.index_cast %mul3A_405 : i32 to index
      %get3A_407 = tpu.vector_load %arg4[%get3A_406] {strides = array<i32>} : memref<8208xf32, #tpu.memory_space<vmem>>, vector<16xf32>,
      %bitcast3A_408 = vector.bitcast %get3A_407 : vector<16xf32> to vector<16xi32>
      %ge3A_409 = vector.broadcast %scan3A_12#0 : i32 to vector<16xi32>
      %ge3A_410 = arith.cmpi sge, %bitcast3A_408, %ge3A_409 : vector<16xi32>
      %le3A_411 = vector.broadcast %scan3A_12#1 : i32 to vector<16xi32>
      %le3A_412 = arith.cmpi sle, %bitcast3A_408, %le3A_411 : vector<16xi32>
      %and3A_413 = arith.andi %ge3A_410, %le3A_412 : vector<16xi1>
      %all_reduce_population_count3A_414 = tpu.all_reduce %and3A_413 {dim = 0 : i64, kind = #tpu.reduction_kind<sum>} : vector<16xi1> -> vector<16xi32>
      %swap3A_415 = arith.index_cast %add3A_395 : i32 to index
      %swap3A_416 = memref.load %arg6[%swap3A_415] : memref<520xi32, #tpu.memory_space<smem>>
      memref.store %add3A_403, %arg6[%swap3A_415] : memref<520xi32, #tpu.memory_space<smem>>
      %slice3A_417 = vector.extract_strided_slice %all_reduce_population_count3A_414 {offsets = [0], sizes = [1], strides = [1]} : vector<16xi32> to vector<1xi32>
      %squeeze3A_418 = vector.extract %slice3A_417[0] : i32 from vector<1xi32>
      %gt3A_419 = arith.constant 0 : i32
      %gt3A_420 = arith.cmpi sgt, %squeeze3A_418, %gt3A_419 : i32
      %jit3A_421 = arith.constant 1 : i32
      %jit3A_422 = arith.constant 0 : i32
      %select_n3A_423 = arith.select %gt3A_420, %jit3A_421, %jit3A_422 : i32
      %add3A_424 = arith.addi %add3A_395, %select_n3A_423 : i32
      %gt3A_425 = vector.broadcast %scan3A_12#1 : i32 to vector<16xi32>
      %gt3A_426 = arith.cmpi sgt, %bitcast3A_408, %gt3A_425 : vector<16xi32>
      %convert_element_type3A_427 = arith.extui %gt3A_426 : vector<16xi1> to vector<16xi32>
      %add3A_428 = arith.addi %add3A_399, %convert_element_type3A_427 : vector<16xi32>
      scf.yield %add3A_424, %add3A_428 : i32, vector<16xi32>
    }
    %scan3A_20 = arith.constant 64 : i32
    %reduce_sum3A = arith.constant true
    %reduce_sum3A_21 = vector.broadcast %reduce_sum3A : i1 to vector<16xi1>
    %reduce_sum3A_22 = tpu.scan <sum>, %scan3A_19#1 masked %reduce_sum3A_21 : vector<16xi32>, vector<16xi1> -> vector<16xi32>
    %reduce_sum3A_23 = vector.extract %reduce_sum3A_22[15] : i32 from vector<16xi32>
    %add3A_24 = arith.constant 0 : i32
    %add3A_25 = arith.addi %scan3A_19#0, %add3A_24 : i32
    %swap3A_26 = arith.constant 512 : i32
    %swap3A_27 = arith.index_cast %add3A_25 : i32 to index
    %swap3A_28 = memref.load %arg6[%swap3A_27] : memref<520xi32, #tpu.memory_space<smem>>
    memref.store %swap3A_26, %arg6[%swap3A_27] : memref<520xi32, #tpu.memory_space<smem>>
    %add3A_29 = arith.constant 1 : i32
    %add3A_30 = arith.addi %scan3A_19#0, %add3A_29 : i32
    %swap3A_31 = arith.constant 512 : i32
    %swap3A_32 = arith.index_cast %add3A_30 : i32 to index
    %swap3A_33 = memref.load %arg6[%swap3A_32] : memref<520xi32, #tpu.memory_space<smem>>
    memref.store %swap3A_31, %arg6[%swap3A_32] : memref<520xi32, #tpu.memory_space<smem>>
    %add3A_34 = arith.constant 2 : i32
    %add3A_35 = arith.addi %scan3A_19#0, %add3A_34 : i32
    %swap3A_36 = arith.constant 512 : i32
    %swap3A_37 = arith.index_cast %add3A_35 : i32 to index
    %swap3A_38 = memref.load %arg6[%swap3A_37] : memref<520xi32, #tpu.memory_space<smem>>
    memref.store %swap3A_36, %arg6[%swap3A_37] : memref<520xi32, #tpu.memory_space<smem>>
    %add3A_39 = arith.constant 3 : i32
    %add3A_40 = arith.addi %scan3A_19#0, %add3A_39 : i32
    %swap3A_41 = arith.constant 512 : i32
    %swap3A_42 = arith.index_cast %add3A_40 : i32 to index
    %swap3A_43 = memref.load %arg6[%swap3A_42] : memref<520xi32, #tpu.memory_space<smem>>
    memref.store %swap3A_41, %arg6[%swap3A_42] : memref<520xi32, #tpu.memory_space<smem>>
    %add3A_44 = arith.constant 4 : i32
    %add3A_45 = arith.addi %scan3A_19#0, %add3A_44 : i32
    %swap3A_46 = arith.constant 512 : i32
    %swap3A_47 = arith.index_cast %add3A_45 : i32 to index
    %swap3A_48 = memref.load %arg6[%swap3A_47] : memref<520xi32, #tpu.memory_space<smem>>
    memref.store %swap3A_46, %arg6[%swap3A_47] : memref<520xi32, #tpu.memory_space<smem>>
    %add3A_49 = arith.constant 5 : i32
    %add3A_50 = arith.addi %scan3A_19#0, %add3A_49 : i32
    %swap3A_51 = arith.constant 512 : i32
    %swap3A_52 = arith.index_cast %add3A_50 : i32 to index
    %swap3A_53 = memref.load %arg6[%swap3A_52] : memref<520xi32, #tpu.memory_space<smem>>
    memref.store %swap3A_51, %arg6[%swap3A_52] : memref<520xi32, #tpu.memory_space<smem>>
    %add3A_54 = arith.constant 6 : i32
    %add3A_55 = arith.addi %scan3A_19#0, %add3A_54 : i32
    %swap3A_56 = arith.constant 512 : i32
    %swap3A_57 = arith.index_cast %add3A_55 : i32 to index
    %swap3A_58 = memref.load %arg6[%swap3A_57] : memref<520xi32, #tpu.memory_space<smem>>
    memref.store %swap3A_56, %arg6[%swap3A_57] : memref<520xi32, #tpu.memory_space<smem>>
    %add3A_59 = arith.constant 7 : i32
    %add3A_60 = arith.addi %scan3A_19#0, %add3A_59 : i32
    %swap3A_61 = arith.constant 512 : i32
    %swap3A_62 = arith.index_cast %add3A_60 : i32 to index
    %swap3A_63 = memref.load %arg6[%swap3A_62] : memref<520xi32, #tpu.memory_space<smem>>
    memref.store %swap3A_61, %arg6[%swap3A_62] : memref<520xi32, #tpu.memory_space<smem>>
    %add3A_64 = arith.constant 8 : i32
    %add3A_65 = arith.addi %scan3A_19#0, %add3A_64 : i32
    %sub3A = arith.constant 1 : i32
    %sub3A_66 = arith.subi %add3A_65, %sub3A : i32
    %jit3A = arith.constant 8 : i32
    %div3A = arith.divsi %sub3A_66, %jit3A : i32
    %sign3A = arith.constant 0 : i32
    %sign3A_67 = arith.cmpi sgt, %sub3A_66, %sign3A : i32
    %sign3A_68 = arith.extui %sign3A_67 : i1 to i32
    %sign3A_69 = arith.constant 0 : i32
    %sign3A_70 = arith.cmpi slt, %sub3A_66, %sign3A_69 : i32
    %sign3A_71 = arith.extui %sign3A_70 : i1 to i32
    %sign3A_72 = arith.subi %sign3A_68, %sign3A_71 : i32
    %sign3A_73 = arith.constant 0 : i32
    %sign3A_74 = arith.cmpi sgt, %jit3A, %sign3A_73 : i32
    %sign3A_75 = arith.extui %sign3A_74 : i1 to i32
    %sign3A_76 = arith.constant 0 : i32
    %sign3A_77 = arith.cmpi slt, %jit3A, %sign3A_76 : i32
    %sign3A_78 = arith.extui %sign3A_77 : i1 to i32
    %sign3A_79 = arith.subi %sign3A_75, %sign3A_78 : i32
    %ne3A = arith.cmpi ne, %sign3A_72, %sign3A_79 : i32
    %rem3A = arith.remsi %sub3A_66, %jit3A : i32
    %ne3A_80 = arith.constant 0 : i32
    %ne3A_81 = arith.cmpi ne, %rem3A, %ne3A_80 : i32
    %and3A = arith.andi %ne3A, %ne3A_81 : i1
    %sub3A_82 = arith.constant 1 : i32
    %sub3A_83 = arith.subi %div3A, %sub3A_82 : i32
    %select_n3A = arith.select %and3A, %sub3A_83, %div3A : i32
    %scan3A_84 = arith.constant 0 : i32
    %scan3A_85 = arith.constant 4 : i32
    %scan3A_86 = arith.addi %scan3A_84, %scan3A_85 : i32
    %scan3A_87 = arith.constant 1 : i32
    %scan3A_88:2 = scf.for %scan3A_202 = %scan3A_84 to %scan3A_86 step %scan3A_87 iter_args(%scan3A_203 = %scan3A_12#0, %scan3A_204 = %scan3A_12#1) -> (i32, i32)  : i32 {
      %sub3A_205 = arith.subi %scan3A_204, %scan3A_203 : i32
      %add3A_206 = arith.constant 1 : i32
      %add3A_207 = arith.addi %sub3A_205, %add3A_206 : i32
      %shift_right_arithmetic3A = arith.constant 1 : i32
      %shift_right_arithmetic3A_208 = arith.shrsi %add3A_207, %shift_right_arithmetic3A : i32
      %add3A_209 = arith.addi %scan3A_203, %shift_right_arithmetic3A_208 : i32
      %while3A_210 = arith.constant 0 : i32
      %while3A_211 = arith.subi %select_n3A, %while3A_210 : i32
      %while3A_212 = arith.addi %while3A_210, %while3A_211 : i32
      %while3A_213 = arith.constant 1 : i32
      %while3A_214 = arith.divsi %while3A_211, %while3A_213 : i32
      %while3A_215 = arith.muli %while3A_214, %while3A_213 : i32
      %while3A_216 = arith.addi %while3A_210, %while3A_215 : i32
      %while3A_217 = arith.constant 1 : i32
      %while3A_218 = scf.for %while3A_231 = %while3A_210 to %while3A_216 step %while3A_217 iter_args(%while3A_232 = %broadcast_in_dim3A_1) -> (vector<16xi32>)  : i32 {
        %mul3A_233 = arith.constant 8 : i32
        %mul3A_234 = arith.muli %while3A_231, %mul3A_233 : i32
        %add3A_235 = arith.constant 0 : i32
        %add3A_236 = arith.addi %mul3A_234, %add3A_235 : i32
        %get3A = arith.index_cast %add3A_236 : i32 to index
        %get3A_237 = memref.load %arg6[%get3A] : memref<520xi32, #tpu.memory_space<smem>>
        %mul3A_238 = arith.constant 16 : i32
        %mul3A_239 = arith.muli %get3A_237, %mul3A_238 : i32
        %get3A_240 = arith.index_cast %mul3A_239 : i32 to index
        %get3A_241 = tpu.vector_load %arg4[%get3A_240] {strides = array<i32>} : memref<8208xf32, #tpu.memory_space<vmem>>, vector<16xf32>,
        %bitcast3A_242 = vector.bitcast %get3A_241 : vector<16xf32> to vector<16xi32>
        %ge3A_243 = vector.broadcast %add3A_209 : i32 to vector<16xi32>
        %ge3A_244 = arith.cmpi sge, %bitcast3A_242, %ge3A_243 : vector<16xi32>
        %le3A = vector.broadcast %scan3A_12#1 : i32 to vector<16xi32>
        %le3A_245 = arith.cmpi sle, %bitcast3A_242, %le3A : vector<16xi32>
        %and3A_246 = arith.andi %ge3A_244, %le3A_245 : vector<16xi1>
        %convert_element_type3A = arith.extui %and3A_246 : vector<16xi1> to vector<16xi32>
        %add3A_247 = arith.addi %while3A_232, %convert_element_type3A : vector<16xi32>
        %mul3A_248 = arith.constant 8 : i32
        %mul3A_249 = arith.muli %while3A_231, %mul3A_248 : i32
        %add3A_250 = arith.constant 1 : i32
        %add3A_251 = arith.addi %mul3A_249, %add3A_250 : i32
        %get3A_252 = arith.index_cast %add3A_251 : i32 to index
        %get3A_253 = memref.load %arg6[%get3A_252] : memref<520xi32, #tpu.memory_space<smem>>
        %mul3A_254 = arith.constant 16 : i32
        %mul3A_255 = arith.muli %get3A_253, %mul3A_254 : i32
        %get3A_256 = arith.index_cast %mul3A_255 : i32 to index
        %get3A_257 = tpu.vector_load %arg4[%get3A_256] {strides = array<i32>} : memref<8208xf32, #tpu.memory_space<vmem>>, vector<16xf32>,
        %bitcast3A_258 = vector.bitcast %get3A_257 : vector<16xf32> to vector<16xi32>
        %ge3A_259 = vector.broadcast %add3A_209 : i32 to vector<16xi32>
        %ge3A_260 = arith.cmpi sge, %bitcast3A_258, %ge3A_259 : vector<16xi32>
        %le3A_261 = vector.broadcast %scan3A_12#1 : i32 to vector<16xi32>
        %le3A_262 = arith.cmpi sle, %bitcast3A_258, %le3A_261 : vector<16xi32>
        %and3A_263 = arith.andi %ge3A_260, %le3A_262 : vector<16xi1>
        %convert_element_type3A_264 = arith.extui %and3A_263 : vector<16xi1> to vector<16xi32>
        %add3A_265 = arith.addi %add3A_247, %convert_element_type3A_264 : vector<16xi32>
        %mul3A_266 = arith.constant 8 : i32
        %mul3A_267 = arith.muli %while3A_231, %mul3A_266 : i32
        %add3A_268 = arith.constant 2 : i32
        %add3A_269 = arith.addi %mul3A_267, %add3A_268 : i32
        %get3A_270 = arith.index_cast %add3A_269 : i32 to index
        %get3A_271 = memref.load %arg6[%get3A_270] : memref<520xi32, #tpu.memory_space<smem>>
        %mul3A_272 = arith.constant 16 : i32
        %mul3A_273 = arith.muli %get3A_271, %mul3A_272 : i32
        %get3A_274 = arith.index_cast %mul3A_273 : i32 to index
        %get3A_275 = tpu.vector_load %arg4[%get3A_274] {strides = array<i32>} : memref<8208xf32, #tpu.memory_space<vmem>>, vector<16xf32>,
        %bitcast3A_276 = vector.bitcast %get3A_275 : vector<16xf32> to vector<16xi32>
        %ge3A_277 = vector.broadcast %add3A_209 : i32 to vector<16xi32>
        %ge3A_278 = arith.cmpi sge, %bitcast3A_276, %ge3A_277 : vector<16xi32>
        %le3A_279 = vector.broadcast %scan3A_12#1 : i32 to vector<16xi32>
        %le3A_280 = arith.cmpi sle, %bitcast3A_276, %le3A_279 : vector<16xi32>
        %and3A_281 = arith.andi %ge3A_278, %le3A_280 : vector<16xi1>
        %convert_element_type3A_282 = arith.extui %and3A_281 : vector<16xi1> to vector<16xi32>
        %add3A_283 = arith.addi %add3A_265, %convert_element_type3A_282 : vector<16xi32>
        %mul3A_284 = arith.constant 8 : i32
        %mul3A_285 = arith.muli %while3A_231, %mul3A_284 : i32
        %add3A_286 = arith.constant 3 : i32
        %add3A_287 = arith.addi %mul3A_285, %add3A_286 : i32
        %get3A_288 = arith.index_cast %add3A_287 : i32 to index
        %get3A_289 = memref.load %arg6[%get3A_288] : memref<520xi32, #tpu.memory_space<smem>>
        %mul3A_290 = arith.constant 16 : i32
        %mul3A_291 = arith.muli %get3A_289, %mul3A_290 : i32
        %get3A_292 = arith.index_cast %mul3A_291 : i32 to index
        %get3A_293 = tpu.vector_load %arg4[%get3A_292] {strides = array<i32>} : memref<8208xf32, #tpu.memory_space<vmem>>, vector<16xf32>,
        %bitcast3A_294 = vector.bitcast %get3A_293 : vector<16xf32> to vector<16xi32>
        %ge3A_295 = vector.broadcast %add3A_209 : i32 to vector<16xi32>
        %ge3A_296 = arith.cmpi sge, %bitcast3A_294, %ge3A_295 : vector<16xi32>
        %le3A_297 = vector.broadcast %scan3A_12#1 : i32 to vector<16xi32>
        %le3A_298 = arith.cmpi sle, %bitcast3A_294, %le3A_297 : vector<16xi32>
        %and3A_299 = arith.andi %ge3A_296, %le3A_298 : vector<16xi1>
        %convert_element_type3A_300 = arith.extui %and3A_299 : vector<16xi1> to vector<16xi32>
        %add3A_301 = arith.addi %add3A_283, %convert_element_type3A_300 : vector<16xi32>
        %mul3A_302 = arith.constant 8 : i32
        %mul3A_303 = arith.muli %while3A_231, %mul3A_302 : i32
        %add3A_304 = arith.constant 4 : i32
        %add3A_305 = arith.addi %mul3A_303, %add3A_304 : i32
        %get3A_306 = arith.index_cast %add3A_305 : i32 to index
        %get3A_307 = memref.load %arg6[%get3A_306] : memref<520xi32, #tpu.memory_space<smem>>
        %mul3A_308 = arith.constant 16 : i32
        %mul3A_309 = arith.muli %get3A_307, %mul3A_308 : i32
        %get3A_310 = arith.index_cast %mul3A_309 : i32 to index
        %get3A_311 = tpu.vector_load %arg4[%get3A_310] {strides = array<i32>} : memref<8208xf32, #tpu.memory_space<vmem>>, vector<16xf32>,
        %bitcast3A_312 = vector.bitcast %get3A_311 : vector<16xf32> to vector<16xi32>
        %ge3A_313 = vector.broadcast %add3A_209 : i32 to vector<16xi32>
        %ge3A_314 = arith.cmpi sge, %bitcast3A_312, %ge3A_313 : vector<16xi32>
        %le3A_315 = vector.broadcast %scan3A_12#1 : i32 to vector<16xi32>
        %le3A_316 = arith.cmpi sle, %bitcast3A_312, %le3A_315 : vector<16xi32>
        %and3A_317 = arith.andi %ge3A_314, %le3A_316 : vector<16xi1>
        %convert_element_type3A_318 = arith.extui %and3A_317 : vector<16xi1> to vector<16xi32>
        %add3A_319 = arith.addi %add3A_301, %convert_element_type3A_318 : vector<16xi32>
        %mul3A_320 = arith.constant 8 : i32
        %mul3A_321 = arith.muli %while3A_231, %mul3A_320 : i32
        %add3A_322 = arith.constant 5 : i32
        %add3A_323 = arith.addi %mul3A_321, %add3A_322 : i32
        %get3A_324 = arith.index_cast %add3A_323 : i32 to index
        %get3A_325 = memref.load %arg6[%get3A_324] : memref<520xi32, #tpu.memory_space<smem>>
        %mul3A_326 = arith.constant 16 : i32
        %mul3A_327 = arith.muli %get3A_325, %mul3A_326 : i32
        %get3A_328 = arith.index_cast %mul3A_327 : i32 to index
        %get3A_329 = tpu.vector_load %arg4[%get3A_328] {strides = array<i32>} : memref<8208xf32, #tpu.memory_space<vmem>>, vector<16xf32>,
        %bitcast3A_330 = vector.bitcast %get3A_329 : vector<16xf32> to vector<16xi32>
        %ge3A_331 = vector.broadcast %add3A_209 : i32 to vector<16xi32>
        %ge3A_332 = arith.cmpi sge, %bitcast3A_330, %ge3A_331 : vector<16xi32>
        %le3A_333 = vector.broadcast %scan3A_12#1 : i32 to vector<16xi32>
        %le3A_334 = arith.cmpi sle, %bitcast3A_330, %le3A_333 : vector<16xi32>
        %and3A_335 = arith.andi %ge3A_332, %le3A_334 : vector<16xi1>
        %convert_element_type3A_336 = arith.extui %and3A_335 : vector<16xi1> to vector<16xi32>
        %add3A_337 = arith.addi %add3A_319, %convert_element_type3A_336 : vector<16xi32>
        %mul3A_338 = arith.constant 8 : i32
        %mul3A_339 = arith.muli %while3A_231, %mul3A_338 : i32
        %add3A_340 = arith.constant 6 : i32
        %add3A_341 = arith.addi %mul3A_339, %add3A_340 : i32
        %get3A_342 = arith.index_cast %add3A_341 : i32 to index
        %get3A_343 = memref.load %arg6[%get3A_342] : memref<520xi32, #tpu.memory_space<smem>>
        %mul3A_344 = arith.constant 16 : i32
        %mul3A_345 = arith.muli %get3A_343, %mul3A_344 : i32
        %get3A_346 = arith.index_cast %mul3A_345 : i32 to index
        %get3A_347 = tpu.vector_load %arg4[%get3A_346] {strides = array<i32>} : memref<8208xf32, #tpu.memory_space<vmem>>, vector<16xf32>,
        %bitcast3A_348 = vector.bitcast %get3A_347 : vector<16xf32> to vector<16xi32>
        %ge3A_349 = vector.broadcast %add3A_209 : i32 to vector<16xi32>
        %ge3A_350 = arith.cmpi sge, %bitcast3A_348, %ge3A_349 : vector<16xi32>
        %le3A_351 = vector.broadcast %scan3A_12#1 : i32 to vector<16xi32>
        %le3A_352 = arith.cmpi sle, %bitcast3A_348, %le3A_351 : vector<16xi32>
        %and3A_353 = arith.andi %ge3A_350, %le3A_352 : vector<16xi1>
        %convert_element_type3A_354 = arith.extui %and3A_353 : vector<16xi1> to vector<16xi32>
        %add3A_355 = arith.addi %add3A_337, %convert_element_type3A_354 : vector<16xi32>
        %mul3A_356 = arith.constant 8 : i32
        %mul3A_357 = arith.muli %while3A_231, %mul3A_356 : i32
        %add3A_358 = arith.constant 7 : i32
        %add3A_359 = arith.addi %mul3A_357, %add3A_358 : i32
        %get3A_360 = arith.index_cast %add3A_359 : i32 to index
        %get3A_361 = memref.load %arg6[%get3A_360] : memref<520xi32, #tpu.memory_space<smem>>
        %mul3A_362 = arith.constant 16 : i32
        %mul3A_363 = arith.muli %get3A_361, %mul3A_362 : i32
        %get3A_364 = arith.index_cast %mul3A_363 : i32 to index
        %get3A_365 = tpu.vector_load %arg4[%get3A_364] {strides = array<i32>} : memref<8208xf32, #tpu.memory_space<vmem>>, vector<16xf32>,
        %bitcast3A_366 = vector.bitcast %get3A_365 : vector<16xf32> to vector<16xi32>
        %ge3A_367 = vector.broadcast %add3A_209 : i32 to vector<16xi32>
        %ge3A_368 = arith.cmpi sge, %bitcast3A_366, %ge3A_367 : vector<16xi32>
        %le3A_369 = vector.broadcast %scan3A_12#1 : i32 to vector<16xi32>
        %le3A_370 = arith.cmpi sle, %bitcast3A_366, %le3A_369 : vector<16xi32>
        %and3A_371 = arith.andi %ge3A_368, %le3A_370 : vector<16xi1>
        %convert_element_type3A_372 = arith.extui %and3A_371 : vector<16xi1> to vector<16xi32>
        %add3A_373 = arith.addi %add3A_355, %convert_element_type3A_372 : vector<16xi32>
        scf.yield %add3A_373 : vector<16xi32>
      }
      %while3A_219 = arith.constant 1 : i32
      %while3A_220 = scf.for %while3A_231 = %while3A_216 to %while3A_212 step %while3A_219 iter_args(%while3A_232 = %while3A_218) -> (vector<16xi32>)  : i32 {
        %mul3A_233 = arith.constant 8 : i32
        %mul3A_234 = arith.muli %while3A_231, %mul3A_233 : i32
        %add3A_235 = arith.constant 0 : i32
        %add3A_236 = arith.addi %mul3A_234, %add3A_235 : i32
        %get3A = arith.index_cast %add3A_236 : i32 to index
        %get3A_237 = memref.load %arg6[%get3A] : memref<520xi32, #tpu.memory_space<smem>>
        %mul3A_238 = arith.constant 16 : i32
        %mul3A_239 = arith.muli %get3A_237, %mul3A_238 : i32
        %get3A_240 = arith.index_cast %mul3A_239 : i32 to index
        %get3A_241 = tpu.vector_load %arg4[%get3A_240] {strides = array<i32>} : memref<8208xf32, #tpu.memory_space<vmem>>, vector<16xf32>,
        %bitcast3A_242 = vector.bitcast %get3A_241 : vector<16xf32> to vector<16xi32>
        %ge3A_243 = vector.broadcast %add3A_209 : i32 to vector<16xi32>
        %ge3A_244 = arith.cmpi sge, %bitcast3A_242, %ge3A_243 : vector<16xi32>
        %le3A = vector.broadcast %scan3A_12#1 : i32 to vector<16xi32>
        %le3A_245 = arith.cmpi sle, %bitcast3A_242, %le3A : vector<16xi32>
        %and3A_246 = arith.andi %ge3A_244, %le3A_245 : vector<16xi1>
        %convert_element_type3A = arith.extui %and3A_246 : vector<16xi1> to vector<16xi32>
        %add3A_247 = arith.addi %while3A_232, %convert_element_type3A : vector<16xi32>
        %mul3A_248 = arith.constant 8 : i32
        %mul3A_249 = arith.muli %while3A_231, %mul3A_248 : i32
        %add3A_250 = arith.constant 1 : i32
        %add3A_251 = arith.addi %mul3A_249, %add3A_250 : i32
        %get3A_252 = arith.index_cast %add3A_251 : i32 to index
        %get3A_253 = memref.load %arg6[%get3A_252] : memref<520xi32, #tpu.memory_space<smem>>
        %mul3A_254 = arith.constant 16 : i32
        %mul3A_255 = arith.muli %get3A_253, %mul3A_254 : i32
        %get3A_256 = arith.index_cast %mul3A_255 : i32 to index
        %get3A_257 = tpu.vector_load %arg4[%get3A_256] {strides = array<i32>} : memref<8208xf32, #tpu.memory_space<vmem>>, vector<16xf32>,
        %bitcast3A_258 = vector.bitcast %get3A_257 : vector<16xf32> to vector<16xi32>
        %ge3A_259 = vector.broadcast %add3A_209 : i32 to vector<16xi32>
        %ge3A_260 = arith.cmpi sge, %bitcast3A_258, %ge3A_259 : vector<16xi32>
        %le3A_261 = vector.broadcast %scan3A_12#1 : i32 to vector<16xi32>
        %le3A_262 = arith.cmpi sle, %bitcast3A_258, %le3A_261 : vector<16xi32>
        %and3A_263 = arith.andi %ge3A_260, %le3A_262 : vector<16xi1>
        %convert_element_type3A_264 = arith.extui %and3A_263 : vector<16xi1> to vector<16xi32>
        %add3A_265 = arith.addi %add3A_247, %convert_element_type3A_264 : vector<16xi32>
        %mul3A_266 = arith.constant 8 : i32
        %mul3A_267 = arith.muli %while3A_231, %mul3A_266 : i32
        %add3A_268 = arith.constant 2 : i32
        %add3A_269 = arith.addi %mul3A_267, %add3A_268 : i32
        %get3A_270 = arith.index_cast %add3A_269 : i32 to index
        %get3A_271 = memref.load %arg6[%get3A_270] : memref<520xi32, #tpu.memory_space<smem>>
        %mul3A_272 = arith.constant 16 : i32
        %mul3A_273 = arith.muli %get3A_271, %mul3A_272 : i32
        %get3A_274 = arith.index_cast %mul3A_273 : i32 to index
        %get3A_275 = tpu.vector_load %arg4[%get3A_274] {strides = array<i32>} : memref<8208xf32, #tpu.memory_space<vmem>>, vector<16xf32>,
        %bitcast3A_276 = vector.bitcast %get3A_275 : vector<16xf32> to vector<16xi32>
        %ge3A_277 = vector.broadcast %add3A_209 : i32 to vector<16xi32>
        %ge3A_278 = arith.cmpi sge, %bitcast3A_276, %ge3A_277 : vector<16xi32>
        %le3A_279 = vector.broadcast %scan3A_12#1 : i32 to vector<16xi32>
        %le3A_280 = arith.cmpi sle, %bitcast3A_276, %le3A_279 : vector<16xi32>
        %and3A_281 = arith.andi %ge3A_278, %le3A_280 : vector<16xi1>
        %convert_element_type3A_282 = arith.extui %and3A_281 : vector<16xi1> to vector<16xi32>
        %add3A_283 = arith.addi %add3A_265, %convert_element_type3A_282 : vector<16xi32>
        %mul3A_284 = arith.constant 8 : i32
        %mul3A_285 = arith.muli %while3A_231, %mul3A_284 : i32
        %add3A_286 = arith.constant 3 : i32
        %add3A_287 = arith.addi %mul3A_285, %add3A_286 : i32
        %get3A_288 = arith.index_cast %add3A_287 : i32 to index
        %get3A_289 = memref.load %arg6[%get3A_288] : memref<520xi32, #tpu.memory_space<smem>>
        %mul3A_290 = arith.constant 16 : i32
        %mul3A_291 = arith.muli %get3A_289, %mul3A_290 : i32
        %get3A_292 = arith.index_cast %mul3A_291 : i32 to index
        %get3A_293 = tpu.vector_load %arg4[%get3A_292] {strides = array<i32>} : memref<8208xf32, #tpu.memory_space<vmem>>, vector<16xf32>,
        %bitcast3A_294 = vector.bitcast %get3A_293 : vector<16xf32> to vector<16xi32>
        %ge3A_295 = vector.broadcast %add3A_209 : i32 to vector<16xi32>
        %ge3A_296 = arith.cmpi sge, %bitcast3A_294, %ge3A_295 : vector<16xi32>
        %le3A_297 = vector.broadcast %scan3A_12#1 : i32 to vector<16xi32>
        %le3A_298 = arith.cmpi sle, %bitcast3A_294, %le3A_297 : vector<16xi32>
        %and3A_299 = arith.andi %ge3A_296, %le3A_298 : vector<16xi1>
        %convert_element_type3A_300 = arith.extui %and3A_299 : vector<16xi1> to vector<16xi32>
        %add3A_301 = arith.addi %add3A_283, %convert_element_type3A_300 : vector<16xi32>
        %mul3A_302 = arith.constant 8 : i32
        %mul3A_303 = arith.muli %while3A_231, %mul3A_302 : i32
        %add3A_304 = arith.constant 4 : i32
        %add3A_305 = arith.addi %mul3A_303, %add3A_304 : i32
        %get3A_306 = arith.index_cast %add3A_305 : i32 to index
        %get3A_307 = memref.load %arg6[%get3A_306] : memref<520xi32, #tpu.memory_space<smem>>
        %mul3A_308 = arith.constant 16 : i32
        %mul3A_309 = arith.muli %get3A_307, %mul3A_308 : i32
        %get3A_310 = arith.index_cast %mul3A_309 : i32 to index
        %get3A_311 = tpu.vector_load %arg4[%get3A_310] {strides = array<i32>} : memref<8208xf32, #tpu.memory_space<vmem>>, vector<16xf32>,
        %bitcast3A_312 = vector.bitcast %get3A_311 : vector<16xf32> to vector<16xi32>
        %ge3A_313 = vector.broadcast %add3A_209 : i32 to vector<16xi32>
        %ge3A_314 = arith.cmpi sge, %bitcast3A_312, %ge3A_313 : vector<16xi32>
        %le3A_315 = vector.broadcast %scan3A_12#1 : i32 to vector<16xi32>
        %le3A_316 = arith.cmpi sle, %bitcast3A_312, %le3A_315 : vector<16xi32>
        %and3A_317 = arith.andi %ge3A_314, %le3A_316 : vector<16xi1>
        %convert_element_type3A_318 = arith.extui %and3A_317 : vector<16xi1> to vector<16xi32>
        %add3A_319 = arith.addi %add3A_301, %convert_element_type3A_318 : vector<16xi32>
        %mul3A_320 = arith.constant 8 : i32
        %mul3A_321 = arith.muli %while3A_231, %mul3A_320 : i32
        %add3A_322 = arith.constant 5 : i32
        %add3A_323 = arith.addi %mul3A_321, %add3A_322 : i32
        %get3A_324 = arith.index_cast %add3A_323 : i32 to index
        %get3A_325 = memref.load %arg6[%get3A_324] : memref<520xi32, #tpu.memory_space<smem>>
        %mul3A_326 = arith.constant 16 : i32
        %mul3A_327 = arith.muli %get3A_325, %mul3A_326 : i32
        %get3A_328 = arith.index_cast %mul3A_327 : i32 to index
        %get3A_329 = tpu.vector_load %arg4[%get3A_328] {strides = array<i32>} : memref<8208xf32, #tpu.memory_space<vmem>>, vector<16xf32>,
        %bitcast3A_330 = vector.bitcast %get3A_329 : vector<16xf32> to vector<16xi32>
        %ge3A_331 = vector.broadcast %add3A_209 : i32 to vector<16xi32>
        %ge3A_332 = arith.cmpi sge, %bitcast3A_330, %ge3A_331 : vector<16xi32>
        %le3A_333 = vector.broadcast %scan3A_12#1 : i32 to vector<16xi32>
        %le3A_334 = arith.cmpi sle, %bitcast3A_330, %le3A_333 : vector<16xi32>
        %and3A_335 = arith.andi %ge3A_332, %le3A_334 : vector<16xi1>
        %convert_element_type3A_336 = arith.extui %and3A_335 : vector<16xi1> to vector<16xi32>
        %add3A_337 = arith.addi %add3A_319, %convert_element_type3A_336 : vector<16xi32>
        %mul3A_338 = arith.constant 8 : i32
        %mul3A_339 = arith.muli %while3A_231, %mul3A_338 : i32
        %add3A_340 = arith.constant 6 : i32
        %add3A_341 = arith.addi %mul3A_339, %add3A_340 : i32
        %get3A_342 = arith.index_cast %add3A_341 : i32 to index
        %get3A_343 = memref.load %arg6[%get3A_342] : memref<520xi32, #tpu.memory_space<smem>>
        %mul3A_344 = arith.constant 16 : i32
        %mul3A_345 = arith.muli %get3A_343, %mul3A_344 : i32
        %get3A_346 = arith.index_cast %mul3A_345 : i32 to index
        %get3A_347 = tpu.vector_load %arg4[%get3A_346] {strides = array<i32>} : memref<8208xf32, #tpu.memory_space<vmem>>, vector<16xf32>,
        %bitcast3A_348 = vector.bitcast %get3A_347 : vector<16xf32> to vector<16xi32>
        %ge3A_349 = vector.broadcast %add3A_209 : i32 to vector<16xi32>
        %ge3A_350 = arith.cmpi sge, %bitcast3A_348, %ge3A_349 : vector<16xi32>
        %le3A_351 = vector.broadcast %scan3A_12#1 : i32 to vector<16xi32>
        %le3A_352 = arith.cmpi sle, %bitcast3A_348, %le3A_351 : vector<16xi32>
        %and3A_353 = arith.andi %ge3A_350, %le3A_352 : vector<16xi1>
        %convert_element_type3A_354 = arith.extui %and3A_353 : vector<16xi1> to vector<16xi32>
        %add3A_355 = arith.addi %add3A_337, %convert_element_type3A_354 : vector<16xi32>
        %mul3A_356 = arith.constant 8 : i32
        %mul3A_357 = arith.muli %while3A_231, %mul3A_356 : i32
        %add3A_358 = arith.constant 7 : i32
        %add3A_359 = arith.addi %mul3A_357, %add3A_358 : i32
        %get3A_360 = arith.index_cast %add3A_359 : i32 to index
        %get3A_361 = memref.load %arg6[%get3A_360] : memref<520xi32, #tpu.memory_space<smem>>
        %mul3A_362 = arith.constant 16 : i32
        %mul3A_363 = arith.muli %get3A_361, %mul3A_362 : i32
        %get3A_364 = arith.index_cast %mul3A_363 : i32 to index
        %get3A_365 = tpu.vector_load %arg4[%get3A_364] {strides = array<i32>} : memref<8208xf32, #tpu.memory_space<vmem>>, vector<16xf32>,
        %bitcast3A_366 = vector.bitcast %get3A_365 : vector<16xf32> to vector<16xi32>
        %ge3A_367 = vector.broadcast %add3A_209 : i32 to vector<16xi32>
        %ge3A_368 = arith.cmpi sge, %bitcast3A_366, %ge3A_367 : vector<16xi32>
        %le3A_369 = vector.broadcast %scan3A_12#1 : i32 to vector<16xi32>
        %le3A_370 = arith.cmpi sle, %bitcast3A_366, %le3A_369 : vector<16xi32>
        %and3A_371 = arith.andi %ge3A_368, %le3A_370 : vector<16xi1>
        %convert_element_type3A_372 = arith.extui %and3A_371 : vector<16xi1> to vector<16xi32>
        %add3A_373 = arith.addi %add3A_355, %convert_element_type3A_372 : vector<16xi32>
        scf.yield %add3A_373 : vector<16xi32>
      }
      %reduce_sum3A_221 = arith.constant true
      %reduce_sum3A_222 = vector.broadcast %reduce_sum3A_221 : i1 to vector<16xi1>
      %reduce_sum3A_223 = tpu.scan <sum>, %while3A_220 masked %reduce_sum3A_222 : vector<16xi32>, vector<16xi1> -> vector<16xi32>
      %reduce_sum3A_224 = vector.extract %reduce_sum3A_223[15] : i32 from vector<16xi32>
      %add3A_225 = arith.addi %reduce_sum3A_23, %reduce_sum3A_224 : i32
      %ge3A = arith.constant 64 : i32
      %ge3A_226 = arith.cmpi sge, %add3A_225, %ge3A : i32
      %select_n3A_227 = arith.select %ge3A_226, %add3A_209, %scan3A_203 : i32
      %sub3A_228 = arith.constant 1 : i32
      %sub3A_229 = arith.subi %add3A_209, %sub3A_228 : i32
      %select_n3A_230 = arith.select %ge3A_226, %scan3A_204, %sub3A_229 : i32
      scf.yield %select_n3A_227, %select_n3A_230 : i32, i32
    }
    %scan3A_89 = arith.constant 4 : i32
    %while3A = arith.constant 0 : i32
    %while3A_90 = arith.constant 0 : i32
    %while3A_91 = arith.subi %select_n3A, %while3A : i32
    %while3A_92 = arith.addi %while3A, %while3A_91 : i32
    %while3A_93 = arith.constant 1 : i32
    %while3A_94 = arith.divsi %while3A_91, %while3A_93 : i32
    %while3A_95 = arith.muli %while3A_94, %while3A_93 : i32
    %while3A_96 = arith.addi %while3A, %while3A_95 : i32
    %while3A_97 = arith.constant 1 : i32
    %while3A_98:2 = scf.for %while3A_202 = %while3A to %while3A_96 step %while3A_97 iter_args(%while3A_203 = %while3A_90, %while3A_204 = %broadcast_in_dim3A_1) -> (i32, vector<16xi32>)  : i32 {
      %mul3A_205 = arith.constant 8 : i32
      %mul3A_206 = arith.muli %while3A_202, %mul3A_205 : i32
      %add3A_207 = arith.constant 0 : i32
      %add3A_208 = arith.addi %mul3A_206, %add3A_207 : i32
      %get3A = arith.index_cast %add3A_208 : i32 to index
      %get3A_209 = memref.load %arg6[%get3A] : memref<520xi32, #tpu.memory_space<smem>>
      %mul3A_210 = arith.constant 16 : i32
      %mul3A_211 = arith.muli %get3A_209, %mul3A_210 : i32
      %get3A_212 = arith.index_cast %mul3A_211 : i32 to index
      %get3A_213 = tpu.vector_load %arg4[%get3A_212] {strides = array<i32>} : memref<8208xf32, #tpu.memory_space<vmem>>, vector<16xf32>,
      %bitcast3A_214 = vector.bitcast %get3A_213 : vector<16xf32> to vector<16xi32>
      %ge3A = vector.broadcast %scan3A_88#0 : i32 to vector<16xi32>
      %ge3A_215 = arith.cmpi sge, %bitcast3A_214, %ge3A : vector<16xi32>
      %le3A = vector.broadcast %scan3A_88#1 : i32 to vector<16xi32>
      %le3A_216 = arith.cmpi sle, %bitcast3A_214, %le3A : vector<16xi32>
      %and3A_217 = arith.andi %ge3A_215, %le3A_216 : vector<16xi1>
      %all_reduce_population_count3A = tpu.all_reduce %and3A_217 {dim = 0 : i64, kind = #tpu.reduction_kind<sum>} : vector<16xi1> -> vector<16xi32>
      %swap3A_218 = arith.index_cast %while3A_203 : i32 to index
      %swap3A_219 = memref.load %arg6[%swap3A_218] : memref<520xi32, #tpu.memory_space<smem>>
      memref.store %get3A_209, %arg6[%swap3A_218] : memref<520xi32, #tpu.memory_space<smem>>
      %slice3A = vector.extract_strided_slice %all_reduce_population_count3A {offsets = [0], sizes = [1], strides = [1]} : vector<16xi32> to vector<1xi32>
      %squeeze3A = vector.extract %slice3A[0] : i32 from vector<1xi32>
      %gt3A = arith.constant 0 : i32
      %gt3A_220 = arith.cmpi sgt, %squeeze3A, %gt3A : i32
      %jit3A_221 = arith.constant 1 : i32
      %jit3A_222 = arith.constant 0 : i32
      %select_n3A_223 = arith.select %gt3A_220, %jit3A_221, %jit3A_222 : i32
      %add3A_224 = arith.addi %while3A_203, %select_n3A_223 : i32
      %gt3A_225 = vector.broadcast %scan3A_88#1 : i32 to vector<16xi32>
      %gt3A_226 = arith.cmpi sgt, %bitcast3A_214, %gt3A_225 : vector<16xi32>
      %le3A_227 = vector.broadcast %scan3A_12#1 : i32 to vector<16xi32>
      %le3A_228 = arith.cmpi sle, %bitcast3A_214, %le3A_227 : vector<16xi32>
      %and3A_229 = arith.andi %gt3A_226, %le3A_228 : vector<16xi1>
      %convert_element_type3A = arith.extui %and3A_229 : vector<16xi1> to vector<16xi32>
      %add3A_230 = arith.addi %while3A_204, %convert_element_type3A : vector<16xi32>
      %mul3A_231 = arith.constant 8 : i32
      %mul3A_232 = arith.muli %while3A_202, %mul3A_231 : i32
      %add3A_233 = arith.constant 1 : i32
      %add3A_234 = arith.addi %mul3A_232, %add3A_233 : i32
      %get3A_235 = arith.index_cast %add3A_234 : i32 to index
      %get3A_236 = memref.load %arg6[%get3A_235] : memref<520xi32, #tpu.memory_space<smem>>
      %mul3A_237 = arith.constant 16 : i32
      %mul3A_238 = arith.muli %get3A_236, %mul3A_237 : i32
      %get3A_239 = arith.index_cast %mul3A_238 : i32 to index
      %get3A_240 = tpu.vector_load %arg4[%get3A_239] {strides = array<i32>} : memref<8208xf32, #tpu.memory_space<vmem>>, vector<16xf32>,
      %bitcast3A_241 = vector.bitcast %get3A_240 : vector<16xf32> to vector<16xi32>
      %ge3A_242 = vector.broadcast %scan3A_88#0 : i32 to vector<16xi32>
      %ge3A_243 = arith.cmpi sge, %bitcast3A_241, %ge3A_242 : vector<16xi32>
      %le3A_244 = vector.broadcast %scan3A_88#1 : i32 to vector<16xi32>
      %le3A_245 = arith.cmpi sle, %bitcast3A_241, %le3A_244 : vector<16xi32>
      %and3A_246 = arith.andi %ge3A_243, %le3A_245 : vector<16xi1>
      %all_reduce_population_count3A_247 = tpu.all_reduce %and3A_246 {dim = 0 : i64, kind = #tpu.reduction_kind<sum>} : vector<16xi1> -> vector<16xi32>
      %swap3A_248 = arith.index_cast %add3A_224 : i32 to index
      %swap3A_249 = memref.load %arg6[%swap3A_248] : memref<520xi32, #tpu.memory_space<smem>>
      memref.store %get3A_236, %arg6[%swap3A_248] : memref<520xi32, #tpu.memory_space<smem>>
      %slice3A_250 = vector.extract_strided_slice %all_reduce_population_count3A_247 {offsets = [0], sizes = [1], strides = [1]} : vector<16xi32> to vector<1xi32>
      %squeeze3A_251 = vector.extract %slice3A_250[0] : i32 from vector<1xi32>
      %gt3A_252 = arith.constant 0 : i32
      %gt3A_253 = arith.cmpi sgt, %squeeze3A_251, %gt3A_252 : i32
      %jit3A_254 = arith.constant 1 : i32
      %jit3A_255 = arith.constant 0 : i32
      %select_n3A_256 = arith.select %gt3A_253, %jit3A_254, %jit3A_255 : i32
      %add3A_257 = arith.addi %add3A_224, %select_n3A_256 : i32
      %gt3A_258 = vector.broadcast %scan3A_88#1 : i32 to vector<16xi32>
      %gt3A_259 = arith.cmpi sgt, %bitcast3A_241, %gt3A_258 : vector<16xi32>
      %le3A_260 = vector.broadcast %scan3A_12#1 : i32 to vector<16xi32>
      %le3A_261 = arith.cmpi sle, %bitcast3A_241, %le3A_260 : vector<16xi32>
      %and3A_262 = arith.andi %gt3A_259, %le3A_261 : vector<16xi1>
      %convert_element_type3A_263 = arith.extui %and3A_262 : vector<16xi1> to vector<16xi32>
      %add3A_264 = arith.addi %add3A_230, %convert_element_type3A_263 : vector<16xi32>
      %mul3A_265 = arith.constant 8 : i32
      %mul3A_266 = arith.muli %while3A_202, %mul3A_265 : i32
      %add3A_267 = arith.constant 2 : i32
      %add3A_268 = arith.addi %mul3A_266, %add3A_267 : i32
      %get3A_269 = arith.index_cast %add3A_268 : i32 to index
      %get3A_270 = memref.load %arg6[%get3A_269] : memref<520xi32, #tpu.memory_space<smem>>
      %mul3A_271 = arith.constant 16 : i32
      %mul3A_272 = arith.muli %get3A_270, %mul3A_271 : i32
      %get3A_273 = arith.index_cast %mul3A_272 : i32 to index
      %get3A_274 = tpu.vector_load %arg4[%get3A_273] {strides = array<i32>} : memref<8208xf32, #tpu.memory_space<vmem>>, vector<16xf32>,
      %bitcast3A_275 = vector.bitcast %get3A_274 : vector<16xf32> to vector<16xi32>
      %ge3A_276 = vector.broadcast %scan3A_88#0 : i32 to vector<16xi32>
      %ge3A_277 = arith.cmpi sge, %bitcast3A_275, %ge3A_276 : vector<16xi32>
      %le3A_278 = vector.broadcast %scan3A_88#1 : i32 to vector<16xi32>
      %le3A_279 = arith.cmpi sle, %bitcast3A_275, %le3A_278 : vector<16xi32>
      %and3A_280 = arith.andi %ge3A_277, %le3A_279 : vector<16xi1>
      %all_reduce_population_count3A_281 = tpu.all_reduce %and3A_280 {dim = 0 : i64, kind = #tpu.reduction_kind<sum>} : vector<16xi1> -> vector<16xi32>
      %swap3A_282 = arith.index_cast %add3A_257 : i32 to index
      %swap3A_283 = memref.load %arg6[%swap3A_282] : memref<520xi32, #tpu.memory_space<smem>>
      memref.store %get3A_270, %arg6[%swap3A_282] : memref<520xi32, #tpu.memory_space<smem>>
      %slice3A_284 = vector.extract_strided_slice %all_reduce_population_count3A_281 {offsets = [0], sizes = [1], strides = [1]} : vector<16xi32> to vector<1xi32>
      %squeeze3A_285 = vector.extract %slice3A_284[0] : i32 from vector<1xi32>
      %gt3A_286 = arith.constant 0 : i32
      %gt3A_287 = arith.cmpi sgt, %squeeze3A_285, %gt3A_286 : i32
      %jit3A_288 = arith.constant 1 : i32
      %jit3A_289 = arith.constant 0 : i32
      %select_n3A_290 = arith.select %gt3A_287, %jit3A_288, %jit3A_289 : i32
      %add3A_291 = arith.addi %add3A_257, %select_n3A_290 : i32
      %gt3A_292 = vector.broadcast %scan3A_88#1 : i32 to vector<16xi32>
      %gt3A_293 = arith.cmpi sgt, %bitcast3A_275, %gt3A_292 : vector<16xi32>
      %le3A_294 = vector.broadcast %scan3A_12#1 : i32 to vector<16xi32>
      %le3A_295 = arith.cmpi sle, %bitcast3A_275, %le3A_294 : vector<16xi32>
      %and3A_296 = arith.andi %gt3A_293, %le3A_295 : vector<16xi1>
      %convert_element_type3A_297 = arith.extui %and3A_296 : vector<16xi1> to vector<16xi32>
      %add3A_298 = arith.addi %add3A_264, %convert_element_type3A_297 : vector<16xi32>
      %mul3A_299 = arith.constant 8 : i32
      %mul3A_300 = arith.muli %while3A_202, %mul3A_299 : i32
      %add3A_301 = arith.constant 3 : i32
      %add3A_302 = arith.addi %mul3A_300, %add3A_301 : i32
      %get3A_303 = arith.index_cast %add3A_302 : i32 to index
      %get3A_304 = memref.load %arg6[%get3A_303] : memref<520xi32, #tpu.memory_space<smem>>
      %mul3A_305 = arith.constant 16 : i32
      %mul3A_306 = arith.muli %get3A_304, %mul3A_305 : i32
      %get3A_307 = arith.index_cast %mul3A_306 : i32 to index
      %get3A_308 = tpu.vector_load %arg4[%get3A_307] {strides = array<i32>} : memref<8208xf32, #tpu.memory_space<vmem>>, vector<16xf32>,
      %bitcast3A_309 = vector.bitcast %get3A_308 : vector<16xf32> to vector<16xi32>
      %ge3A_310 = vector.broadcast %scan3A_88#0 : i32 to vector<16xi32>
      %ge3A_311 = arith.cmpi sge, %bitcast3A_309, %ge3A_310 : vector<16xi32>
      %le3A_312 = vector.broadcast %scan3A_88#1 : i32 to vector<16xi32>
      %le3A_313 = arith.cmpi sle, %bitcast3A_309, %le3A_312 : vector<16xi32>
      %and3A_314 = arith.andi %ge3A_311, %le3A_313 : vector<16xi1>
      %all_reduce_population_count3A_315 = tpu.all_reduce %and3A_314 {dim = 0 : i64, kind = #tpu.reduction_kind<sum>} : vector<16xi1> -> vector<16xi32>
      %swap3A_316 = arith.index_cast %add3A_291 : i32 to index
      %swap3A_317 = memref.load %arg6[%swap3A_316] : memref<520xi32, #tpu.memory_space<smem>>
      memref.store %get3A_304, %arg6[%swap3A_316] : memref<520xi32, #tpu.memory_space<smem>>
      %slice3A_318 = vector.extract_strided_slice %all_reduce_population_count3A_315 {offsets = [0], sizes = [1], strides = [1]} : vector<16xi32> to vector<1xi32>
      %squeeze3A_319 = vector.extract %slice3A_318[0] : i32 from vector<1xi32>
      %gt3A_320 = arith.constant 0 : i32
      %gt3A_321 = arith.cmpi sgt, %squeeze3A_319, %gt3A_320 : i32
      %jit3A_322 = arith.constant 1 : i32
      %jit3A_323 = arith.constant 0 : i32
      %select_n3A_324 = arith.select %gt3A_321, %jit3A_322, %jit3A_323 : i32
      %add3A_325 = arith.addi %add3A_291, %select_n3A_324 : i32
      %gt3A_326 = vector.broadcast %scan3A_88#1 : i32 to vector<16xi32>
      %gt3A_327 = arith.cmpi sgt, %bitcast3A_309, %gt3A_326 : vector<16xi32>
      %le3A_328 = vector.broadcast %scan3A_12#1 : i32 to vector<16xi32>
      %le3A_329 = arith.cmpi sle, %bitcast3A_309, %le3A_328 : vector<16xi32>
      %and3A_330 = arith.andi %gt3A_327, %le3A_329 : vector<16xi1>
      %convert_element_type3A_331 = arith.extui %and3A_330 : vector<16xi1> to vector<16xi32>
      %add3A_332 = arith.addi %add3A_298, %convert_element_type3A_331 : vector<16xi32>
      %mul3A_333 = arith.constant 8 : i32
      %mul3A_334 = arith.muli %while3A_202, %mul3A_333 : i32
      %add3A_335 = arith.constant 4 : i32
      %add3A_336 = arith.addi %mul3A_334, %add3A_335 : i32
      %get3A_337 = arith.index_cast %add3A_336 : i32 to index
      %get3A_338 = memref.load %arg6[%get3A_337] : memref<520xi32, #tpu.memory_space<smem>>
      %mul3A_339 = arith.constant 16 : i32
      %mul3A_340 = arith.muli %get3A_338, %mul3A_339 : i32
      %get3A_341 = arith.index_cast %mul3A_340 : i32 to index
      %get3A_342 = tpu.vector_load %arg4[%get3A_341] {strides = array<i32>} : memref<8208xf32, #tpu.memory_space<vmem>>, vector<16xf32>,
      %bitcast3A_343 = vector.bitcast %get3A_342 : vector<16xf32> to vector<16xi32>
      %ge3A_344 = vector.broadcast %scan3A_88#0 : i32 to vector<16xi32>
      %ge3A_345 = arith.cmpi sge, %bitcast3A_343, %ge3A_344 : vector<16xi32>
      %le3A_346 = vector.broadcast %scan3A_88#1 : i32 to vector<16xi32>
      %le3A_347 = arith.cmpi sle, %bitcast3A_343, %le3A_346 : vector<16xi32>
      %and3A_348 = arith.andi %ge3A_345, %le3A_347 : vector<16xi1>
      %all_reduce_population_count3A_349 = tpu.all_reduce %and3A_348 {dim = 0 : i64, kind = #tpu.reduction_kind<sum>} : vector<16xi1> -> vector<16xi32>
      %swap3A_350 = arith.index_cast %add3A_325 : i32 to index
      %swap3A_351 = memref.load %arg6[%swap3A_350] : memref<520xi32, #tpu.memory_space<smem>>
      memref.store %get3A_338, %arg6[%swap3A_350] : memref<520xi32, #tpu.memory_space<smem>>
      %slice3A_352 = vector.extract_strided_slice %all_reduce_population_count3A_349 {offsets = [0], sizes = [1], strides = [1]} : vector<16xi32> to vector<1xi32>
      %squeeze3A_353 = vector.extract %slice3A_352[0] : i32 from vector<1xi32>
      %gt3A_354 = arith.constant 0 : i32
      %gt3A_355 = arith.cmpi sgt, %squeeze3A_353, %gt3A_354 : i32
      %jit3A_356 = arith.constant 1 : i32
      %jit3A_357 = arith.constant 0 : i32
      %select_n3A_358 = arith.select %gt3A_355, %jit3A_356, %jit3A_357 : i32
      %add3A_359 = arith.addi %add3A_325, %select_n3A_358 : i32
      %gt3A_360 = vector.broadcast %scan3A_88#1 : i32 to vector<16xi32>
      %gt3A_361 = arith.cmpi sgt, %bitcast3A_343, %gt3A_360 : vector<16xi32>
      %le3A_362 = vector.broadcast %scan3A_12#1 : i32 to vector<16xi32>
      %le3A_363 = arith.cmpi sle, %bitcast3A_343, %le3A_362 : vector<16xi32>
      %and3A_364 = arith.andi %gt3A_361, %le3A_363 : vector<16xi1>
      %convert_element_type3A_365 = arith.extui %and3A_364 : vector<16xi1> to vector<16xi32>
      %add3A_366 = arith.addi %add3A_332, %convert_element_type3A_365 : vector<16xi32>
      %mul3A_367 = arith.constant 8 : i32
      %mul3A_368 = arith.muli %while3A_202, %mul3A_367 : i32
      %add3A_369 = arith.constant 5 : i32
      %add3A_370 = arith.addi %mul3A_368, %add3A_369 : i32
      %get3A_371 = arith.index_cast %add3A_370 : i32 to index
      %get3A_372 = memref.load %arg6[%get3A_371] : memref<520xi32, #tpu.memory_space<smem>>
      %mul3A_373 = arith.constant 16 : i32
      %mul3A_374 = arith.muli %get3A_372, %mul3A_373 : i32
      %get3A_375 = arith.index_cast %mul3A_374 : i32 to index
      %get3A_376 = tpu.vector_load %arg4[%get3A_375] {strides = array<i32>} : memref<8208xf32, #tpu.memory_space<vmem>>, vector<16xf32>,
      %bitcast3A_377 = vector.bitcast %get3A_376 : vector<16xf32> to vector<16xi32>
      %ge3A_378 = vector.broadcast %scan3A_88#0 : i32 to vector<16xi32>
      %ge3A_379 = arith.cmpi sge, %bitcast3A_377, %ge3A_378 : vector<16xi32>
      %le3A_380 = vector.broadcast %scan3A_88#1 : i32 to vector<16xi32>
      %le3A_381 = arith.cmpi sle, %bitcast3A_377, %le3A_380 : vector<16xi32>
      %and3A_382 = arith.andi %ge3A_379, %le3A_381 : vector<16xi1>
      %all_reduce_population_count3A_383 = tpu.all_reduce %and3A_382 {dim = 0 : i64, kind = #tpu.reduction_kind<sum>} : vector<16xi1> -> vector<16xi32>
      %swap3A_384 = arith.index_cast %add3A_359 : i32 to index
      %swap3A_385 = memref.load %arg6[%swap3A_384] : memref<520xi32, #tpu.memory_space<smem>>
      memref.store %get3A_372, %arg6[%swap3A_384] : memref<520xi32, #tpu.memory_space<smem>>
      %slice3A_386 = vector.extract_strided_slice %all_reduce_population_count3A_383 {offsets = [0], sizes = [1], strides = [1]} : vector<16xi32> to vector<1xi32>
      %squeeze3A_387 = vector.extract %slice3A_386[0] : i32 from vector<1xi32>
      %gt3A_388 = arith.constant 0 : i32
      %gt3A_389 = arith.cmpi sgt, %squeeze3A_387, %gt3A_388 : i32
      %jit3A_390 = arith.constant 1 : i32
      %jit3A_391 = arith.constant 0 : i32
      %select_n3A_392 = arith.select %gt3A_389, %jit3A_390, %jit3A_391 : i32
      %add3A_393 = arith.addi %add3A_359, %select_n3A_392 : i32
      %gt3A_394 = vector.broadcast %scan3A_88#1 : i32 to vector<16xi32>
      %gt3A_395 = arith.cmpi sgt, %bitcast3A_377, %gt3A_394 : vector<16xi32>
      %le3A_396 = vector.broadcast %scan3A_12#1 : i32 to vector<16xi32>
      %le3A_397 = arith.cmpi sle, %bitcast3A_377, %le3A_396 : vector<16xi32>
      %and3A_398 = arith.andi %gt3A_395, %le3A_397 : vector<16xi1>
      %convert_element_type3A_399 = arith.extui %and3A_398 : vector<16xi1> to vector<16xi32>
      %add3A_400 = arith.addi %add3A_366, %convert_element_type3A_399 : vector<16xi32>
      %mul3A_401 = arith.constant 8 : i32
      %mul3A_402 = arith.muli %while3A_202, %mul3A_401 : i32
      %add3A_403 = arith.constant 6 : i32
      %add3A_404 = arith.addi %mul3A_402, %add3A_403 : i32
      %get3A_405 = arith.index_cast %add3A_404 : i32 to index
      %get3A_406 = memref.load %arg6[%get3A_405] : memref<520xi32, #tpu.memory_space<smem>>
      %mul3A_407 = arith.constant 16 : i32
      %mul3A_408 = arith.muli %get3A_406, %mul3A_407 : i32
      %get3A_409 = arith.index_cast %mul3A_408 : i32 to index
      %get3A_410 = tpu.vector_load %arg4[%get3A_409] {strides = array<i32>} : memref<8208xf32, #tpu.memory_space<vmem>>, vector<16xf32>,
      %bitcast3A_411 = vector.bitcast %get3A_410 : vector<16xf32> to vector<16xi32>
      %ge3A_412 = vector.broadcast %scan3A_88#0 : i32 to vector<16xi32>
      %ge3A_413 = arith.cmpi sge, %bitcast3A_411, %ge3A_412 : vector<16xi32>
      %le3A_414 = vector.broadcast %scan3A_88#1 : i32 to vector<16xi32>
      %le3A_415 = arith.cmpi sle, %bitcast3A_411, %le3A_414 : vector<16xi32>
      %and3A_416 = arith.andi %ge3A_413, %le3A_415 : vector<16xi1>
      %all_reduce_population_count3A_417 = tpu.all_reduce %and3A_416 {dim = 0 : i64, kind = #tpu.reduction_kind<sum>} : vector<16xi1> -> vector<16xi32>
      %swap3A_418 = arith.index_cast %add3A_393 : i32 to index
      %swap3A_419 = memref.load %arg6[%swap3A_418] : memref<520xi32, #tpu.memory_space<smem>>
      memref.store %get3A_406, %arg6[%swap3A_418] : memref<520xi32, #tpu.memory_space<smem>>
      %slice3A_420 = vector.extract_strided_slice %all_reduce_population_count3A_417 {offsets = [0], sizes = [1], strides = [1]} : vector<16xi32> to vector<1xi32>
      %squeeze3A_421 = vector.extract %slice3A_420[0] : i32 from vector<1xi32>
      %gt3A_422 = arith.constant 0 : i32
      %gt3A_423 = arith.cmpi sgt, %squeeze3A_421, %gt3A_422 : i32
      %jit3A_424 = arith.constant 1 : i32
      %jit3A_425 = arith.constant 0 : i32
      %select_n3A_426 = arith.select %gt3A_423, %jit3A_424, %jit3A_425 : i32
      %add3A_427 = arith.addi %add3A_393, %select_n3A_426 : i32
      %gt3A_428 = vector.broadcast %scan3A_88#1 : i32 to vector<16xi32>
      %gt3A_429 = arith.cmpi sgt, %bitcast3A_411, %gt3A_428 : vector<16xi32>
      %le3A_430 = vector.broadcast %scan3A_12#1 : i32 to vector<16xi32>
      %le3A_431 = arith.cmpi sle, %bitcast3A_411, %le3A_430 : vector<16xi32>
      %and3A_432 = arith.andi %gt3A_429, %le3A_431 : vector<16xi1>
      %convert_element_type3A_433 = arith.extui %and3A_432 : vector<16xi1> to vector<16xi32>
      %add3A_434 = arith.addi %add3A_400, %convert_element_type3A_433 : vector<16xi32>
      %mul3A_435 = arith.constant 8 : i32
      %mul3A_436 = arith.muli %while3A_202, %mul3A_435 : i32
      %add3A_437 = arith.constant 7 : i32
      %add3A_438 = arith.addi %mul3A_436, %add3A_437 : i32
      %get3A_439 = arith.index_cast %add3A_438 : i32 to index
      %get3A_440 = memref.load %arg6[%get3A_439] : memref<520xi32, #tpu.memory_space<smem>>
      %mul3A_441 = arith.constant 16 : i32
      %mul3A_442 = arith.muli %get3A_440, %mul3A_441 : i32
      %get3A_443 = arith.index_cast %mul3A_442 : i32 to index
      %get3A_444 = tpu.vector_load %arg4[%get3A_443] {strides = array<i32>} : memref<8208xf32, #tpu.memory_space<vmem>>, vector<16xf32>,
      %bitcast3A_445 = vector.bitcast %get3A_444 : vector<16xf32> to vector<16xi32>
      %ge3A_446 = vector.broadcast %scan3A_88#0 : i32 to vector<16xi32>
      %ge3A_447 = arith.cmpi sge, %bitcast3A_445, %ge3A_446 : vector<16xi32>
      %le3A_448 = vector.broadcast %scan3A_88#1 : i32 to vector<16xi32>
      %le3A_449 = arith.cmpi sle, %bitcast3A_445, %le3A_448 : vector<16xi32>
      %and3A_450 = arith.andi %ge3A_447, %le3A_449 : vector<16xi1>
      %all_reduce_population_count3A_451 = tpu.all_reduce %and3A_450 {dim = 0 : i64, kind = #tpu.reduction_kind<sum>} : vector<16xi1> -> vector<16xi32>
      %swap3A_452 = arith.index_cast %add3A_427 : i32 to index
      %swap3A_453 = memref.load %arg6[%swap3A_452] : memref<520xi32, #tpu.memory_space<smem>>
      memref.store %get3A_440, %arg6[%swap3A_452] : memref<520xi32, #tpu.memory_space<smem>>
      %slice3A_454 = vector.extract_strided_slice %all_reduce_population_count3A_451 {offsets = [0], sizes = [1], strides = [1]} : vector<16xi32> to vector<1xi32>
      %squeeze3A_455 = vector.extract %slice3A_454[0] : i32 from vector<1xi32>
      %gt3A_456 = arith.constant 0 : i32
      %gt3A_457 = arith.cmpi sgt, %squeeze3A_455, %gt3A_456 : i32
      %jit3A_458 = arith.constant 1 : i32
      %jit3A_459 = arith.constant 0 : i32
      %select_n3A_460 = arith.select %gt3A_457, %jit3A_458, %jit3A_459 : i32
      %add3A_461 = arith.addi %add3A_427, %select_n3A_460 : i32
      %gt3A_462 = vector.broadcast %scan3A_88#1 : i32 to vector<16xi32>
      %gt3A_463 = arith.cmpi sgt, %bitcast3A_445, %gt3A_462 : vector<16xi32>
      %le3A_464 = vector.broadcast %scan3A_12#1 : i32 to vector<16xi32>
      %le3A_465 = arith.cmpi sle, %bitcast3A_445, %le3A_464 : vector<16xi32>
      %and3A_466 = arith.andi %gt3A_463, %le3A_465 : vector<16xi1>
      %convert_element_type3A_467 = arith.extui %and3A_466 : vector<16xi1> to vector<16xi32>
      %add3A_468 = arith.addi %add3A_434, %convert_element_type3A_467 : vector<16xi32>
      scf.yield %add3A_461, %add3A_468 : i32, vector<16xi32>
    }
    %while3A_99 = arith.constant 1 : i32
    %while3A_100:2 = scf.for %while3A_202 = %while3A_96 to %while3A_92 step %while3A_99 iter_args(%while3A_203 = %while3A_98#0, %while3A_204 = %while3A_98#1) -> (i32, vector<16xi32>)  : i32 {
      %mul3A_205 = arith.constant 8 : i32
      %mul3A_206 = arith.muli %while3A_202, %mul3A_205 : i32
      %add3A_207 = arith.constant 0 : i32
      %add3A_208 = arith.addi %mul3A_206, %add3A_207 : i32
      %get3A = arith.index_cast %add3A_208 : i32 to index
      %get3A_209 = memref.load %arg6[%get3A] : memref<520xi32, #tpu.memory_space<smem>>
      %mul3A_210 = arith.constant 16 : i32
      %mul3A_211 = arith.muli %get3A_209, %mul3A_210 : i32
      %get3A_212 = arith.index_cast %mul3A_211 : i32 to index
      %get3A_213 = tpu.vector_load %arg4[%get3A_212] {strides = array<i32>} : memref<8208xf32, #tpu.memory_space<vmem>>, vector<16xf32>,
      %bitcast3A_214 = vector.bitcast %get3A_213 : vector<16xf32> to vector<16xi32>
      %ge3A = vector.broadcast %scan3A_88#0 : i32 to vector<16xi32>
      %ge3A_215 = arith.cmpi sge, %bitcast3A_214, %ge3A : vector<16xi32>
      %le3A = vector.broadcast %scan3A_88#1 : i32 to vector<16xi32>
      %le3A_216 = arith.cmpi sle, %bitcast3A_214, %le3A : vector<16xi32>
      %and3A_217 = arith.andi %ge3A_215, %le3A_216 : vector<16xi1>
      %all_reduce_population_count3A = tpu.all_reduce %and3A_217 {dim = 0 : i64, kind = #tpu.reduction_kind<sum>} : vector<16xi1> -> vector<16xi32>
      %swap3A_218 = arith.index_cast %while3A_203 : i32 to index
      %swap3A_219 = memref.load %arg6[%swap3A_218] : memref<520xi32, #tpu.memory_space<smem>>
      memref.store %get3A_209, %arg6[%swap3A_218] : memref<520xi32, #tpu.memory_space<smem>>
      %slice3A = vector.extract_strided_slice %all_reduce_population_count3A {offsets = [0], sizes = [1], strides = [1]} : vector<16xi32> to vector<1xi32>
      %squeeze3A = vector.extract %slice3A[0] : i32 from vector<1xi32>
      %gt3A = arith.constant 0 : i32
      %gt3A_220 = arith.cmpi sgt, %squeeze3A, %gt3A : i32
      %jit3A_221 = arith.constant 1 : i32
      %jit3A_222 = arith.constant 0 : i32
      %select_n3A_223 = arith.select %gt3A_220, %jit3A_221, %jit3A_222 : i32
      %add3A_224 = arith.addi %while3A_203, %select_n3A_223 : i32
      %gt3A_225 = vector.broadcast %scan3A_88#1 : i32 to vector<16xi32>
      %gt3A_226 = arith.cmpi sgt, %bitcast3A_214, %gt3A_225 : vector<16xi32>
      %le3A_227 = vector.broadcast %scan3A_12#1 : i32 to vector<16xi32>
      %le3A_228 = arith.cmpi sle, %bitcast3A_214, %le3A_227 : vector<16xi32>
      %and3A_229 = arith.andi %gt3A_226, %le3A_228 : vector<16xi1>
      %convert_element_type3A = arith.extui %and3A_229 : vector<16xi1> to vector<16xi32>
      %add3A_230 = arith.addi %while3A_204, %convert_element_type3A : vector<16xi32>
      %mul3A_231 = arith.constant 8 : i32
      %mul3A_232 = arith.muli %while3A_202, %mul3A_231 : i32
      %add3A_233 = arith.constant 1 : i32
      %add3A_234 = arith.addi %mul3A_232, %add3A_233 : i32
      %get3A_235 = arith.index_cast %add3A_234 : i32 to index
      %get3A_236 = memref.load %arg6[%get3A_235] : memref<520xi32, #tpu.memory_space<smem>>
      %mul3A_237 = arith.constant 16 : i32
      %mul3A_238 = arith.muli %get3A_236, %mul3A_237 : i32
      %get3A_239 = arith.index_cast %mul3A_238 : i32 to index
      %get3A_240 = tpu.vector_load %arg4[%get3A_239] {strides = array<i32>} : memref<8208xf32, #tpu.memory_space<vmem>>, vector<16xf32>,
      %bitcast3A_241 = vector.bitcast %get3A_240 : vector<16xf32> to vector<16xi32>
      %ge3A_242 = vector.broadcast %scan3A_88#0 : i32 to vector<16xi32>
      %ge3A_243 = arith.cmpi sge, %bitcast3A_241, %ge3A_242 : vector<16xi32>
      %le3A_244 = vector.broadcast %scan3A_88#1 : i32 to vector<16xi32>
      %le3A_245 = arith.cmpi sle, %bitcast3A_241, %le3A_244 : vector<16xi32>
      %and3A_246 = arith.andi %ge3A_243, %le3A_245 : vector<16xi1>
      %all_reduce_population_count3A_247 = tpu.all_reduce %and3A_246 {dim = 0 : i64, kind = #tpu.reduction_kind<sum>} : vector<16xi1> -> vector<16xi32>
      %swap3A_248 = arith.index_cast %add3A_224 : i32 to index
      %swap3A_249 = memref.load %arg6[%swap3A_248] : memref<520xi32, #tpu.memory_space<smem>>
      memref.store %get3A_236, %arg6[%swap3A_248] : memref<520xi32, #tpu.memory_space<smem>>
      %slice3A_250 = vector.extract_strided_slice %all_reduce_population_count3A_247 {offsets = [0], sizes = [1], strides = [1]} : vector<16xi32> to vector<1xi32>
      %squeeze3A_251 = vector.extract %slice3A_250[0] : i32 from vector<1xi32>
      %gt3A_252 = arith.constant 0 : i32
      %gt3A_253 = arith.cmpi sgt, %squeeze3A_251, %gt3A_252 : i32
      %jit3A_254 = arith.constant 1 : i32
      %jit3A_255 = arith.constant 0 : i32
      %select_n3A_256 = arith.select %gt3A_253, %jit3A_254, %jit3A_255 : i32
      %add3A_257 = arith.addi %add3A_224, %select_n3A_256 : i32
      %gt3A_258 = vector.broadcast %scan3A_88#1 : i32 to vector<16xi32>
      %gt3A_259 = arith.cmpi sgt, %bitcast3A_241, %gt3A_258 : vector<16xi32>
      %le3A_260 = vector.broadcast %scan3A_12#1 : i32 to vector<16xi32>
      %le3A_261 = arith.cmpi sle, %bitcast3A_241, %le3A_260 : vector<16xi32>
      %and3A_262 = arith.andi %gt3A_259, %le3A_261 : vector<16xi1>
      %convert_element_type3A_263 = arith.extui %and3A_262 : vector<16xi1> to vector<16xi32>
      %add3A_264 = arith.addi %add3A_230, %convert_element_type3A_263 : vector<16xi32>
      %mul3A_265 = arith.constant 8 : i32
      %mul3A_266 = arith.muli %while3A_202, %mul3A_265 : i32
      %add3A_267 = arith.constant 2 : i32
      %add3A_268 = arith.addi %mul3A_266, %add3A_267 : i32
      %get3A_269 = arith.index_cast %add3A_268 : i32 to index
      %get3A_270 = memref.load %arg6[%get3A_269] : memref<520xi32, #tpu.memory_space<smem>>
      %mul3A_271 = arith.constant 16 : i32
      %mul3A_272 = arith.muli %get3A_270, %mul3A_271 : i32
      %get3A_273 = arith.index_cast %mul3A_272 : i32 to index
      %get3A_274 = tpu.vector_load %arg4[%get3A_273] {strides = array<i32>} : memref<8208xf32, #tpu.memory_space<vmem>>, vector<16xf32>,
      %bitcast3A_275 = vector.bitcast %get3A_274 : vector<16xf32> to vector<16xi32>
      %ge3A_276 = vector.broadcast %scan3A_88#0 : i32 to vector<16xi32>
      %ge3A_277 = arith.cmpi sge, %bitcast3A_275, %ge3A_276 : vector<16xi32>
      %le3A_278 = vector.broadcast %scan3A_88#1 : i32 to vector<16xi32>
      %le3A_279 = arith.cmpi sle, %bitcast3A_275, %le3A_278 : vector<16xi32>
      %and3A_280 = arith.andi %ge3A_277, %le3A_279 : vector<16xi1>
      %all_reduce_population_count3A_281 = tpu.all_reduce %and3A_280 {dim = 0 : i64, kind = #tpu.reduction_kind<sum>} : vector<16xi1> -> vector<16xi32>
      %swap3A_282 = arith.index_cast %add3A_257 : i32 to index
      %swap3A_283 = memref.load %arg6[%swap3A_282] : memref<520xi32, #tpu.memory_space<smem>>
      memref.store %get3A_270, %arg6[%swap3A_282] : memref<520xi32, #tpu.memory_space<smem>>
      %slice3A_284 = vector.extract_strided_slice %all_reduce_population_count3A_281 {offsets = [0], sizes = [1], strides = [1]} : vector<16xi32> to vector<1xi32>
      %squeeze3A_285 = vector.extract %slice3A_284[0] : i32 from vector<1xi32>
      %gt3A_286 = arith.constant 0 : i32
      %gt3A_287 = arith.cmpi sgt, %squeeze3A_285, %gt3A_286 : i32
      %jit3A_288 = arith.constant 1 : i32
      %jit3A_289 = arith.constant 0 : i32
      %select_n3A_290 = arith.select %gt3A_287, %jit3A_288, %jit3A_289 : i32
      %add3A_291 = arith.addi %add3A_257, %select_n3A_290 : i32
      %gt3A_292 = vector.broadcast %scan3A_88#1 : i32 to vector<16xi32>
      %gt3A_293 = arith.cmpi sgt, %bitcast3A_275, %gt3A_292 : vector<16xi32>
      %le3A_294 = vector.broadcast %scan3A_12#1 : i32 to vector<16xi32>
      %le3A_295 = arith.cmpi sle, %bitcast3A_275, %le3A_294 : vector<16xi32>
      %and3A_296 = arith.andi %gt3A_293, %le3A_295 : vector<16xi1>
      %convert_element_type3A_297 = arith.extui %and3A_296 : vector<16xi1> to vector<16xi32>
      %add3A_298 = arith.addi %add3A_264, %convert_element_type3A_297 : vector<16xi32>
      %mul3A_299 = arith.constant 8 : i32
      %mul3A_300 = arith.muli %while3A_202, %mul3A_299 : i32
      %add3A_301 = arith.constant 3 : i32
      %add3A_302 = arith.addi %mul3A_300, %add3A_301 : i32
      %get3A_303 = arith.index_cast %add3A_302 : i32 to index
      %get3A_304 = memref.load %arg6[%get3A_303] : memref<520xi32, #tpu.memory_space<smem>>
      %mul3A_305 = arith.constant 16 : i32
      %mul3A_306 = arith.muli %get3A_304, %mul3A_305 : i32
      %get3A_307 = arith.index_cast %mul3A_306 : i32 to index
      %get3A_308 = tpu.vector_load %arg4[%get3A_307] {strides = array<i32>} : memref<8208xf32, #tpu.memory_space<vmem>>, vector<16xf32>,
      %bitcast3A_309 = vector.bitcast %get3A_308 : vector<16xf32> to vector<16xi32>
      %ge3A_310 = vector.broadcast %scan3A_88#0 : i32 to vector<16xi32>
      %ge3A_311 = arith.cmpi sge, %bitcast3A_309, %ge3A_310 : vector<16xi32>
      %le3A_312 = vector.broadcast %scan3A_88#1 : i32 to vector<16xi32>
      %le3A_313 = arith.cmpi sle, %bitcast3A_309, %le3A_312 : vector<16xi32>
      %and3A_314 = arith.andi %ge3A_311, %le3A_313 : vector<16xi1>
      %all_reduce_population_count3A_315 = tpu.all_reduce %and3A_314 {dim = 0 : i64, kind = #tpu.reduction_kind<sum>} : vector<16xi1> -> vector<16xi32>
      %swap3A_316 = arith.index_cast %add3A_291 : i32 to index
      %swap3A_317 = memref.load %arg6[%swap3A_316] : memref<520xi32, #tpu.memory_space<smem>>
      memref.store %get3A_304, %arg6[%swap3A_316] : memref<520xi32, #tpu.memory_space<smem>>
      %slice3A_318 = vector.extract_strided_slice %all_reduce_population_count3A_315 {offsets = [0], sizes = [1], strides = [1]} : vector<16xi32> to vector<1xi32>
      %squeeze3A_319 = vector.extract %slice3A_318[0] : i32 from vector<1xi32>
      %gt3A_320 = arith.constant 0 : i32
      %gt3A_321 = arith.cmpi sgt, %squeeze3A_319, %gt3A_320 : i32
      %jit3A_322 = arith.constant 1 : i32
      %jit3A_323 = arith.constant 0 : i32
      %select_n3A_324 = arith.select %gt3A_321, %jit3A_322, %jit3A_323 : i32
      %add3A_325 = arith.addi %add3A_291, %select_n3A_324 : i32
      %gt3A_326 = vector.broadcast %scan3A_88#1 : i32 to vector<16xi32>
      %gt3A_327 = arith.cmpi sgt, %bitcast3A_309, %gt3A_326 : vector<16xi32>
      %le3A_328 = vector.broadcast %scan3A_12#1 : i32 to vector<16xi32>
      %le3A_329 = arith.cmpi sle, %bitcast3A_309, %le3A_328 : vector<16xi32>
      %and3A_330 = arith.andi %gt3A_327, %le3A_329 : vector<16xi1>
      %convert_element_type3A_331 = arith.extui %and3A_330 : vector<16xi1> to vector<16xi32>
      %add3A_332 = arith.addi %add3A_298, %convert_element_type3A_331 : vector<16xi32>
      %mul3A_333 = arith.constant 8 : i32
      %mul3A_334 = arith.muli %while3A_202, %mul3A_333 : i32
      %add3A_335 = arith.constant 4 : i32
      %add3A_336 = arith.addi %mul3A_334, %add3A_335 : i32
      %get3A_337 = arith.index_cast %add3A_336 : i32 to index
      %get3A_338 = memref.load %arg6[%get3A_337] : memref<520xi32, #tpu.memory_space<smem>>
      %mul3A_339 = arith.constant 16 : i32
      %mul3A_340 = arith.muli %get3A_338, %mul3A_339 : i32
      %get3A_341 = arith.index_cast %mul3A_340 : i32 to index
      %get3A_342 = tpu.vector_load %arg4[%get3A_341] {strides = array<i32>} : memref<8208xf32, #tpu.memory_space<vmem>>, vector<16xf32>,
      %bitcast3A_343 = vector.bitcast %get3A_342 : vector<16xf32> to vector<16xi32>
      %ge3A_344 = vector.broadcast %scan3A_88#0 : i32 to vector<16xi32>
      %ge3A_345 = arith.cmpi sge, %bitcast3A_343, %ge3A_344 : vector<16xi32>
      %le3A_346 = vector.broadcast %scan3A_88#1 : i32 to vector<16xi32>
      %le3A_347 = arith.cmpi sle, %bitcast3A_343, %le3A_346 : vector<16xi32>
      %and3A_348 = arith.andi %ge3A_345, %le3A_347 : vector<16xi1>
      %all_reduce_population_count3A_349 = tpu.all_reduce %and3A_348 {dim = 0 : i64, kind = #tpu.reduction_kind<sum>} : vector<16xi1> -> vector<16xi32>
      %swap3A_350 = arith.index_cast %add3A_325 : i32 to index
      %swap3A_351 = memref.load %arg6[%swap3A_350] : memref<520xi32, #tpu.memory_space<smem>>
      memref.store %get3A_338, %arg6[%swap3A_350] : memref<520xi32, #tpu.memory_space<smem>>
      %slice3A_352 = vector.extract_strided_slice %all_reduce_population_count3A_349 {offsets = [0], sizes = [1], strides = [1]} : vector<16xi32> to vector<1xi32>
      %squeeze3A_353 = vector.extract %slice3A_352[0] : i32 from vector<1xi32>
      %gt3A_354 = arith.constant 0 : i32
      %gt3A_355 = arith.cmpi sgt, %squeeze3A_353, %gt3A_354 : i32
      %jit3A_356 = arith.constant 1 : i32
      %jit3A_357 = arith.constant 0 : i32
      %select_n3A_358 = arith.select %gt3A_355, %jit3A_356, %jit3A_357 : i32
      %add3A_359 = arith.addi %add3A_325, %select_n3A_358 : i32
      %gt3A_360 = vector.broadcast %scan3A_88#1 : i32 to vector<16xi32>
      %gt3A_361 = arith.cmpi sgt, %bitcast3A_343, %gt3A_360 : vector<16xi32>
      %le3A_362 = vector.broadcast %scan3A_12#1 : i32 to vector<16xi32>
      %le3A_363 = arith.cmpi sle, %bitcast3A_343, %le3A_362 : vector<16xi32>
      %and3A_364 = arith.andi %gt3A_361, %le3A_363 : vector<16xi1>
      %convert_element_type3A_365 = arith.extui %and3A_364 : vector<16xi1> to vector<16xi32>
      %add3A_366 = arith.addi %add3A_332, %convert_element_type3A_365 : vector<16xi32>
      %mul3A_367 = arith.constant 8 : i32
      %mul3A_368 = arith.muli %while3A_202, %mul3A_367 : i32
      %add3A_369 = arith.constant 5 : i32
      %add3A_370 = arith.addi %mul3A_368, %add3A_369 : i32
      %get3A_371 = arith.index_cast %add3A_370 : i32 to index
      %get3A_372 = memref.load %arg6[%get3A_371] : memref<520xi32, #tpu.memory_space<smem>>
      %mul3A_373 = arith.constant 16 : i32
      %mul3A_374 = arith.muli %get3A_372, %mul3A_373 : i32
      %get3A_375 = arith.index_cast %mul3A_374 : i32 to index
      %get3A_376 = tpu.vector_load %arg4[%get3A_375] {strides = array<i32>} : memref<8208xf32, #tpu.memory_space<vmem>>, vector<16xf32>,
      %bitcast3A_377 = vector.bitcast %get3A_376 : vector<16xf32> to vector<16xi32>
      %ge3A_378 = vector.broadcast %scan3A_88#0 : i32 to vector<16xi32>
      %ge3A_379 = arith.cmpi sge, %bitcast3A_377, %ge3A_378 : vector<16xi32>
      %le3A_380 = vector.broadcast %scan3A_88#1 : i32 to vector<16xi32>
      %le3A_381 = arith.cmpi sle, %bitcast3A_377, %le3A_380 : vector<16xi32>
      %and3A_382 = arith.andi %ge3A_379, %le3A_381 : vector<16xi1>
      %all_reduce_population_count3A_383 = tpu.all_reduce %and3A_382 {dim = 0 : i64, kind = #tpu.reduction_kind<sum>} : vector<16xi1> -> vector<16xi32>
      %swap3A_384 = arith.index_cast %add3A_359 : i32 to index
      %swap3A_385 = memref.load %arg6[%swap3A_384] : memref<520xi32, #tpu.memory_space<smem>>
      memref.store %get3A_372, %arg6[%swap3A_384] : memref<520xi32, #tpu.memory_space<smem>>
      %slice3A_386 = vector.extract_strided_slice %all_reduce_population_count3A_383 {offsets = [0], sizes = [1], strides = [1]} : vector<16xi32> to vector<1xi32>
      %squeeze3A_387 = vector.extract %slice3A_386[0] : i32 from vector<1xi32>
      %gt3A_388 = arith.constant 0 : i32
      %gt3A_389 = arith.cmpi sgt, %squeeze3A_387, %gt3A_388 : i32
      %jit3A_390 = arith.constant 1 : i32
      %jit3A_391 = arith.constant 0 : i32
      %select_n3A_392 = arith.select %gt3A_389, %jit3A_390, %jit3A_391 : i32
      %add3A_393 = arith.addi %add3A_359, %select_n3A_392 : i32
      %gt3A_394 = vector.broadcast %scan3A_88#1 : i32 to vector<16xi32>
      %gt3A_395 = arith.cmpi sgt, %bitcast3A_377, %gt3A_394 : vector<16xi32>
      %le3A_396 = vector.broadcast %scan3A_12#1 : i32 to vector<16xi32>
      %le3A_397 = arith.cmpi sle, %bitcast3A_377, %le3A_396 : vector<16xi32>
      %and3A_398 = arith.andi %gt3A_395, %le3A_397 : vector<16xi1>
      %convert_element_type3A_399 = arith.extui %and3A_398 : vector<16xi1> to vector<16xi32>
      %add3A_400 = arith.addi %add3A_366, %convert_element_type3A_399 : vector<16xi32>
      %mul3A_401 = arith.constant 8 : i32
      %mul3A_402 = arith.muli %while3A_202, %mul3A_401 : i32
      %add3A_403 = arith.constant 6 : i32
      %add3A_404 = arith.addi %mul3A_402, %add3A_403 : i32
      %get3A_405 = arith.index_cast %add3A_404 : i32 to index
      %get3A_406 = memref.load %arg6[%get3A_405] : memref<520xi32, #tpu.memory_space<smem>>
      %mul3A_407 = arith.constant 16 : i32
      %mul3A_408 = arith.muli %get3A_406, %mul3A_407 : i32
      %get3A_409 = arith.index_cast %mul3A_408 : i32 to index
      %get3A_410 = tpu.vector_load %arg4[%get3A_409] {strides = array<i32>} : memref<8208xf32, #tpu.memory_space<vmem>>, vector<16xf32>,
      %bitcast3A_411 = vector.bitcast %get3A_410 : vector<16xf32> to vector<16xi32>
      %ge3A_412 = vector.broadcast %scan3A_88#0 : i32 to vector<16xi32>
      %ge3A_413 = arith.cmpi sge, %bitcast3A_411, %ge3A_412 : vector<16xi32>
      %le3A_414 = vector.broadcast %scan3A_88#1 : i32 to vector<16xi32>
      %le3A_415 = arith.cmpi sle, %bitcast3A_411, %le3A_414 : vector<16xi32>
      %and3A_416 = arith.andi %ge3A_413, %le3A_415 : vector<16xi1>
      %all_reduce_population_count3A_417 = tpu.all_reduce %and3A_416 {dim = 0 : i64, kind = #tpu.reduction_kind<sum>} : vector<16xi1> -> vector<16xi32>
      %swap3A_418 = arith.index_cast %add3A_393 : i32 to index
      %swap3A_419 = memref.load %arg6[%swap3A_418] : memref<520xi32, #tpu.memory_space<smem>>
      memref.store %get3A_406, %arg6[%swap3A_418] : memref<520xi32, #tpu.memory_space<smem>>
      %slice3A_420 = vector.extract_strided_slice %all_reduce_population_count3A_417 {offsets = [0], sizes = [1], strides = [1]} : vector<16xi32> to vector<1xi32>
      %squeeze3A_421 = vector.extract %slice3A_420[0] : i32 from vector<1xi32>
      %gt3A_422 = arith.constant 0 : i32
      %gt3A_423 = arith.cmpi sgt, %squeeze3A_421, %gt3A_422 : i32
      %jit3A_424 = arith.constant 1 : i32
      %jit3A_425 = arith.constant 0 : i32
      %select_n3A_426 = arith.select %gt3A_423, %jit3A_424, %jit3A_425 : i32
      %add3A_427 = arith.addi %add3A_393, %select_n3A_426 : i32
      %gt3A_428 = vector.broadcast %scan3A_88#1 : i32 to vector<16xi32>
      %gt3A_429 = arith.cmpi sgt, %bitcast3A_411, %gt3A_428 : vector<16xi32>
      %le3A_430 = vector.broadcast %scan3A_12#1 : i32 to vector<16xi32>
      %le3A_431 = arith.cmpi sle, %bitcast3A_411, %le3A_430 : vector<16xi32>
      %and3A_432 = arith.andi %gt3A_429, %le3A_431 : vector<16xi1>
      %convert_element_type3A_433 = arith.extui %and3A_432 : vector<16xi1> to vector<16xi32>
      %add3A_434 = arith.addi %add3A_400, %convert_element_type3A_433 : vector<16xi32>
      %mul3A_435 = arith.constant 8 : i32
      %mul3A_436 = arith.muli %while3A_202, %mul3A_435 : i32
      %add3A_437 = arith.constant 7 : i32
      %add3A_438 = arith.addi %mul3A_436, %add3A_437 : i32
      %get3A_439 = arith.index_cast %add3A_438 : i32 to index
      %get3A_440 = memref.load %arg6[%get3A_439] : memref<520xi32, #tpu.memory_space<smem>>
      %mul3A_441 = arith.constant 16 : i32
      %mul3A_442 = arith.muli %get3A_440, %mul3A_441 : i32
      %get3A_443 = arith.index_cast %mul3A_442 : i32 to index
      %get3A_444 = tpu.vector_load %arg4[%get3A_443] {strides = array<i32>} : memref<8208xf32, #tpu.memory_space<vmem>>, vector<16xf32>,
      %bitcast3A_445 = vector.bitcast %get3A_444 : vector<16xf32> to vector<16xi32>
      %ge3A_446 = vector.broadcast %scan3A_88#0 : i32 to vector<16xi32>
      %ge3A_447 = arith.cmpi sge, %bitcast3A_445, %ge3A_446 : vector<16xi32>
      %le3A_448 = vector.broadcast %scan3A_88#1 : i32 to vector<16xi32>
      %le3A_449 = arith.cmpi sle, %bitcast3A_445, %le3A_448 : vector<16xi32>
      %and3A_450 = arith.andi %ge3A_447, %le3A_449 : vector<16xi1>
      %all_reduce_population_count3A_451 = tpu.all_reduce %and3A_450 {dim = 0 : i64, kind = #tpu.reduction_kind<sum>} : vector<16xi1> -> vector<16xi32>
      %swap3A_452 = arith.index_cast %add3A_427 : i32 to index
      %swap3A_453 = memref.load %arg6[%swap3A_452] : memref<520xi32, #tpu.memory_space<smem>>
      memref.store %get3A_440, %arg6[%swap3A_452] : memref<520xi32, #tpu.memory_space<smem>>
      %slice3A_454 = vector.extract_strided_slice %all_reduce_population_count3A_451 {offsets = [0], sizes = [1], strides = [1]} : vector<16xi32> to vector<1xi32>
      %squeeze3A_455 = vector.extract %slice3A_454[0] : i32 from vector<1xi32>
      %gt3A_456 = arith.constant 0 : i32
      %gt3A_457 = arith.cmpi sgt, %squeeze3A_455, %gt3A_456 : i32
      %jit3A_458 = arith.constant 1 : i32
      %jit3A_459 = arith.constant 0 : i32
      %select_n3A_460 = arith.select %gt3A_457, %jit3A_458, %jit3A_459 : i32
      %add3A_461 = arith.addi %add3A_427, %select_n3A_460 : i32
      %gt3A_462 = vector.broadcast %scan3A_88#1 : i32 to vector<16xi32>
      %gt3A_463 = arith.cmpi sgt, %bitcast3A_445, %gt3A_462 : vector<16xi32>
      %le3A_464 = vector.broadcast %scan3A_12#1 : i32 to vector<16xi32>
      %le3A_465 = arith.cmpi sle, %bitcast3A_445, %le3A_464 : vector<16xi32>
      %and3A_466 = arith.andi %gt3A_463, %le3A_465 : vector<16xi1>
      %convert_element_type3A_467 = arith.extui %and3A_466 : vector<16xi1> to vector<16xi32>
      %add3A_468 = arith.addi %add3A_434, %convert_element_type3A_467 : vector<16xi32>
      scf.yield %add3A_461, %add3A_468 : i32, vector<16xi32>
    }
    %reduce_sum3A_101 = arith.constant true
    %reduce_sum3A_102 = vector.broadcast %reduce_sum3A_101 : i1 to vector<16xi1>
    %reduce_sum3A_103 = tpu.scan <sum>, %while3A_100#1 masked %reduce_sum3A_102 : vector<16xi32>, vector<16xi1> -> vector<16xi32>
    %reduce_sum3A_104 = vector.extract %reduce_sum3A_103[15] : i32 from vector<16xi32>
    %add3A_105 = arith.addi %reduce_sum3A_23, %reduce_sum3A_104 : i32
    %add3A_106 = arith.constant 0 : i32
    %add3A_107 = arith.addi %while3A_100#0, %add3A_106 : i32
    %swap3A_108 = arith.constant 512 : i32
    %swap3A_109 = arith.index_cast %add3A_107 : i32 to index
    %swap3A_110 = memref.load %arg6[%swap3A_109] : memref<520xi32, #tpu.memory_space<smem>>
    memref.store %swap3A_108, %arg6[%swap3A_109] : memref<520xi32, #tpu.memory_space<smem>>
    %add3A_111 = arith.constant 1 : i32
    %add3A_112 = arith.addi %while3A_100#0, %add3A_111 : i32
    %swap3A_113 = arith.constant 512 : i32
    %swap3A_114 = arith.index_cast %add3A_112 : i32 to index
    %swap3A_115 = memref.load %arg6[%swap3A_114] : memref<520xi32, #tpu.memory_space<smem>>
    memref.store %swap3A_113, %arg6[%swap3A_114] : memref<520xi32, #tpu.memory_space<smem>>
    %add3A_116 = arith.constant 2 : i32
    %add3A_117 = arith.addi %while3A_100#0, %add3A_116 : i32
    %swap3A_118 = arith.constant 512 : i32
    %swap3A_119 = arith.index_cast %add3A_117 : i32 to index
    %swap3A_120 = memref.load %arg6[%swap3A_119] : memref<520xi32, #tpu.memory_space<smem>>
    memref.store %swap3A_118, %arg6[%swap3A_119] : memref<520xi32, #tpu.memory_space<smem>>
    %add3A_121 = arith.constant 3 : i32
    %add3A_122 = arith.addi %while3A_100#0, %add3A_121 : i32
    %swap3A_123 = arith.constant 512 : i32
    %swap3A_124 = arith.index_cast %add3A_122 : i32 to index
    %swap3A_125 = memref.load %arg6[%swap3A_124] : memref<520xi32, #tpu.memory_space<smem>>
    memref.store %swap3A_123, %arg6[%swap3A_124] : memref<520xi32, #tpu.memory_space<smem>>
    %add3A_126 = arith.constant 4 : i32
    %add3A_127 = arith.addi %while3A_100#0, %add3A_126 : i32
    %swap3A_128 = arith.constant 512 : i32
    %swap3A_129 = arith.index_cast %add3A_127 : i32 to index
    %swap3A_130 = memref.load %arg6[%swap3A_129] : memref<520xi32, #tpu.memory_space<smem>>
    memref.store %swap3A_128, %arg6[%swap3A_129] : memref<520xi32, #tpu.memory_space<smem>>
    %add3A_131 = arith.constant 5 : i32
    %add3A_132 = arith.addi %while3A_100#0, %add3A_131 : i32
    %swap3A_133 = arith.constant 512 : i32
    %swap3A_134 = arith.index_cast %add3A_132 : i32 to index
    %swap3A_135 = memref.load %arg6[%swap3A_134] : memref<520xi32, #tpu.memory_space<smem>>
    memref.store %swap3A_133, %arg6[%swap3A_134] : memref<520xi32, #tpu.memory_space<smem>>
    %add3A_136 = arith.constant 6 : i32
    %add3A_137 = arith.addi %while3A_100#0, %add3A_136 : i32
    %swap3A_138 = arith.constant 512 : i32
    %swap3A_139 = arith.index_cast %add3A_137 : i32 to index
    %swap3A_140 = memref.load %arg6[%swap3A_139] : memref<520xi32, #tpu.memory_space<smem>>
    memref.store %swap3A_138, %arg6[%swap3A_139] : memref<520xi32, #tpu.memory_space<smem>>
    %add3A_141 = arith.constant 7 : i32
    %add3A_142 = arith.addi %while3A_100#0, %add3A_141 : i32
    %swap3A_143 = arith.constant 512 : i32
    %swap3A_144 = arith.index_cast %add3A_142 : i32 to index
    %swap3A_145 = memref.load %arg6[%swap3A_144] : memref<520xi32, #tpu.memory_space<smem>>
    memref.store %swap3A_143, %arg6[%swap3A_144] : memref<520xi32, #tpu.memory_space<smem>>
    %add3A_146 = arith.constant 8 : i32
    %add3A_147 = arith.addi %while3A_100#0, %add3A_146 : i32
    %sub3A_148 = arith.constant 1 : i32
    %sub3A_149 = arith.subi %add3A_147, %sub3A_148 : i32
    %jit3A_150 = arith.constant 8 : i32
    %div3A_151 = arith.divsi %sub3A_149, %jit3A_150 : i32
    %sign3A_152 = arith.constant 0 : i32
    %sign3A_153 = arith.cmpi sgt, %sub3A_149, %sign3A_152 : i32
    %sign3A_154 = arith.extui %sign3A_153 : i1 to i32
    %sign3A_155 = arith.constant 0 : i32
    %sign3A_156 = arith.cmpi slt, %sub3A_149, %sign3A_155 : i32
    %sign3A_157 = arith.extui %sign3A_156 : i1 to i32
    %sign3A_158 = arith.subi %sign3A_154, %sign3A_157 : i32
    %sign3A_159 = arith.constant 0 : i32
    %sign3A_160 = arith.cmpi sgt, %jit3A_150, %sign3A_159 : i32
    %sign3A_161 = arith.extui %sign3A_160 : i1 to i32
    %sign3A_162 = arith.constant 0 : i32
    %sign3A_163 = arith.cmpi slt, %jit3A_150, %sign3A_162 : i32
    %sign3A_164 = arith.extui %sign3A_163 : i1 to i32
    %sign3A_165 = arith.subi %sign3A_161, %sign3A_164 : i32
    %ne3A_166 = arith.cmpi ne, %sign3A_158, %sign3A_165 : i32
    %rem3A_167 = arith.remsi %sub3A_149, %jit3A_150 : i32
    %ne3A_168 = arith.constant 0 : i32
    %ne3A_169 = arith.cmpi ne, %rem3A_167, %ne3A_168 : i32
    %and3A_170 = arith.andi %ne3A_166, %ne3A_169 : i1
    %sub3A_171 = arith.constant 1 : i32
    %sub3A_172 = arith.subi %div3A_151, %sub3A_171 : i32
    %select_n3A_173 = arith.select %and3A_170, %sub3A_172, %div3A_151 : i32
    %scan3A_174 = arith.constant 0 : i32
    %scan3A_175 = arith.constant 21 : i32
    %scan3A_176 = arith.addi %scan3A_174, %scan3A_175 : i32
    %scan3A_177 = arith.constant 1 : i32
    %scan3A_178:2 = scf.for %scan3A_202 = %scan3A_174 to %scan3A_176 step %scan3A_177 iter_args(%scan3A_203 = %scan3A_88#0, %scan3A_204 = %scan3A_88#1) -> (i32, i32)  : i32 {
      %sub3A_205 = arith.subi %scan3A_204, %scan3A_203 : i32
      %add3A_206 = arith.constant 1 : i32
      %add3A_207 = arith.addi %sub3A_205, %add3A_206 : i32
      %shift_right_arithmetic3A = arith.constant 1 : i32
      %shift_right_arithmetic3A_208 = arith.shrsi %add3A_207, %shift_right_arithmetic3A : i32
      %add3A_209 = arith.addi %scan3A_203, %shift_right_arithmetic3A_208 : i32
      %while3A_210 = arith.constant 0 : i32
      %while3A_211 = arith.subi %select_n3A_173, %while3A_210 : i32
      %while3A_212 = arith.addi %while3A_210, %while3A_211 : i32
      %while3A_213 = arith.constant 1 : i32
      %while3A_214 = arith.divsi %while3A_211, %while3A_213 : i32
      %while3A_215 = arith.muli %while3A_214, %while3A_213 : i32
      %while3A_216 = arith.addi %while3A_210, %while3A_215 : i32
      %while3A_217 = arith.constant 1 : i32
      %while3A_218 = scf.for %while3A_231 = %while3A_210 to %while3A_216 step %while3A_217 iter_args(%while3A_232 = %broadcast_in_dim3A_1) -> (vector<16xi32>)  : i32 {
        %mul3A_233 = arith.constant 8 : i32
        %mul3A_234 = arith.muli %while3A_231, %mul3A_233 : i32
        %add3A_235 = arith.constant 0 : i32
        %add3A_236 = arith.addi %mul3A_234, %add3A_235 : i32
        %get3A = arith.index_cast %add3A_236 : i32 to index
        %get3A_237 = memref.load %arg6[%get3A] : memref<520xi32, #tpu.memory_space<smem>>
        %mul3A_238 = arith.constant 16 : i32
        %mul3A_239 = arith.muli %get3A_237, %mul3A_238 : i32
        %get3A_240 = arith.index_cast %mul3A_239 : i32 to index
        %get3A_241 = tpu.vector_load %arg4[%get3A_240] {strides = array<i32>} : memref<8208xf32, #tpu.memory_space<vmem>>, vector<16xf32>,
        %bitcast3A_242 = vector.bitcast %get3A_241 : vector<16xf32> to vector<16xi32>
        %ge3A_243 = vector.broadcast %add3A_209 : i32 to vector<16xi32>
        %ge3A_244 = arith.cmpi sge, %bitcast3A_242, %ge3A_243 : vector<16xi32>
        %le3A = vector.broadcast %scan3A_88#1 : i32 to vector<16xi32>
        %le3A_245 = arith.cmpi sle, %bitcast3A_242, %le3A : vector<16xi32>
        %and3A_246 = arith.andi %ge3A_244, %le3A_245 : vector<16xi1>
        %convert_element_type3A = arith.extui %and3A_246 : vector<16xi1> to vector<16xi32>
        %add3A_247 = arith.addi %while3A_232, %convert_element_type3A : vector<16xi32>
        %mul3A_248 = arith.constant 8 : i32
        %mul3A_249 = arith.muli %while3A_231, %mul3A_248 : i32
        %add3A_250 = arith.constant 1 : i32
        %add3A_251 = arith.addi %mul3A_249, %add3A_250 : i32
        %get3A_252 = arith.index_cast %add3A_251 : i32 to index
        %get3A_253 = memref.load %arg6[%get3A_252] : memref<520xi32, #tpu.memory_space<smem>>
        %mul3A_254 = arith.constant 16 : i32
        %mul3A_255 = arith.muli %get3A_253, %mul3A_254 : i32
        %get3A_256 = arith.index_cast %mul3A_255 : i32 to index
        %get3A_257 = tpu.vector_load %arg4[%get3A_256] {strides = array<i32>} : memref<8208xf32, #tpu.memory_space<vmem>>, vector<16xf32>,
        %bitcast3A_258 = vector.bitcast %get3A_257 : vector<16xf32> to vector<16xi32>
        %ge3A_259 = vector.broadcast %add3A_209 : i32 to vector<16xi32>
        %ge3A_260 = arith.cmpi sge, %bitcast3A_258, %ge3A_259 : vector<16xi32>
        %le3A_261 = vector.broadcast %scan3A_88#1 : i32 to vector<16xi32>
        %le3A_262 = arith.cmpi sle, %bitcast3A_258, %le3A_261 : vector<16xi32>
        %and3A_263 = arith.andi %ge3A_260, %le3A_262 : vector<16xi1>
        %convert_element_type3A_264 = arith.extui %and3A_263 : vector<16xi1> to vector<16xi32>
        %add3A_265 = arith.addi %add3A_247, %convert_element_type3A_264 : vector<16xi32>
        %mul3A_266 = arith.constant 8 : i32
        %mul3A_267 = arith.muli %while3A_231, %mul3A_266 : i32
        %add3A_268 = arith.constant 2 : i32
        %add3A_269 = arith.addi %mul3A_267, %add3A_268 : i32
        %get3A_270 = arith.index_cast %add3A_269 : i32 to index
        %get3A_271 = memref.load %arg6[%get3A_270] : memref<520xi32, #tpu.memory_space<smem>>
        %mul3A_272 = arith.constant 16 : i32
        %mul3A_273 = arith.muli %get3A_271, %mul3A_272 : i32
        %get3A_274 = arith.index_cast %mul3A_273 : i32 to index
        %get3A_275 = tpu.vector_load %arg4[%get3A_274] {strides = array<i32>} : memref<8208xf32, #tpu.memory_space<vmem>>, vector<16xf32>,
        %bitcast3A_276 = vector.bitcast %get3A_275 : vector<16xf32> to vector<16xi32>
        %ge3A_277 = vector.broadcast %add3A_209 : i32 to vector<16xi32>
        %ge3A_278 = arith.cmpi sge, %bitcast3A_276, %ge3A_277 : vector<16xi32>
        %le3A_279 = vector.broadcast %scan3A_88#1 : i32 to vector<16xi32>
        %le3A_280 = arith.cmpi sle, %bitcast3A_276, %le3A_279 : vector<16xi32>
        %and3A_281 = arith.andi %ge3A_278, %le3A_280 : vector<16xi1>
        %convert_element_type3A_282 = arith.extui %and3A_281 : vector<16xi1> to vector<16xi32>
        %add3A_283 = arith.addi %add3A_265, %convert_element_type3A_282 : vector<16xi32>
        %mul3A_284 = arith.constant 8 : i32
        %mul3A_285 = arith.muli %while3A_231, %mul3A_284 : i32
        %add3A_286 = arith.constant 3 : i32
        %add3A_287 = arith.addi %mul3A_285, %add3A_286 : i32
        %get3A_288 = arith.index_cast %add3A_287 : i32 to index
        %get3A_289 = memref.load %arg6[%get3A_288] : memref<520xi32, #tpu.memory_space<smem>>
        %mul3A_290 = arith.constant 16 : i32
        %mul3A_291 = arith.muli %get3A_289, %mul3A_290 : i32
        %get3A_292 = arith.index_cast %mul3A_291 : i32 to index
        %get3A_293 = tpu.vector_load %arg4[%get3A_292] {strides = array<i32>} : memref<8208xf32, #tpu.memory_space<vmem>>, vector<16xf32>,
        %bitcast3A_294 = vector.bitcast %get3A_293 : vector<16xf32> to vector<16xi32>
        %ge3A_295 = vector.broadcast %add3A_209 : i32 to vector<16xi32>
        %ge3A_296 = arith.cmpi sge, %bitcast3A_294, %ge3A_295 : vector<16xi32>
        %le3A_297 = vector.broadcast %scan3A_88#1 : i32 to vector<16xi32>
        %le3A_298 = arith.cmpi sle, %bitcast3A_294, %le3A_297 : vector<16xi32>
        %and3A_299 = arith.andi %ge3A_296, %le3A_298 : vector<16xi1>
        %convert_element_type3A_300 = arith.extui %and3A_299 : vector<16xi1> to vector<16xi32>
        %add3A_301 = arith.addi %add3A_283, %convert_element_type3A_300 : vector<16xi32>
        %mul3A_302 = arith.constant 8 : i32
        %mul3A_303 = arith.muli %while3A_231, %mul3A_302 : i32
        %add3A_304 = arith.constant 4 : i32
        %add3A_305 = arith.addi %mul3A_303, %add3A_304 : i32
        %get3A_306 = arith.index_cast %add3A_305 : i32 to index
        %get3A_307 = memref.load %arg6[%get3A_306] : memref<520xi32, #tpu.memory_space<smem>>
        %mul3A_308 = arith.constant 16 : i32
        %mul3A_309 = arith.muli %get3A_307, %mul3A_308 : i32
        %get3A_310 = arith.index_cast %mul3A_309 : i32 to index
        %get3A_311 = tpu.vector_load %arg4[%get3A_310] {strides = array<i32>} : memref<8208xf32, #tpu.memory_space<vmem>>, vector<16xf32>,
        %bitcast3A_312 = vector.bitcast %get3A_311 : vector<16xf32> to vector<16xi32>
        %ge3A_313 = vector.broadcast %add3A_209 : i32 to vector<16xi32>
        %ge3A_314 = arith.cmpi sge, %bitcast3A_312, %ge3A_313 : vector<16xi32>
        %le3A_315 = vector.broadcast %scan3A_88#1 : i32 to vector<16xi32>
        %le3A_316 = arith.cmpi sle, %bitcast3A_312, %le3A_315 : vector<16xi32>
        %and3A_317 = arith.andi %ge3A_314, %le3A_316 : vector<16xi1>
        %convert_element_type3A_318 = arith.extui %and3A_317 : vector<16xi1> to vector<16xi32>
        %add3A_319 = arith.addi %add3A_301, %convert_element_type3A_318 : vector<16xi32>
        %mul3A_320 = arith.constant 8 : i32
        %mul3A_321 = arith.muli %while3A_231, %mul3A_320 : i32
        %add3A_322 = arith.constant 5 : i32
        %add3A_323 = arith.addi %mul3A_321, %add3A_322 : i32
        %get3A_324 = arith.index_cast %add3A_323 : i32 to index
        %get3A_325 = memref.load %arg6[%get3A_324] : memref<520xi32, #tpu.memory_space<smem>>
        %mul3A_326 = arith.constant 16 : i32
        %mul3A_327 = arith.muli %get3A_325, %mul3A_326 : i32
        %get3A_328 = arith.index_cast %mul3A_327 : i32 to index
        %get3A_329 = tpu.vector_load %arg4[%get3A_328] {strides = array<i32>} : memref<8208xf32, #tpu.memory_space<vmem>>, vector<16xf32>,
        %bitcast3A_330 = vector.bitcast %get3A_329 : vector<16xf32> to vector<16xi32>
        %ge3A_331 = vector.broadcast %add3A_209 : i32 to vector<16xi32>
        %ge3A_332 = arith.cmpi sge, %bitcast3A_330, %ge3A_331 : vector<16xi32>
        %le3A_333 = vector.broadcast %scan3A_88#1 : i32 to vector<16xi32>
        %le3A_334 = arith.cmpi sle, %bitcast3A_330, %le3A_333 : vector<16xi32>
        %and3A_335 = arith.andi %ge3A_332, %le3A_334 : vector<16xi1>
        %convert_element_type3A_336 = arith.extui %and3A_335 : vector<16xi1> to vector<16xi32>
        %add3A_337 = arith.addi %add3A_319, %convert_element_type3A_336 : vector<16xi32>
        %mul3A_338 = arith.constant 8 : i32
        %mul3A_339 = arith.muli %while3A_231, %mul3A_338 : i32
        %add3A_340 = arith.constant 6 : i32
        %add3A_341 = arith.addi %mul3A_339, %add3A_340 : i32
        %get3A_342 = arith.index_cast %add3A_341 : i32 to index
        %get3A_343 = memref.load %arg6[%get3A_342] : memref<520xi32, #tpu.memory_space<smem>>
        %mul3A_344 = arith.constant 16 : i32
        %mul3A_345 = arith.muli %get3A_343, %mul3A_344 : i32
        %get3A_346 = arith.index_cast %mul3A_345 : i32 to index
        %get3A_347 = tpu.vector_load %arg4[%get3A_346] {strides = array<i32>} : memref<8208xf32, #tpu.memory_space<vmem>>, vector<16xf32>,
        %bitcast3A_348 = vector.bitcast %get3A_347 : vector<16xf32> to vector<16xi32>
        %ge3A_349 = vector.broadcast %add3A_209 : i32 to vector<16xi32>
        %ge3A_350 = arith.cmpi sge, %bitcast3A_348, %ge3A_349 : vector<16xi32>
        %le3A_351 = vector.broadcast %scan3A_88#1 : i32 to vector<16xi32>
        %le3A_352 = arith.cmpi sle, %bitcast3A_348, %le3A_351 : vector<16xi32>
        %and3A_353 = arith.andi %ge3A_350, %le3A_352 : vector<16xi1>
        %convert_element_type3A_354 = arith.extui %and3A_353 : vector<16xi1> to vector<16xi32>
        %add3A_355 = arith.addi %add3A_337, %convert_element_type3A_354 : vector<16xi32>
        %mul3A_356 = arith.constant 8 : i32
        %mul3A_357 = arith.muli %while3A_231, %mul3A_356 : i32
        %add3A_358 = arith.constant 7 : i32
        %add3A_359 = arith.addi %mul3A_357, %add3A_358 : i32
        %get3A_360 = arith.index_cast %add3A_359 : i32 to index
        %get3A_361 = memref.load %arg6[%get3A_360] : memref<520xi32, #tpu.memory_space<smem>>
        %mul3A_362 = arith.constant 16 : i32
        %mul3A_363 = arith.muli %get3A_361, %mul3A_362 : i32
        %get3A_364 = arith.index_cast %mul3A_363 : i32 to index
        %get3A_365 = tpu.vector_load %arg4[%get3A_364] {strides = array<i32>} : memref<8208xf32, #tpu.memory_space<vmem>>, vector<16xf32>,
        %bitcast3A_366 = vector.bitcast %get3A_365 : vector<16xf32> to vector<16xi32>
        %ge3A_367 = vector.broadcast %add3A_209 : i32 to vector<16xi32>
        %ge3A_368 = arith.cmpi sge, %bitcast3A_366, %ge3A_367 : vector<16xi32>
        %le3A_369 = vector.broadcast %scan3A_88#1 : i32 to vector<16xi32>
        %le3A_370 = arith.cmpi sle, %bitcast3A_366, %le3A_369 : vector<16xi32>
        %and3A_371 = arith.andi %ge3A_368, %le3A_370 : vector<16xi1>
        %convert_element_type3A_372 = arith.extui %and3A_371 : vector<16xi1> to vector<16xi32>
        %add3A_373 = arith.addi %add3A_355, %convert_element_type3A_372 : vector<16xi32>
        scf.yield %add3A_373 : vector<16xi32>
      }
      %while3A_219 = arith.constant 1 : i32
      %while3A_220 = scf.for %while3A_231 = %while3A_216 to %while3A_212 step %while3A_219 iter_args(%while3A_232 = %while3A_218) -> (vector<16xi32>)  : i32 {
        %mul3A_233 = arith.constant 8 : i32
        %mul3A_234 = arith.muli %while3A_231, %mul3A_233 : i32
        %add3A_235 = arith.constant 0 : i32
        %add3A_236 = arith.addi %mul3A_234, %add3A_235 : i32
        %get3A = arith.index_cast %add3A_236 : i32 to index
        %get3A_237 = memref.load %arg6[%get3A] : memref<520xi32, #tpu.memory_space<smem>>
        %mul3A_238 = arith.constant 16 : i32
        %mul3A_239 = arith.muli %get3A_237, %mul3A_238 : i32
        %get3A_240 = arith.index_cast %mul3A_239 : i32 to index
        %get3A_241 = tpu.vector_load %arg4[%get3A_240] {strides = array<i32>} : memref<8208xf32, #tpu.memory_space<vmem>>, vector<16xf32>,
        %bitcast3A_242 = vector.bitcast %get3A_241 : vector<16xf32> to vector<16xi32>
        %ge3A_243 = vector.broadcast %add3A_209 : i32 to vector<16xi32>
        %ge3A_244 = arith.cmpi sge, %bitcast3A_242, %ge3A_243 : vector<16xi32>
        %le3A = vector.broadcast %scan3A_88#1 : i32 to vector<16xi32>
        %le3A_245 = arith.cmpi sle, %bitcast3A_242, %le3A : vector<16xi32>
        %and3A_246 = arith.andi %ge3A_244, %le3A_245 : vector<16xi1>
        %convert_element_type3A = arith.extui %and3A_246 : vector<16xi1> to vector<16xi32>
        %add3A_247 = arith.addi %while3A_232, %convert_element_type3A : vector<16xi32>
        %mul3A_248 = arith.constant 8 : i32
        %mul3A_249 = arith.muli %while3A_231, %mul3A_248 : i32
        %add3A_250 = arith.constant 1 : i32
        %add3A_251 = arith.addi %mul3A_249, %add3A_250 : i32
        %get3A_252 = arith.index_cast %add3A_251 : i32 to index
        %get3A_253 = memref.load %arg6[%get3A_252] : memref<520xi32, #tpu.memory_space<smem>>
        %mul3A_254 = arith.constant 16 : i32
        %mul3A_255 = arith.muli %get3A_253, %mul3A_254 : i32
        %get3A_256 = arith.index_cast %mul3A_255 : i32 to index
        %get3A_257 = tpu.vector_load %arg4[%get3A_256] {strides = array<i32>} : memref<8208xf32, #tpu.memory_space<vmem>>, vector<16xf32>,
        %bitcast3A_258 = vector.bitcast %get3A_257 : vector<16xf32> to vector<16xi32>
        %ge3A_259 = vector.broadcast %add3A_209 : i32 to vector<16xi32>
        %ge3A_260 = arith.cmpi sge, %bitcast3A_258, %ge3A_259 : vector<16xi32>
        %le3A_261 = vector.broadcast %scan3A_88#1 : i32 to vector<16xi32>
        %le3A_262 = arith.cmpi sle, %bitcast3A_258, %le3A_261 : vector<16xi32>
        %and3A_263 = arith.andi %ge3A_260, %le3A_262 : vector<16xi1>
        %convert_element_type3A_264 = arith.extui %and3A_263 : vector<16xi1> to vector<16xi32>
        %add3A_265 = arith.addi %add3A_247, %convert_element_type3A_264 : vector<16xi32>
        %mul3A_266 = arith.constant 8 : i32
        %mul3A_267 = arith.muli %while3A_231, %mul3A_266 : i32
        %add3A_268 = arith.constant 2 : i32
        %add3A_269 = arith.addi %mul3A_267, %add3A_268 : i32
        %get3A_270 = arith.index_cast %add3A_269 : i32 to index
        %get3A_271 = memref.load %arg6[%get3A_270] : memref<520xi32, #tpu.memory_space<smem>>
        %mul3A_272 = arith.constant 16 : i32
        %mul3A_273 = arith.muli %get3A_271, %mul3A_272 : i32
        %get3A_274 = arith.index_cast %mul3A_273 : i32 to index
        %get3A_275 = tpu.vector_load %arg4[%get3A_274] {strides = array<i32>} : memref<8208xf32, #tpu.memory_space<vmem>>, vector<16xf32>,
        %bitcast3A_276 = vector.bitcast %get3A_275 : vector<16xf32> to vector<16xi32>
        %ge3A_277 = vector.broadcast %add3A_209 : i32 to vector<16xi32>
        %ge3A_278 = arith.cmpi sge, %bitcast3A_276, %ge3A_277 : vector<16xi32>
        %le3A_279 = vector.broadcast %scan3A_88#1 : i32 to vector<16xi32>
        %le3A_280 = arith.cmpi sle, %bitcast3A_276, %le3A_279 : vector<16xi32>
        %and3A_281 = arith.andi %ge3A_278, %le3A_280 : vector<16xi1>
        %convert_element_type3A_282 = arith.extui %and3A_281 : vector<16xi1> to vector<16xi32>
        %add3A_283 = arith.addi %add3A_265, %convert_element_type3A_282 : vector<16xi32>
        %mul3A_284 = arith.constant 8 : i32
        %mul3A_285 = arith.muli %while3A_231, %mul3A_284 : i32
        %add3A_286 = arith.constant 3 : i32
        %add3A_287 = arith.addi %mul3A_285, %add3A_286 : i32
        %get3A_288 = arith.index_cast %add3A_287 : i32 to index
        %get3A_289 = memref.load %arg6[%get3A_288] : memref<520xi32, #tpu.memory_space<smem>>
        %mul3A_290 = arith.constant 16 : i32
        %mul3A_291 = arith.muli %get3A_289, %mul3A_290 : i32
        %get3A_292 = arith.index_cast %mul3A_291 : i32 to index
        %get3A_293 = tpu.vector_load %arg4[%get3A_292] {strides = array<i32>} : memref<8208xf32, #tpu.memory_space<vmem>>, vector<16xf32>,
        %bitcast3A_294 = vector.bitcast %get3A_293 : vector<16xf32> to vector<16xi32>
        %ge3A_295 = vector.broadcast %add3A_209 : i32 to vector<16xi32>
        %ge3A_296 = arith.cmpi sge, %bitcast3A_294, %ge3A_295 : vector<16xi32>
        %le3A_297 = vector.broadcast %scan3A_88#1 : i32 to vector<16xi32>
        %le3A_298 = arith.cmpi sle, %bitcast3A_294, %le3A_297 : vector<16xi32>
        %and3A_299 = arith.andi %ge3A_296, %le3A_298 : vector<16xi1>
        %convert_element_type3A_300 = arith.extui %and3A_299 : vector<16xi1> to vector<16xi32>
        %add3A_301 = arith.addi %add3A_283, %convert_element_type3A_300 : vector<16xi32>
        %mul3A_302 = arith.constant 8 : i32
        %mul3A_303 = arith.muli %while3A_231, %mul3A_302 : i32
        %add3A_304 = arith.constant 4 : i32
        %add3A_305 = arith.addi %mul3A_303, %add3A_304 : i32
        %get3A_306 = arith.index_cast %add3A_305 : i32 to index
        %get3A_307 = memref.load %arg6[%get3A_306] : memref<520xi32, #tpu.memory_space<smem>>
        %mul3A_308 = arith.constant 16 : i32
        %mul3A_309 = arith.muli %get3A_307, %mul3A_308 : i32
        %get3A_310 = arith.index_cast %mul3A_309 : i32 to index
        %get3A_311 = tpu.vector_load %arg4[%get3A_310] {strides = array<i32>} : memref<8208xf32, #tpu.memory_space<vmem>>, vector<16xf32>,
        %bitcast3A_312 = vector.bitcast %get3A_311 : vector<16xf32> to vector<16xi32>
        %ge3A_313 = vector.broadcast %add3A_209 : i32 to vector<16xi32>
        %ge3A_314 = arith.cmpi sge, %bitcast3A_312, %ge3A_313 : vector<16xi32>
        %le3A_315 = vector.broadcast %scan3A_88#1 : i32 to vector<16xi32>
        %le3A_316 = arith.cmpi sle, %bitcast3A_312, %le3A_315 : vector<16xi32>
        %and3A_317 = arith.andi %ge3A_314, %le3A_316 : vector<16xi1>
        %convert_element_type3A_318 = arith.extui %and3A_317 : vector<16xi1> to vector<16xi32>
        %add3A_319 = arith.addi %add3A_301, %convert_element_type3A_318 : vector<16xi32>
        %mul3A_320 = arith.constant 8 : i32
        %mul3A_321 = arith.muli %while3A_231, %mul3A_320 : i32
        %add3A_322 = arith.constant 5 : i32
        %add3A_323 = arith.addi %mul3A_321, %add3A_322 : i32
        %get3A_324 = arith.index_cast %add3A_323 : i32 to index
        %get3A_325 = memref.load %arg6[%get3A_324] : memref<520xi32, #tpu.memory_space<smem>>
        %mul3A_326 = arith.constant 16 : i32
        %mul3A_327 = arith.muli %get3A_325, %mul3A_326 : i32
        %get3A_328 = arith.index_cast %mul3A_327 : i32 to index
        %get3A_329 = tpu.vector_load %arg4[%get3A_328] {strides = array<i32>} : memref<8208xf32, #tpu.memory_space<vmem>>, vector<16xf32>,
        %bitcast3A_330 = vector.bitcast %get3A_329 : vector<16xf32> to vector<16xi32>
        %ge3A_331 = vector.broadcast %add3A_209 : i32 to vector<16xi32>
        %ge3A_332 = arith.cmpi sge, %bitcast3A_330, %ge3A_331 : vector<16xi32>
        %le3A_333 = vector.broadcast %scan3A_88#1 : i32 to vector<16xi32>
        %le3A_334 = arith.cmpi sle, %bitcast3A_330, %le3A_333 : vector<16xi32>
        %and3A_335 = arith.andi %ge3A_332, %le3A_334 : vector<16xi1>
        %convert_element_type3A_336 = arith.extui %and3A_335 : vector<16xi1> to vector<16xi32>
        %add3A_337 = arith.addi %add3A_319, %convert_element_type3A_336 : vector<16xi32>
        %mul3A_338 = arith.constant 8 : i32
        %mul3A_339 = arith.muli %while3A_231, %mul3A_338 : i32
        %add3A_340 = arith.constant 6 : i32
        %add3A_341 = arith.addi %mul3A_339, %add3A_340 : i32
        %get3A_342 = arith.index_cast %add3A_341 : i32 to index
        %get3A_343 = memref.load %arg6[%get3A_342] : memref<520xi32, #tpu.memory_space<smem>>
        %mul3A_344 = arith.constant 16 : i32
        %mul3A_345 = arith.muli %get3A_343, %mul3A_344 : i32
        %get3A_346 = arith.index_cast %mul3A_345 : i32 to index
        %get3A_347 = tpu.vector_load %arg4[%get3A_346] {strides = array<i32>} : memref<8208xf32, #tpu.memory_space<vmem>>, vector<16xf32>,
        %bitcast3A_348 = vector.bitcast %get3A_347 : vector<16xf32> to vector<16xi32>
        %ge3A_349 = vector.broadcast %add3A_209 : i32 to vector<16xi32>
        %ge3A_350 = arith.cmpi sge, %bitcast3A_348, %ge3A_349 : vector<16xi32>
        %le3A_351 = vector.broadcast %scan3A_88#1 : i32 to vector<16xi32>
        %le3A_352 = arith.cmpi sle, %bitcast3A_348, %le3A_351 : vector<16xi32>
        %and3A_353 = arith.andi %ge3A_350, %le3A_352 : vector<16xi1>
        %convert_element_type3A_354 = arith.extui %and3A_353 : vector<16xi1> to vector<16xi32>
        %add3A_355 = arith.addi %add3A_337, %convert_element_type3A_354 : vector<16xi32>
        %mul3A_356 = arith.constant 8 : i32
        %mul3A_357 = arith.muli %while3A_231, %mul3A_356 : i32
        %add3A_358 = arith.constant 7 : i32
        %add3A_359 = arith.addi %mul3A_357, %add3A_358 : i32
        %get3A_360 = arith.index_cast %add3A_359 : i32 to index
        %get3A_361 = memref.load %arg6[%get3A_360] : memref<520xi32, #tpu.memory_space<smem>>
        %mul3A_362 = arith.constant 16 : i32
        %mul3A_363 = arith.muli %get3A_361, %mul3A_362 : i32
        %get3A_364 = arith.index_cast %mul3A_363 : i32 to index
        %get3A_365 = tpu.vector_load %arg4[%get3A_364] {strides = array<i32>} : memref<8208xf32, #tpu.memory_space<vmem>>, vector<16xf32>,
        %bitcast3A_366 = vector.bitcast %get3A_365 : vector<16xf32> to vector<16xi32>
        %ge3A_367 = vector.broadcast %add3A_209 : i32 to vector<16xi32>
        %ge3A_368 = arith.cmpi sge, %bitcast3A_366, %ge3A_367 : vector<16xi32>
        %le3A_369 = vector.broadcast %scan3A_88#1 : i32 to vector<16xi32>
        %le3A_370 = arith.cmpi sle, %bitcast3A_366, %le3A_369 : vector<16xi32>
        %and3A_371 = arith.andi %ge3A_368, %le3A_370 : vector<16xi1>
        %convert_element_type3A_372 = arith.extui %and3A_371 : vector<16xi1> to vector<16xi32>
        %add3A_373 = arith.addi %add3A_355, %convert_element_type3A_372 : vector<16xi32>
        scf.yield %add3A_373 : vector<16xi32>
      }
      %reduce_sum3A_221 = arith.constant true
      %reduce_sum3A_222 = vector.broadcast %reduce_sum3A_221 : i1 to vector<16xi1>
      %reduce_sum3A_223 = tpu.scan <sum>, %while3A_220 masked %reduce_sum3A_222 : vector<16xi32>, vector<16xi1> -> vector<16xi32>
      %reduce_sum3A_224 = vector.extract %reduce_sum3A_223[15] : i32 from vector<16xi32>
      %add3A_225 = arith.addi %add3A_105, %reduce_sum3A_224 : i32
      %ge3A = arith.constant 64 : i32
      %ge3A_226 = arith.cmpi sge, %add3A_225, %ge3A : i32
      %select_n3A_227 = arith.select %ge3A_226, %add3A_209, %scan3A_203 : i32
      %sub3A_228 = arith.constant 1 : i32
      %sub3A_229 = arith.subi %add3A_209, %sub3A_228 : i32
      %select_n3A_230 = arith.select %ge3A_226, %scan3A_204, %sub3A_229 : i32
      scf.yield %select_n3A_227, %select_n3A_230 : i32, i32
    }
    %scan3A_179 = arith.constant 21 : i32
    %broadcast_in_dim3A_180 = arith.constant 0.000000e+00 : f32
    %broadcast_in_dim3A_181 = vector.broadcast %broadcast_in_dim3A_180 : f32 to vector<16xf32>
    %scan3A_182 = arith.constant 0 : i32
    %scan3A_183 = arith.constant 64 : i32
    %scan3A_184 = arith.addi %scan3A_182, %scan3A_183 : i32
    %scan3A_185 = arith.constant 1 : i32
    %scan3A_186 = scf.for %scan3A_202 = %scan3A_182 to %scan3A_184 step %scan3A_185 iter_args(%scan3A_203 = %broadcast_in_dim3A_181) -> (vector<16xf32>)  : i32 {
      %mul3A_204 = arith.constant 8 : i32
      %mul3A_205 = arith.muli %scan3A_202, %mul3A_204 : i32
      %add3A_206 = arith.constant 0 : i32
      %add3A_207 = arith.addi %mul3A_205, %add3A_206 : i32
      %mul3A_208 = arith.constant 16 : i32
      %mul3A_209 = arith.muli %add3A_207, %mul3A_208 : i32
      %get3A = arith.index_cast %mul3A_209 : i32 to index
      %get3A_210 = tpu.vector_load %arg4[%get3A] {strides = array<i32>} : memref<8208xf32, #tpu.memory_space<vmem>>, vector<16xf32>,
      %bitcast3A_211 = vector.bitcast %get3A_210 : vector<16xf32> to vector<16xi32>
      %ge3A = vector.broadcast %scan3A_178#0 : i32 to vector<16xi32>
      %ge3A_212 = arith.cmpi sge, %bitcast3A_211, %ge3A : vector<16xi32>
      %exp3A = math.exp %get3A_210 : vector<16xf32>
      %jit3A_213 = arith.constant 0.000000e+00 : f32
      %broadcast_in_dim3A_214 = vector.broadcast %jit3A_213 : f32 to vector<16xf32>
      %select_n3A_215 = arith.select %ge3A_212, %exp3A, %broadcast_in_dim3A_214 : vector<16xi1>, vector<16xf32>
      %mul3A_216 = arith.constant 16 : i32
      %mul3A_217 = arith.muli %add3A_207, %mul3A_216 : i32
      %swap3A_218 = arith.index_cast %mul3A_217 : i32 to index
      %swap3A_219 = tpu.vector_load %arg5[%swap3A_218] {strides = array<i32>} : memref<8192xf32, #tpu.memory_space<vmem>>, vector<16xf32>,
      tpu.vector_store %arg5[%swap3A_218], %select_n3A_215 {strides = array<i32>} : memref<8192xf32, #tpu.memory_space<vmem>>, vector<16xf32>,
      %add3A_220 = arith.addf %scan3A_203, %select_n3A_215 : vector<16xf32>
      %mul3A_221 = arith.constant 8 : i32
      %mul3A_222 = arith.muli %scan3A_202, %mul3A_221 : i32
      %add3A_223 = arith.constant 1 : i32
      %add3A_224 = arith.addi %mul3A_222, %add3A_223 : i32
      %mul3A_225 = arith.constant 16 : i32
      %mul3A_226 = arith.muli %add3A_224, %mul3A_225 : i32
      %get3A_227 = arith.index_cast %mul3A_226 : i32 to index
      %get3A_228 = tpu.vector_load %arg4[%get3A_227] {strides = array<i32>} : memref<8208xf32, #tpu.memory_space<vmem>>, vector<16xf32>,
      %bitcast3A_229 = vector.bitcast %get3A_228 : vector<16xf32> to vector<16xi32>
      %ge3A_230 = vector.broadcast %scan3A_178#0 : i32 to vector<16xi32>
      %ge3A_231 = arith.cmpi sge, %bitcast3A_229, %ge3A_230 : vector<16xi32>
      %exp3A_232 = math.exp %get3A_228 : vector<16xf32>
      %jit3A_233 = arith.constant 0.000000e+00 : f32
      %broadcast_in_dim3A_234 = vector.broadcast %jit3A_233 : f32 to vector<16xf32>
      %select_n3A_235 = arith.select %ge3A_231, %exp3A_232, %broadcast_in_dim3A_234 : vector<16xi1>, vector<16xf32>
      %mul3A_236 = arith.constant 16 : i32
      %mul3A_237 = arith.muli %add3A_224, %mul3A_236 : i32
      %swap3A_238 = arith.index_cast %mul3A_237 : i32 to index
      %swap3A_239 = tpu.vector_load %arg5[%swap3A_238] {strides = array<i32>} : memref<8192xf32, #tpu.memory_space<vmem>>, vector<16xf32>,
      tpu.vector_store %arg5[%swap3A_238], %select_n3A_235 {strides = array<i32>} : memref<8192xf32, #tpu.memory_space<vmem>>, vector<16xf32>,
      %add3A_240 = arith.addf %add3A_220, %select_n3A_235 : vector<16xf32>
      %mul3A_241 = arith.constant 8 : i32
      %mul3A_242 = arith.muli %scan3A_202, %mul3A_241 : i32
      %add3A_243 = arith.constant 2 : i32
      %add3A_244 = arith.addi %mul3A_242, %add3A_243 : i32
      %mul3A_245 = arith.constant 16 : i32
      %mul3A_246 = arith.muli %add3A_244, %mul3A_245 : i32
      %get3A_247 = arith.index_cast %mul3A_246 : i32 to index
      %get3A_248 = tpu.vector_load %arg4[%get3A_247] {strides = array<i32>} : memref<8208xf32, #tpu.memory_space<vmem>>, vector<16xf32>,
      %bitcast3A_249 = vector.bitcast %get3A_248 : vector<16xf32> to vector<16xi32>
      %ge3A_250 = vector.broadcast %scan3A_178#0 : i32 to vector<16xi32>
      %ge3A_251 = arith.cmpi sge, %bitcast3A_249, %ge3A_250 : vector<16xi32>
      %exp3A_252 = math.exp %get3A_248 : vector<16xf32>
      %jit3A_253 = arith.constant 0.000000e+00 : f32
      %broadcast_in_dim3A_254 = vector.broadcast %jit3A_253 : f32 to vector<16xf32>
      %select_n3A_255 = arith.select %ge3A_251, %exp3A_252, %broadcast_in_dim3A_254 : vector<16xi1>, vector<16xf32>
      %mul3A_256 = arith.constant 16 : i32
      %mul3A_257 = arith.muli %add3A_244, %mul3A_256 : i32
      %swap3A_258 = arith.index_cast %mul3A_257 : i32 to index
      %swap3A_259 = tpu.vector_load %arg5[%swap3A_258] {strides = array<i32>} : memref<8192xf32, #tpu.memory_space<vmem>>, vector<16xf32>,
      tpu.vector_store %arg5[%swap3A_258], %select_n3A_255 {strides = array<i32>} : memref<8192xf32, #tpu.memory_space<vmem>>, vector<16xf32>,
      %add3A_260 = arith.addf %add3A_240, %select_n3A_255 : vector<16xf32>
      %mul3A_261 = arith.constant 8 : i32
      %mul3A_262 = arith.muli %scan3A_202, %mul3A_261 : i32
      %add3A_263 = arith.constant 3 : i32
      %add3A_264 = arith.addi %mul3A_262, %add3A_263 : i32
      %mul3A_265 = arith.constant 16 : i32
      %mul3A_266 = arith.muli %add3A_264, %mul3A_265 : i32
      %get3A_267 = arith.index_cast %mul3A_266 : i32 to index
      %get3A_268 = tpu.vector_load %arg4[%get3A_267] {strides = array<i32>} : memref<8208xf32, #tpu.memory_space<vmem>>, vector<16xf32>,
      %bitcast3A_269 = vector.bitcast %get3A_268 : vector<16xf32> to vector<16xi32>
      %ge3A_270 = vector.broadcast %scan3A_178#0 : i32 to vector<16xi32>
      %ge3A_271 = arith.cmpi sge, %bitcast3A_269, %ge3A_270 : vector<16xi32>
      %exp3A_272 = math.exp %get3A_268 : vector<16xf32>
      %jit3A_273 = arith.constant 0.000000e+00 : f32
      %broadcast_in_dim3A_274 = vector.broadcast %jit3A_273 : f32 to vector<16xf32>
      %select_n3A_275 = arith.select %ge3A_271, %exp3A_272, %broadcast_in_dim3A_274 : vector<16xi1>, vector<16xf32>
      %mul3A_276 = arith.constant 16 : i32
      %mul3A_277 = arith.muli %add3A_264, %mul3A_276 : i32
      %swap3A_278 = arith.index_cast %mul3A_277 : i32 to index
      %swap3A_279 = tpu.vector_load %arg5[%swap3A_278] {strides = array<i32>} : memref<8192xf32, #tpu.memory_space<vmem>>, vector<16xf32>,
      tpu.vector_store %arg5[%swap3A_278], %select_n3A_275 {strides = array<i32>} : memref<8192xf32, #tpu.memory_space<vmem>>, vector<16xf32>,
      %add3A_280 = arith.addf %add3A_260, %select_n3A_275 : vector<16xf32>
      %mul3A_281 = arith.constant 8 : i32
      %mul3A_282 = arith.muli %scan3A_202, %mul3A_281 : i32
      %add3A_283 = arith.constant 4 : i32
      %add3A_284 = arith.addi %mul3A_282, %add3A_283 : i32
      %mul3A_285 = arith.constant 16 : i32
      %mul3A_286 = arith.muli %add3A_284, %mul3A_285 : i32
      %get3A_287 = arith.index_cast %mul3A_286 : i32 to index
      %get3A_288 = tpu.vector_load %arg4[%get3A_287] {strides = array<i32>} : memref<8208xf32, #tpu.memory_space<vmem>>, vector<16xf32>,
      %bitcast3A_289 = vector.bitcast %get3A_288 : vector<16xf32> to vector<16xi32>
      %ge3A_290 = vector.broadcast %scan3A_178#0 : i32 to vector<16xi32>
      %ge3A_291 = arith.cmpi sge, %bitcast3A_289, %ge3A_290 : vector<16xi32>
      %exp3A_292 = math.exp %get3A_288 : vector<16xf32>
      %jit3A_293 = arith.constant 0.000000e+00 : f32
      %broadcast_in_dim3A_294 = vector.broadcast %jit3A_293 : f32 to vector<16xf32>
      %select_n3A_295 = arith.select %ge3A_291, %exp3A_292, %broadcast_in_dim3A_294 : vector<16xi1>, vector<16xf32>
      %mul3A_296 = arith.constant 16 : i32
      %mul3A_297 = arith.muli %add3A_284, %mul3A_296 : i32
      %swap3A_298 = arith.index_cast %mul3A_297 : i32 to index
      %swap3A_299 = tpu.vector_load %arg5[%swap3A_298] {strides = array<i32>} : memref<8192xf32, #tpu.memory_space<vmem>>, vector<16xf32>,
      tpu.vector_store %arg5[%swap3A_298], %select_n3A_295 {strides = array<i32>} : memref<8192xf32, #tpu.memory_space<vmem>>, vector<16xf32>,
      %add3A_300 = arith.addf %add3A_280, %select_n3A_295 : vector<16xf32>
      %mul3A_301 = arith.constant 8 : i32
      %mul3A_302 = arith.muli %scan3A_202, %mul3A_301 : i32
      %add3A_303 = arith.constant 5 : i32
      %add3A_304 = arith.addi %mul3A_302, %add3A_303 : i32
      %mul3A_305 = arith.constant 16 : i32
      %mul3A_306 = arith.muli %add3A_304, %mul3A_305 : i32
      %get3A_307 = arith.index_cast %mul3A_306 : i32 to index
      %get3A_308 = tpu.vector_load %arg4[%get3A_307] {strides = array<i32>} : memref<8208xf32, #tpu.memory_space<vmem>>, vector<16xf32>,
      %bitcast3A_309 = vector.bitcast %get3A_308 : vector<16xf32> to vector<16xi32>
      %ge3A_310 = vector.broadcast %scan3A_178#0 : i32 to vector<16xi32>
      %ge3A_311 = arith.cmpi sge, %bitcast3A_309, %ge3A_310 : vector<16xi32>
      %exp3A_312 = math.exp %get3A_308 : vector<16xf32>
      %jit3A_313 = arith.constant 0.000000e+00 : f32
      %broadcast_in_dim3A_314 = vector.broadcast %jit3A_313 : f32 to vector<16xf32>
      %select_n3A_315 = arith.select %ge3A_311, %exp3A_312, %broadcast_in_dim3A_314 : vector<16xi1>, vector<16xf32>
      %mul3A_316 = arith.constant 16 : i32
      %mul3A_317 = arith.muli %add3A_304, %mul3A_316 : i32
      %swap3A_318 = arith.index_cast %mul3A_317 : i32 to index
      %swap3A_319 = tpu.vector_load %arg5[%swap3A_318] {strides = array<i32>} : memref<8192xf32, #tpu.memory_space<vmem>>, vector<16xf32>,
      tpu.vector_store %arg5[%swap3A_318], %select_n3A_315 {strides = array<i32>} : memref<8192xf32, #tpu.memory_space<vmem>>, vector<16xf32>,
      %add3A_320 = arith.addf %add3A_300, %select_n3A_315 : vector<16xf32>
      %mul3A_321 = arith.constant 8 : i32
      %mul3A_322 = arith.muli %scan3A_202, %mul3A_321 : i32
      %add3A_323 = arith.constant 6 : i32
      %add3A_324 = arith.addi %mul3A_322, %add3A_323 : i32
      %mul3A_325 = arith.constant 16 : i32
      %mul3A_326 = arith.muli %add3A_324, %mul3A_325 : i32
      %get3A_327 = arith.index_cast %mul3A_326 : i32 to index
      %get3A_328 = tpu.vector_load %arg4[%get3A_327] {strides = array<i32>} : memref<8208xf32, #tpu.memory_space<vmem>>, vector<16xf32>,
      %bitcast3A_329 = vector.bitcast %get3A_328 : vector<16xf32> to vector<16xi32>
      %ge3A_330 = vector.broadcast %scan3A_178#0 : i32 to vector<16xi32>
      %ge3A_331 = arith.cmpi sge, %bitcast3A_329, %ge3A_330 : vector<16xi32>
      %exp3A_332 = math.exp %get3A_328 : vector<16xf32>
      %jit3A_333 = arith.constant 0.000000e+00 : f32
      %broadcast_in_dim3A_334 = vector.broadcast %jit3A_333 : f32 to vector<16xf32>
      %select_n3A_335 = arith.select %ge3A_331, %exp3A_332, %broadcast_in_dim3A_334 : vector<16xi1>, vector<16xf32>
      %mul3A_336 = arith.constant 16 : i32
      %mul3A_337 = arith.muli %add3A_324, %mul3A_336 : i32
      %swap3A_338 = arith.index_cast %mul3A_337 : i32 to index
      %swap3A_339 = tpu.vector_load %arg5[%swap3A_338] {strides = array<i32>} : memref<8192xf32, #tpu.memory_space<vmem>>, vector<16xf32>,
      tpu.vector_store %arg5[%swap3A_338], %select_n3A_335 {strides = array<i32>} : memref<8192xf32, #tpu.memory_space<vmem>>, vector<16xf32>,
      %add3A_340 = arith.addf %add3A_320, %select_n3A_335 : vector<16xf32>
      %mul3A_341 = arith.constant 8 : i32
      %mul3A_342 = arith.muli %scan3A_202, %mul3A_341 : i32
      %add3A_343 = arith.constant 7 : i32
      %add3A_344 = arith.addi %mul3A_342, %add3A_343 : i32
      %mul3A_345 = arith.constant 16 : i32
      %mul3A_346 = arith.muli %add3A_344, %mul3A_345 : i32
      %get3A_347 = arith.index_cast %mul3A_346 : i32 to index
      %get3A_348 = tpu.vector_load %arg4[%get3A_347] {strides = array<i32>} : memref<8208xf32, #tpu.memory_space<vmem>>, vector<16xf32>,
      %bitcast3A_349 = vector.bitcast %get3A_348 : vector<16xf32> to vector<16xi32>
      %ge3A_350 = vector.broadcast %scan3A_178#0 : i32 to vector<16xi32>
      %ge3A_351 = arith.cmpi sge, %bitcast3A_349, %ge3A_350 : vector<16xi32>
      %exp3A_352 = math.exp %get3A_348 : vector<16xf32>
      %jit3A_353 = arith.constant 0.000000e+00 : f32
      %broadcast_in_dim3A_354 = vector.broadcast %jit3A_353 : f32 to vector<16xf32>
      %select_n3A_355 = arith.select %ge3A_351, %exp3A_352, %broadcast_in_dim3A_354 : vector<16xi1>, vector<16xf32>
      %mul3A_356 = arith.constant 16 : i32
      %mul3A_357 = arith.muli %add3A_344, %mul3A_356 : i32
      %swap3A_358 = arith.index_cast %mul3A_357 : i32 to index
      %swap3A_359 = tpu.vector_load %arg5[%swap3A_358] {strides = array<i32>} : memref<8192xf32, #tpu.memory_space<vmem>>, vector<16xf32>,
      tpu.vector_store %arg5[%swap3A_358], %select_n3A_355 {strides = array<i32>} : memref<8192xf32, #tpu.memory_space<vmem>>, vector<16xf32>,
      %add3A_360 = arith.addf %add3A_340, %select_n3A_355 : vector<16xf32>
      scf.yield %add3A_360 : vector<16xf32>
    }
    %scan3A_187 = arith.constant 64 : i32
    %reduce_sum3A_188 = arith.constant true
    %reduce_sum3A_189 = vector.broadcast %reduce_sum3A_188 : i1 to vector<16xi1>
    %reduce_sum3A_190 = tpu.scan <sum>, %scan3A_186 masked %reduce_sum3A_189 : vector<16xf32>, vector<16xi1> -> vector<16xf32>
    %reduce_sum3A_191 = vector.extract %reduce_sum3A_190[15] : f32 from vector<16xf32>
    %broadcast_in_dim3A_192 = vector.broadcast %reduce_sum3A_191 : f32 to vector<16xf32>
    %broadcast_in_dim3A_193 = arith.constant 1.000000e+00 : f32
    %broadcast_in_dim3A_194 = vector.broadcast %broadcast_in_dim3A_193 : f32 to vector<16xf32>
    %div3A_195 = arith.divf %broadcast_in_dim3A_194, %broadcast_in_dim3A_192 : vector<16xf32>
    %scan3A_196 = arith.constant 0 : i32
    %scan3A_197 = arith.constant 0 : i32
    %scan3A_198 = arith.constant 64 : i32
    %scan3A_199 = arith.addi %scan3A_197, %scan3A_198 : i32
    %scan3A_200 = arith.constant 1 : i32
    scf.for %scan3A_202 = %scan3A_197 to %scan3A_199 step %scan3A_200  : i32 {
      %mul3A_203 = arith.constant 8 : i32
      %mul3A_204 = arith.muli %scan3A_202, %mul3A_203 : i32
      %add3A_205 = arith.constant 0 : i32
      %add3A_206 = arith.addi %mul3A_204, %add3A_205 : i32
      %mul3A_207 = arith.constant 16 : i32
      %mul3A_208 = arith.muli %add3A_206, %mul3A_207 : i32
      %get3A = arith.index_cast %mul3A_208 : i32 to index
      %get3A_209 = tpu.vector_load %arg5[%get3A] {strides = array<i32>} : memref<8192xf32, #tpu.memory_space<vmem>>, vector<16xf32>,
      %mul3A_210 = arith.mulf %get3A_209, %div3A_195 : vector<16xf32>
      %mul3A_211 = arith.constant 16 : i32
      %mul3A_212 = arith.muli %add3A_206, %mul3A_211 : i32
      %swap3A_213 = arith.index_cast %mul3A_212 : i32 to index
      %swap3A_214 = tpu.vector_load %arg4[%swap3A_213] {strides = array<i32>} : memref<8208xf32, #tpu.memory_space<vmem>>, vector<16xf32>,
      tpu.vector_store %arg4[%swap3A_213], %mul3A_210 {strides = array<i32>} : memref<8208xf32, #tpu.memory_space<vmem>>, vector<16xf32>,
      %mul3A_215 = arith.constant 8 : i32
      %mul3A_216 = arith.muli %scan3A_202, %mul3A_215 : i32
      %add3A_217 = arith.constant 1 : i32
      %add3A_218 = arith.addi %mul3A_216, %add3A_217 : i32
      %mul3A_219 = arith.constant 16 : i32
      %mul3A_220 = arith.muli %add3A_218, %mul3A_219 : i32
      %get3A_221 = arith.index_cast %mul3A_220 : i32 to index
      %get3A_222 = tpu.vector_load %arg5[%get3A_221] {strides = array<i32>} : memref<8192xf32, #tpu.memory_space<vmem>>, vector<16xf32>,
      %mul3A_223 = arith.mulf %get3A_222, %div3A_195 : vector<16xf32>
      %mul3A_224 = arith.constant 16 : i32
      %mul3A_225 = arith.muli %add3A_218, %mul3A_224 : i32
      %swap3A_226 = arith.index_cast %mul3A_225 : i32 to index
      %swap3A_227 = tpu.vector_load %arg4[%swap3A_226] {strides = array<i32>} : memref<8208xf32, #tpu.memory_space<vmem>>, vector<16xf32>,
      tpu.vector_store %arg4[%swap3A_226], %mul3A_223 {strides = array<i32>} : memref<8208xf32, #tpu.memory_space<vmem>>, vector<16xf32>,
      %mul3A_228 = arith.constant 8 : i32
      %mul3A_229 = arith.muli %scan3A_202, %mul3A_228 : i32
      %add3A_230 = arith.constant 2 : i32
      %add3A_231 = arith.addi %mul3A_229, %add3A_230 : i32
      %mul3A_232 = arith.constant 16 : i32
      %mul3A_233 = arith.muli %add3A_231, %mul3A_232 : i32
      %get3A_234 = arith.index_cast %mul3A_233 : i32 to index
      %get3A_235 = tpu.vector_load %arg5[%get3A_234] {strides = array<i32>} : memref<8192xf32, #tpu.memory_space<vmem>>, vector<16xf32>,
      %mul3A_236 = arith.mulf %get3A_235, %div3A_195 : vector<16xf32>
      %mul3A_237 = arith.constant 16 : i32
      %mul3A_238 = arith.muli %add3A_231, %mul3A_237 : i32
      %swap3A_239 = arith.index_cast %mul3A_238 : i32 to index
      %swap3A_240 = tpu.vector_load %arg4[%swap3A_239] {strides = array<i32>} : memref<8208xf32, #tpu.memory_space<vmem>>, vector<16xf32>,
      tpu.vector_store %arg4[%swap3A_239], %mul3A_236 {strides = array<i32>} : memref<8208xf32, #tpu.memory_space<vmem>>, vector<16xf32>,
      %mul3A_241 = arith.constant 8 : i32
      %mul3A_242 = arith.muli %scan3A_202, %mul3A_241 : i32
      %add3A_243 = arith.constant 3 : i32
      %add3A_244 = arith.addi %mul3A_242, %add3A_243 : i32
      %mul3A_245 = arith.constant 16 : i32
      %mul3A_246 = arith.muli %add3A_244, %mul3A_245 : i32
      %get3A_247 = arith.index_cast %mul3A_246 : i32 to index
      %get3A_248 = tpu.vector_load %arg5[%get3A_247] {strides = array<i32>} : memref<8192xf32, #tpu.memory_space<vmem>>, vector<16xf32>,
      %mul3A_249 = arith.mulf %get3A_248, %div3A_195 : vector<16xf32>
      %mul3A_250 = arith.constant 16 : i32
      %mul3A_251 = arith.muli %add3A_244, %mul3A_250 : i32
      %swap3A_252 = arith.index_cast %mul3A_251 : i32 to index
      %swap3A_253 = tpu.vector_load %arg4[%swap3A_252] {strides = array<i32>} : memref<8208xf32, #tpu.memory_space<vmem>>, vector<16xf32>,
      tpu.vector_store %arg4[%swap3A_252], %mul3A_249 {strides = array<i32>} : memref<8208xf32, #tpu.memory_space<vmem>>, vector<16xf32>,
      %mul3A_254 = arith.constant 8 : i32
      %mul3A_255 = arith.muli %scan3A_202, %mul3A_254 : i32
      %add3A_256 = arith.constant 4 : i32
      %add3A_257 = arith.addi %mul3A_255, %add3A_256 : i32
      %mul3A_258 = arith.constant 16 : i32
      %mul3A_259 = arith.muli %add3A_257, %mul3A_258 : i32
      %get3A_260 = arith.index_cast %mul3A_259 : i32 to index
      %get3A_261 = tpu.vector_load %arg5[%get3A_260] {strides = array<i32>} : memref<8192xf32, #tpu.memory_space<vmem>>, vector<16xf32>,
      %mul3A_262 = arith.mulf %get3A_261, %div3A_195 : vector<16xf32>
      %mul3A_263 = arith.constant 16 : i32
      %mul3A_264 = arith.muli %add3A_257, %mul3A_263 : i32
      %swap3A_265 = arith.index_cast %mul3A_264 : i32 to index
      %swap3A_266 = tpu.vector_load %arg4[%swap3A_265] {strides = array<i32>} : memref<8208xf32, #tpu.memory_space<vmem>>, vector<16xf32>,
      tpu.vector_store %arg4[%swap3A_265], %mul3A_262 {strides = array<i32>} : memref<8208xf32, #tpu.memory_space<vmem>>, vector<16xf32>,
      %mul3A_267 = arith.constant 8 : i32
      %mul3A_268 = arith.muli %scan3A_202, %mul3A_267 : i32
      %add3A_269 = arith.constant 5 : i32
      %add3A_270 = arith.addi %mul3A_268, %add3A_269 : i32
      %mul3A_271 = arith.constant 16 : i32
      %mul3A_272 = arith.muli %add3A_270, %mul3A_271 : i32
      %get3A_273 = arith.index_cast %mul3A_272 : i32 to index
      %get3A_274 = tpu.vector_load %arg5[%get3A_273] {strides = array<i32>} : memref<8192xf32, #tpu.memory_space<vmem>>, vector<16xf32>,
      %mul3A_275 = arith.mulf %get3A_274, %div3A_195 : vector<16xf32>
      %mul3A_276 = arith.constant 16 : i32
      %mul3A_277 = arith.muli %add3A_270, %mul3A_276 : i32
      %swap3A_278 = arith.index_cast %mul3A_277 : i32 to index
      %swap3A_279 = tpu.vector_load %arg4[%swap3A_278] {strides = array<i32>} : memref<8208xf32, #tpu.memory_space<vmem>>, vector<16xf32>,
      tpu.vector_store %arg4[%swap3A_278], %mul3A_275 {strides = array<i32>} : memref<8208xf32, #tpu.memory_space<vmem>>, vector<16xf32>,
      %mul3A_280 = arith.constant 8 : i32
      %mul3A_281 = arith.muli %scan3A_202, %mul3A_280 : i32
      %add3A_282 = arith.constant 6 : i32
      %add3A_283 = arith.addi %mul3A_281, %add3A_282 : i32
      %mul3A_284 = arith.constant 16 : i32
      %mul3A_285 = arith.muli %add3A_283, %mul3A_284 : i32
      %get3A_286 = arith.index_cast %mul3A_285 : i32 to index
      %get3A_287 = tpu.vector_load %arg5[%get3A_286] {strides = array<i32>} : memref<8192xf32, #tpu.memory_space<vmem>>, vector<16xf32>,
      %mul3A_288 = arith.mulf %get3A_287, %div3A_195 : vector<16xf32>
      %mul3A_289 = arith.constant 16 : i32
      %mul3A_290 = arith.muli %add3A_283, %mul3A_289 : i32
      %swap3A_291 = arith.index_cast %mul3A_290 : i32 to index
      %swap3A_292 = tpu.vector_load %arg4[%swap3A_291] {strides = array<i32>} : memref<8208xf32, #tpu.memory_space<vmem>>, vector<16xf32>,
      tpu.vector_store %arg4[%swap3A_291], %mul3A_288 {strides = array<i32>} : memref<8208xf32, #tpu.memory_space<vmem>>, vector<16xf32>,
      %mul3A_293 = arith.constant 8 : i32
      %mul3A_294 = arith.muli %scan3A_202, %mul3A_293 : i32
      %add3A_295 = arith.constant 7 : i32
      %add3A_296 = arith.addi %mul3A_294, %add3A_295 : i32
      %mul3A_297 = arith.constant 16 : i32
      %mul3A_298 = arith.muli %add3A_296, %mul3A_297 : i32
      %get3A_299 = arith.index_cast %mul3A_298 : i32 to index
      %get3A_300 = tpu.vector_load %arg5[%get3A_299] {strides = array<i32>} : memref<8192xf32, #tpu.memory_space<vmem>>, vector<16xf32>,
      %mul3A_301 = arith.mulf %get3A_300, %div3A_195 : vector<16xf32>
      %mul3A_302 = arith.constant 16 : i32
      %mul3A_303 = arith.muli %add3A_296, %mul3A_302 : i32
      %swap3A_304 = arith.index_cast %mul3A_303 : i32 to index
      %swap3A_305 = tpu.vector_load %arg4[%swap3A_304] {strides = array<i32>} : memref<8208xf32, #tpu.memory_space<vmem>>, vector<16xf32>,
      tpu.vector_store %arg4[%swap3A_304], %mul3A_301 {strides = array<i32>} : memref<8208xf32, #tpu.memory_space<vmem>>, vector<16xf32>,
    }
    %scan3A_201 = arith.constant 64 : i32
    "tpu.region"() ({
      %run_scoped3A = tpu.sem_alloc : memref<!tpu.dma_semaphore, #tpu.memory_space<semaphore_mem>>
      %dma_start3A = arith.constant 0 : i32
      %dma_start3A_202 = tpu.memref_slice %arg4[%dma_start3A] : memref<8208xf32, #tpu.memory_space<vmem>> -> memref<8192xf32, #tpu.memory_space<vmem>>
      %dma_start3A_203 = arith.constant 0 : i32
      %dma_start3A_204 = tpu.memref_slice %arg3[%add3A_3, %dma_start3A_203] : memref<32x8192xf32, #tpu.memory_space<hbm>> -> memref<1x8192xf32, #tpu.memory_space<hbm>>
      %dma_start3A_205 = tpu.memref_squeeze %dma_start3A_204 : memref<1x8192xf32, #tpu.memory_space<hbm>> -> memref<8192xf32, #tpu.memory_space<hbm>>
      %dma_start3A_206 = arith.constant 0 : i32
      %dma_start3A_207 = tpu.memref_slice %arg3[%add3A_3, %dma_start3A_206] : memref<32x8192xf32, #tpu.memory_space<hbm>> -> memref<1x8192xf32, #tpu.memory_space<hbm>>
      %dma_start3A_208 = tpu.memref_squeeze %dma_start3A_207 : memref<1x8192xf32, #tpu.memory_space<hbm>> -> memref<8192xf32, #tpu.memory_space<hbm>>
      %dma_start3A_209 = arith.constant 0 : i32
      %dma_start3A_210 = tpu.memref_slice %arg4[%dma_start3A_209] : memref<8208xf32, #tpu.memory_space<vmem>> -> memref<8192xf32, #tpu.memory_space<vmem>>
      tpu.enqueue_dma source(%dma_start3A_210 : memref<8192xf32, #tpu.memory_space<vmem>>) target(%dma_start3A_208 : memref<8192xf32, #tpu.memory_space<hbm>>) target_semaphore(%run_scoped3A : memref<!tpu.dma_semaphore, #tpu.memory_space<semaphore_mem>>)
      %dma_wait3A = arith.constant 0 : i32
      %dma_wait3A_211 = tpu.memref_slice %arg4[%dma_wait3A] : memref<8208xf32, #tpu.memory_space<vmem>> -> memref<8192xf32, #tpu.memory_space<vmem>>
      %dma_wait3A_212 = arith.constant 0 : i32
      %dma_wait3A_213 = tpu.memref_slice %arg3[%add3A_3, %dma_wait3A_212] : memref<32x8192xf32, #tpu.memory_space<hbm>> -> memref<1x8192xf32, #tpu.memory_space<hbm>>
      %dma_wait3A_214 = tpu.memref_squeeze %dma_wait3A_213 : memref<1x8192xf32, #tpu.memory_space<hbm>> -> memref<8192xf32, #tpu.memory_space<hbm>>
      %dma_wait3A_215 = arith.constant 0 : i32
      %dma_wait3A_216 = tpu.memref_slice %arg3[%add3A_3, %dma_wait3A_215] : memref<32x8192xf32, #tpu.memory_space<hbm>> -> memref<1x8192xf32, #tpu.memory_space<hbm>>
      %dma_wait3A_217 = tpu.memref_squeeze %dma_wait3A_216 : memref<1x8192xf32, #tpu.memory_space<hbm>> -> memref<8192xf32, #tpu.memory_space<hbm>>
      %dma_wait3A_218 = arith.constant 0 : i32
      %dma_wait3A_219 = tpu.memref_slice %arg4[%dma_wait3A_218] : memref<8208xf32, #tpu.memory_space<vmem>> -> memref<8192xf32, #tpu.memory_space<vmem>>
      tpu.wait_dma2 semaphore(%run_scoped3A : memref<!tpu.dma_semaphore, #tpu.memory_space<semaphore_mem>>) src(%dma_wait3A_219 : memref<8192xf32, #tpu.memory_space<vmem>>) dst(%dma_wait3A_217 : memref<8192xf32, #tpu.memory_space<hbm>>)
      tpu.yield
    }) : () -> ()
    return
  }
}

#map = affine_map<(d0, d1) -> (0, 0)>
module attributes {stable_mosaic.version = 14 : i64} {
  func.func @_sc_stage2_body(%arg0: i32, %arg1: i32, %arg2: memref<32x8192xf32, #tpu.memory_space<hbm>>, %arg3: memref<32x8192xf32, #tpu.memory_space<hbm>>, %arg4: memref<8208xf32, #tpu.memory_space<vmem>>, %arg5: memref<8192xf32, #tpu.memory_space<vmem>>, %arg6: memref<520xi32, #tpu.memory_space<smem>>) attributes {dimension_semantics = [#tpu.dimension_semantics<core_parallel>, #tpu.dimension_semantics<subcore_parallel>], iteration_bounds = array<i64: 2, 16>, scalar_prefetch = 0 : i64, scratch_operands = 3 : i64, tpu.core_type = #tpu.core_type<sc_vector_subcore>, window_params = [{transform_indices = #map}, {transform_indices = #map}]} {
    %mul3A = arith.constant 2 : i32
    %mul3A_0 = arith.muli %arg1, %mul3A : i32
    %add3A = arith.addi %mul3A_0, %arg0 : i32
    %broadcast_in_dim3A = arith.constant 0 : i32
    %broadcast_in_dim3A_1 = vector.broadcast %broadcast_in_dim3A : i32 to vector<16xi32>
    %add3A_2 = arith.constant 0 : i32
    %add3A_3 = arith.addi %add3A, %add3A_2 : i32
    "tpu.region"() ({
      %run_scoped3A = tpu.sem_alloc : memref<!tpu.dma_semaphore, #tpu.memory_space<semaphore_mem>>
      %dma_start3A = arith.constant 0 : i32
      %dma_start3A_202 = tpu.memref_slice %arg4[%dma_start3A] : memref<8208xf32, #tpu.memory_space<vmem>> -> memref<8192xf32, #tpu.memory_space<vmem>>
      %dma_start3A_203 = arith.constant 0 : i32
      %dma_start3A_204 = tpu.memref_slice %arg2[%add3A_3, %dma_start3A_203] : memref<32x8192xf32, #tpu.memory_space<hbm>> -> memref<1x8192xf32, #tpu.memory_space<hbm>>
      %dma_start3A_205 = tpu.memref_squeeze %dma_start3A_204 : memref<1x8192xf32, #tpu.memory_space<hbm>> -> memref<8192xf32, #tpu.memory_space<hbm>>
      %dma_start3A_206 = arith.constant 0 : i32
      %dma_start3A_207 = tpu.memref_slice %arg4[%dma_start3A_206] : memref<8208xf32, #tpu.memory_space<vmem>> -> memref<8192xf32, #tpu.memory_space<vmem>>
      %dma_start3A_208 = arith.constant 0 : i32
      %dma_start3A_209 = tpu.memref_slice %arg2[%add3A_3, %dma_start3A_208] : memref<32x8192xf32, #tpu.memory_space<hbm>> -> memref<1x8192xf32, #tpu.memory_space<hbm>>
      %dma_start3A_210 = tpu.memref_squeeze %dma_start3A_209 : memref<1x8192xf32, #tpu.memory_space<hbm>> -> memref<8192xf32, #tpu.memory_space<hbm>>
      tpu.enqueue_dma source(%dma_start3A_210 : memref<8192xf32, #tpu.memory_space<hbm>>) target(%dma_start3A_207 : memref<8192xf32, #tpu.memory_space<vmem>>) target_semaphore(%run_scoped3A : memref<!tpu.dma_semaphore, #tpu.memory_space<semaphore_mem>>)
      %dma_wait3A = arith.constant 0 : i32
      %dma_wait3A_211 = tpu.memref_slice %arg4[%dma_wait3A] : memref<8208xf32, #tpu.memory_space<vmem>> -> memref<8192xf32, #tpu.memory_space<vmem>>
      %dma_wait3A_212 = arith.constant 0 : i32
      %dma_wait3A_213 = tpu.memref_slice %arg2[%add3A_3, %dma_wait3A_212] : memref<32x8192xf32, #tpu.memory_space<hbm>> -> memref<1x8192xf32, #tpu.memory_space<hbm>>
      %dma_wait3A_214 = tpu.memref_squeeze %dma_wait3A_213 : memref<1x8192xf32, #tpu.memory_space<hbm>> -> memref<8192xf32, #tpu.memory_space<hbm>>
      %dma_wait3A_215 = arith.constant 0 : i32
      %dma_wait3A_216 = tpu.memref_slice %arg4[%dma_wait3A_215] : memref<8208xf32, #tpu.memory_space<vmem>> -> memref<8192xf32, #tpu.memory_space<vmem>>
      %dma_wait3A_217 = arith.constant 0 : i32
      %dma_wait3A_218 = tpu.memref_slice %arg2[%add3A_3, %dma_wait3A_217] : memref<32x8192xf32, #tpu.memory_space<hbm>> -> memref<1x8192xf32, #tpu.memory_space<hbm>>
      %dma_wait3A_219 = tpu.memref_squeeze %dma_wait3A_218 : memref<1x8192xf32, #tpu.memory_space<hbm>> -> memref<8192xf32, #tpu.memory_space<hbm>>
      tpu.wait_dma2 semaphore(%run_scoped3A : memref<!tpu.dma_semaphore, #tpu.memory_space<semaphore_mem>>) src(%dma_wait3A_219 : memref<8192xf32, #tpu.memory_space<hbm>>) dst(%dma_wait3A_216 : memref<8192xf32, #tpu.memory_space<vmem>>)
      tpu.yield
    }) : () -> ()
    %broadcast_in_dim3A_4 = arith.constant 2147483647 : i32
    %broadcast_in_dim3A_5 = vector.broadcast %broadcast_in_dim3A_4 : i32 to vector<16xi32>
    %bitcast3A = vector.bitcast %broadcast_in_dim3A_5 : vector<16xi32> to vector<16xf32>
    %swap3A = arith.constant 8192 : index
    %swap3A_6 = tpu.vector_load %arg4[%swap3A] {strides = array<i32>} : memref<8208xf32, #tpu.memory_space<vmem>>, vector<16xf32>,
    tpu.vector_store %arg4[%swap3A], %bitcast3A {strides = array<i32>} : memref<8208xf32, #tpu.memory_space<vmem>>, vector<16xf32>,
    %scan3A = arith.constant 0 : i32
    %scan3A_7 = arith.constant 2139095039 : i32
    %scan3A_8 = arith.constant 0 : i32
    %scan3A_9 = arith.constant 6 : i32
    %scan3A_10 = arith.addi %scan3A_8, %scan3A_9 : i32
    %scan3A_11 = arith.constant 1 : i32
    %scan3A_12:2 = scf.for %scan3A_202 = %scan3A_8 to %scan3A_10 step %scan3A_11 iter_args(%scan3A_203 = %scan3A, %scan3A_204 = %scan3A_7) -> (i32, i32)  : i32 {
      %sub3A_205 = arith.subi %scan3A_204, %scan3A_203 : i32
      %add3A_206 = arith.constant 1 : i32
      %add3A_207 = arith.addi %sub3A_205, %add3A_206 : i32
      %shift_right_arithmetic3A = arith.constant 1 : i32
      %shift_right_arithmetic3A_208 = arith.shrsi %add3A_207, %shift_right_arithmetic3A : i32
      %add3A_209 = arith.addi %scan3A_203, %shift_right_arithmetic3A_208 : i32
      %scan3A_210 = arith.constant 0 : i32
      %scan3A_211 = arith.constant 64 : i32
      %scan3A_212 = arith.addi %scan3A_210, %scan3A_211 : i32
      %scan3A_213 = arith.constant 1 : i32
      %scan3A_214 = scf.for %scan3A_225 = %scan3A_210 to %scan3A_212 step %scan3A_213 iter_args(%scan3A_226 = %broadcast_in_dim3A_1) -> (vector<16xi32>)  : i32 {
        %mul3A_227 = arith.constant 8 : i32
        %mul3A_228 = arith.muli %scan3A_225, %mul3A_227 : i32
        %add3A_229 = arith.constant 0 : i32
        %add3A_230 = arith.addi %mul3A_228, %add3A_229 : i32
        %mul3A_231 = arith.constant 16 : i32
        %mul3A_232 = arith.muli %add3A_230, %mul3A_231 : i32
        %get3A = arith.index_cast %mul3A_232 : i32 to index
        %get3A_233 = tpu.vector_load %arg4[%get3A] {strides = array<i32>} : memref<8208xf32, #tpu.memory_space<vmem>>, vector<16xf32>,
        %bitcast3A_234 = vector.bitcast %get3A_233 : vector<16xf32> to vector<16xi32>
        %ge3A_235 = vector.broadcast %add3A_209 : i32 to vector<16xi32>
        %ge3A_236 = arith.cmpi sge, %bitcast3A_234, %ge3A_235 : vector<16xi32>
        %convert_element_type3A = arith.extui %ge3A_236 : vector<16xi1> to vector<16xi32>
        %add3A_237 = arith.addi %scan3A_226, %convert_element_type3A : vector<16xi32>
        %mul3A_238 = arith.constant 8 : i32
        %mul3A_239 = arith.muli %scan3A_225, %mul3A_238 : i32
        %add3A_240 = arith.constant 1 : i32
        %add3A_241 = arith.addi %mul3A_239, %add3A_240 : i32
        %mul3A_242 = arith.constant 16 : i32
        %mul3A_243 = arith.muli %add3A_241, %mul3A_242 : i32
        %get3A_244 = arith.index_cast %mul3A_243 : i32 to index
        %get3A_245 = tpu.vector_load %arg4[%get3A_244] {strides = array<i32>} : memref<8208xf32, #tpu.memory_space<vmem>>, vector<16xf32>,
        %bitcast3A_246 = vector.bitcast %get3A_245 : vector<16xf32> to vector<16xi32>
        %ge3A_247 = vector.broadcast %add3A_209 : i32 to vector<16xi32>
        %ge3A_248 = arith.cmpi sge, %bitcast3A_246, %ge3A_247 : vector<16xi32>
        %convert_element_type3A_249 = arith.extui %ge3A_248 : vector<16xi1> to vector<16xi32>
        %add3A_250 = arith.addi %add3A_237, %convert_element_type3A_249 : vector<16xi32>
        %mul3A_251 = arith.constant 8 : i32
        %mul3A_252 = arith.muli %scan3A_225, %mul3A_251 : i32
        %add3A_253 = arith.constant 2 : i32
        %add3A_254 = arith.addi %mul3A_252, %add3A_253 : i32
        %mul3A_255 = arith.constant 16 : i32
        %mul3A_256 = arith.muli %add3A_254, %mul3A_255 : i32
        %get3A_257 = arith.index_cast %mul3A_256 : i32 to index
        %get3A_258 = tpu.vector_load %arg4[%get3A_257] {strides = array<i32>} : memref<8208xf32, #tpu.memory_space<vmem>>, vector<16xf32>,
        %bitcast3A_259 = vector.bitcast %get3A_258 : vector<16xf32> to vector<16xi32>
        %ge3A_260 = vector.broadcast %add3A_209 : i32 to vector<16xi32>
        %ge3A_261 = arith.cmpi sge, %bitcast3A_259, %ge3A_260 : vector<16xi32>
        %convert_element_type3A_262 = arith.extui %ge3A_261 : vector<16xi1> to vector<16xi32>
        %add3A_263 = arith.addi %add3A_250, %convert_element_type3A_262 : vector<16xi32>
        %mul3A_264 = arith.constant 8 : i32
        %mul3A_265 = arith.muli %scan3A_225, %mul3A_264 : i32
        %add3A_266 = arith.constant 3 : i32
        %add3A_267 = arith.addi %mul3A_265, %add3A_266 : i32
        %mul3A_268 = arith.constant 16 : i32
        %mul3A_269 = arith.muli %add3A_267, %mul3A_268 : i32
        %get3A_270 = arith.index_cast %mul3A_269 : i32 to index
        %get3A_271 = tpu.vector_load %arg4[%get3A_270] {strides = array<i32>} : memref<8208xf32, #tpu.memory_space<vmem>>, vector<16xf32>,
        %bitcast3A_272 = vector.bitcast %get3A_271 : vector<16xf32> to vector<16xi32>
        %ge3A_273 = vector.broadcast %add3A_209 : i32 to vector<16xi32>
        %ge3A_274 = arith.cmpi sge, %bitcast3A_272, %ge3A_273 : vector<16xi32>
        %convert_element_type3A_275 = arith.extui %ge3A_274 : vector<16xi1> to vector<16xi32>
        %add3A_276 = arith.addi %add3A_263, %convert_element_type3A_275 : vector<16xi32>
        %mul3A_277 = arith.constant 8 : i32
        %mul3A_278 = arith.muli %scan3A_225, %mul3A_277 : i32
        %add3A_279 = arith.constant 4 : i32
        %add3A_280 = arith.addi %mul3A_278, %add3A_279 : i32
        %mul3A_281 = arith.constant 16 : i32
        %mul3A_282 = arith.muli %add3A_280, %mul3A_281 : i32
        %get3A_283 = arith.index_cast %mul3A_282 : i32 to index
        %get3A_284 = tpu.vector_load %arg4[%get3A_283] {strides = array<i32>} : memref<8208xf32, #tpu.memory_space<vmem>>, vector<16xf32>,
        %bitcast3A_285 = vector.bitcast %get3A_284 : vector<16xf32> to vector<16xi32>
        %ge3A_286 = vector.broadcast %add3A_209 : i32 to vector<16xi32>
        %ge3A_287 = arith.cmpi sge, %bitcast3A_285, %ge3A_286 : vector<16xi32>
        %convert_element_type3A_288 = arith.extui %ge3A_287 : vector<16xi1> to vector<16xi32>
        %add3A_289 = arith.addi %add3A_276, %convert_element_type3A_288 : vector<16xi32>
        %mul3A_290 = arith.constant 8 : i32
        %mul3A_291 = arith.muli %scan3A_225, %mul3A_290 : i32
        %add3A_292 = arith.constant 5 : i32
        %add3A_293 = arith.addi %mul3A_291, %add3A_292 : i32
        %mul3A_294 = arith.constant 16 : i32
        %mul3A_295 = arith.muli %add3A_293, %mul3A_294 : i32
        %get3A_296 = arith.index_cast %mul3A_295 : i32 to index
        %get3A_297 = tpu.vector_load %arg4[%get3A_296] {strides = array<i32>} : memref<8208xf32, #tpu.memory_space<vmem>>, vector<16xf32>,
        %bitcast3A_298 = vector.bitcast %get3A_297 : vector<16xf32> to vector<16xi32>
        %ge3A_299 = vector.broadcast %add3A_209 : i32 to vector<16xi32>
        %ge3A_300 = arith.cmpi sge, %bitcast3A_298, %ge3A_299 : vector<16xi32>
        %convert_element_type3A_301 = arith.extui %ge3A_300 : vector<16xi1> to vector<16xi32>
        %add3A_302 = arith.addi %add3A_289, %convert_element_type3A_301 : vector<16xi32>
        %mul3A_303 = arith.constant 8 : i32
        %mul3A_304 = arith.muli %scan3A_225, %mul3A_303 : i32
        %add3A_305 = arith.constant 6 : i32
        %add3A_306 = arith.addi %mul3A_304, %add3A_305 : i32
        %mul3A_307 = arith.constant 16 : i32
        %mul3A_308 = arith.muli %add3A_306, %mul3A_307 : i32
        %get3A_309 = arith.index_cast %mul3A_308 : i32 to index
        %get3A_310 = tpu.vector_load %arg4[%get3A_309] {strides = array<i32>} : memref<8208xf32, #tpu.memory_space<vmem>>, vector<16xf32>,
        %bitcast3A_311 = vector.bitcast %get3A_310 : vector<16xf32> to vector<16xi32>
        %ge3A_312 = vector.broadcast %add3A_209 : i32 to vector<16xi32>
        %ge3A_313 = arith.cmpi sge, %bitcast3A_311, %ge3A_312 : vector<16xi32>
        %convert_element_type3A_314 = arith.extui %ge3A_313 : vector<16xi1> to vector<16xi32>
        %add3A_315 = arith.addi %add3A_302, %convert_element_type3A_314 : vector<16xi32>
        %mul3A_316 = arith.constant 8 : i32
        %mul3A_317 = arith.muli %scan3A_225, %mul3A_316 : i32
        %add3A_318 = arith.constant 7 : i32
        %add3A_319 = arith.addi %mul3A_317, %add3A_318 : i32
        %mul3A_320 = arith.constant 16 : i32
        %mul3A_321 = arith.muli %add3A_319, %mul3A_320 : i32
        %get3A_322 = arith.index_cast %mul3A_321 : i32 to index
        %get3A_323 = tpu.vector_load %arg4[%get3A_322] {strides = array<i32>} : memref<8208xf32, #tpu.memory_space<vmem>>, vector<16xf32>,
        %bitcast3A_324 = vector.bitcast %get3A_323 : vector<16xf32> to vector<16xi32>
        %ge3A_325 = vector.broadcast %add3A_209 : i32 to vector<16xi32>
        %ge3A_326 = arith.cmpi sge, %bitcast3A_324, %ge3A_325 : vector<16xi32>
        %convert_element_type3A_327 = arith.extui %ge3A_326 : vector<16xi1> to vector<16xi32>
        %add3A_328 = arith.addi %add3A_315, %convert_element_type3A_327 : vector<16xi32>
        scf.yield %add3A_328 : vector<16xi32>
      }
      %scan3A_215 = arith.constant 64 : i32
      %reduce_sum3A_216 = arith.constant true
      %reduce_sum3A_217 = vector.broadcast %reduce_sum3A_216 : i1 to vector<16xi1>
      %reduce_sum3A_218 = tpu.scan <sum>, %scan3A_214 masked %reduce_sum3A_217 : vector<16xi32>, vector<16xi1> -> vector<16xi32>
      %reduce_sum3A_219 = vector.extract %reduce_sum3A_218[15] : i32 from vector<16xi32>
      %ge3A = arith.constant 64 : i32
      %ge3A_220 = arith.cmpi sge, %reduce_sum3A_219, %ge3A : i32
      %select_n3A_221 = arith.select %ge3A_220, %add3A_209, %scan3A_203 : i32
      %sub3A_222 = arith.constant 1 : i32
      %sub3A_223 = arith.subi %add3A_209, %sub3A_222 : i32
      %select_n3A_224 = arith.select %ge3A_220, %scan3A_204, %sub3A_223 : i32
      scf.yield %select_n3A_221, %select_n3A_224 : i32, i32
    }
    %scan3A_13 = arith.constant 6 : i32
    %scan3A_14 = arith.constant 0 : i32
    %scan3A_15 = arith.constant 0 : i32
    %scan3A_16 = arith.constant 64 : i32
    %scan3A_17 = arith.addi %scan3A_15, %scan3A_16 : i32
    %scan3A_18 = arith.constant 1 : i32
    %scan3A_19:2 = scf.for %scan3A_202 = %scan3A_15 to %scan3A_17 step %scan3A_18 iter_args(%scan3A_203 = %scan3A_14, %scan3A_204 = %broadcast_in_dim3A_1) -> (i32, vector<16xi32>)  : i32 {
      %mul3A_205 = arith.constant 8 : i32
      %mul3A_206 = arith.muli %scan3A_202, %mul3A_205 : i32
      %add3A_207 = arith.constant 0 : i32
      %add3A_208 = arith.addi %mul3A_206, %add3A_207 : i32
      %mul3A_209 = arith.constant 16 : i32
      %mul3A_210 = arith.muli %add3A_208, %mul3A_209 : i32
      %get3A = arith.index_cast %mul3A_210 : i32 to index
      %get3A_211 = tpu.vector_load %arg4[%get3A] {strides = array<i32>} : memref<8208xf32, #tpu.memory_space<vmem>>, vector<16xf32>,
      %bitcast3A_212 = vector.bitcast %get3A_211 : vector<16xf32> to vector<16xi32>
      %ge3A = vector.broadcast %scan3A_12#0 : i32 to vector<16xi32>
      %ge3A_213 = arith.cmpi sge, %bitcast3A_212, %ge3A : vector<16xi32>
      %le3A = vector.broadcast %scan3A_12#1 : i32 to vector<16xi32>
      %le3A_214 = arith.cmpi sle, %bitcast3A_212, %le3A : vector<16xi32>
      %and3A_215 = arith.andi %ge3A_213, %le3A_214 : vector<16xi1>
      %all_reduce_population_count3A = tpu.all_reduce %and3A_215 {dim = 0 : i64, kind = #tpu.reduction_kind<sum>} : vector<16xi1> -> vector<16xi32>
      %swap3A_216 = arith.index_cast %scan3A_203 : i32 to index
      %swap3A_217 = memref.load %arg6[%swap3A_216] : memref<520xi32, #tpu.memory_space<smem>>
      memref.store %add3A_208, %arg6[%swap3A_216] : memref<520xi32, #tpu.memory_space<smem>>
      %slice3A = vector.extract_strided_slice %all_reduce_population_count3A {offsets = [0], sizes = [1], strides = [1]} : vector<16xi32> to vector<1xi32>
      %squeeze3A = vector.extract %slice3A[0] : i32 from vector<1xi32>
      %gt3A = arith.constant 0 : i32
      %gt3A_218 = arith.cmpi sgt, %squeeze3A, %gt3A : i32
      %jit3A_219 = arith.constant 1 : i32
      %jit3A_220 = arith.constant 0 : i32
      %select_n3A_221 = arith.select %gt3A_218, %jit3A_219, %jit3A_220 : i32
      %add3A_222 = arith.addi %scan3A_203, %select_n3A_221 : i32
      %gt3A_223 = vector.broadcast %scan3A_12#1 : i32 to vector<16xi32>
      %gt3A_224 = arith.cmpi sgt, %bitcast3A_212, %gt3A_223 : vector<16xi32>
      %convert_element_type3A = arith.extui %gt3A_224 : vector<16xi1> to vector<16xi32>
      %add3A_225 = arith.addi %scan3A_204, %convert_element_type3A : vector<16xi32>
      %mul3A_226 = arith.constant 8 : i32
      %mul3A_227 = arith.muli %scan3A_202, %mul3A_226 : i32
      %add3A_228 = arith.constant 1 : i32
      %add3A_229 = arith.addi %mul3A_227, %add3A_228 : i32
      %mul3A_230 = arith.constant 16 : i32
      %mul3A_231 = arith.muli %add3A_229, %mul3A_230 : i32
      %get3A_232 = arith.index_cast %mul3A_231 : i32 to index
      %get3A_233 = tpu.vector_load %arg4[%get3A_232] {strides = array<i32>} : memref<8208xf32, #tpu.memory_space<vmem>>, vector<16xf32>,
      %bitcast3A_234 = vector.bitcast %get3A_233 : vector<16xf32> to vector<16xi32>
      %ge3A_235 = vector.broadcast %scan3A_12#0 : i32 to vector<16xi32>
      %ge3A_236 = arith.cmpi sge, %bitcast3A_234, %ge3A_235 : vector<16xi32>
      %le3A_237 = vector.broadcast %scan3A_12#1 : i32 to vector<16xi32>
      %le3A_238 = arith.cmpi sle, %bitcast3A_234, %le3A_237 : vector<16xi32>
      %and3A_239 = arith.andi %ge3A_236, %le3A_238 : vector<16xi1>
      %all_reduce_population_count3A_240 = tpu.all_reduce %and3A_239 {dim = 0 : i64, kind = #tpu.reduction_kind<sum>} : vector<16xi1> -> vector<16xi32>
      %swap3A_241 = arith.index_cast %add3A_222 : i32 to index
      %swap3A_242 = memref.load %arg6[%swap3A_241] : memref<520xi32, #tpu.memory_space<smem>>
      memref.store %add3A_229, %arg6[%swap3A_241] : memref<520xi32, #tpu.memory_space<smem>>
      %slice3A_243 = vector.extract_strided_slice %all_reduce_population_count3A_240 {offsets = [0], sizes = [1], strides = [1]} : vector<16xi32> to vector<1xi32>
      %squeeze3A_244 = vector.extract %slice3A_243[0] : i32 from vector<1xi32>
      %gt3A_245 = arith.constant 0 : i32
      %gt3A_246 = arith.cmpi sgt, %squeeze3A_244, %gt3A_245 : i32
      %jit3A_247 = arith.constant 1 : i32
      %jit3A_248 = arith.constant 0 : i32
      %select_n3A_249 = arith.select %gt3A_246, %jit3A_247, %jit3A_248 : i32
      %add3A_250 = arith.addi %add3A_222, %select_n3A_249 : i32
      %gt3A_251 = vector.broadcast %scan3A_12#1 : i32 to vector<16xi32>
      %gt3A_252 = arith.cmpi sgt, %bitcast3A_234, %gt3A_251 : vector<16xi32>
      %convert_element_type3A_253 = arith.extui %gt3A_252 : vector<16xi1> to vector<16xi32>
      %add3A_254 = arith.addi %add3A_225, %convert_element_type3A_253 : vector<16xi32>
      %mul3A_255 = arith.constant 8 : i32
      %mul3A_256 = arith.muli %scan3A_202, %mul3A_255 : i32
      %add3A_257 = arith.constant 2 : i32
      %add3A_258 = arith.addi %mul3A_256, %add3A_257 : i32
      %mul3A_259 = arith.constant 16 : i32
      %mul3A_260 = arith.muli %add3A_258, %mul3A_259 : i32
      %get3A_261 = arith.index_cast %mul3A_260 : i32 to index
      %get3A_262 = tpu.vector_load %arg4[%get3A_261] {strides = array<i32>} : memref<8208xf32, #tpu.memory_space<vmem>>, vector<16xf32>,
      %bitcast3A_263 = vector.bitcast %get3A_262 : vector<16xf32> to vector<16xi32>
      %ge3A_264 = vector.broadcast %scan3A_12#0 : i32 to vector<16xi32>
      %ge3A_265 = arith.cmpi sge, %bitcast3A_263, %ge3A_264 : vector<16xi32>
      %le3A_266 = vector.broadcast %scan3A_12#1 : i32 to vector<16xi32>
      %le3A_267 = arith.cmpi sle, %bitcast3A_263, %le3A_266 : vector<16xi32>
      %and3A_268 = arith.andi %ge3A_265, %le3A_267 : vector<16xi1>
      %all_reduce_population_count3A_269 = tpu.all_reduce %and3A_268 {dim = 0 : i64, kind = #tpu.reduction_kind<sum>} : vector<16xi1> -> vector<16xi32>
      %swap3A_270 = arith.index_cast %add3A_250 : i32 to index
      %swap3A_271 = memref.load %arg6[%swap3A_270] : memref<520xi32, #tpu.memory_space<smem>>
      memref.store %add3A_258, %arg6[%swap3A_270] : memref<520xi32, #tpu.memory_space<smem>>
      %slice3A_272 = vector.extract_strided_slice %all_reduce_population_count3A_269 {offsets = [0], sizes = [1], strides = [1]} : vector<16xi32> to vector<1xi32>
      %squeeze3A_273 = vector.extract %slice3A_272[0] : i32 from vector<1xi32>
      %gt3A_274 = arith.constant 0 : i32
      %gt3A_275 = arith.cmpi sgt, %squeeze3A_273, %gt3A_274 : i32
      %jit3A_276 = arith.constant 1 : i32
      %jit3A_277 = arith.constant 0 : i32
      %select_n3A_278 = arith.select %gt3A_275, %jit3A_276, %jit3A_277 : i32
      %add3A_279 = arith.addi %add3A_250, %select_n3A_278 : i32
      %gt3A_280 = vector.broadcast %scan3A_12#1 : i32 to vector<16xi32>
      %gt3A_281 = arith.cmpi sgt, %bitcast3A_263, %gt3A_280 : vector<16xi32>
      %convert_element_type3A_282 = arith.extui %gt3A_281 : vector<16xi1> to vector<16xi32>
      %add3A_283 = arith.addi %add3A_254, %convert_element_type3A_282 : vector<16xi32>
      %mul3A_284 = arith.constant 8 : i32
      %mul3A_285 = arith.muli %scan3A_202, %mul3A_284 : i32
      %add3A_286 = arith.constant 3 : i32
      %add3A_287 = arith.addi %mul3A_285, %add3A_286 : i32
      %mul3A_288 = arith.constant 16 : i32
      %mul3A_289 = arith.muli %add3A_287, %mul3A_288 : i32
      %get3A_290 = arith.index_cast %mul3A_289 : i32 to index
      %get3A_291 = tpu.vector_load %arg4[%get3A_290] {strides = array<i32>} : memref<8208xf32, #tpu.memory_space<vmem>>, vector<16xf32>,
      %bitcast3A_292 = vector.bitcast %get3A_291 : vector<16xf32> to vector<16xi32>
      %ge3A_293 = vector.broadcast %scan3A_12#0 : i32 to vector<16xi32>
      %ge3A_294 = arith.cmpi sge, %bitcast3A_292, %ge3A_293 : vector<16xi32>
      %le3A_295 = vector.broadcast %scan3A_12#1 : i32 to vector<16xi32>
      %le3A_296 = arith.cmpi sle, %bitcast3A_292, %le3A_295 : vector<16xi32>
      %and3A_297 = arith.andi %ge3A_294, %le3A_296 : vector<16xi1>
      %all_reduce_population_count3A_298 = tpu.all_reduce %and3A_297 {dim = 0 : i64, kind = #tpu.reduction_kind<sum>} : vector<16xi1> -> vector<16xi32>
      %swap3A_299 = arith.index_cast %add3A_279 : i32 to index
      %swap3A_300 = memref.load %arg6[%swap3A_299] : memref<520xi32, #tpu.memory_space<smem>>
      memref.store %add3A_287, %arg6[%swap3A_299] : memref<520xi32, #tpu.memory_space<smem>>
      %slice3A_301 = vector.extract_strided_slice %all_reduce_population_count3A_298 {offsets = [0], sizes = [1], strides = [1]} : vector<16xi32> to vector<1xi32>
      %squeeze3A_302 = vector.extract %slice3A_301[0] : i32 from vector<1xi32>
      %gt3A_303 = arith.constant 0 : i32
      %gt3A_304 = arith.cmpi sgt, %squeeze3A_302, %gt3A_303 : i32
      %jit3A_305 = arith.constant 1 : i32
      %jit3A_306 = arith.constant 0 : i32
      %select_n3A_307 = arith.select %gt3A_304, %jit3A_305, %jit3A_306 : i32
      %add3A_308 = arith.addi %add3A_279, %select_n3A_307 : i32
      %gt3A_309 = vector.broadcast %scan3A_12#1 : i32 to vector<16xi32>
      %gt3A_310 = arith.cmpi sgt, %bitcast3A_292, %gt3A_309 : vector<16xi32>
      %convert_element_type3A_311 = arith.extui %gt3A_310 : vector<16xi1> to vector<16xi32>
      %add3A_312 = arith.addi %add3A_283, %convert_element_type3A_311 : vector<16xi32>
      %mul3A_313 = arith.constant 8 : i32
      %mul3A_314 = arith.muli %scan3A_202, %mul3A_313 : i32
      %add3A_315 = arith.constant 4 : i32
      %add3A_316 = arith.addi %mul3A_314, %add3A_315 : i32
      %mul3A_317 = arith.constant 16 : i32
      %mul3A_318 = arith.muli %add3A_316, %mul3A_317 : i32
      %get3A_319 = arith.index_cast %mul3A_318 : i32 to index
      %get3A_320 = tpu.vector_load %arg4[%get3A_319] {strides = array<i32>} : memref<8208xf32, #tpu.memory_space<vmem>>, vector<16xf32>,
      %bitcast3A_321 = vector.bitcast %get3A_320 : vector<16xf32> to vector<16xi32>
      %ge3A_322 = vector.broadcast %scan3A_12#0 : i32 to vector<16xi32>
      %ge3A_323 = arith.cmpi sge, %bitcast3A_321, %ge3A_322 : vector<16xi32>
      %le3A_324 = vector.broadcast %scan3A_12#1 : i32 to vector<16xi32>
      %le3A_325 = arith.cmpi sle, %bitcast3A_321, %le3A_324 : vector<16xi32>
      %and3A_326 = arith.andi %ge3A_323, %le3A_325 : vector<16xi1>
      %all_reduce_population_count3A_327 = tpu.all_reduce %and3A_326 {dim = 0 : i64, kind = #tpu.reduction_kind<sum>} : vector<16xi1> -> vector<16xi32>
      %swap3A_328 = arith.index_cast %add3A_308 : i32 to index
      %swap3A_329 = memref.load %arg6[%swap3A_328] : memref<520xi32, #tpu.memory_space<smem>>
      memref.store %add3A_316, %arg6[%swap3A_328] : memref<520xi32, #tpu.memory_space<smem>>
      %slice3A_330 = vector.extract_strided_slice %all_reduce_population_count3A_327 {offsets = [0], sizes = [1], strides = [1]} : vector<16xi32> to vector<1xi32>
      %squeeze3A_331 = vector.extract %slice3A_330[0] : i32 from vector<1xi32>
      %gt3A_332 = arith.constant 0 : i32
      %gt3A_333 = arith.cmpi sgt, %squeeze3A_331, %gt3A_332 : i32
      %jit3A_334 = arith.constant 1 : i32
      %jit3A_335 = arith.constant 0 : i32
      %select_n3A_336 = arith.select %gt3A_333, %jit3A_334, %jit3A_335 : i32
      %add3A_337 = arith.addi %add3A_308, %select_n3A_336 : i32
      %gt3A_338 = vector.broadcast %scan3A_12#1 : i32 to vector<16xi32>
      %gt3A_339 = arith.cmpi sgt, %bitcast3A_321, %gt3A_338 : vector<16xi32>
      %convert_element_type3A_340 = arith.extui %gt3A_339 : vector<16xi1> to vector<16xi32>
      %add3A_341 = arith.addi %add3A_312, %convert_element_type3A_340 : vector<16xi32>
      %mul3A_342 = arith.constant 8 : i32
      %mul3A_343 = arith.muli %scan3A_202, %mul3A_342 : i32
      %add3A_344 = arith.constant 5 : i32
      %add3A_345 = arith.addi %mul3A_343, %add3A_344 : i32
      %mul3A_346 = arith.constant 16 : i32
      %mul3A_347 = arith.muli %add3A_345, %mul3A_346 : i32
      %get3A_348 = arith.index_cast %mul3A_347 : i32 to index
      %get3A_349 = tpu.vector_load %arg4[%get3A_348] {strides = array<i32>} : memref<8208xf32, #tpu.memory_space<vmem>>, vector<16xf32>,
      %bitcast3A_350 = vector.bitcast %get3A_349 : vector<16xf32> to vector<16xi32>
      %ge3A_351 = vector.broadcast %scan3A_12#0 : i32 to vector<16xi32>
      %ge3A_352 = arith.cmpi sge, %bitcast3A_350, %ge3A_351 : vector<16xi32>
      %le3A_353 = vector.broadcast %scan3A_12#1 : i32 to vector<16xi32>
      %le3A_354 = arith.cmpi sle, %bitcast3A_350, %le3A_353 : vector<16xi32>
      %and3A_355 = arith.andi %ge3A_352, %le3A_354 : vector<16xi1>
      %all_reduce_population_count3A_356 = tpu.all_reduce %and3A_355 {dim = 0 : i64, kind = #tpu.reduction_kind<sum>} : vector<16xi1> -> vector<16xi32>
      %swap3A_357 = arith.index_cast %add3A_337 : i32 to index
      %swap3A_358 = memref.load %arg6[%swap3A_357] : memref<520xi32, #tpu.memory_space<smem>>
      memref.store %add3A_345, %arg6[%swap3A_357] : memref<520xi32, #tpu.memory_space<smem>>
      %slice3A_359 = vector.extract_strided_slice %all_reduce_population_count3A_356 {offsets = [0], sizes = [1], strides = [1]} : vector<16xi32> to vector<1xi32>
      %squeeze3A_360 = vector.extract %slice3A_359[0] : i32 from vector<1xi32>
      %gt3A_361 = arith.constant 0 : i32
      %gt3A_362 = arith.cmpi sgt, %squeeze3A_360, %gt3A_361 : i32
      %jit3A_363 = arith.constant 1 : i32
      %jit3A_364 = arith.constant 0 : i32
      %select_n3A_365 = arith.select %gt3A_362, %jit3A_363, %jit3A_364 : i32
      %add3A_366 = arith.addi %add3A_337, %select_n3A_365 : i32
      %gt3A_367 = vector.broadcast %scan3A_12#1 : i32 to vector<16xi32>
      %gt3A_368 = arith.cmpi sgt, %bitcast3A_350, %gt3A_367 : vector<16xi32>
      %convert_element_type3A_369 = arith.extui %gt3A_368 : vector<16xi1> to vector<16xi32>
      %add3A_370 = arith.addi %add3A_341, %convert_element_type3A_369 : vector<16xi32>
      %mul3A_371 = arith.constant 8 : i32
      %mul3A_372 = arith.muli %scan3A_202, %mul3A_371 : i32
      %add3A_373 = arith.constant 6 : i32
      %add3A_374 = arith.addi %mul3A_372, %add3A_373 : i32
      %mul3A_375 = arith.constant 16 : i32
      %mul3A_376 = arith.muli %add3A_374, %mul3A_375 : i32
      %get3A_377 = arith.index_cast %mul3A_376 : i32 to index
      %get3A_378 = tpu.vector_load %arg4[%get3A_377] {strides = array<i32>} : memref<8208xf32, #tpu.memory_space<vmem>>, vector<16xf32>,
      %bitcast3A_379 = vector.bitcast %get3A_378 : vector<16xf32> to vector<16xi32>
      %ge3A_380 = vector.broadcast %scan3A_12#0 : i32 to vector<16xi32>
      %ge3A_381 = arith.cmpi sge, %bitcast3A_379, %ge3A_380 : vector<16xi32>
      %le3A_382 = vector.broadcast %scan3A_12#1 : i32 to vector<16xi32>
      %le3A_383 = arith.cmpi sle, %bitcast3A_379, %le3A_382 : vector<16xi32>
      %and3A_384 = arith.andi %ge3A_381, %le3A_383 : vector<16xi1>
      %all_reduce_population_count3A_385 = tpu.all_reduce %and3A_384 {dim = 0 : i64, kind = #tpu.reduction_kind<sum>} : vector<16xi1> -> vector<16xi32>
      %swap3A_386 = arith.index_cast %add3A_366 : i32 to index
      %swap3A_387 = memref.load %arg6[%swap3A_386] : memref<520xi32, #tpu.memory_space<smem>>
      memref.store %add3A_374, %arg6[%swap3A_386] : memref<520xi32, #tpu.memory_space<smem>>
      %slice3A_388 = vector.extract_strided_slice %all_reduce_population_count3A_385 {offsets = [0], sizes = [1], strides = [1]} : vector<16xi32> to vector<1xi32>
      %squeeze3A_389 = vector.extract %slice3A_388[0] : i32 from vector<1xi32>
      %gt3A_390 = arith.constant 0 : i32
      %gt3A_391 = arith.cmpi sgt, %squeeze3A_389, %gt3A_390 : i32
      %jit3A_392 = arith.constant 1 : i32
      %jit3A_393 = arith.constant 0 : i32
      %select_n3A_394 = arith.select %gt3A_391, %jit3A_392, %jit3A_393 : i32
      %add3A_395 = arith.addi %add3A_366, %select_n3A_394 : i32
      %gt3A_396 = vector.broadcast %scan3A_12#1 : i32 to vector<16xi32>
      %gt3A_397 = arith.cmpi sgt, %bitcast3A_379, %gt3A_396 : vector<16xi32>
      %convert_element_type3A_398 = arith.extui %gt3A_397 : vector<16xi1> to vector<16xi32>
      %add3A_399 = arith.addi %add3A_370, %convert_element_type3A_398 : vector<16xi32>
      %mul3A_400 = arith.constant 8 : i32
      %mul3A_401 = arith.muli %scan3A_202, %mul3A_400 : i32
      %add3A_402 = arith.constant 7 : i32
      %add3A_403 = arith.addi %mul3A_401, %add3A_402 : i32
      %mul3A_404 = arith.constant 16 : i32
      %mul3A_405 = arith.muli %add3A_403, %mul3A_404 : i32
      %get3A_406 = arith.index_cast %mul3A_405 : i32 to index
      %get3A_407 = tpu.vector_load %arg4[%get3A_406] {strides = array<i32>} : memref<8208xf32, #tpu.memory_space<vmem>>, vector<16xf32>,
      %bitcast3A_408 = vector.bitcast %get3A_407 : vector<16xf32> to vector<16xi32>
      %ge3A_409 = vector.broadcast %scan3A_12#0 : i32 to vector<16xi32>
      %ge3A_410 = arith.cmpi sge, %bitcast3A_408, %ge3A_409 : vector<16xi32>
      %le3A_411 = vector.broadcast %scan3A_12#1 : i32 to vector<16xi32>
      %le3A_412 = arith.cmpi sle, %bitcast3A_408, %le3A_411 : vector<16xi32>
      %and3A_413 = arith.andi %ge3A_410, %le3A_412 : vector<16xi1>
      %all_reduce_population_count3A_414 = tpu.all_reduce %and3A_413 {dim = 0 : i64, kind = #tpu.reduction_kind<sum>} : vector<16xi1> -> vector<16xi32>
      %swap3A_415 = arith.index_cast %add3A_395 : i32 to index
      %swap3A_416 = memref.load %arg6[%swap3A_415] : memref<520xi32, #tpu.memory_space<smem>>
      memref.store %add3A_403, %arg6[%swap3A_415] : memref<520xi32, #tpu.memory_space<smem>>
      %slice3A_417 = vector.extract_strided_slice %all_reduce_population_count3A_414 {offsets = [0], sizes = [1], strides = [1]} : vector<16xi32> to vector<1xi32>
      %squeeze3A_418 = vector.extract %slice3A_417[0] : i32 from vector<1xi32>
      %gt3A_419 = arith.constant 0 : i32
      %gt3A_420 = arith.cmpi sgt, %squeeze3A_418, %gt3A_419 : i32
      %jit3A_421 = arith.constant 1 : i32
      %jit3A_422 = arith.constant 0 : i32
      %select_n3A_423 = arith.select %gt3A_420, %jit3A_421, %jit3A_422 : i32
      %add3A_424 = arith.addi %add3A_395, %select_n3A_423 : i32
      %gt3A_425 = vector.broadcast %scan3A_12#1 : i32 to vector<16xi32>
      %gt3A_426 = arith.cmpi sgt, %bitcast3A_408, %gt3A_425 : vector<16xi32>
      %convert_element_type3A_427 = arith.extui %gt3A_426 : vector<16xi1> to vector<16xi32>
      %add3A_428 = arith.addi %add3A_399, %convert_element_type3A_427 : vector<16xi32>
      scf.yield %add3A_424, %add3A_428 : i32, vector<16xi32>
    }
    %scan3A_20 = arith.constant 64 : i32
    %reduce_sum3A = arith.constant true
    %reduce_sum3A_21 = vector.broadcast %reduce_sum3A : i1 to vector<16xi1>
    %reduce_sum3A_22 = tpu.scan <sum>, %scan3A_19#1 masked %reduce_sum3A_21 : vector<16xi32>, vector<16xi1> -> vector<16xi32>
    %reduce_sum3A_23 = vector.extract %reduce_sum3A_22[15] : i32 from vector<16xi32>
    %add3A_24 = arith.constant 0 : i32
    %add3A_25 = arith.addi %scan3A_19#0, %add3A_24 : i32
    %swap3A_26 = arith.constant 512 : i32
    %swap3A_27 = arith.index_cast %add3A_25 : i32 to index
    %swap3A_28 = memref.load %arg6[%swap3A_27] : memref<520xi32, #tpu.memory_space<smem>>
    memref.store %swap3A_26, %arg6[%swap3A_27] : memref<520xi32, #tpu.memory_space<smem>>
    %add3A_29 = arith.constant 1 : i32
    %add3A_30 = arith.addi %scan3A_19#0, %add3A_29 : i32
    %swap3A_31 = arith.constant 512 : i32
    %swap3A_32 = arith.index_cast %add3A_30 : i32 to index
    %swap3A_33 = memref.load %arg6[%swap3A_32] : memref<520xi32, #tpu.memory_space<smem>>
    memref.store %swap3A_31, %arg6[%swap3A_32] : memref<520xi32, #tpu.memory_space<smem>>
    %add3A_34 = arith.constant 2 : i32
    %add3A_35 = arith.addi %scan3A_19#0, %add3A_34 : i32
    %swap3A_36 = arith.constant 512 : i32
    %swap3A_37 = arith.index_cast %add3A_35 : i32 to index
    %swap3A_38 = memref.load %arg6[%swap3A_37] : memref<520xi32, #tpu.memory_space<smem>>
    memref.store %swap3A_36, %arg6[%swap3A_37] : memref<520xi32, #tpu.memory_space<smem>>
    %add3A_39 = arith.constant 3 : i32
    %add3A_40 = arith.addi %scan3A_19#0, %add3A_39 : i32
    %swap3A_41 = arith.constant 512 : i32
    %swap3A_42 = arith.index_cast %add3A_40 : i32 to index
    %swap3A_43 = memref.load %arg6[%swap3A_42] : memref<520xi32, #tpu.memory_space<smem>>
    memref.store %swap3A_41, %arg6[%swap3A_42] : memref<520xi32, #tpu.memory_space<smem>>
    %add3A_44 = arith.constant 4 : i32
    %add3A_45 = arith.addi %scan3A_19#0, %add3A_44 : i32
    %swap3A_46 = arith.constant 512 : i32
    %swap3A_47 = arith.index_cast %add3A_45 : i32 to index
    %swap3A_48 = memref.load %arg6[%swap3A_47] : memref<520xi32, #tpu.memory_space<smem>>
    memref.store %swap3A_46, %arg6[%swap3A_47] : memref<520xi32, #tpu.memory_space<smem>>
    %add3A_49 = arith.constant 5 : i32
    %add3A_50 = arith.addi %scan3A_19#0, %add3A_49 : i32
    %swap3A_51 = arith.constant 512 : i32
    %swap3A_52 = arith.index_cast %add3A_50 : i32 to index
    %swap3A_53 = memref.load %arg6[%swap3A_52] : memref<520xi32, #tpu.memory_space<smem>>
    memref.store %swap3A_51, %arg6[%swap3A_52] : memref<520xi32, #tpu.memory_space<smem>>
    %add3A_54 = arith.constant 6 : i32
    %add3A_55 = arith.addi %scan3A_19#0, %add3A_54 : i32
    %swap3A_56 = arith.constant 512 : i32
    %swap3A_57 = arith.index_cast %add3A_55 : i32 to index
    %swap3A_58 = memref.load %arg6[%swap3A_57] : memref<520xi32, #tpu.memory_space<smem>>
    memref.store %swap3A_56, %arg6[%swap3A_57] : memref<520xi32, #tpu.memory_space<smem>>
    %add3A_59 = arith.constant 7 : i32
    %add3A_60 = arith.addi %scan3A_19#0, %add3A_59 : i32
    %swap3A_61 = arith.constant 512 : i32
    %swap3A_62 = arith.index_cast %add3A_60 : i32 to index
    %swap3A_63 = memref.load %arg6[%swap3A_62] : memref<520xi32, #tpu.memory_space<smem>>
    memref.store %swap3A_61, %arg6[%swap3A_62] : memref<520xi32, #tpu.memory_space<smem>>
    %add3A_64 = arith.constant 8 : i32
    %add3A_65 = arith.addi %scan3A_19#0, %add3A_64 : i32
    %sub3A = arith.constant 1 : i32
    %sub3A_66 = arith.subi %add3A_65, %sub3A : i32
    %jit3A = arith.constant 8 : i32
    %div3A = arith.divsi %sub3A_66, %jit3A : i32
    %sign3A = arith.constant 0 : i32
    %sign3A_67 = arith.cmpi sgt, %sub3A_66, %sign3A : i32
    %sign3A_68 = arith.extui %sign3A_67 : i1 to i32
    %sign3A_69 = arith.constant 0 : i32
    %sign3A_70 = arith.cmpi slt, %sub3A_66, %sign3A_69 : i32
    %sign3A_71 = arith.extui %sign3A_70 : i1 to i32
    %sign3A_72 = arith.subi %sign3A_68, %sign3A_71 : i32
    %sign3A_73 = arith.constant 0 : i32
    %sign3A_74 = arith.cmpi sgt, %jit3A, %sign3A_73 : i32
    %sign3A_75 = arith.extui %sign3A_74 : i1 to i32
    %sign3A_76 = arith.constant 0 : i32
    %sign3A_77 = arith.cmpi slt, %jit3A, %sign3A_76 : i32
    %sign3A_78 = arith.extui %sign3A_77 : i1 to i32
    %sign3A_79 = arith.subi %sign3A_75, %sign3A_78 : i32
    %ne3A = arith.cmpi ne, %sign3A_72, %sign3A_79 : i32
    %rem3A = arith.remsi %sub3A_66, %jit3A : i32
    %ne3A_80 = arith.constant 0 : i32
    %ne3A_81 = arith.cmpi ne, %rem3A, %ne3A_80 : i32
    %and3A = arith.andi %ne3A, %ne3A_81 : i1
    %sub3A_82 = arith.constant 1 : i32
    %sub3A_83 = arith.subi %div3A, %sub3A_82 : i32
    %select_n3A = arith.select %and3A, %sub3A_83, %div3A : i32
    %scan3A_84 = arith.constant 0 : i32
    %scan3A_85 = arith.constant 4 : i32
    %scan3A_86 = arith.addi %scan3A_84, %scan3A_85 : i32
    %scan3A_87 = arith.constant 1 : i32
    %scan3A_88:2 = scf.for %scan3A_202 = %scan3A_84 to %scan3A_86 step %scan3A_87 iter_args(%scan3A_203 = %scan3A_12#0, %scan3A_204 = %scan3A_12#1) -> (i32, i32)  : i32 {
      %sub3A_205 = arith.subi %scan3A_204, %scan3A_203 : i32
      %add3A_206 = arith.constant 1 : i32
      %add3A_207 = arith.addi %sub3A_205, %add3A_206 : i32
      %shift_right_arithmetic3A = arith.constant 1 : i32
      %shift_right_arithmetic3A_208 = arith.shrsi %add3A_207, %shift_right_arithmetic3A : i32
      %add3A_209 = arith.addi %scan3A_203, %shift_right_arithmetic3A_208 : i32
      %while3A_210 = arith.constant 0 : i32
      %while3A_211 = arith.subi %select_n3A, %while3A_210 : i32
      %while3A_212 = arith.addi %while3A_210, %while3A_211 : i32
      %while3A_213 = arith.constant 1 : i32
      %while3A_214 = arith.divsi %while3A_211, %while3A_213 : i32
      %while3A_215 = arith.muli %while3A_214, %while3A_213 : i32
      %while3A_216 = arith.addi %while3A_210, %while3A_215 : i32
      %while3A_217 = arith.constant 1 : i32
      %while3A_218 = scf.for %while3A_231 = %while3A_210 to %while3A_216 step %while3A_217 iter_args(%while3A_232 = %broadcast_in_dim3A_1) -> (vector<16xi32>)  : i32 {
        %mul3A_233 = arith.constant 8 : i32
        %mul3A_234 = arith.muli %while3A_231, %mul3A_233 : i32
        %add3A_235 = arith.constant 0 : i32
        %add3A_236 = arith.addi %mul3A_234, %add3A_235 : i32
        %get3A = arith.index_cast %add3A_236 : i32 to index
        %get3A_237 = memref.load %arg6[%get3A] : memref<520xi32, #tpu.memory_space<smem>>
        %mul3A_238 = arith.constant 16 : i32
        %mul3A_239 = arith.muli %get3A_237, %mul3A_238 : i32
        %get3A_240 = arith.index_cast %mul3A_239 : i32 to index
        %get3A_241 = tpu.vector_load %arg4[%get3A_240] {strides = array<i32>} : memref<8208xf32, #tpu.memory_space<vmem>>, vector<16xf32>,
        %bitcast3A_242 = vector.bitcast %get3A_241 : vector<16xf32> to vector<16xi32>
        %ge3A_243 = vector.broadcast %add3A_209 : i32 to vector<16xi32>
        %ge3A_244 = arith.cmpi sge, %bitcast3A_242, %ge3A_243 : vector<16xi32>
        %le3A = vector.broadcast %scan3A_12#1 : i32 to vector<16xi32>
        %le3A_245 = arith.cmpi sle, %bitcast3A_242, %le3A : vector<16xi32>
        %and3A_246 = arith.andi %ge3A_244, %le3A_245 : vector<16xi1>
        %convert_element_type3A = arith.extui %and3A_246 : vector<16xi1> to vector<16xi32>
        %add3A_247 = arith.addi %while3A_232, %convert_element_type3A : vector<16xi32>
        %mul3A_248 = arith.constant 8 : i32
        %mul3A_249 = arith.muli %while3A_231, %mul3A_248 : i32
        %add3A_250 = arith.constant 1 : i32
        %add3A_251 = arith.addi %mul3A_249, %add3A_250 : i32
        %get3A_252 = arith.index_cast %add3A_251 : i32 to index
        %get3A_253 = memref.load %arg6[%get3A_252] : memref<520xi32, #tpu.memory_space<smem>>
        %mul3A_254 = arith.constant 16 : i32
        %mul3A_255 = arith.muli %get3A_253, %mul3A_254 : i32
        %get3A_256 = arith.index_cast %mul3A_255 : i32 to index
        %get3A_257 = tpu.vector_load %arg4[%get3A_256] {strides = array<i32>} : memref<8208xf32, #tpu.memory_space<vmem>>, vector<16xf32>,
        %bitcast3A_258 = vector.bitcast %get3A_257 : vector<16xf32> to vector<16xi32>
        %ge3A_259 = vector.broadcast %add3A_209 : i32 to vector<16xi32>
        %ge3A_260 = arith.cmpi sge, %bitcast3A_258, %ge3A_259 : vector<16xi32>
        %le3A_261 = vector.broadcast %scan3A_12#1 : i32 to vector<16xi32>
        %le3A_262 = arith.cmpi sle, %bitcast3A_258, %le3A_261 : vector<16xi32>
        %and3A_263 = arith.andi %ge3A_260, %le3A_262 : vector<16xi1>
        %convert_element_type3A_264 = arith.extui %and3A_263 : vector<16xi1> to vector<16xi32>
        %add3A_265 = arith.addi %add3A_247, %convert_element_type3A_264 : vector<16xi32>
        %mul3A_266 = arith.constant 8 : i32
        %mul3A_267 = arith.muli %while3A_231, %mul3A_266 : i32
        %add3A_268 = arith.constant 2 : i32
        %add3A_269 = arith.addi %mul3A_267, %add3A_268 : i32
        %get3A_270 = arith.index_cast %add3A_269 : i32 to index
        %get3A_271 = memref.load %arg6[%get3A_270] : memref<520xi32, #tpu.memory_space<smem>>
        %mul3A_272 = arith.constant 16 : i32
        %mul3A_273 = arith.muli %get3A_271, %mul3A_272 : i32
        %get3A_274 = arith.index_cast %mul3A_273 : i32 to index
        %get3A_275 = tpu.vector_load %arg4[%get3A_274] {strides = array<i32>} : memref<8208xf32, #tpu.memory_space<vmem>>, vector<16xf32>,
        %bitcast3A_276 = vector.bitcast %get3A_275 : vector<16xf32> to vector<16xi32>
        %ge3A_277 = vector.broadcast %add3A_209 : i32 to vector<16xi32>
        %ge3A_278 = arith.cmpi sge, %bitcast3A_276, %ge3A_277 : vector<16xi32>
        %le3A_279 = vector.broadcast %scan3A_12#1 : i32 to vector<16xi32>
        %le3A_280 = arith.cmpi sle, %bitcast3A_276, %le3A_279 : vector<16xi32>
        %and3A_281 = arith.andi %ge3A_278, %le3A_280 : vector<16xi1>
        %convert_element_type3A_282 = arith.extui %and3A_281 : vector<16xi1> to vector<16xi32>
        %add3A_283 = arith.addi %add3A_265, %convert_element_type3A_282 : vector<16xi32>
        %mul3A_284 = arith.constant 8 : i32
        %mul3A_285 = arith.muli %while3A_231, %mul3A_284 : i32
        %add3A_286 = arith.constant 3 : i32
        %add3A_287 = arith.addi %mul3A_285, %add3A_286 : i32
        %get3A_288 = arith.index_cast %add3A_287 : i32 to index
        %get3A_289 = memref.load %arg6[%get3A_288] : memref<520xi32, #tpu.memory_space<smem>>
        %mul3A_290 = arith.constant 16 : i32
        %mul3A_291 = arith.muli %get3A_289, %mul3A_290 : i32
        %get3A_292 = arith.index_cast %mul3A_291 : i32 to index
        %get3A_293 = tpu.vector_load %arg4[%get3A_292] {strides = array<i32>} : memref<8208xf32, #tpu.memory_space<vmem>>, vector<16xf32>,
        %bitcast3A_294 = vector.bitcast %get3A_293 : vector<16xf32> to vector<16xi32>
        %ge3A_295 = vector.broadcast %add3A_209 : i32 to vector<16xi32>
        %ge3A_296 = arith.cmpi sge, %bitcast3A_294, %ge3A_295 : vector<16xi32>
        %le3A_297 = vector.broadcast %scan3A_12#1 : i32 to vector<16xi32>
        %le3A_298 = arith.cmpi sle, %bitcast3A_294, %le3A_297 : vector<16xi32>
        %and3A_299 = arith.andi %ge3A_296, %le3A_298 : vector<16xi1>
        %convert_element_type3A_300 = arith.extui %and3A_299 : vector<16xi1> to vector<16xi32>
        %add3A_301 = arith.addi %add3A_283, %convert_element_type3A_300 : vector<16xi32>
        %mul3A_302 = arith.constant 8 : i32
        %mul3A_303 = arith.muli %while3A_231, %mul3A_302 : i32
        %add3A_304 = arith.constant 4 : i32
        %add3A_305 = arith.addi %mul3A_303, %add3A_304 : i32
        %get3A_306 = arith.index_cast %add3A_305 : i32 to index
        %get3A_307 = memref.load %arg6[%get3A_306] : memref<520xi32, #tpu.memory_space<smem>>
        %mul3A_308 = arith.constant 16 : i32
        %mul3A_309 = arith.muli %get3A_307, %mul3A_308 : i32
        %get3A_310 = arith.index_cast %mul3A_309 : i32 to index
        %get3A_311 = tpu.vector_load %arg4[%get3A_310] {strides = array<i32>} : memref<8208xf32, #tpu.memory_space<vmem>>, vector<16xf32>,
        %bitcast3A_312 = vector.bitcast %get3A_311 : vector<16xf32> to vector<16xi32>
        %ge3A_313 = vector.broadcast %add3A_209 : i32 to vector<16xi32>
        %ge3A_314 = arith.cmpi sge, %bitcast3A_312, %ge3A_313 : vector<16xi32>
        %le3A_315 = vector.broadcast %scan3A_12#1 : i32 to vector<16xi32>
        %le3A_316 = arith.cmpi sle, %bitcast3A_312, %le3A_315 : vector<16xi32>
        %and3A_317 = arith.andi %ge3A_314, %le3A_316 : vector<16xi1>
        %convert_element_type3A_318 = arith.extui %and3A_317 : vector<16xi1> to vector<16xi32>
        %add3A_319 = arith.addi %add3A_301, %convert_element_type3A_318 : vector<16xi32>
        %mul3A_320 = arith.constant 8 : i32
        %mul3A_321 = arith.muli %while3A_231, %mul3A_320 : i32
        %add3A_322 = arith.constant 5 : i32
        %add3A_323 = arith.addi %mul3A_321, %add3A_322 : i32
        %get3A_324 = arith.index_cast %add3A_323 : i32 to index
        %get3A_325 = memref.load %arg6[%get3A_324] : memref<520xi32, #tpu.memory_space<smem>>
        %mul3A_326 = arith.constant 16 : i32
        %mul3A_327 = arith.muli %get3A_325, %mul3A_326 : i32
        %get3A_328 = arith.index_cast %mul3A_327 : i32 to index
        %get3A_329 = tpu.vector_load %arg4[%get3A_328] {strides = array<i32>} : memref<8208xf32, #tpu.memory_space<vmem>>, vector<16xf32>,
        %bitcast3A_330 = vector.bitcast %get3A_329 : vector<16xf32> to vector<16xi32>
        %ge3A_331 = vector.broadcast %add3A_209 : i32 to vector<16xi32>
        %ge3A_332 = arith.cmpi sge, %bitcast3A_330, %ge3A_331 : vector<16xi32>
        %le3A_333 = vector.broadcast %scan3A_12#1 : i32 to vector<16xi32>
        %le3A_334 = arith.cmpi sle, %bitcast3A_330, %le3A_333 : vector<16xi32>
        %and3A_335 = arith.andi %ge3A_332, %le3A_334 : vector<16xi1>
        %convert_element_type3A_336 = arith.extui %and3A_335 : vector<16xi1> to vector<16xi32>
        %add3A_337 = arith.addi %add3A_319, %convert_element_type3A_336 : vector<16xi32>
        %mul3A_338 = arith.constant 8 : i32
        %mul3A_339 = arith.muli %while3A_231, %mul3A_338 : i32
        %add3A_340 = arith.constant 6 : i32
        %add3A_341 = arith.addi %mul3A_339, %add3A_340 : i32
        %get3A_342 = arith.index_cast %add3A_341 : i32 to index
        %get3A_343 = memref.load %arg6[%get3A_342] : memref<520xi32, #tpu.memory_space<smem>>
        %mul3A_344 = arith.constant 16 : i32
        %mul3A_345 = arith.muli %get3A_343, %mul3A_344 : i32
        %get3A_346 = arith.index_cast %mul3A_345 : i32 to index
        %get3A_347 = tpu.vector_load %arg4[%get3A_346] {strides = array<i32>} : memref<8208xf32, #tpu.memory_space<vmem>>, vector<16xf32>,
        %bitcast3A_348 = vector.bitcast %get3A_347 : vector<16xf32> to vector<16xi32>
        %ge3A_349 = vector.broadcast %add3A_209 : i32 to vector<16xi32>
        %ge3A_350 = arith.cmpi sge, %bitcast3A_348, %ge3A_349 : vector<16xi32>
        %le3A_351 = vector.broadcast %scan3A_12#1 : i32 to vector<16xi32>
        %le3A_352 = arith.cmpi sle, %bitcast3A_348, %le3A_351 : vector<16xi32>
        %and3A_353 = arith.andi %ge3A_350, %le3A_352 : vector<16xi1>
        %convert_element_type3A_354 = arith.extui %and3A_353 : vector<16xi1> to vector<16xi32>
        %add3A_355 = arith.addi %add3A_337, %convert_element_type3A_354 : vector<16xi32>
        %mul3A_356 = arith.constant 8 : i32
        %mul3A_357 = arith.muli %while3A_231, %mul3A_356 : i32
        %add3A_358 = arith.constant 7 : i32
        %add3A_359 = arith.addi %mul3A_357, %add3A_358 : i32
        %get3A_360 = arith.index_cast %add3A_359 : i32 to index
        %get3A_361 = memref.load %arg6[%get3A_360] : memref<520xi32, #tpu.memory_space<smem>>
        %mul3A_362 = arith.constant 16 : i32
        %mul3A_363 = arith.muli %get3A_361, %mul3A_362 : i32
        %get3A_364 = arith.index_cast %mul3A_363 : i32 to index
        %get3A_365 = tpu.vector_load %arg4[%get3A_364] {strides = array<i32>} : memref<8208xf32, #tpu.memory_space<vmem>>, vector<16xf32>,
        %bitcast3A_366 = vector.bitcast %get3A_365 : vector<16xf32> to vector<16xi32>
        %ge3A_367 = vector.broadcast %add3A_209 : i32 to vector<16xi32>
        %ge3A_368 = arith.cmpi sge, %bitcast3A_366, %ge3A_367 : vector<16xi32>
        %le3A_369 = vector.broadcast %scan3A_12#1 : i32 to vector<16xi32>
        %le3A_370 = arith.cmpi sle, %bitcast3A_366, %le3A_369 : vector<16xi32>
        %and3A_371 = arith.andi %ge3A_368, %le3A_370 : vector<16xi1>
        %convert_element_type3A_372 = arith.extui %and3A_371 : vector<16xi1> to vector<16xi32>
        %add3A_373 = arith.addi %add3A_355, %convert_element_type3A_372 : vector<16xi32>
        scf.yield %add3A_373 : vector<16xi32>
      }
      %while3A_219 = arith.constant 1 : i32
      %while3A_220 = scf.for %while3A_231 = %while3A_216 to %while3A_212 step %while3A_219 iter_args(%while3A_232 = %while3A_218) -> (vector<16xi32>)  : i32 {
        %mul3A_233 = arith.constant 8 : i32
        %mul3A_234 = arith.muli %while3A_231, %mul3A_233 : i32
        %add3A_235 = arith.constant 0 : i32
        %add3A_236 = arith.addi %mul3A_234, %add3A_235 : i32
        %get3A = arith.index_cast %add3A_236 : i32 to index
        %get3A_237 = memref.load %arg6[%get3A] : memref<520xi32, #tpu.memory_space<smem>>
        %mul3A_238 = arith.constant 16 : i32
        %mul3A_239 = arith.muli %get3A_237, %mul3A_238 : i32
        %get3A_240 = arith.index_cast %mul3A_239 : i32 to index
        %get3A_241 = tpu.vector_load %arg4[%get3A_240] {strides = array<i32>} : memref<8208xf32, #tpu.memory_space<vmem>>, vector<16xf32>,
        %bitcast3A_242 = vector.bitcast %get3A_241 : vector<16xf32> to vector<16xi32>
        %ge3A_243 = vector.broadcast %add3A_209 : i32 to vector<16xi32>
        %ge3A_244 = arith.cmpi sge, %bitcast3A_242, %ge3A_243 : vector<16xi32>
        %le3A = vector.broadcast %scan3A_12#1 : i32 to vector<16xi32>
        %le3A_245 = arith.cmpi sle, %bitcast3A_242, %le3A : vector<16xi32>
        %and3A_246 = arith.andi %ge3A_244, %le3A_245 : vector<16xi1>
        %convert_element_type3A = arith.extui %and3A_246 : vector<16xi1> to vector<16xi32>
        %add3A_247 = arith.addi %while3A_232, %convert_element_type3A : vector<16xi32>
        %mul3A_248 = arith.constant 8 : i32
        %mul3A_249 = arith.muli %while3A_231, %mul3A_248 : i32
        %add3A_250 = arith.constant 1 : i32
        %add3A_251 = arith.addi %mul3A_249, %add3A_250 : i32
        %get3A_252 = arith.index_cast %add3A_251 : i32 to index
        %get3A_253 = memref.load %arg6[%get3A_252] : memref<520xi32, #tpu.memory_space<smem>>
        %mul3A_254 = arith.constant 16 : i32
        %mul3A_255 = arith.muli %get3A_253, %mul3A_254 : i32
        %get3A_256 = arith.index_cast %mul3A_255 : i32 to index
        %get3A_257 = tpu.vector_load %arg4[%get3A_256] {strides = array<i32>} : memref<8208xf32, #tpu.memory_space<vmem>>, vector<16xf32>,
        %bitcast3A_258 = vector.bitcast %get3A_257 : vector<16xf32> to vector<16xi32>
        %ge3A_259 = vector.broadcast %add3A_209 : i32 to vector<16xi32>
        %ge3A_260 = arith.cmpi sge, %bitcast3A_258, %ge3A_259 : vector<16xi32>
        %le3A_261 = vector.broadcast %scan3A_12#1 : i32 to vector<16xi32>
        %le3A_262 = arith.cmpi sle, %bitcast3A_258, %le3A_261 : vector<16xi32>
        %and3A_263 = arith.andi %ge3A_260, %le3A_262 : vector<16xi1>
        %convert_element_type3A_264 = arith.extui %and3A_263 : vector<16xi1> to vector<16xi32>
        %add3A_265 = arith.addi %add3A_247, %convert_element_type3A_264 : vector<16xi32>
        %mul3A_266 = arith.constant 8 : i32
        %mul3A_267 = arith.muli %while3A_231, %mul3A_266 : i32
        %add3A_268 = arith.constant 2 : i32
        %add3A_269 = arith.addi %mul3A_267, %add3A_268 : i32
        %get3A_270 = arith.index_cast %add3A_269 : i32 to index
        %get3A_271 = memref.load %arg6[%get3A_270] : memref<520xi32, #tpu.memory_space<smem>>
        %mul3A_272 = arith.constant 16 : i32
        %mul3A_273 = arith.muli %get3A_271, %mul3A_272 : i32
        %get3A_274 = arith.index_cast %mul3A_273 : i32 to index
        %get3A_275 = tpu.vector_load %arg4[%get3A_274] {strides = array<i32>} : memref<8208xf32, #tpu.memory_space<vmem>>, vector<16xf32>,
        %bitcast3A_276 = vector.bitcast %get3A_275 : vector<16xf32> to vector<16xi32>
        %ge3A_277 = vector.broadcast %add3A_209 : i32 to vector<16xi32>
        %ge3A_278 = arith.cmpi sge, %bitcast3A_276, %ge3A_277 : vector<16xi32>
        %le3A_279 = vector.broadcast %scan3A_12#1 : i32 to vector<16xi32>
        %le3A_280 = arith.cmpi sle, %bitcast3A_276, %le3A_279 : vector<16xi32>
        %and3A_281 = arith.andi %ge3A_278, %le3A_280 : vector<16xi1>
        %convert_element_type3A_282 = arith.extui %and3A_281 : vector<16xi1> to vector<16xi32>
        %add3A_283 = arith.addi %add3A_265, %convert_element_type3A_282 : vector<16xi32>
        %mul3A_284 = arith.constant 8 : i32
        %mul3A_285 = arith.muli %while3A_231, %mul3A_284 : i32
        %add3A_286 = arith.constant 3 : i32
        %add3A_287 = arith.addi %mul3A_285, %add3A_286 : i32
        %get3A_288 = arith.index_cast %add3A_287 : i32 to index
        %get3A_289 = memref.load %arg6[%get3A_288] : memref<520xi32, #tpu.memory_space<smem>>
        %mul3A_290 = arith.constant 16 : i32
        %mul3A_291 = arith.muli %get3A_289, %mul3A_290 : i32
        %get3A_292 = arith.index_cast %mul3A_291 : i32 to index
        %get3A_293 = tpu.vector_load %arg4[%get3A_292] {strides = array<i32>} : memref<8208xf32, #tpu.memory_space<vmem>>, vector<16xf32>,
        %bitcast3A_294 = vector.bitcast %get3A_293 : vector<16xf32> to vector<16xi32>
        %ge3A_295 = vector.broadcast %add3A_209 : i32 to vector<16xi32>
        %ge3A_296 = arith.cmpi sge, %bitcast3A_294, %ge3A_295 : vector<16xi32>
        %le3A_297 = vector.broadcast %scan3A_12#1 : i32 to vector<16xi32>
        %le3A_298 = arith.cmpi sle, %bitcast3A_294, %le3A_297 : vector<16xi32>
        %and3A_299 = arith.andi %ge3A_296, %le3A_298 : vector<16xi1>
        %convert_element_type3A_300 = arith.extui %and3A_299 : vector<16xi1> to vector<16xi32>
        %add3A_301 = arith.addi %add3A_283, %convert_element_type3A_300 : vector<16xi32>
        %mul3A_302 = arith.constant 8 : i32
        %mul3A_303 = arith.muli %while3A_231, %mul3A_302 : i32
        %add3A_304 = arith.constant 4 : i32
        %add3A_305 = arith.addi %mul3A_303, %add3A_304 : i32
        %get3A_306 = arith.index_cast %add3A_305 : i32 to index
        %get3A_307 = memref.load %arg6[%get3A_306] : memref<520xi32, #tpu.memory_space<smem>>
        %mul3A_308 = arith.constant 16 : i32
        %mul3A_309 = arith.muli %get3A_307, %mul3A_308 : i32
        %get3A_310 = arith.index_cast %mul3A_309 : i32 to index
        %get3A_311 = tpu.vector_load %arg4[%get3A_310] {strides = array<i32>} : memref<8208xf32, #tpu.memory_space<vmem>>, vector<16xf32>,
        %bitcast3A_312 = vector.bitcast %get3A_311 : vector<16xf32> to vector<16xi32>
        %ge3A_313 = vector.broadcast %add3A_209 : i32 to vector<16xi32>
        %ge3A_314 = arith.cmpi sge, %bitcast3A_312, %ge3A_313 : vector<16xi32>
        %le3A_315 = vector.broadcast %scan3A_12#1 : i32 to vector<16xi32>
        %le3A_316 = arith.cmpi sle, %bitcast3A_312, %le3A_315 : vector<16xi32>
        %and3A_317 = arith.andi %ge3A_314, %le3A_316 : vector<16xi1>
        %convert_element_type3A_318 = arith.extui %and3A_317 : vector<16xi1> to vector<16xi32>
        %add3A_319 = arith.addi %add3A_301, %convert_element_type3A_318 : vector<16xi32>
        %mul3A_320 = arith.constant 8 : i32
        %mul3A_321 = arith.muli %while3A_231, %mul3A_320 : i32
        %add3A_322 = arith.constant 5 : i32
        %add3A_323 = arith.addi %mul3A_321, %add3A_322 : i32
        %get3A_324 = arith.index_cast %add3A_323 : i32 to index
        %get3A_325 = memref.load %arg6[%get3A_324] : memref<520xi32, #tpu.memory_space<smem>>
        %mul3A_326 = arith.constant 16 : i32
        %mul3A_327 = arith.muli %get3A_325, %mul3A_326 : i32
        %get3A_328 = arith.index_cast %mul3A_327 : i32 to index
        %get3A_329 = tpu.vector_load %arg4[%get3A_328] {strides = array<i32>} : memref<8208xf32, #tpu.memory_space<vmem>>, vector<16xf32>,
        %bitcast3A_330 = vector.bitcast %get3A_329 : vector<16xf32> to vector<16xi32>
        %ge3A_331 = vector.broadcast %add3A_209 : i32 to vector<16xi32>
        %ge3A_332 = arith.cmpi sge, %bitcast3A_330, %ge3A_331 : vector<16xi32>
        %le3A_333 = vector.broadcast %scan3A_12#1 : i32 to vector<16xi32>
        %le3A_334 = arith.cmpi sle, %bitcast3A_330, %le3A_333 : vector<16xi32>
        %and3A_335 = arith.andi %ge3A_332, %le3A_334 : vector<16xi1>
        %convert_element_type3A_336 = arith.extui %and3A_335 : vector<16xi1> to vector<16xi32>
        %add3A_337 = arith.addi %add3A_319, %convert_element_type3A_336 : vector<16xi32>
        %mul3A_338 = arith.constant 8 : i32
        %mul3A_339 = arith.muli %while3A_231, %mul3A_338 : i32
        %add3A_340 = arith.constant 6 : i32
        %add3A_341 = arith.addi %mul3A_339, %add3A_340 : i32
        %get3A_342 = arith.index_cast %add3A_341 : i32 to index
        %get3A_343 = memref.load %arg6[%get3A_342] : memref<520xi32, #tpu.memory_space<smem>>
        %mul3A_344 = arith.constant 16 : i32
        %mul3A_345 = arith.muli %get3A_343, %mul3A_344 : i32
        %get3A_346 = arith.index_cast %mul3A_345 : i32 to index
        %get3A_347 = tpu.vector_load %arg4[%get3A_346] {strides = array<i32>} : memref<8208xf32, #tpu.memory_space<vmem>>, vector<16xf32>,
        %bitcast3A_348 = vector.bitcast %get3A_347 : vector<16xf32> to vector<16xi32>
        %ge3A_349 = vector.broadcast %add3A_209 : i32 to vector<16xi32>
        %ge3A_350 = arith.cmpi sge, %bitcast3A_348, %ge3A_349 : vector<16xi32>
        %le3A_351 = vector.broadcast %scan3A_12#1 : i32 to vector<16xi32>
        %le3A_352 = arith.cmpi sle, %bitcast3A_348, %le3A_351 : vector<16xi32>
        %and3A_353 = arith.andi %ge3A_350, %le3A_352 : vector<16xi1>
        %convert_element_type3A_354 = arith.extui %and3A_353 : vector<16xi1> to vector<16xi32>
        %add3A_355 = arith.addi %add3A_337, %convert_element_type3A_354 : vector<16xi32>
        %mul3A_356 = arith.constant 8 : i32
        %mul3A_357 = arith.muli %while3A_231, %mul3A_356 : i32
        %add3A_358 = arith.constant 7 : i32
        %add3A_359 = arith.addi %mul3A_357, %add3A_358 : i32
        %get3A_360 = arith.index_cast %add3A_359 : i32 to index
        %get3A_361 = memref.load %arg6[%get3A_360] : memref<520xi32, #tpu.memory_space<smem>>
        %mul3A_362 = arith.constant 16 : i32
        %mul3A_363 = arith.muli %get3A_361, %mul3A_362 : i32
        %get3A_364 = arith.index_cast %mul3A_363 : i32 to index
        %get3A_365 = tpu.vector_load %arg4[%get3A_364] {strides = array<i32>} : memref<8208xf32, #tpu.memory_space<vmem>>, vector<16xf32>,
        %bitcast3A_366 = vector.bitcast %get3A_365 : vector<16xf32> to vector<16xi32>
        %ge3A_367 = vector.broadcast %add3A_209 : i32 to vector<16xi32>
        %ge3A_368 = arith.cmpi sge, %bitcast3A_366, %ge3A_367 : vector<16xi32>
        %le3A_369 = vector.broadcast %scan3A_12#1 : i32 to vector<16xi32>
        %le3A_370 = arith.cmpi sle, %bitcast3A_366, %le3A_369 : vector<16xi32>
        %and3A_371 = arith.andi %ge3A_368, %le3A_370 : vector<16xi1>
        %convert_element_type3A_372 = arith.extui %and3A_371 : vector<16xi1> to vector<16xi32>
        %add3A_373 = arith.addi %add3A_355, %convert_element_type3A_372 : vector<16xi32>
        scf.yield %add3A_373 : vector<16xi32>
      }
      %reduce_sum3A_221 = arith.constant true
      %reduce_sum3A_222 = vector.broadcast %reduce_sum3A_221 : i1 to vector<16xi1>
      %reduce_sum3A_223 = tpu.scan <sum>, %while3A_220 masked %reduce_sum3A_222 : vector<16xi32>, vector<16xi1> -> vector<16xi32>
      %reduce_sum3A_224 = vector.extract %reduce_sum3A_223[15] : i32 from vector<16xi32>
      %add3A_225 = arith.addi %reduce_sum3A_23, %reduce_sum3A_224 : i32
      %ge3A = arith.constant 64 : i32
      %ge3A_226 = arith.cmpi sge, %add3A_225, %ge3A : i32
      %select_n3A_227 = arith.select %ge3A_226, %add3A_209, %scan3A_203 : i32
      %sub3A_228 = arith.constant 1 : i32
      %sub3A_229 = arith.subi %add3A_209, %sub3A_228 : i32
      %select_n3A_230 = arith.select %ge3A_226, %scan3A_204, %sub3A_229 : i32
      scf.yield %select_n3A_227, %select_n3A_230 : i32, i32
    }
    %scan3A_89 = arith.constant 4 : i32
    %while3A = arith.constant 0 : i32
    %while3A_90 = arith.constant 0 : i32
    %while3A_91 = arith.subi %select_n3A, %while3A : i32
    %while3A_92 = arith.addi %while3A, %while3A_91 : i32
    %while3A_93 = arith.constant 1 : i32
    %while3A_94 = arith.divsi %while3A_91, %while3A_93 : i32
    %while3A_95 = arith.muli %while3A_94, %while3A_93 : i32
    %while3A_96 = arith.addi %while3A, %while3A_95 : i32
    %while3A_97 = arith.constant 1 : i32
    %while3A_98:2 = scf.for %while3A_202 = %while3A to %while3A_96 step %while3A_97 iter_args(%while3A_203 = %while3A_90, %while3A_204 = %broadcast_in_dim3A_1) -> (i32, vector<16xi32>)  : i32 {
      %mul3A_205 = arith.constant 8 : i32
      %mul3A_206 = arith.muli %while3A_202, %mul3A_205 : i32
      %add3A_207 = arith.constant 0 : i32
      %add3A_208 = arith.addi %mul3A_206, %add3A_207 : i32
      %get3A = arith.index_cast %add3A_208 : i32 to index
      %get3A_209 = memref.load %arg6[%get3A] : memref<520xi32, #tpu.memory_space<smem>>
      %mul3A_210 = arith.constant 16 : i32
      %mul3A_211 = arith.muli %get3A_209, %mul3A_210 : i32
      %get3A_212 = arith.index_cast %mul3A_211 : i32 to index
      %get3A_213 = tpu.vector_load %arg4[%get3A_212] {strides = array<i32>} : memref<8208xf32, #tpu.memory_space<vmem>>, vector<16xf32>,
      %bitcast3A_214 = vector.bitcast %get3A_213 : vector<16xf32> to vector<16xi32>
      %ge3A = vector.broadcast %scan3A_88#0 : i32 to vector<16xi32>
      %ge3A_215 = arith.cmpi sge, %bitcast3A_214, %ge3A : vector<16xi32>
      %le3A = vector.broadcast %scan3A_88#1 : i32 to vector<16xi32>
      %le3A_216 = arith.cmpi sle, %bitcast3A_214, %le3A : vector<16xi32>
      %and3A_217 = arith.andi %ge3A_215, %le3A_216 : vector<16xi1>
      %all_reduce_population_count3A = tpu.all_reduce %and3A_217 {dim = 0 : i64, kind = #tpu.reduction_kind<sum>} : vector<16xi1> -> vector<16xi32>
      %swap3A_218 = arith.index_cast %while3A_203 : i32 to index
      %swap3A_219 = memref.load %arg6[%swap3A_218] : memref<520xi32, #tpu.memory_space<smem>>
      memref.store %get3A_209, %arg6[%swap3A_218] : memref<520xi32, #tpu.memory_space<smem>>
      %slice3A = vector.extract_strided_slice %all_reduce_population_count3A {offsets = [0], sizes = [1], strides = [1]} : vector<16xi32> to vector<1xi32>
      %squeeze3A = vector.extract %slice3A[0] : i32 from vector<1xi32>
      %gt3A = arith.constant 0 : i32
      %gt3A_220 = arith.cmpi sgt, %squeeze3A, %gt3A : i32
      %jit3A_221 = arith.constant 1 : i32
      %jit3A_222 = arith.constant 0 : i32
      %select_n3A_223 = arith.select %gt3A_220, %jit3A_221, %jit3A_222 : i32
      %add3A_224 = arith.addi %while3A_203, %select_n3A_223 : i32
      %gt3A_225 = vector.broadcast %scan3A_88#1 : i32 to vector<16xi32>
      %gt3A_226 = arith.cmpi sgt, %bitcast3A_214, %gt3A_225 : vector<16xi32>
      %le3A_227 = vector.broadcast %scan3A_12#1 : i32 to vector<16xi32>
      %le3A_228 = arith.cmpi sle, %bitcast3A_214, %le3A_227 : vector<16xi32>
      %and3A_229 = arith.andi %gt3A_226, %le3A_228 : vector<16xi1>
      %convert_element_type3A = arith.extui %and3A_229 : vector<16xi1> to vector<16xi32>
      %add3A_230 = arith.addi %while3A_204, %convert_element_type3A : vector<16xi32>
      %mul3A_231 = arith.constant 8 : i32
      %mul3A_232 = arith.muli %while3A_202, %mul3A_231 : i32
      %add3A_233 = arith.constant 1 : i32
      %add3A_234 = arith.addi %mul3A_232, %add3A_233 : i32
      %get3A_235 = arith.index_cast %add3A_234 : i32 to index
      %get3A_236 = memref.load %arg6[%get3A_235] : memref<520xi32, #tpu.memory_space<smem>>
      %mul3A_237 = arith.constant 16 : i32
      %mul3A_238 = arith.muli %get3A_236, %mul3A_237 : i32
      %get3A_239 = arith.index_cast %mul3A_238 : i32 to index
      %get3A_240 = tpu.vector_load %arg4[%get3A_239] {strides = array<i32>} : memref<8208xf32, #tpu.memory_space<vmem>>, vector<16xf32>,
      %bitcast3A_241 = vector.bitcast %get3A_240 : vector<16xf32> to vector<16xi32>
      %ge3A_242 = vector.broadcast %scan3A_88#0 : i32 to vector<16xi32>
      %ge3A_243 = arith.cmpi sge, %bitcast3A_241, %ge3A_242 : vector<16xi32>
      %le3A_244 = vector.broadcast %scan3A_88#1 : i32 to vector<16xi32>
      %le3A_245 = arith.cmpi sle, %bitcast3A_241, %le3A_244 : vector<16xi32>
      %and3A_246 = arith.andi %ge3A_243, %le3A_245 : vector<16xi1>
      %all_reduce_population_count3A_247 = tpu.all_reduce %and3A_246 {dim = 0 : i64, kind = #tpu.reduction_kind<sum>} : vector<16xi1> -> vector<16xi32>
      %swap3A_248 = arith.index_cast %add3A_224 : i32 to index
      %swap3A_249 = memref.load %arg6[%swap3A_248] : memref<520xi32, #tpu.memory_space<smem>>
      memref.store %get3A_236, %arg6[%swap3A_248] : memref<520xi32, #tpu.memory_space<smem>>
      %slice3A_250 = vector.extract_strided_slice %all_reduce_population_count3A_247 {offsets = [0], sizes = [1], strides = [1]} : vector<16xi32> to vector<1xi32>
      %squeeze3A_251 = vector.extract %slice3A_250[0] : i32 from vector<1xi32>
      %gt3A_252 = arith.constant 0 : i32
      %gt3A_253 = arith.cmpi sgt, %squeeze3A_251, %gt3A_252 : i32
      %jit3A_254 = arith.constant 1 : i32
      %jit3A_255 = arith.constant 0 : i32
      %select_n3A_256 = arith.select %gt3A_253, %jit3A_254, %jit3A_255 : i32
      %add3A_257 = arith.addi %add3A_224, %select_n3A_256 : i32
      %gt3A_258 = vector.broadcast %scan3A_88#1 : i32 to vector<16xi32>
      %gt3A_259 = arith.cmpi sgt, %bitcast3A_241, %gt3A_258 : vector<16xi32>
      %le3A_260 = vector.broadcast %scan3A_12#1 : i32 to vector<16xi32>
      %le3A_261 = arith.cmpi sle, %bitcast3A_241, %le3A_260 : vector<16xi32>
      %and3A_262 = arith.andi %gt3A_259, %le3A_261 : vector<16xi1>
      %convert_element_type3A_263 = arith.extui %and3A_262 : vector<16xi1> to vector<16xi32>
      %add3A_264 = arith.addi %add3A_230, %convert_element_type3A_263 : vector<16xi32>
      %mul3A_265 = arith.constant 8 : i32
      %mul3A_266 = arith.muli %while3A_202, %mul3A_265 : i32
      %add3A_267 = arith.constant 2 : i32
      %add3A_268 = arith.addi %mul3A_266, %add3A_267 : i32
      %get3A_269 = arith.index_cast %add3A_268 : i32 to index
      %get3A_270 = memref.load %arg6[%get3A_269] : memref<520xi32, #tpu.memory_space<smem>>
      %mul3A_271 = arith.constant 16 : i32
      %mul3A_272 = arith.muli %get3A_270, %mul3A_271 : i32
      %get3A_273 = arith.index_cast %mul3A_272 : i32 to index
      %get3A_274 = tpu.vector_load %arg4[%get3A_273] {strides = array<i32>} : memref<8208xf32, #tpu.memory_space<vmem>>, vector<16xf32>,
      %bitcast3A_275 = vector.bitcast %get3A_274 : vector<16xf32> to vector<16xi32>
      %ge3A_276 = vector.broadcast %scan3A_88#0 : i32 to vector<16xi32>
      %ge3A_277 = arith.cmpi sge, %bitcast3A_275, %ge3A_276 : vector<16xi32>
      %le3A_278 = vector.broadcast %scan3A_88#1 : i32 to vector<16xi32>
      %le3A_279 = arith.cmpi sle, %bitcast3A_275, %le3A_278 : vector<16xi32>
      %and3A_280 = arith.andi %ge3A_277, %le3A_279 : vector<16xi1>
      %all_reduce_population_count3A_281 = tpu.all_reduce %and3A_280 {dim = 0 : i64, kind = #tpu.reduction_kind<sum>} : vector<16xi1> -> vector<16xi32>
      %swap3A_282 = arith.index_cast %add3A_257 : i32 to index
      %swap3A_283 = memref.load %arg6[%swap3A_282] : memref<520xi32, #tpu.memory_space<smem>>
      memref.store %get3A_270, %arg6[%swap3A_282] : memref<520xi32, #tpu.memory_space<smem>>
      %slice3A_284 = vector.extract_strided_slice %all_reduce_population_count3A_281 {offsets = [0], sizes = [1], strides = [1]} : vector<16xi32> to vector<1xi32>
      %squeeze3A_285 = vector.extract %slice3A_284[0] : i32 from vector<1xi32>
      %gt3A_286 = arith.constant 0 : i32
      %gt3A_287 = arith.cmpi sgt, %squeeze3A_285, %gt3A_286 : i32
      %jit3A_288 = arith.constant 1 : i32
      %jit3A_289 = arith.constant 0 : i32
      %select_n3A_290 = arith.select %gt3A_287, %jit3A_288, %jit3A_289 : i32
      %add3A_291 = arith.addi %add3A_257, %select_n3A_290 : i32
      %gt3A_292 = vector.broadcast %scan3A_88#1 : i32 to vector<16xi32>
      %gt3A_293 = arith.cmpi sgt, %bitcast3A_275, %gt3A_292 : vector<16xi32>
      %le3A_294 = vector.broadcast %scan3A_12#1 : i32 to vector<16xi32>
      %le3A_295 = arith.cmpi sle, %bitcast3A_275, %le3A_294 : vector<16xi32>
      %and3A_296 = arith.andi %gt3A_293, %le3A_295 : vector<16xi1>
      %convert_element_type3A_297 = arith.extui %and3A_296 : vector<16xi1> to vector<16xi32>
      %add3A_298 = arith.addi %add3A_264, %convert_element_type3A_297 : vector<16xi32>
      %mul3A_299 = arith.constant 8 : i32
      %mul3A_300 = arith.muli %while3A_202, %mul3A_299 : i32
      %add3A_301 = arith.constant 3 : i32
      %add3A_302 = arith.addi %mul3A_300, %add3A_301 : i32
      %get3A_303 = arith.index_cast %add3A_302 : i32 to index
      %get3A_304 = memref.load %arg6[%get3A_303] : memref<520xi32, #tpu.memory_space<smem>>
      %mul3A_305 = arith.constant 16 : i32
      %mul3A_306 = arith.muli %get3A_304, %mul3A_305 : i32
      %get3A_307 = arith.index_cast %mul3A_306 : i32 to index
      %get3A_308 = tpu.vector_load %arg4[%get3A_307] {strides = array<i32>} : memref<8208xf32, #tpu.memory_space<vmem>>, vector<16xf32>,
      %bitcast3A_309 = vector.bitcast %get3A_308 : vector<16xf32> to vector<16xi32>
      %ge3A_310 = vector.broadcast %scan3A_88#0 : i32 to vector<16xi32>
      %ge3A_311 = arith.cmpi sge, %bitcast3A_309, %ge3A_310 : vector<16xi32>
      %le3A_312 = vector.broadcast %scan3A_88#1 : i32 to vector<16xi32>
      %le3A_313 = arith.cmpi sle, %bitcast3A_309, %le3A_312 : vector<16xi32>
      %and3A_314 = arith.andi %ge3A_311, %le3A_313 : vector<16xi1>
      %all_reduce_population_count3A_315 = tpu.all_reduce %and3A_314 {dim = 0 : i64, kind = #tpu.reduction_kind<sum>} : vector<16xi1> -> vector<16xi32>
      %swap3A_316 = arith.index_cast %add3A_291 : i32 to index
      %swap3A_317 = memref.load %arg6[%swap3A_316] : memref<520xi32, #tpu.memory_space<smem>>
      memref.store %get3A_304, %arg6[%swap3A_316] : memref<520xi32, #tpu.memory_space<smem>>
      %slice3A_318 = vector.extract_strided_slice %all_reduce_population_count3A_315 {offsets = [0], sizes = [1], strides = [1]} : vector<16xi32> to vector<1xi32>
      %squeeze3A_319 = vector.extract %slice3A_318[0] : i32 from vector<1xi32>
      %gt3A_320 = arith.constant 0 : i32
      %gt3A_321 = arith.cmpi sgt, %squeeze3A_319, %gt3A_320 : i32
      %jit3A_322 = arith.constant 1 : i32
      %jit3A_323 = arith.constant 0 : i32
      %select_n3A_324 = arith.select %gt3A_321, %jit3A_322, %jit3A_323 : i32
      %add3A_325 = arith.addi %add3A_291, %select_n3A_324 : i32
      %gt3A_326 = vector.broadcast %scan3A_88#1 : i32 to vector<16xi32>
      %gt3A_327 = arith.cmpi sgt, %bitcast3A_309, %gt3A_326 : vector<16xi32>
      %le3A_328 = vector.broadcast %scan3A_12#1 : i32 to vector<16xi32>
      %le3A_329 = arith.cmpi sle, %bitcast3A_309, %le3A_328 : vector<16xi32>
      %and3A_330 = arith.andi %gt3A_327, %le3A_329 : vector<16xi1>
      %convert_element_type3A_331 = arith.extui %and3A_330 : vector<16xi1> to vector<16xi32>
      %add3A_332 = arith.addi %add3A_298, %convert_element_type3A_331 : vector<16xi32>
      %mul3A_333 = arith.constant 8 : i32
      %mul3A_334 = arith.muli %while3A_202, %mul3A_333 : i32
      %add3A_335 = arith.constant 4 : i32
      %add3A_336 = arith.addi %mul3A_334, %add3A_335 : i32
      %get3A_337 = arith.index_cast %add3A_336 : i32 to index
      %get3A_338 = memref.load %arg6[%get3A_337] : memref<520xi32, #tpu.memory_space<smem>>
      %mul3A_339 = arith.constant 16 : i32
      %mul3A_340 = arith.muli %get3A_338, %mul3A_339 : i32
      %get3A_341 = arith.index_cast %mul3A_340 : i32 to index
      %get3A_342 = tpu.vector_load %arg4[%get3A_341] {strides = array<i32>} : memref<8208xf32, #tpu.memory_space<vmem>>, vector<16xf32>,
      %bitcast3A_343 = vector.bitcast %get3A_342 : vector<16xf32> to vector<16xi32>
      %ge3A_344 = vector.broadcast %scan3A_88#0 : i32 to vector<16xi32>
      %ge3A_345 = arith.cmpi sge, %bitcast3A_343, %ge3A_344 : vector<16xi32>
      %le3A_346 = vector.broadcast %scan3A_88#1 : i32 to vector<16xi32>
      %le3A_347 = arith.cmpi sle, %bitcast3A_343, %le3A_346 : vector<16xi32>
      %and3A_348 = arith.andi %ge3A_345, %le3A_347 : vector<16xi1>
      %all_reduce_population_count3A_349 = tpu.all_reduce %and3A_348 {dim = 0 : i64, kind = #tpu.reduction_kind<sum>} : vector<16xi1> -> vector<16xi32>
      %swap3A_350 = arith.index_cast %add3A_325 : i32 to index
      %swap3A_351 = memref.load %arg6[%swap3A_350] : memref<520xi32, #tpu.memory_space<smem>>
      memref.store %get3A_338, %arg6[%swap3A_350] : memref<520xi32, #tpu.memory_space<smem>>
      %slice3A_352 = vector.extract_strided_slice %all_reduce_population_count3A_349 {offsets = [0], sizes = [1], strides = [1]} : vector<16xi32> to vector<1xi32>
      %squeeze3A_353 = vector.extract %slice3A_352[0] : i32 from vector<1xi32>
      %gt3A_354 = arith.constant 0 : i32
      %gt3A_355 = arith.cmpi sgt, %squeeze3A_353, %gt3A_354 : i32
      %jit3A_356 = arith.constant 1 : i32
      %jit3A_357 = arith.constant 0 : i32
      %select_n3A_358 = arith.select %gt3A_355, %jit3A_356, %jit3A_357 : i32
      %add3A_359 = arith.addi %add3A_325, %select_n3A_358 : i32
      %gt3A_360 = vector.broadcast %scan3A_88#1 : i32 to vector<16xi32>
      %gt3A_361 = arith.cmpi sgt, %bitcast3A_343, %gt3A_360 : vector<16xi32>
      %le3A_362 = vector.broadcast %scan3A_12#1 : i32 to vector<16xi32>
      %le3A_363 = arith.cmpi sle, %bitcast3A_343, %le3A_362 : vector<16xi32>
      %and3A_364 = arith.andi %gt3A_361, %le3A_363 : vector<16xi1>
      %convert_element_type3A_365 = arith.extui %and3A_364 : vector<16xi1> to vector<16xi32>
      %add3A_366 = arith.addi %add3A_332, %convert_element_type3A_365 : vector<16xi32>
      %mul3A_367 = arith.constant 8 : i32
      %mul3A_368 = arith.muli %while3A_202, %mul3A_367 : i32
      %add3A_369 = arith.constant 5 : i32
      %add3A_370 = arith.addi %mul3A_368, %add3A_369 : i32
      %get3A_371 = arith.index_cast %add3A_370 : i32 to index
      %get3A_372 = memref.load %arg6[%get3A_371] : memref<520xi32, #tpu.memory_space<smem>>
      %mul3A_373 = arith.constant 16 : i32
      %mul3A_374 = arith.muli %get3A_372, %mul3A_373 : i32
      %get3A_375 = arith.index_cast %mul3A_374 : i32 to index
      %get3A_376 = tpu.vector_load %arg4[%get3A_375] {strides = array<i32>} : memref<8208xf32, #tpu.memory_space<vmem>>, vector<16xf32>,
      %bitcast3A_377 = vector.bitcast %get3A_376 : vector<16xf32> to vector<16xi32>
      %ge3A_378 = vector.broadcast %scan3A_88#0 : i32 to vector<16xi32>
      %ge3A_379 = arith.cmpi sge, %bitcast3A_377, %ge3A_378 : vector<16xi32>
      %le3A_380 = vector.broadcast %scan3A_88#1 : i32 to vector<16xi32>
      %le3A_381 = arith.cmpi sle, %bitcast3A_377, %le3A_380 : vector<16xi32>
      %and3A_382 = arith.andi %ge3A_379, %le3A_381 : vector<16xi1>
      %all_reduce_population_count3A_383 = tpu.all_reduce %and3A_382 {dim = 0 : i64, kind = #tpu.reduction_kind<sum>} : vector<16xi1> -> vector<16xi32>
      %swap3A_384 = arith.index_cast %add3A_359 : i32 to index
      %swap3A_385 = memref.load %arg6[%swap3A_384] : memref<520xi32, #tpu.memory_space<smem>>
      memref.store %get3A_372, %arg6[%swap3A_384] : memref<520xi32, #tpu.memory_space<smem>>
      %slice3A_386 = vector.extract_strided_slice %all_reduce_population_count3A_383 {offsets = [0], sizes = [1], strides = [1]} : vector<16xi32> to vector<1xi32>
      %squeeze3A_387 = vector.extract %slice3A_386[0] : i32 from vector<1xi32>
      %gt3A_388 = arith.constant 0 : i32
      %gt3A_389 = arith.cmpi sgt, %squeeze3A_387, %gt3A_388 : i32
      %jit3A_390 = arith.constant 1 : i32
      %jit3A_391 = arith.constant 0 : i32
      %select_n3A_392 = arith.select %gt3A_389, %jit3A_390, %jit3A_391 : i32
      %add3A_393 = arith.addi %add3A_359, %select_n3A_392 : i32
      %gt3A_394 = vector.broadcast %scan3A_88#1 : i32 to vector<16xi32>
      %gt3A_395 = arith.cmpi sgt, %bitcast3A_377, %gt3A_394 : vector<16xi32>
      %le3A_396 = vector.broadcast %scan3A_12#1 : i32 to vector<16xi32>
      %le3A_397 = arith.cmpi sle, %bitcast3A_377, %le3A_396 : vector<16xi32>
      %and3A_398 = arith.andi %gt3A_395, %le3A_397 : vector<16xi1>
      %convert_element_type3A_399 = arith.extui %and3A_398 : vector<16xi1> to vector<16xi32>
      %add3A_400 = arith.addi %add3A_366, %convert_element_type3A_399 : vector<16xi32>
      %mul3A_401 = arith.constant 8 : i32
      %mul3A_402 = arith.muli %while3A_202, %mul3A_401 : i32
      %add3A_403 = arith.constant 6 : i32
      %add3A_404 = arith.addi %mul3A_402, %add3A_403 : i32
      %get3A_405 = arith.index_cast %add3A_404 : i32 to index
      %get3A_406 = memref.load %arg6[%get3A_405] : memref<520xi32, #tpu.memory_space<smem>>
      %mul3A_407 = arith.constant 16 : i32
      %mul3A_408 = arith.muli %get3A_406, %mul3A_407 : i32
      %get3A_409 = arith.index_cast %mul3A_408 : i32 to index
      %get3A_410 = tpu.vector_load %arg4[%get3A_409] {strides = array<i32>} : memref<8208xf32, #tpu.memory_space<vmem>>, vector<16xf32>,
      %bitcast3A_411 = vector.bitcast %get3A_410 : vector<16xf32> to vector<16xi32>
      %ge3A_412 = vector.broadcast %scan3A_88#0 : i32 to vector<16xi32>
      %ge3A_413 = arith.cmpi sge, %bitcast3A_411, %ge3A_412 : vector<16xi32>
      %le3A_414 = vector.broadcast %scan3A_88#1 : i32 to vector<16xi32>
      %le3A_415 = arith.cmpi sle, %bitcast3A_411, %le3A_414 : vector<16xi32>
      %and3A_416 = arith.andi %ge3A_413, %le3A_415 : vector<16xi1>
      %all_reduce_population_count3A_417 = tpu.all_reduce %and3A_416 {dim = 0 : i64, kind = #tpu.reduction_kind<sum>} : vector<16xi1> -> vector<16xi32>
      %swap3A_418 = arith.index_cast %add3A_393 : i32 to index
      %swap3A_419 = memref.load %arg6[%swap3A_418] : memref<520xi32, #tpu.memory_space<smem>>
      memref.store %get3A_406, %arg6[%swap3A_418] : memref<520xi32, #tpu.memory_space<smem>>
      %slice3A_420 = vector.extract_strided_slice %all_reduce_population_count3A_417 {offsets = [0], sizes = [1], strides = [1]} : vector<16xi32> to vector<1xi32>
      %squeeze3A_421 = vector.extract %slice3A_420[0] : i32 from vector<1xi32>
      %gt3A_422 = arith.constant 0 : i32
      %gt3A_423 = arith.cmpi sgt, %squeeze3A_421, %gt3A_422 : i32
      %jit3A_424 = arith.constant 1 : i32
      %jit3A_425 = arith.constant 0 : i32
      %select_n3A_426 = arith.select %gt3A_423, %jit3A_424, %jit3A_425 : i32
      %add3A_427 = arith.addi %add3A_393, %select_n3A_426 : i32
      %gt3A_428 = vector.broadcast %scan3A_88#1 : i32 to vector<16xi32>
      %gt3A_429 = arith.cmpi sgt, %bitcast3A_411, %gt3A_428 : vector<16xi32>
      %le3A_430 = vector.broadcast %scan3A_12#1 : i32 to vector<16xi32>
      %le3A_431 = arith.cmpi sle, %bitcast3A_411, %le3A_430 : vector<16xi32>
      %and3A_432 = arith.andi %gt3A_429, %le3A_431 : vector<16xi1>
      %convert_element_type3A_433 = arith.extui %and3A_432 : vector<16xi1> to vector<16xi32>
      %add3A_434 = arith.addi %add3A_400, %convert_element_type3A_433 : vector<16xi32>
      %mul3A_435 = arith.constant 8 : i32
      %mul3A_436 = arith.muli %while3A_202, %mul3A_435 : i32
      %add3A_437 = arith.constant 7 : i32
      %add3A_438 = arith.addi %mul3A_436, %add3A_437 : i32
      %get3A_439 = arith.index_cast %add3A_438 : i32 to index
      %get3A_440 = memref.load %arg6[%get3A_439] : memref<520xi32, #tpu.memory_space<smem>>
      %mul3A_441 = arith.constant 16 : i32
      %mul3A_442 = arith.muli %get3A_440, %mul3A_441 : i32
      %get3A_443 = arith.index_cast %mul3A_442 : i32 to index
      %get3A_444 = tpu.vector_load %arg4[%get3A_443] {strides = array<i32>} : memref<8208xf32, #tpu.memory_space<vmem>>, vector<16xf32>,
      %bitcast3A_445 = vector.bitcast %get3A_444 : vector<16xf32> to vector<16xi32>
      %ge3A_446 = vector.broadcast %scan3A_88#0 : i32 to vector<16xi32>
      %ge3A_447 = arith.cmpi sge, %bitcast3A_445, %ge3A_446 : vector<16xi32>
      %le3A_448 = vector.broadcast %scan3A_88#1 : i32 to vector<16xi32>
      %le3A_449 = arith.cmpi sle, %bitcast3A_445, %le3A_448 : vector<16xi32>
      %and3A_450 = arith.andi %ge3A_447, %le3A_449 : vector<16xi1>
      %all_reduce_population_count3A_451 = tpu.all_reduce %and3A_450 {dim = 0 : i64, kind = #tpu.reduction_kind<sum>} : vector<16xi1> -> vector<16xi32>
      %swap3A_452 = arith.index_cast %add3A_427 : i32 to index
      %swap3A_453 = memref.load %arg6[%swap3A_452] : memref<520xi32, #tpu.memory_space<smem>>
      memref.store %get3A_440, %arg6[%swap3A_452] : memref<520xi32, #tpu.memory_space<smem>>
      %slice3A_454 = vector.extract_strided_slice %all_reduce_population_count3A_451 {offsets = [0], sizes = [1], strides = [1]} : vector<16xi32> to vector<1xi32>
      %squeeze3A_455 = vector.extract %slice3A_454[0] : i32 from vector<1xi32>
      %gt3A_456 = arith.constant 0 : i32
      %gt3A_457 = arith.cmpi sgt, %squeeze3A_455, %gt3A_456 : i32
      %jit3A_458 = arith.constant 1 : i32
      %jit3A_459 = arith.constant 0 : i32
      %select_n3A_460 = arith.select %gt3A_457, %jit3A_458, %jit3A_459 : i32
      %add3A_461 = arith.addi %add3A_427, %select_n3A_460 : i32
      %gt3A_462 = vector.broadcast %scan3A_88#1 : i32 to vector<16xi32>
      %gt3A_463 = arith.cmpi sgt, %bitcast3A_445, %gt3A_462 : vector<16xi32>
      %le3A_464 = vector.broadcast %scan3A_12#1 : i32 to vector<16xi32>
      %le3A_465 = arith.cmpi sle, %bitcast3A_445, %le3A_464 : vector<16xi32>
      %and3A_466 = arith.andi %gt3A_463, %le3A_465 : vector<16xi1>
      %convert_element_type3A_467 = arith.extui %and3A_466 : vector<16xi1> to vector<16xi32>
      %add3A_468 = arith.addi %add3A_434, %convert_element_type3A_467 : vector<16xi32>
      scf.yield %add3A_461, %add3A_468 : i32, vector<16xi32>
    }
    %while3A_99 = arith.constant 1 : i32
    %while3A_100:2 = scf.for %while3A_202 = %while3A_96 to %while3A_92 step %while3A_99 iter_args(%while3A_203 = %while3A_98#0, %while3A_204 = %while3A_98#1) -> (i32, vector<16xi32>)  : i32 {
      %mul3A_205 = arith.constant 8 : i32
      %mul3A_206 = arith.muli %while3A_202, %mul3A_205 : i32
      %add3A_207 = arith.constant 0 : i32
      %add3A_208 = arith.addi %mul3A_206, %add3A_207 : i32
      %get3A = arith.index_cast %add3A_208 : i32 to index
      %get3A_209 = memref.load %arg6[%get3A] : memref<520xi32, #tpu.memory_space<smem>>
      %mul3A_210 = arith.constant 16 : i32
      %mul3A_211 = arith.muli %get3A_209, %mul3A_210 : i32
      %get3A_212 = arith.index_cast %mul3A_211 : i32 to index
      %get3A_213 = tpu.vector_load %arg4[%get3A_212] {strides = array<i32>} : memref<8208xf32, #tpu.memory_space<vmem>>, vector<16xf32>,
      %bitcast3A_214 = vector.bitcast %get3A_213 : vector<16xf32> to vector<16xi32>
      %ge3A = vector.broadcast %scan3A_88#0 : i32 to vector<16xi32>
      %ge3A_215 = arith.cmpi sge, %bitcast3A_214, %ge3A : vector<16xi32>
      %le3A = vector.broadcast %scan3A_88#1 : i32 to vector<16xi32>
      %le3A_216 = arith.cmpi sle, %bitcast3A_214, %le3A : vector<16xi32>
      %and3A_217 = arith.andi %ge3A_215, %le3A_216 : vector<16xi1>
      %all_reduce_population_count3A = tpu.all_reduce %and3A_217 {dim = 0 : i64, kind = #tpu.reduction_kind<sum>} : vector<16xi1> -> vector<16xi32>
      %swap3A_218 = arith.index_cast %while3A_203 : i32 to index
      %swap3A_219 = memref.load %arg6[%swap3A_218] : memref<520xi32, #tpu.memory_space<smem>>
      memref.store %get3A_209, %arg6[%swap3A_218] : memref<520xi32, #tpu.memory_space<smem>>
      %slice3A = vector.extract_strided_slice %all_reduce_population_count3A {offsets = [0], sizes = [1], strides = [1]} : vector<16xi32> to vector<1xi32>
      %squeeze3A = vector.extract %slice3A[0] : i32 from vector<1xi32>
      %gt3A = arith.constant 0 : i32
      %gt3A_220 = arith.cmpi sgt, %squeeze3A, %gt3A : i32
      %jit3A_221 = arith.constant 1 : i32
      %jit3A_222 = arith.constant 0 : i32
      %select_n3A_223 = arith.select %gt3A_220, %jit3A_221, %jit3A_222 : i32
      %add3A_224 = arith.addi %while3A_203, %select_n3A_223 : i32
      %gt3A_225 = vector.broadcast %scan3A_88#1 : i32 to vector<16xi32>
      %gt3A_226 = arith.cmpi sgt, %bitcast3A_214, %gt3A_225 : vector<16xi32>
      %le3A_227 = vector.broadcast %scan3A_12#1 : i32 to vector<16xi32>
      %le3A_228 = arith.cmpi sle, %bitcast3A_214, %le3A_227 : vector<16xi32>
      %and3A_229 = arith.andi %gt3A_226, %le3A_228 : vector<16xi1>
      %convert_element_type3A = arith.extui %and3A_229 : vector<16xi1> to vector<16xi32>
      %add3A_230 = arith.addi %while3A_204, %convert_element_type3A : vector<16xi32>
      %mul3A_231 = arith.constant 8 : i32
      %mul3A_232 = arith.muli %while3A_202, %mul3A_231 : i32
      %add3A_233 = arith.constant 1 : i32
      %add3A_234 = arith.addi %mul3A_232, %add3A_233 : i32
      %get3A_235 = arith.index_cast %add3A_234 : i32 to index
      %get3A_236 = memref.load %arg6[%get3A_235] : memref<520xi32, #tpu.memory_space<smem>>
      %mul3A_237 = arith.constant 16 : i32
      %mul3A_238 = arith.muli %get3A_236, %mul3A_237 : i32
      %get3A_239 = arith.index_cast %mul3A_238 : i32 to index
      %get3A_240 = tpu.vector_load %arg4[%get3A_239] {strides = array<i32>} : memref<8208xf32, #tpu.memory_space<vmem>>, vector<16xf32>,
      %bitcast3A_241 = vector.bitcast %get3A_240 : vector<16xf32> to vector<16xi32>
      %ge3A_242 = vector.broadcast %scan3A_88#0 : i32 to vector<16xi32>
      %ge3A_243 = arith.cmpi sge, %bitcast3A_241, %ge3A_242 : vector<16xi32>
      %le3A_244 = vector.broadcast %scan3A_88#1 : i32 to vector<16xi32>
      %le3A_245 = arith.cmpi sle, %bitcast3A_241, %le3A_244 : vector<16xi32>
      %and3A_246 = arith.andi %ge3A_243, %le3A_245 : vector<16xi1>
      %all_reduce_population_count3A_247 = tpu.all_reduce %and3A_246 {dim = 0 : i64, kind = #tpu.reduction_kind<sum>} : vector<16xi1> -> vector<16xi32>
      %swap3A_248 = arith.index_cast %add3A_224 : i32 to index
      %swap3A_249 = memref.load %arg6[%swap3A_248] : memref<520xi32, #tpu.memory_space<smem>>
      memref.store %get3A_236, %arg6[%swap3A_248] : memref<520xi32, #tpu.memory_space<smem>>
      %slice3A_250 = vector.extract_strided_slice %all_reduce_population_count3A_247 {offsets = [0], sizes = [1], strides = [1]} : vector<16xi32> to vector<1xi32>
      %squeeze3A_251 = vector.extract %slice3A_250[0] : i32 from vector<1xi32>
      %gt3A_252 = arith.constant 0 : i32
      %gt3A_253 = arith.cmpi sgt, %squeeze3A_251, %gt3A_252 : i32
      %jit3A_254 = arith.constant 1 : i32
      %jit3A_255 = arith.constant 0 : i32
      %select_n3A_256 = arith.select %gt3A_253, %jit3A_254, %jit3A_255 : i32
      %add3A_257 = arith.addi %add3A_224, %select_n3A_256 : i32
      %gt3A_258 = vector.broadcast %scan3A_88#1 : i32 to vector<16xi32>
      %gt3A_259 = arith.cmpi sgt, %bitcast3A_241, %gt3A_258 : vector<16xi32>
      %le3A_260 = vector.broadcast %scan3A_12#1 : i32 to vector<16xi32>
      %le3A_261 = arith.cmpi sle, %bitcast3A_241, %le3A_260 : vector<16xi32>
      %and3A_262 = arith.andi %gt3A_259, %le3A_261 : vector<16xi1>
      %convert_element_type3A_263 = arith.extui %and3A_262 : vector<16xi1> to vector<16xi32>
      %add3A_264 = arith.addi %add3A_230, %convert_element_type3A_263 : vector<16xi32>
      %mul3A_265 = arith.constant 8 : i32
      %mul3A_266 = arith.muli %while3A_202, %mul3A_265 : i32
      %add3A_267 = arith.constant 2 : i32
      %add3A_268 = arith.addi %mul3A_266, %add3A_267 : i32
      %get3A_269 = arith.index_cast %add3A_268 : i32 to index
      %get3A_270 = memref.load %arg6[%get3A_269] : memref<520xi32, #tpu.memory_space<smem>>
      %mul3A_271 = arith.constant 16 : i32
      %mul3A_272 = arith.muli %get3A_270, %mul3A_271 : i32
      %get3A_273 = arith.index_cast %mul3A_272 : i32 to index
      %get3A_274 = tpu.vector_load %arg4[%get3A_273] {strides = array<i32>} : memref<8208xf32, #tpu.memory_space<vmem>>, vector<16xf32>,
      %bitcast3A_275 = vector.bitcast %get3A_274 : vector<16xf32> to vector<16xi32>
      %ge3A_276 = vector.broadcast %scan3A_88#0 : i32 to vector<16xi32>
      %ge3A_277 = arith.cmpi sge, %bitcast3A_275, %ge3A_276 : vector<16xi32>
      %le3A_278 = vector.broadcast %scan3A_88#1 : i32 to vector<16xi32>
      %le3A_279 = arith.cmpi sle, %bitcast3A_275, %le3A_278 : vector<16xi32>
      %and3A_280 = arith.andi %ge3A_277, %le3A_279 : vector<16xi1>
      %all_reduce_population_count3A_281 = tpu.all_reduce %and3A_280 {dim = 0 : i64, kind = #tpu.reduction_kind<sum>} : vector<16xi1> -> vector<16xi32>
      %swap3A_282 = arith.index_cast %add3A_257 : i32 to index
      %swap3A_283 = memref.load %arg6[%swap3A_282] : memref<520xi32, #tpu.memory_space<smem>>
      memref.store %get3A_270, %arg6[%swap3A_282] : memref<520xi32, #tpu.memory_space<smem>>
      %slice3A_284 = vector.extract_strided_slice %all_reduce_population_count3A_281 {offsets = [0], sizes = [1], strides = [1]} : vector<16xi32> to vector<1xi32>
      %squeeze3A_285 = vector.extract %slice3A_284[0] : i32 from vector<1xi32>
      %gt3A_286 = arith.constant 0 : i32
      %gt3A_287 = arith.cmpi sgt, %squeeze3A_285, %gt3A_286 : i32
      %jit3A_288 = arith.constant 1 : i32
      %jit3A_289 = arith.constant 0 : i32
      %select_n3A_290 = arith.select %gt3A_287, %jit3A_288, %jit3A_289 : i32
      %add3A_291 = arith.addi %add3A_257, %select_n3A_290 : i32
      %gt3A_292 = vector.broadcast %scan3A_88#1 : i32 to vector<16xi32>
      %gt3A_293 = arith.cmpi sgt, %bitcast3A_275, %gt3A_292 : vector<16xi32>
      %le3A_294 = vector.broadcast %scan3A_12#1 : i32 to vector<16xi32>
      %le3A_295 = arith.cmpi sle, %bitcast3A_275, %le3A_294 : vector<16xi32>
      %and3A_296 = arith.andi %gt3A_293, %le3A_295 : vector<16xi1>
      %convert_element_type3A_297 = arith.extui %and3A_296 : vector<16xi1> to vector<16xi32>
      %add3A_298 = arith.addi %add3A_264, %convert_element_type3A_297 : vector<16xi32>
      %mul3A_299 = arith.constant 8 : i32
      %mul3A_300 = arith.muli %while3A_202, %mul3A_299 : i32
      %add3A_301 = arith.constant 3 : i32
      %add3A_302 = arith.addi %mul3A_300, %add3A_301 : i32
      %get3A_303 = arith.index_cast %add3A_302 : i32 to index
      %get3A_304 = memref.load %arg6[%get3A_303] : memref<520xi32, #tpu.memory_space<smem>>
      %mul3A_305 = arith.constant 16 : i32
      %mul3A_306 = arith.muli %get3A_304, %mul3A_305 : i32
      %get3A_307 = arith.index_cast %mul3A_306 : i32 to index
      %get3A_308 = tpu.vector_load %arg4[%get3A_307] {strides = array<i32>} : memref<8208xf32, #tpu.memory_space<vmem>>, vector<16xf32>,
      %bitcast3A_309 = vector.bitcast %get3A_308 : vector<16xf32> to vector<16xi32>
      %ge3A_310 = vector.broadcast %scan3A_88#0 : i32 to vector<16xi32>
      %ge3A_311 = arith.cmpi sge, %bitcast3A_309, %ge3A_310 : vector<16xi32>
      %le3A_312 = vector.broadcast %scan3A_88#1 : i32 to vector<16xi32>
      %le3A_313 = arith.cmpi sle, %bitcast3A_309, %le3A_312 : vector<16xi32>
      %and3A_314 = arith.andi %ge3A_311, %le3A_313 : vector<16xi1>
      %all_reduce_population_count3A_315 = tpu.all_reduce %and3A_314 {dim = 0 : i64, kind = #tpu.reduction_kind<sum>} : vector<16xi1> -> vector<16xi32>
      %swap3A_316 = arith.index_cast %add3A_291 : i32 to index
      %swap3A_317 = memref.load %arg6[%swap3A_316] : memref<520xi32, #tpu.memory_space<smem>>
      memref.store %get3A_304, %arg6[%swap3A_316] : memref<520xi32, #tpu.memory_space<smem>>
      %slice3A_318 = vector.extract_strided_slice %all_reduce_population_count3A_315 {offsets = [0], sizes = [1], strides = [1]} : vector<16xi32> to vector<1xi32>
      %squeeze3A_319 = vector.extract %slice3A_318[0] : i32 from vector<1xi32>
      %gt3A_320 = arith.constant 0 : i32
      %gt3A_321 = arith.cmpi sgt, %squeeze3A_319, %gt3A_320 : i32
      %jit3A_322 = arith.constant 1 : i32
      %jit3A_323 = arith.constant 0 : i32
      %select_n3A_324 = arith.select %gt3A_321, %jit3A_322, %jit3A_323 : i32
      %add3A_325 = arith.addi %add3A_291, %select_n3A_324 : i32
      %gt3A_326 = vector.broadcast %scan3A_88#1 : i32 to vector<16xi32>
      %gt3A_327 = arith.cmpi sgt, %bitcast3A_309, %gt3A_326 : vector<16xi32>
      %le3A_328 = vector.broadcast %scan3A_12#1 : i32 to vector<16xi32>
      %le3A_329 = arith.cmpi sle, %bitcast3A_309, %le3A_328 : vector<16xi32>
      %and3A_330 = arith.andi %gt3A_327, %le3A_329 : vector<16xi1>
      %convert_element_type3A_331 = arith.extui %and3A_330 : vector<16xi1> to vector<16xi32>
      %add3A_332 = arith.addi %add3A_298, %convert_element_type3A_331 : vector<16xi32>
      %mul3A_333 = arith.constant 8 : i32
      %mul3A_334 = arith.muli %while3A_202, %mul3A_333 : i32
      %add3A_335 = arith.constant 4 : i32
      %add3A_336 = arith.addi %mul3A_334, %add3A_335 : i32
      %get3A_337 = arith.index_cast %add3A_336 : i32 to index
      %get3A_338 = memref.load %arg6[%get3A_337] : memref<520xi32, #tpu.memory_space<smem>>
      %mul3A_339 = arith.constant 16 : i32
      %mul3A_340 = arith.muli %get3A_338, %mul3A_339 : i32
      %get3A_341 = arith.index_cast %mul3A_340 : i32 to index
      %get3A_342 = tpu.vector_load %arg4[%get3A_341] {strides = array<i32>} : memref<8208xf32, #tpu.memory_space<vmem>>, vector<16xf32>,
      %bitcast3A_343 = vector.bitcast %get3A_342 : vector<16xf32> to vector<16xi32>
      %ge3A_344 = vector.broadcast %scan3A_88#0 : i32 to vector<16xi32>
      %ge3A_345 = arith.cmpi sge, %bitcast3A_343, %ge3A_344 : vector<16xi32>
      %le3A_346 = vector.broadcast %scan3A_88#1 : i32 to vector<16xi32>
      %le3A_347 = arith.cmpi sle, %bitcast3A_343, %le3A_346 : vector<16xi32>
      %and3A_348 = arith.andi %ge3A_345, %le3A_347 : vector<16xi1>
      %all_reduce_population_count3A_349 = tpu.all_reduce %and3A_348 {dim = 0 : i64, kind = #tpu.reduction_kind<sum>} : vector<16xi1> -> vector<16xi32>
      %swap3A_350 = arith.index_cast %add3A_325 : i32 to index
      %swap3A_351 = memref.load %arg6[%swap3A_350] : memref<520xi32, #tpu.memory_space<smem>>
      memref.store %get3A_338, %arg6[%swap3A_350] : memref<520xi32, #tpu.memory_space<smem>>
      %slice3A_352 = vector.extract_strided_slice %all_reduce_population_count3A_349 {offsets = [0], sizes = [1], strides = [1]} : vector<16xi32> to vector<1xi32>
      %squeeze3A_353 = vector.extract %slice3A_352[0] : i32 from vector<1xi32>
      %gt3A_354 = arith.constant 0 : i32
      %gt3A_355 = arith.cmpi sgt, %squeeze3A_353, %gt3A_354 : i32
      %jit3A_356 = arith.constant 1 : i32
      %jit3A_357 = arith.constant 0 : i32
      %select_n3A_358 = arith.select %gt3A_355, %jit3A_356, %jit3A_357 : i32
      %add3A_359 = arith.addi %add3A_325, %select_n3A_358 : i32
      %gt3A_360 = vector.broadcast %scan3A_88#1 : i32 to vector<16xi32>
      %gt3A_361 = arith.cmpi sgt, %bitcast3A_343, %gt3A_360 : vector<16xi32>
      %le3A_362 = vector.broadcast %scan3A_12#1 : i32 to vector<16xi32>
      %le3A_363 = arith.cmpi sle, %bitcast3A_343, %le3A_362 : vector<16xi32>
      %and3A_364 = arith.andi %gt3A_361, %le3A_363 : vector<16xi1>
      %convert_element_type3A_365 = arith.extui %and3A_364 : vector<16xi1> to vector<16xi32>
      %add3A_366 = arith.addi %add3A_332, %convert_element_type3A_365 : vector<16xi32>
      %mul3A_367 = arith.constant 8 : i32
      %mul3A_368 = arith.muli %while3A_202, %mul3A_367 : i32
      %add3A_369 = arith.constant 5 : i32
      %add3A_370 = arith.addi %mul3A_368, %add3A_369 : i32
      %get3A_371 = arith.index_cast %add3A_370 : i32 to index
      %get3A_372 = memref.load %arg6[%get3A_371] : memref<520xi32, #tpu.memory_space<smem>>
      %mul3A_373 = arith.constant 16 : i32
      %mul3A_374 = arith.muli %get3A_372, %mul3A_373 : i32
      %get3A_375 = arith.index_cast %mul3A_374 : i32 to index
      %get3A_376 = tpu.vector_load %arg4[%get3A_375] {strides = array<i32>} : memref<8208xf32, #tpu.memory_space<vmem>>, vector<16xf32>,
      %bitcast3A_377 = vector.bitcast %get3A_376 : vector<16xf32> to vector<16xi32>
      %ge3A_378 = vector.broadcast %scan3A_88#0 : i32 to vector<16xi32>
      %ge3A_379 = arith.cmpi sge, %bitcast3A_377, %ge3A_378 : vector<16xi32>
      %le3A_380 = vector.broadcast %scan3A_88#1 : i32 to vector<16xi32>
      %le3A_381 = arith.cmpi sle, %bitcast3A_377, %le3A_380 : vector<16xi32>
      %and3A_382 = arith.andi %ge3A_379, %le3A_381 : vector<16xi1>
      %all_reduce_population_count3A_383 = tpu.all_reduce %and3A_382 {dim = 0 : i64, kind = #tpu.reduction_kind<sum>} : vector<16xi1> -> vector<16xi32>
      %swap3A_384 = arith.index_cast %add3A_359 : i32 to index
      %swap3A_385 = memref.load %arg6[%swap3A_384] : memref<520xi32, #tpu.memory_space<smem>>
      memref.store %get3A_372, %arg6[%swap3A_384] : memref<520xi32, #tpu.memory_space<smem>>
      %slice3A_386 = vector.extract_strided_slice %all_reduce_population_count3A_383 {offsets = [0], sizes = [1], strides = [1]} : vector<16xi32> to vector<1xi32>
      %squeeze3A_387 = vector.extract %slice3A_386[0] : i32 from vector<1xi32>
      %gt3A_388 = arith.constant 0 : i32
      %gt3A_389 = arith.cmpi sgt, %squeeze3A_387, %gt3A_388 : i32
      %jit3A_390 = arith.constant 1 : i32
      %jit3A_391 = arith.constant 0 : i32
      %select_n3A_392 = arith.select %gt3A_389, %jit3A_390, %jit3A_391 : i32
      %add3A_393 = arith.addi %add3A_359, %select_n3A_392 : i32
      %gt3A_394 = vector.broadcast %scan3A_88#1 : i32 to vector<16xi32>
      %gt3A_395 = arith.cmpi sgt, %bitcast3A_377, %gt3A_394 : vector<16xi32>
      %le3A_396 = vector.broadcast %scan3A_12#1 : i32 to vector<16xi32>
      %le3A_397 = arith.cmpi sle, %bitcast3A_377, %le3A_396 : vector<16xi32>
      %and3A_398 = arith.andi %gt3A_395, %le3A_397 : vector<16xi1>
      %convert_element_type3A_399 = arith.extui %and3A_398 : vector<16xi1> to vector<16xi32>
      %add3A_400 = arith.addi %add3A_366, %convert_element_type3A_399 : vector<16xi32>
      %mul3A_401 = arith.constant 8 : i32
      %mul3A_402 = arith.muli %while3A_202, %mul3A_401 : i32
      %add3A_403 = arith.constant 6 : i32
      %add3A_404 = arith.addi %mul3A_402, %add3A_403 : i32
      %get3A_405 = arith.index_cast %add3A_404 : i32 to index
      %get3A_406 = memref.load %arg6[%get3A_405] : memref<520xi32, #tpu.memory_space<smem>>
      %mul3A_407 = arith.constant 16 : i32
      %mul3A_408 = arith.muli %get3A_406, %mul3A_407 : i32
      %get3A_409 = arith.index_cast %mul3A_408 : i32 to index
      %get3A_410 = tpu.vector_load %arg4[%get3A_409] {strides = array<i32>} : memref<8208xf32, #tpu.memory_space<vmem>>, vector<16xf32>,
      %bitcast3A_411 = vector.bitcast %get3A_410 : vector<16xf32> to vector<16xi32>
      %ge3A_412 = vector.broadcast %scan3A_88#0 : i32 to vector<16xi32>
      %ge3A_413 = arith.cmpi sge, %bitcast3A_411, %ge3A_412 : vector<16xi32>
      %le3A_414 = vector.broadcast %scan3A_88#1 : i32 to vector<16xi32>
      %le3A_415 = arith.cmpi sle, %bitcast3A_411, %le3A_414 : vector<16xi32>
      %and3A_416 = arith.andi %ge3A_413, %le3A_415 : vector<16xi1>
      %all_reduce_population_count3A_417 = tpu.all_reduce %and3A_416 {dim = 0 : i64, kind = #tpu.reduction_kind<sum>} : vector<16xi1> -> vector<16xi32>
      %swap3A_418 = arith.index_cast %add3A_393 : i32 to index
      %swap3A_419 = memref.load %arg6[%swap3A_418] : memref<520xi32, #tpu.memory_space<smem>>
      memref.store %get3A_406, %arg6[%swap3A_418] : memref<520xi32, #tpu.memory_space<smem>>
      %slice3A_420 = vector.extract_strided_slice %all_reduce_population_count3A_417 {offsets = [0], sizes = [1], strides = [1]} : vector<16xi32> to vector<1xi32>
      %squeeze3A_421 = vector.extract %slice3A_420[0] : i32 from vector<1xi32>
      %gt3A_422 = arith.constant 0 : i32
      %gt3A_423 = arith.cmpi sgt, %squeeze3A_421, %gt3A_422 : i32
      %jit3A_424 = arith.constant 1 : i32
      %jit3A_425 = arith.constant 0 : i32
      %select_n3A_426 = arith.select %gt3A_423, %jit3A_424, %jit3A_425 : i32
      %add3A_427 = arith.addi %add3A_393, %select_n3A_426 : i32
      %gt3A_428 = vector.broadcast %scan3A_88#1 : i32 to vector<16xi32>
      %gt3A_429 = arith.cmpi sgt, %bitcast3A_411, %gt3A_428 : vector<16xi32>
      %le3A_430 = vector.broadcast %scan3A_12#1 : i32 to vector<16xi32>
      %le3A_431 = arith.cmpi sle, %bitcast3A_411, %le3A_430 : vector<16xi32>
      %and3A_432 = arith.andi %gt3A_429, %le3A_431 : vector<16xi1>
      %convert_element_type3A_433 = arith.extui %and3A_432 : vector<16xi1> to vector<16xi32>
      %add3A_434 = arith.addi %add3A_400, %convert_element_type3A_433 : vector<16xi32>
      %mul3A_435 = arith.constant 8 : i32
      %mul3A_436 = arith.muli %while3A_202, %mul3A_435 : i32
      %add3A_437 = arith.constant 7 : i32
      %add3A_438 = arith.addi %mul3A_436, %add3A_437 : i32
      %get3A_439 = arith.index_cast %add3A_438 : i32 to index
      %get3A_440 = memref.load %arg6[%get3A_439] : memref<520xi32, #tpu.memory_space<smem>>
      %mul3A_441 = arith.constant 16 : i32
      %mul3A_442 = arith.muli %get3A_440, %mul3A_441 : i32
      %get3A_443 = arith.index_cast %mul3A_442 : i32 to index
      %get3A_444 = tpu.vector_load %arg4[%get3A_443] {strides = array<i32>} : memref<8208xf32, #tpu.memory_space<vmem>>, vector<16xf32>,
      %bitcast3A_445 = vector.bitcast %get3A_444 : vector<16xf32> to vector<16xi32>
      %ge3A_446 = vector.broadcast %scan3A_88#0 : i32 to vector<16xi32>
      %ge3A_447 = arith.cmpi sge, %bitcast3A_445, %ge3A_446 : vector<16xi32>
      %le3A_448 = vector.broadcast %scan3A_88#1 : i32 to vector<16xi32>
      %le3A_449 = arith.cmpi sle, %bitcast3A_445, %le3A_448 : vector<16xi32>
      %and3A_450 = arith.andi %ge3A_447, %le3A_449 : vector<16xi1>
      %all_reduce_population_count3A_451 = tpu.all_reduce %and3A_450 {dim = 0 : i64, kind = #tpu.reduction_kind<sum>} : vector<16xi1> -> vector<16xi32>
      %swap3A_452 = arith.index_cast %add3A_427 : i32 to index
      %swap3A_453 = memref.load %arg6[%swap3A_452] : memref<520xi32, #tpu.memory_space<smem>>
      memref.store %get3A_440, %arg6[%swap3A_452] : memref<520xi32, #tpu.memory_space<smem>>
      %slice3A_454 = vector.extract_strided_slice %all_reduce_population_count3A_451 {offsets = [0], sizes = [1], strides = [1]} : vector<16xi32> to vector<1xi32>
      %squeeze3A_455 = vector.extract %slice3A_454[0] : i32 from vector<1xi32>
      %gt3A_456 = arith.constant 0 : i32
      %gt3A_457 = arith.cmpi sgt, %squeeze3A_455, %gt3A_456 : i32
      %jit3A_458 = arith.constant 1 : i32
      %jit3A_459 = arith.constant 0 : i32
      %select_n3A_460 = arith.select %gt3A_457, %jit3A_458, %jit3A_459 : i32
      %add3A_461 = arith.addi %add3A_427, %select_n3A_460 : i32
      %gt3A_462 = vector.broadcast %scan3A_88#1 : i32 to vector<16xi32>
      %gt3A_463 = arith.cmpi sgt, %bitcast3A_445, %gt3A_462 : vector<16xi32>
      %le3A_464 = vector.broadcast %scan3A_12#1 : i32 to vector<16xi32>
      %le3A_465 = arith.cmpi sle, %bitcast3A_445, %le3A_464 : vector<16xi32>
      %and3A_466 = arith.andi %gt3A_463, %le3A_465 : vector<16xi1>
      %convert_element_type3A_467 = arith.extui %and3A_466 : vector<16xi1> to vector<16xi32>
      %add3A_468 = arith.addi %add3A_434, %convert_element_type3A_467 : vector<16xi32>
      scf.yield %add3A_461, %add3A_468 : i32, vector<16xi32>
    }
    %reduce_sum3A_101 = arith.constant true
    %reduce_sum3A_102 = vector.broadcast %reduce_sum3A_101 : i1 to vector<16xi1>
    %reduce_sum3A_103 = tpu.scan <sum>, %while3A_100#1 masked %reduce_sum3A_102 : vector<16xi32>, vector<16xi1> -> vector<16xi32>
    %reduce_sum3A_104 = vector.extract %reduce_sum3A_103[15] : i32 from vector<16xi32>
    %add3A_105 = arith.addi %reduce_sum3A_23, %reduce_sum3A_104 : i32
    %add3A_106 = arith.constant 0 : i32
    %add3A_107 = arith.addi %while3A_100#0, %add3A_106 : i32
    %swap3A_108 = arith.constant 512 : i32
    %swap3A_109 = arith.index_cast %add3A_107 : i32 to index
    %swap3A_110 = memref.load %arg6[%swap3A_109] : memref<520xi32, #tpu.memory_space<smem>>
    memref.store %swap3A_108, %arg6[%swap3A_109] : memref<520xi32, #tpu.memory_space<smem>>
    %add3A_111 = arith.constant 1 : i32
    %add3A_112 = arith.addi %while3A_100#0, %add3A_111 : i32
    %swap3A_113 = arith.constant 512 : i32
    %swap3A_114 = arith.index_cast %add3A_112 : i32 to index
    %swap3A_115 = memref.load %arg6[%swap3A_114] : memref<520xi32, #tpu.memory_space<smem>>
    memref.store %swap3A_113, %arg6[%swap3A_114] : memref<520xi32, #tpu.memory_space<smem>>
    %add3A_116 = arith.constant 2 : i32
    %add3A_117 = arith.addi %while3A_100#0, %add3A_116 : i32
    %swap3A_118 = arith.constant 512 : i32
    %swap3A_119 = arith.index_cast %add3A_117 : i32 to index
    %swap3A_120 = memref.load %arg6[%swap3A_119] : memref<520xi32, #tpu.memory_space<smem>>
    memref.store %swap3A_118, %arg6[%swap3A_119] : memref<520xi32, #tpu.memory_space<smem>>
    %add3A_121 = arith.constant 3 : i32
    %add3A_122 = arith.addi %while3A_100#0, %add3A_121 : i32
    %swap3A_123 = arith.constant 512 : i32
    %swap3A_124 = arith.index_cast %add3A_122 : i32 to index
    %swap3A_125 = memref.load %arg6[%swap3A_124] : memref<520xi32, #tpu.memory_space<smem>>
    memref.store %swap3A_123, %arg6[%swap3A_124] : memref<520xi32, #tpu.memory_space<smem>>
    %add3A_126 = arith.constant 4 : i32
    %add3A_127 = arith.addi %while3A_100#0, %add3A_126 : i32
    %swap3A_128 = arith.constant 512 : i32
    %swap3A_129 = arith.index_cast %add3A_127 : i32 to index
    %swap3A_130 = memref.load %arg6[%swap3A_129] : memref<520xi32, #tpu.memory_space<smem>>
    memref.store %swap3A_128, %arg6[%swap3A_129] : memref<520xi32, #tpu.memory_space<smem>>
    %add3A_131 = arith.constant 5 : i32
    %add3A_132 = arith.addi %while3A_100#0, %add3A_131 : i32
    %swap3A_133 = arith.constant 512 : i32
    %swap3A_134 = arith.index_cast %add3A_132 : i32 to index
    %swap3A_135 = memref.load %arg6[%swap3A_134] : memref<520xi32, #tpu.memory_space<smem>>
    memref.store %swap3A_133, %arg6[%swap3A_134] : memref<520xi32, #tpu.memory_space<smem>>
    %add3A_136 = arith.constant 6 : i32
    %add3A_137 = arith.addi %while3A_100#0, %add3A_136 : i32
    %swap3A_138 = arith.constant 512 : i32
    %swap3A_139 = arith.index_cast %add3A_137 : i32 to index
    %swap3A_140 = memref.load %arg6[%swap3A_139] : memref<520xi32, #tpu.memory_space<smem>>
    memref.store %swap3A_138, %arg6[%swap3A_139] : memref<520xi32, #tpu.memory_space<smem>>
    %add3A_141 = arith.constant 7 : i32
    %add3A_142 = arith.addi %while3A_100#0, %add3A_141 : i32
    %swap3A_143 = arith.constant 512 : i32
    %swap3A_144 = arith.index_cast %add3A_142 : i32 to index
    %swap3A_145 = memref.load %arg6[%swap3A_144] : memref<520xi32, #tpu.memory_space<smem>>
    memref.store %swap3A_143, %arg6[%swap3A_144] : memref<520xi32, #tpu.memory_space<smem>>
    %add3A_146 = arith.constant 8 : i32
    %add3A_147 = arith.addi %while3A_100#0, %add3A_146 : i32
    %sub3A_148 = arith.constant 1 : i32
    %sub3A_149 = arith.subi %add3A_147, %sub3A_148 : i32
    %jit3A_150 = arith.constant 8 : i32
    %div3A_151 = arith.divsi %sub3A_149, %jit3A_150 : i32
    %sign3A_152 = arith.constant 0 : i32
    %sign3A_153 = arith.cmpi sgt, %sub3A_149, %sign3A_152 : i32
    %sign3A_154 = arith.extui %sign3A_153 : i1 to i32
    %sign3A_155 = arith.constant 0 : i32
    %sign3A_156 = arith.cmpi slt, %sub3A_149, %sign3A_155 : i32
    %sign3A_157 = arith.extui %sign3A_156 : i1 to i32
    %sign3A_158 = arith.subi %sign3A_154, %sign3A_157 : i32
    %sign3A_159 = arith.constant 0 : i32
    %sign3A_160 = arith.cmpi sgt, %jit3A_150, %sign3A_159 : i32
    %sign3A_161 = arith.extui %sign3A_160 : i1 to i32
    %sign3A_162 = arith.constant 0 : i32
    %sign3A_163 = arith.cmpi slt, %jit3A_150, %sign3A_162 : i32
    %sign3A_164 = arith.extui %sign3A_163 : i1 to i32
    %sign3A_165 = arith.subi %sign3A_161, %sign3A_164 : i32
    %ne3A_166 = arith.cmpi ne, %sign3A_158, %sign3A_165 : i32
    %rem3A_167 = arith.remsi %sub3A_149, %jit3A_150 : i32
    %ne3A_168 = arith.constant 0 : i32
    %ne3A_169 = arith.cmpi ne, %rem3A_167, %ne3A_168 : i32
    %and3A_170 = arith.andi %ne3A_166, %ne3A_169 : i1
    %sub3A_171 = arith.constant 1 : i32
    %sub3A_172 = arith.subi %div3A_151, %sub3A_171 : i32
    %select_n3A_173 = arith.select %and3A_170, %sub3A_172, %div3A_151 : i32
    %scan3A_174 = arith.constant 0 : i32
    %scan3A_175 = arith.constant 21 : i32
    %scan3A_176 = arith.addi %scan3A_174, %scan3A_175 : i32
    %scan3A_177 = arith.constant 1 : i32
    %scan3A_178:2 = scf.for %scan3A_202 = %scan3A_174 to %scan3A_176 step %scan3A_177 iter_args(%scan3A_203 = %scan3A_88#0, %scan3A_204 = %scan3A_88#1) -> (i32, i32)  : i32 {
      %sub3A_205 = arith.subi %scan3A_204, %scan3A_203 : i32
      %add3A_206 = arith.constant 1 : i32
      %add3A_207 = arith.addi %sub3A_205, %add3A_206 : i32
      %shift_right_arithmetic3A = arith.constant 1 : i32
      %shift_right_arithmetic3A_208 = arith.shrsi %add3A_207, %shift_right_arithmetic3A : i32
      %add3A_209 = arith.addi %scan3A_203, %shift_right_arithmetic3A_208 : i32
      %while3A_210 = arith.constant 0 : i32
      %while3A_211 = arith.subi %select_n3A_173, %while3A_210 : i32
      %while3A_212 = arith.addi %while3A_210, %while3A_211 : i32
      %while3A_213 = arith.constant 1 : i32
      %while3A_214 = arith.divsi %while3A_211, %while3A_213 : i32
      %while3A_215 = arith.muli %while3A_214, %while3A_213 : i32
      %while3A_216 = arith.addi %while3A_210, %while3A_215 : i32
      %while3A_217 = arith.constant 1 : i32
      %while3A_218 = scf.for %while3A_231 = %while3A_210 to %while3A_216 step %while3A_217 iter_args(%while3A_232 = %broadcast_in_dim3A_1) -> (vector<16xi32>)  : i32 {
        %mul3A_233 = arith.constant 8 : i32
        %mul3A_234 = arith.muli %while3A_231, %mul3A_233 : i32
        %add3A_235 = arith.constant 0 : i32
        %add3A_236 = arith.addi %mul3A_234, %add3A_235 : i32
        %get3A = arith.index_cast %add3A_236 : i32 to index
        %get3A_237 = memref.load %arg6[%get3A] : memref<520xi32, #tpu.memory_space<smem>>
        %mul3A_238 = arith.constant 16 : i32
        %mul3A_239 = arith.muli %get3A_237, %mul3A_238 : i32
        %get3A_240 = arith.index_cast %mul3A_239 : i32 to index
        %get3A_241 = tpu.vector_load %arg4[%get3A_240] {strides = array<i32>} : memref<8208xf32, #tpu.memory_space<vmem>>, vector<16xf32>,
        %bitcast3A_242 = vector.bitcast %get3A_241 : vector<16xf32> to vector<16xi32>
        %ge3A_243 = vector.broadcast %add3A_209 : i32 to vector<16xi32>
        %ge3A_244 = arith.cmpi sge, %bitcast3A_242, %ge3A_243 : vector<16xi32>
        %le3A = vector.broadcast %scan3A_88#1 : i32 to vector<16xi32>
        %le3A_245 = arith.cmpi sle, %bitcast3A_242, %le3A : vector<16xi32>
        %and3A_246 = arith.andi %ge3A_244, %le3A_245 : vector<16xi1>
        %convert_element_type3A = arith.extui %and3A_246 : vector<16xi1> to vector<16xi32>
        %add3A_247 = arith.addi %while3A_232, %convert_element_type3A : vector<16xi32>
        %mul3A_248 = arith.constant 8 : i32
        %mul3A_249 = arith.muli %while3A_231, %mul3A_248 : i32
        %add3A_250 = arith.constant 1 : i32
        %add3A_251 = arith.addi %mul3A_249, %add3A_250 : i32
        %get3A_252 = arith.index_cast %add3A_251 : i32 to index
        %get3A_253 = memref.load %arg6[%get3A_252] : memref<520xi32, #tpu.memory_space<smem>>
        %mul3A_254 = arith.constant 16 : i32
        %mul3A_255 = arith.muli %get3A_253, %mul3A_254 : i32
        %get3A_256 = arith.index_cast %mul3A_255 : i32 to index
        %get3A_257 = tpu.vector_load %arg4[%get3A_256] {strides = array<i32>} : memref<8208xf32, #tpu.memory_space<vmem>>, vector<16xf32>,
        %bitcast3A_258 = vector.bitcast %get3A_257 : vector<16xf32> to vector<16xi32>
        %ge3A_259 = vector.broadcast %add3A_209 : i32 to vector<16xi32>
        %ge3A_260 = arith.cmpi sge, %bitcast3A_258, %ge3A_259 : vector<16xi32>
        %le3A_261 = vector.broadcast %scan3A_88#1 : i32 to vector<16xi32>
        %le3A_262 = arith.cmpi sle, %bitcast3A_258, %le3A_261 : vector<16xi32>
        %and3A_263 = arith.andi %ge3A_260, %le3A_262 : vector<16xi1>
        %convert_element_type3A_264 = arith.extui %and3A_263 : vector<16xi1> to vector<16xi32>
        %add3A_265 = arith.addi %add3A_247, %convert_element_type3A_264 : vector<16xi32>
        %mul3A_266 = arith.constant 8 : i32
        %mul3A_267 = arith.muli %while3A_231, %mul3A_266 : i32
        %add3A_268 = arith.constant 2 : i32
        %add3A_269 = arith.addi %mul3A_267, %add3A_268 : i32
        %get3A_270 = arith.index_cast %add3A_269 : i32 to index
        %get3A_271 = memref.load %arg6[%get3A_270] : memref<520xi32, #tpu.memory_space<smem>>
        %mul3A_272 = arith.constant 16 : i32
        %mul3A_273 = arith.muli %get3A_271, %mul3A_272 : i32
        %get3A_274 = arith.index_cast %mul3A_273 : i32 to index
        %get3A_275 = tpu.vector_load %arg4[%get3A_274] {strides = array<i32>} : memref<8208xf32, #tpu.memory_space<vmem>>, vector<16xf32>,
        %bitcast3A_276 = vector.bitcast %get3A_275 : vector<16xf32> to vector<16xi32>
        %ge3A_277 = vector.broadcast %add3A_209 : i32 to vector<16xi32>
        %ge3A_278 = arith.cmpi sge, %bitcast3A_276, %ge3A_277 : vector<16xi32>
        %le3A_279 = vector.broadcast %scan3A_88#1 : i32 to vector<16xi32>
        %le3A_280 = arith.cmpi sle, %bitcast3A_276, %le3A_279 : vector<16xi32>
        %and3A_281 = arith.andi %ge3A_278, %le3A_280 : vector<16xi1>
        %convert_element_type3A_282 = arith.extui %and3A_281 : vector<16xi1> to vector<16xi32>
        %add3A_283 = arith.addi %add3A_265, %convert_element_type3A_282 : vector<16xi32>
        %mul3A_284 = arith.constant 8 : i32
        %mul3A_285 = arith.muli %while3A_231, %mul3A_284 : i32
        %add3A_286 = arith.constant 3 : i32
        %add3A_287 = arith.addi %mul3A_285, %add3A_286 : i32
        %get3A_288 = arith.index_cast %add3A_287 : i32 to index
        %get3A_289 = memref.load %arg6[%get3A_288] : memref<520xi32, #tpu.memory_space<smem>>
        %mul3A_290 = arith.constant 16 : i32
        %mul3A_291 = arith.muli %get3A_289, %mul3A_290 : i32
        %get3A_292 = arith.index_cast %mul3A_291 : i32 to index
        %get3A_293 = tpu.vector_load %arg4[%get3A_292] {strides = array<i32>} : memref<8208xf32, #tpu.memory_space<vmem>>, vector<16xf32>,
        %bitcast3A_294 = vector.bitcast %get3A_293 : vector<16xf32> to vector<16xi32>
        %ge3A_295 = vector.broadcast %add3A_209 : i32 to vector<16xi32>
        %ge3A_296 = arith.cmpi sge, %bitcast3A_294, %ge3A_295 : vector<16xi32>
        %le3A_297 = vector.broadcast %scan3A_88#1 : i32 to vector<16xi32>
        %le3A_298 = arith.cmpi sle, %bitcast3A_294, %le3A_297 : vector<16xi32>
        %and3A_299 = arith.andi %ge3A_296, %le3A_298 : vector<16xi1>
        %convert_element_type3A_300 = arith.extui %and3A_299 : vector<16xi1> to vector<16xi32>
        %add3A_301 = arith.addi %add3A_283, %convert_element_type3A_300 : vector<16xi32>
        %mul3A_302 = arith.constant 8 : i32
        %mul3A_303 = arith.muli %while3A_231, %mul3A_302 : i32
        %add3A_304 = arith.constant 4 : i32
        %add3A_305 = arith.addi %mul3A_303, %add3A_304 : i32
        %get3A_306 = arith.index_cast %add3A_305 : i32 to index
        %get3A_307 = memref.load %arg6[%get3A_306] : memref<520xi32, #tpu.memory_space<smem>>
        %mul3A_308 = arith.constant 16 : i32
        %mul3A_309 = arith.muli %get3A_307, %mul3A_308 : i32
        %get3A_310 = arith.index_cast %mul3A_309 : i32 to index
        %get3A_311 = tpu.vector_load %arg4[%get3A_310] {strides = array<i32>} : memref<8208xf32, #tpu.memory_space<vmem>>, vector<16xf32>,
        %bitcast3A_312 = vector.bitcast %get3A_311 : vector<16xf32> to vector<16xi32>
        %ge3A_313 = vector.broadcast %add3A_209 : i32 to vector<16xi32>
        %ge3A_314 = arith.cmpi sge, %bitcast3A_312, %ge3A_313 : vector<16xi32>
        %le3A_315 = vector.broadcast %scan3A_88#1 : i32 to vector<16xi32>
        %le3A_316 = arith.cmpi sle, %bitcast3A_312, %le3A_315 : vector<16xi32>
        %and3A_317 = arith.andi %ge3A_314, %le3A_316 : vector<16xi1>
        %convert_element_type3A_318 = arith.extui %and3A_317 : vector<16xi1> to vector<16xi32>
        %add3A_319 = arith.addi %add3A_301, %convert_element_type3A_318 : vector<16xi32>
        %mul3A_320 = arith.constant 8 : i32
        %mul3A_321 = arith.muli %while3A_231, %mul3A_320 : i32
        %add3A_322 = arith.constant 5 : i32
        %add3A_323 = arith.addi %mul3A_321, %add3A_322 : i32
        %get3A_324 = arith.index_cast %add3A_323 : i32 to index
        %get3A_325 = memref.load %arg6[%get3A_324] : memref<520xi32, #tpu.memory_space<smem>>
        %mul3A_326 = arith.constant 16 : i32
        %mul3A_327 = arith.muli %get3A_325, %mul3A_326 : i32
        %get3A_328 = arith.index_cast %mul3A_327 : i32 to index
        %get3A_329 = tpu.vector_load %arg4[%get3A_328] {strides = array<i32>} : memref<8208xf32, #tpu.memory_space<vmem>>, vector<16xf32>,
        %bitcast3A_330 = vector.bitcast %get3A_329 : vector<16xf32> to vector<16xi32>
        %ge3A_331 = vector.broadcast %add3A_209 : i32 to vector<16xi32>
        %ge3A_332 = arith.cmpi sge, %bitcast3A_330, %ge3A_331 : vector<16xi32>
        %le3A_333 = vector.broadcast %scan3A_88#1 : i32 to vector<16xi32>
        %le3A_334 = arith.cmpi sle, %bitcast3A_330, %le3A_333 : vector<16xi32>
        %and3A_335 = arith.andi %ge3A_332, %le3A_334 : vector<16xi1>
        %convert_element_type3A_336 = arith.extui %and3A_335 : vector<16xi1> to vector<16xi32>
        %add3A_337 = arith.addi %add3A_319, %convert_element_type3A_336 : vector<16xi32>
        %mul3A_338 = arith.constant 8 : i32
        %mul3A_339 = arith.muli %while3A_231, %mul3A_338 : i32
        %add3A_340 = arith.constant 6 : i32
        %add3A_341 = arith.addi %mul3A_339, %add3A_340 : i32
        %get3A_342 = arith.index_cast %add3A_341 : i32 to index
        %get3A_343 = memref.load %arg6[%get3A_342] : memref<520xi32, #tpu.memory_space<smem>>
        %mul3A_344 = arith.constant 16 : i32
        %mul3A_345 = arith.muli %get3A_343, %mul3A_344 : i32
        %get3A_346 = arith.index_cast %mul3A_345 : i32 to index
        %get3A_347 = tpu.vector_load %arg4[%get3A_346] {strides = array<i32>} : memref<8208xf32, #tpu.memory_space<vmem>>, vector<16xf32>,
        %bitcast3A_348 = vector.bitcast %get3A_347 : vector<16xf32> to vector<16xi32>
        %ge3A_349 = vector.broadcast %add3A_209 : i32 to vector<16xi32>
        %ge3A_350 = arith.cmpi sge, %bitcast3A_348, %ge3A_349 : vector<16xi32>
        %le3A_351 = vector.broadcast %scan3A_88#1 : i32 to vector<16xi32>
        %le3A_352 = arith.cmpi sle, %bitcast3A_348, %le3A_351 : vector<16xi32>
        %and3A_353 = arith.andi %ge3A_350, %le3A_352 : vector<16xi1>
        %convert_element_type3A_354 = arith.extui %and3A_353 : vector<16xi1> to vector<16xi32>
        %add3A_355 = arith.addi %add3A_337, %convert_element_type3A_354 : vector<16xi32>
        %mul3A_356 = arith.constant 8 : i32
        %mul3A_357 = arith.muli %while3A_231, %mul3A_356 : i32
        %add3A_358 = arith.constant 7 : i32
        %add3A_359 = arith.addi %mul3A_357, %add3A_358 : i32
        %get3A_360 = arith.index_cast %add3A_359 : i32 to index
        %get3A_361 = memref.load %arg6[%get3A_360] : memref<520xi32, #tpu.memory_space<smem>>
        %mul3A_362 = arith.constant 16 : i32
        %mul3A_363 = arith.muli %get3A_361, %mul3A_362 : i32
        %get3A_364 = arith.index_cast %mul3A_363 : i32 to index
        %get3A_365 = tpu.vector_load %arg4[%get3A_364] {strides = array<i32>} : memref<8208xf32, #tpu.memory_space<vmem>>, vector<16xf32>,
        %bitcast3A_366 = vector.bitcast %get3A_365 : vector<16xf32> to vector<16xi32>
        %ge3A_367 = vector.broadcast %add3A_209 : i32 to vector<16xi32>
        %ge3A_368 = arith.cmpi sge, %bitcast3A_366, %ge3A_367 : vector<16xi32>
        %le3A_369 = vector.broadcast %scan3A_88#1 : i32 to vector<16xi32>
        %le3A_370 = arith.cmpi sle, %bitcast3A_366, %le3A_369 : vector<16xi32>
        %and3A_371 = arith.andi %ge3A_368, %le3A_370 : vector<16xi1>
        %convert_element_type3A_372 = arith.extui %and3A_371 : vector<16xi1> to vector<16xi32>
        %add3A_373 = arith.addi %add3A_355, %convert_element_type3A_372 : vector<16xi32>
        scf.yield %add3A_373 : vector<16xi32>
      }
      %while3A_219 = arith.constant 1 : i32
      %while3A_220 = scf.for %while3A_231 = %while3A_216 to %while3A_212 step %while3A_219 iter_args(%while3A_232 = %while3A_218) -> (vector<16xi32>)  : i32 {
        %mul3A_233 = arith.constant 8 : i32
        %mul3A_234 = arith.muli %while3A_231, %mul3A_233 : i32
        %add3A_235 = arith.constant 0 : i32
        %add3A_236 = arith.addi %mul3A_234, %add3A_235 : i32
        %get3A = arith.index_cast %add3A_236 : i32 to index
        %get3A_237 = memref.load %arg6[%get3A] : memref<520xi32, #tpu.memory_space<smem>>
        %mul3A_238 = arith.constant 16 : i32
        %mul3A_239 = arith.muli %get3A_237, %mul3A_238 : i32
        %get3A_240 = arith.index_cast %mul3A_239 : i32 to index
        %get3A_241 = tpu.vector_load %arg4[%get3A_240] {strides = array<i32>} : memref<8208xf32, #tpu.memory_space<vmem>>, vector<16xf32>,
        %bitcast3A_242 = vector.bitcast %get3A_241 : vector<16xf32> to vector<16xi32>
        %ge3A_243 = vector.broadcast %add3A_209 : i32 to vector<16xi32>
        %ge3A_244 = arith.cmpi sge, %bitcast3A_242, %ge3A_243 : vector<16xi32>
        %le3A = vector.broadcast %scan3A_88#1 : i32 to vector<16xi32>
        %le3A_245 = arith.cmpi sle, %bitcast3A_242, %le3A : vector<16xi32>
        %and3A_246 = arith.andi %ge3A_244, %le3A_245 : vector<16xi1>
        %convert_element_type3A = arith.extui %and3A_246 : vector<16xi1> to vector<16xi32>
        %add3A_247 = arith.addi %while3A_232, %convert_element_type3A : vector<16xi32>
        %mul3A_248 = arith.constant 8 : i32
        %mul3A_249 = arith.muli %while3A_231, %mul3A_248 : i32
        %add3A_250 = arith.constant 1 : i32
        %add3A_251 = arith.addi %mul3A_249, %add3A_250 : i32
        %get3A_252 = arith.index_cast %add3A_251 : i32 to index
        %get3A_253 = memref.load %arg6[%get3A_252] : memref<520xi32, #tpu.memory_space<smem>>
        %mul3A_254 = arith.constant 16 : i32
        %mul3A_255 = arith.muli %get3A_253, %mul3A_254 : i32
        %get3A_256 = arith.index_cast %mul3A_255 : i32 to index
        %get3A_257 = tpu.vector_load %arg4[%get3A_256] {strides = array<i32>} : memref<8208xf32, #tpu.memory_space<vmem>>, vector<16xf32>,
        %bitcast3A_258 = vector.bitcast %get3A_257 : vector<16xf32> to vector<16xi32>
        %ge3A_259 = vector.broadcast %add3A_209 : i32 to vector<16xi32>
        %ge3A_260 = arith.cmpi sge, %bitcast3A_258, %ge3A_259 : vector<16xi32>
        %le3A_261 = vector.broadcast %scan3A_88#1 : i32 to vector<16xi32>
        %le3A_262 = arith.cmpi sle, %bitcast3A_258, %le3A_261 : vector<16xi32>
        %and3A_263 = arith.andi %ge3A_260, %le3A_262 : vector<16xi1>
        %convert_element_type3A_264 = arith.extui %and3A_263 : vector<16xi1> to vector<16xi32>
        %add3A_265 = arith.addi %add3A_247, %convert_element_type3A_264 : vector<16xi32>
        %mul3A_266 = arith.constant 8 : i32
        %mul3A_267 = arith.muli %while3A_231, %mul3A_266 : i32
        %add3A_268 = arith.constant 2 : i32
        %add3A_269 = arith.addi %mul3A_267, %add3A_268 : i32
        %get3A_270 = arith.index_cast %add3A_269 : i32 to index
        %get3A_271 = memref.load %arg6[%get3A_270] : memref<520xi32, #tpu.memory_space<smem>>
        %mul3A_272 = arith.constant 16 : i32
        %mul3A_273 = arith.muli %get3A_271, %mul3A_272 : i32
        %get3A_274 = arith.index_cast %mul3A_273 : i32 to index
        %get3A_275 = tpu.vector_load %arg4[%get3A_274] {strides = array<i32>} : memref<8208xf32, #tpu.memory_space<vmem>>, vector<16xf32>,
        %bitcast3A_276 = vector.bitcast %get3A_275 : vector<16xf32> to vector<16xi32>
        %ge3A_277 = vector.broadcast %add3A_209 : i32 to vector<16xi32>
        %ge3A_278 = arith.cmpi sge, %bitcast3A_276, %ge3A_277 : vector<16xi32>
        %le3A_279 = vector.broadcast %scan3A_88#1 : i32 to vector<16xi32>
        %le3A_280 = arith.cmpi sle, %bitcast3A_276, %le3A_279 : vector<16xi32>
        %and3A_281 = arith.andi %ge3A_278, %le3A_280 : vector<16xi1>
        %convert_element_type3A_282 = arith.extui %and3A_281 : vector<16xi1> to vector<16xi32>
        %add3A_283 = arith.addi %add3A_265, %convert_element_type3A_282 : vector<16xi32>
        %mul3A_284 = arith.constant 8 : i32
        %mul3A_285 = arith.muli %while3A_231, %mul3A_284 : i32
        %add3A_286 = arith.constant 3 : i32
        %add3A_287 = arith.addi %mul3A_285, %add3A_286 : i32
        %get3A_288 = arith.index_cast %add3A_287 : i32 to index
        %get3A_289 = memref.load %arg6[%get3A_288] : memref<520xi32, #tpu.memory_space<smem>>
        %mul3A_290 = arith.constant 16 : i32
        %mul3A_291 = arith.muli %get3A_289, %mul3A_290 : i32
        %get3A_292 = arith.index_cast %mul3A_291 : i32 to index
        %get3A_293 = tpu.vector_load %arg4[%get3A_292] {strides = array<i32>} : memref<8208xf32, #tpu.memory_space<vmem>>, vector<16xf32>,
        %bitcast3A_294 = vector.bitcast %get3A_293 : vector<16xf32> to vector<16xi32>
        %ge3A_295 = vector.broadcast %add3A_209 : i32 to vector<16xi32>
        %ge3A_296 = arith.cmpi sge, %bitcast3A_294, %ge3A_295 : vector<16xi32>
        %le3A_297 = vector.broadcast %scan3A_88#1 : i32 to vector<16xi32>
        %le3A_298 = arith.cmpi sle, %bitcast3A_294, %le3A_297 : vector<16xi32>
        %and3A_299 = arith.andi %ge3A_296, %le3A_298 : vector<16xi1>
        %convert_element_type3A_300 = arith.extui %and3A_299 : vector<16xi1> to vector<16xi32>
        %add3A_301 = arith.addi %add3A_283, %convert_element_type3A_300 : vector<16xi32>
        %mul3A_302 = arith.constant 8 : i32
        %mul3A_303 = arith.muli %while3A_231, %mul3A_302 : i32
        %add3A_304 = arith.constant 4 : i32
        %add3A_305 = arith.addi %mul3A_303, %add3A_304 : i32
        %get3A_306 = arith.index_cast %add3A_305 : i32 to index
        %get3A_307 = memref.load %arg6[%get3A_306] : memref<520xi32, #tpu.memory_space<smem>>
        %mul3A_308 = arith.constant 16 : i32
        %mul3A_309 = arith.muli %get3A_307, %mul3A_308 : i32
        %get3A_310 = arith.index_cast %mul3A_309 : i32 to index
        %get3A_311 = tpu.vector_load %arg4[%get3A_310] {strides = array<i32>} : memref<8208xf32, #tpu.memory_space<vmem>>, vector<16xf32>,
        %bitcast3A_312 = vector.bitcast %get3A_311 : vector<16xf32> to vector<16xi32>
        %ge3A_313 = vector.broadcast %add3A_209 : i32 to vector<16xi32>
        %ge3A_314 = arith.cmpi sge, %bitcast3A_312, %ge3A_313 : vector<16xi32>
        %le3A_315 = vector.broadcast %scan3A_88#1 : i32 to vector<16xi32>
        %le3A_316 = arith.cmpi sle, %bitcast3A_312, %le3A_315 : vector<16xi32>
        %and3A_317 = arith.andi %ge3A_314, %le3A_316 : vector<16xi1>
        %convert_element_type3A_318 = arith.extui %and3A_317 : vector<16xi1> to vector<16xi32>
        %add3A_319 = arith.addi %add3A_301, %convert_element_type3A_318 : vector<16xi32>
        %mul3A_320 = arith.constant 8 : i32
        %mul3A_321 = arith.muli %while3A_231, %mul3A_320 : i32
        %add3A_322 = arith.constant 5 : i32
        %add3A_323 = arith.addi %mul3A_321, %add3A_322 : i32
        %get3A_324 = arith.index_cast %add3A_323 : i32 to index
        %get3A_325 = memref.load %arg6[%get3A_324] : memref<520xi32, #tpu.memory_space<smem>>
        %mul3A_326 = arith.constant 16 : i32
        %mul3A_327 = arith.muli %get3A_325, %mul3A_326 : i32
        %get3A_328 = arith.index_cast %mul3A_327 : i32 to index
        %get3A_329 = tpu.vector_load %arg4[%get3A_328] {strides = array<i32>} : memref<8208xf32, #tpu.memory_space<vmem>>, vector<16xf32>,
        %bitcast3A_330 = vector.bitcast %get3A_329 : vector<16xf32> to vector<16xi32>
        %ge3A_331 = vector.broadcast %add3A_209 : i32 to vector<16xi32>
        %ge3A_332 = arith.cmpi sge, %bitcast3A_330, %ge3A_331 : vector<16xi32>
        %le3A_333 = vector.broadcast %scan3A_88#1 : i32 to vector<16xi32>
        %le3A_334 = arith.cmpi sle, %bitcast3A_330, %le3A_333 : vector<16xi32>
        %and3A_335 = arith.andi %ge3A_332, %le3A_334 : vector<16xi1>
        %convert_element_type3A_336 = arith.extui %and3A_335 : vector<16xi1> to vector<16xi32>
        %add3A_337 = arith.addi %add3A_319, %convert_element_type3A_336 : vector<16xi32>
        %mul3A_338 = arith.constant 8 : i32
        %mul3A_339 = arith.muli %while3A_231, %mul3A_338 : i32
        %add3A_340 = arith.constant 6 : i32
        %add3A_341 = arith.addi %mul3A_339, %add3A_340 : i32
        %get3A_342 = arith.index_cast %add3A_341 : i32 to index
        %get3A_343 = memref.load %arg6[%get3A_342] : memref<520xi32, #tpu.memory_space<smem>>
        %mul3A_344 = arith.constant 16 : i32
        %mul3A_345 = arith.muli %get3A_343, %mul3A_344 : i32
        %get3A_346 = arith.index_cast %mul3A_345 : i32 to index
        %get3A_347 = tpu.vector_load %arg4[%get3A_346] {strides = array<i32>} : memref<8208xf32, #tpu.memory_space<vmem>>, vector<16xf32>,
        %bitcast3A_348 = vector.bitcast %get3A_347 : vector<16xf32> to vector<16xi32>
        %ge3A_349 = vector.broadcast %add3A_209 : i32 to vector<16xi32>
        %ge3A_350 = arith.cmpi sge, %bitcast3A_348, %ge3A_349 : vector<16xi32>
        %le3A_351 = vector.broadcast %scan3A_88#1 : i32 to vector<16xi32>
        %le3A_352 = arith.cmpi sle, %bitcast3A_348, %le3A_351 : vector<16xi32>
        %and3A_353 = arith.andi %ge3A_350, %le3A_352 : vector<16xi1>
        %convert_element_type3A_354 = arith.extui %and3A_353 : vector<16xi1> to vector<16xi32>
        %add3A_355 = arith.addi %add3A_337, %convert_element_type3A_354 : vector<16xi32>
        %mul3A_356 = arith.constant 8 : i32
        %mul3A_357 = arith.muli %while3A_231, %mul3A_356 : i32
        %add3A_358 = arith.constant 7 : i32
        %add3A_359 = arith.addi %mul3A_357, %add3A_358 : i32
        %get3A_360 = arith.index_cast %add3A_359 : i32 to index
        %get3A_361 = memref.load %arg6[%get3A_360] : memref<520xi32, #tpu.memory_space<smem>>
        %mul3A_362 = arith.constant 16 : i32
        %mul3A_363 = arith.muli %get3A_361, %mul3A_362 : i32
        %get3A_364 = arith.index_cast %mul3A_363 : i32 to index
        %get3A_365 = tpu.vector_load %arg4[%get3A_364] {strides = array<i32>} : memref<8208xf32, #tpu.memory_space<vmem>>, vector<16xf32>,
        %bitcast3A_366 = vector.bitcast %get3A_365 : vector<16xf32> to vector<16xi32>
        %ge3A_367 = vector.broadcast %add3A_209 : i32 to vector<16xi32>
        %ge3A_368 = arith.cmpi sge, %bitcast3A_366, %ge3A_367 : vector<16xi32>
        %le3A_369 = vector.broadcast %scan3A_88#1 : i32 to vector<16xi32>
        %le3A_370 = arith.cmpi sle, %bitcast3A_366, %le3A_369 : vector<16xi32>
        %and3A_371 = arith.andi %ge3A_368, %le3A_370 : vector<16xi1>
        %convert_element_type3A_372 = arith.extui %and3A_371 : vector<16xi1> to vector<16xi32>
        %add3A_373 = arith.addi %add3A_355, %convert_element_type3A_372 : vector<16xi32>
        scf.yield %add3A_373 : vector<16xi32>
      }
      %reduce_sum3A_221 = arith.constant true
      %reduce_sum3A_222 = vector.broadcast %reduce_sum3A_221 : i1 to vector<16xi1>
      %reduce_sum3A_223 = tpu.scan <sum>, %while3A_220 masked %reduce_sum3A_222 : vector<16xi32>, vector<16xi1> -> vector<16xi32>
      %reduce_sum3A_224 = vector.extract %reduce_sum3A_223[15] : i32 from vector<16xi32>
      %add3A_225 = arith.addi %add3A_105, %reduce_sum3A_224 : i32
      %ge3A = arith.constant 64 : i32
      %ge3A_226 = arith.cmpi sge, %add3A_225, %ge3A : i32
      %select_n3A_227 = arith.select %ge3A_226, %add3A_209, %scan3A_203 : i32
      %sub3A_228 = arith.constant 1 : i32
      %sub3A_229 = arith.subi %add3A_209, %sub3A_228 : i32
      %select_n3A_230 = arith.select %ge3A_226, %scan3A_204, %sub3A_229 : i32
      scf.yield %select_n3A_227, %select_n3A_230 : i32, i32
    }
    %scan3A_179 = arith.constant 21 : i32
    %broadcast_in_dim3A_180 = arith.constant 0.000000e+00 : f32
    %broadcast_in_dim3A_181 = vector.broadcast %broadcast_in_dim3A_180 : f32 to vector<16xf32>
    %scan3A_182 = arith.constant 0 : i32
    %scan3A_183 = arith.constant 64 : i32
    %scan3A_184 = arith.addi %scan3A_182, %scan3A_183 : i32
    %scan3A_185 = arith.constant 1 : i32
    %scan3A_186 = scf.for %scan3A_202 = %scan3A_182 to %scan3A_184 step %scan3A_185 iter_args(%scan3A_203 = %broadcast_in_dim3A_181) -> (vector<16xf32>)  : i32 {
      %mul3A_204 = arith.constant 8 : i32
      %mul3A_205 = arith.muli %scan3A_202, %mul3A_204 : i32
      %add3A_206 = arith.constant 0 : i32
      %add3A_207 = arith.addi %mul3A_205, %add3A_206 : i32
      %mul3A_208 = arith.constant 16 : i32
      %mul3A_209 = arith.muli %add3A_207, %mul3A_208 : i32
      %get3A = arith.index_cast %mul3A_209 : i32 to index
      %get3A_210 = tpu.vector_load %arg4[%get3A] {strides = array<i32>} : memref<8208xf32, #tpu.memory_space<vmem>>, vector<16xf32>,
      %bitcast3A_211 = vector.bitcast %get3A_210 : vector<16xf32> to vector<16xi32>
      %ge3A = vector.broadcast %scan3A_178#0 : i32 to vector<16xi32>
      %ge3A_212 = arith.cmpi sge, %bitcast3A_211, %ge3A : vector<16xi32>
      %exp3A = math.exp %get3A_210 : vector<16xf32>
      %jit3A_213 = arith.constant 0.000000e+00 : f32
      %broadcast_in_dim3A_214 = vector.broadcast %jit3A_213 : f32 to vector<16xf32>
      %select_n3A_215 = arith.select %ge3A_212, %exp3A, %broadcast_in_dim3A_214 : vector<16xi1>, vector<16xf32>
      %mul3A_216 = arith.constant 16 : i32
      %mul3A_217 = arith.muli %add3A_207, %mul3A_216 : i32
      %swap3A_218 = arith.index_cast %mul3A_217 : i32 to index
      %swap3A_219 = tpu.vector_load %arg5[%swap3A_218] {strides = array<i32>} : memref<8192xf32, #tpu.memory_space<vmem>>, vector<16xf32>,
      tpu.vector_store %arg5[%swap3A_218], %select_n3A_215 {strides = array<i32>} : memref<8192xf32, #tpu.memory_space<vmem>>, vector<16xf32>,
      %add3A_220 = arith.addf %scan3A_203, %select_n3A_215 : vector<16xf32>
      %mul3A_221 = arith.constant 8 : i32
      %mul3A_222 = arith.muli %scan3A_202, %mul3A_221 : i32
      %add3A_223 = arith.constant 1 : i32
      %add3A_224 = arith.addi %mul3A_222, %add3A_223 : i32
      %mul3A_225 = arith.constant 16 : i32
      %mul3A_226 = arith.muli %add3A_224, %mul3A_225 : i32
      %get3A_227 = arith.index_cast %mul3A_226 : i32 to index
      %get3A_228 = tpu.vector_load %arg4[%get3A_227] {strides = array<i32>} : memref<8208xf32, #tpu.memory_space<vmem>>, vector<16xf32>,
      %bitcast3A_229 = vector.bitcast %get3A_228 : vector<16xf32> to vector<16xi32>
      %ge3A_230 = vector.broadcast %scan3A_178#0 : i32 to vector<16xi32>
      %ge3A_231 = arith.cmpi sge, %bitcast3A_229, %ge3A_230 : vector<16xi32>
      %exp3A_232 = math.exp %get3A_228 : vector<16xf32>
      %jit3A_233 = arith.constant 0.000000e+00 : f32
      %broadcast_in_dim3A_234 = vector.broadcast %jit3A_233 : f32 to vector<16xf32>
      %select_n3A_235 = arith.select %ge3A_231, %exp3A_232, %broadcast_in_dim3A_234 : vector<16xi1>, vector<16xf32>
      %mul3A_236 = arith.constant 16 : i32
      %mul3A_237 = arith.muli %add3A_224, %mul3A_236 : i32
      %swap3A_238 = arith.index_cast %mul3A_237 : i32 to index
      %swap3A_239 = tpu.vector_load %arg5[%swap3A_238] {strides = array<i32>} : memref<8192xf32, #tpu.memory_space<vmem>>, vector<16xf32>,
      tpu.vector_store %arg5[%swap3A_238], %select_n3A_235 {strides = array<i32>} : memref<8192xf32, #tpu.memory_space<vmem>>, vector<16xf32>,
      %add3A_240 = arith.addf %add3A_220, %select_n3A_235 : vector<16xf32>
      %mul3A_241 = arith.constant 8 : i32
      %mul3A_242 = arith.muli %scan3A_202, %mul3A_241 : i32
      %add3A_243 = arith.constant 2 : i32
      %add3A_244 = arith.addi %mul3A_242, %add3A_243 : i32
      %mul3A_245 = arith.constant 16 : i32
      %mul3A_246 = arith.muli %add3A_244, %mul3A_245 : i32
      %get3A_247 = arith.index_cast %mul3A_246 : i32 to index
      %get3A_248 = tpu.vector_load %arg4[%get3A_247] {strides = array<i32>} : memref<8208xf32, #tpu.memory_space<vmem>>, vector<16xf32>,
      %bitcast3A_249 = vector.bitcast %get3A_248 : vector<16xf32> to vector<16xi32>
      %ge3A_250 = vector.broadcast %scan3A_178#0 : i32 to vector<16xi32>
      %ge3A_251 = arith.cmpi sge, %bitcast3A_249, %ge3A_250 : vector<16xi32>
      %exp3A_252 = math.exp %get3A_248 : vector<16xf32>
      %jit3A_253 = arith.constant 0.000000e+00 : f32
      %broadcast_in_dim3A_254 = vector.broadcast %jit3A_253 : f32 to vector<16xf32>
      %select_n3A_255 = arith.select %ge3A_251, %exp3A_252, %broadcast_in_dim3A_254 : vector<16xi1>, vector<16xf32>
      %mul3A_256 = arith.constant 16 : i32
      %mul3A_257 = arith.muli %add3A_244, %mul3A_256 : i32
      %swap3A_258 = arith.index_cast %mul3A_257 : i32 to index
      %swap3A_259 = tpu.vector_load %arg5[%swap3A_258] {strides = array<i32>} : memref<8192xf32, #tpu.memory_space<vmem>>, vector<16xf32>,
      tpu.vector_store %arg5[%swap3A_258], %select_n3A_255 {strides = array<i32>} : memref<8192xf32, #tpu.memory_space<vmem>>, vector<16xf32>,
      %add3A_260 = arith.addf %add3A_240, %select_n3A_255 : vector<16xf32>
      %mul3A_261 = arith.constant 8 : i32
      %mul3A_262 = arith.muli %scan3A_202, %mul3A_261 : i32
      %add3A_263 = arith.constant 3 : i32
      %add3A_264 = arith.addi %mul3A_262, %add3A_263 : i32
      %mul3A_265 = arith.constant 16 : i32
      %mul3A_266 = arith.muli %add3A_264, %mul3A_265 : i32
      %get3A_267 = arith.index_cast %mul3A_266 : i32 to index
      %get3A_268 = tpu.vector_load %arg4[%get3A_267] {strides = array<i32>} : memref<8208xf32, #tpu.memory_space<vmem>>, vector<16xf32>,
      %bitcast3A_269 = vector.bitcast %get3A_268 : vector<16xf32> to vector<16xi32>
      %ge3A_270 = vector.broadcast %scan3A_178#0 : i32 to vector<16xi32>
      %ge3A_271 = arith.cmpi sge, %bitcast3A_269, %ge3A_270 : vector<16xi32>
      %exp3A_272 = math.exp %get3A_268 : vector<16xf32>
      %jit3A_273 = arith.constant 0.000000e+00 : f32
      %broadcast_in_dim3A_274 = vector.broadcast %jit3A_273 : f32 to vector<16xf32>
      %select_n3A_275 = arith.select %ge3A_271, %exp3A_272, %broadcast_in_dim3A_274 : vector<16xi1>, vector<16xf32>
      %mul3A_276 = arith.constant 16 : i32
      %mul3A_277 = arith.muli %add3A_264, %mul3A_276 : i32
      %swap3A_278 = arith.index_cast %mul3A_277 : i32 to index
      %swap3A_279 = tpu.vector_load %arg5[%swap3A_278] {strides = array<i32>} : memref<8192xf32, #tpu.memory_space<vmem>>, vector<16xf32>,
      tpu.vector_store %arg5[%swap3A_278], %select_n3A_275 {strides = array<i32>} : memref<8192xf32, #tpu.memory_space<vmem>>, vector<16xf32>,
      %add3A_280 = arith.addf %add3A_260, %select_n3A_275 : vector<16xf32>
      %mul3A_281 = arith.constant 8 : i32
      %mul3A_282 = arith.muli %scan3A_202, %mul3A_281 : i32
      %add3A_283 = arith.constant 4 : i32
      %add3A_284 = arith.addi %mul3A_282, %add3A_283 : i32
      %mul3A_285 = arith.constant 16 : i32
      %mul3A_286 = arith.muli %add3A_284, %mul3A_285 : i32
      %get3A_287 = arith.index_cast %mul3A_286 : i32 to index
      %get3A_288 = tpu.vector_load %arg4[%get3A_287] {strides = array<i32>} : memref<8208xf32, #tpu.memory_space<vmem>>, vector<16xf32>,
      %bitcast3A_289 = vector.bitcast %get3A_288 : vector<16xf32> to vector<16xi32>
      %ge3A_290 = vector.broadcast %scan3A_178#0 : i32 to vector<16xi32>
      %ge3A_291 = arith.cmpi sge, %bitcast3A_289, %ge3A_290 : vector<16xi32>
      %exp3A_292 = math.exp %get3A_288 : vector<16xf32>
      %jit3A_293 = arith.constant 0.000000e+00 : f32
      %broadcast_in_dim3A_294 = vector.broadcast %jit3A_293 : f32 to vector<16xf32>
      %select_n3A_295 = arith.select %ge3A_291, %exp3A_292, %broadcast_in_dim3A_294 : vector<16xi1>, vector<16xf32>
      %mul3A_296 = arith.constant 16 : i32
      %mul3A_297 = arith.muli %add3A_284, %mul3A_296 : i32
      %swap3A_298 = arith.index_cast %mul3A_297 : i32 to index
      %swap3A_299 = tpu.vector_load %arg5[%swap3A_298] {strides = array<i32>} : memref<8192xf32, #tpu.memory_space<vmem>>, vector<16xf32>,
      tpu.vector_store %arg5[%swap3A_298], %select_n3A_295 {strides = array<i32>} : memref<8192xf32, #tpu.memory_space<vmem>>, vector<16xf32>,
      %add3A_300 = arith.addf %add3A_280, %select_n3A_295 : vector<16xf32>
      %mul3A_301 = arith.constant 8 : i32
      %mul3A_302 = arith.muli %scan3A_202, %mul3A_301 : i32
      %add3A_303 = arith.constant 5 : i32
      %add3A_304 = arith.addi %mul3A_302, %add3A_303 : i32
      %mul3A_305 = arith.constant 16 : i32
      %mul3A_306 = arith.muli %add3A_304, %mul3A_305 : i32
      %get3A_307 = arith.index_cast %mul3A_306 : i32 to index
      %get3A_308 = tpu.vector_load %arg4[%get3A_307] {strides = array<i32>} : memref<8208xf32, #tpu.memory_space<vmem>>, vector<16xf32>,
      %bitcast3A_309 = vector.bitcast %get3A_308 : vector<16xf32> to vector<16xi32>
      %ge3A_310 = vector.broadcast %scan3A_178#0 : i32 to vector<16xi32>
      %ge3A_311 = arith.cmpi sge, %bitcast3A_309, %ge3A_310 : vector<16xi32>
      %exp3A_312 = math.exp %get3A_308 : vector<16xf32>
      %jit3A_313 = arith.constant 0.000000e+00 : f32
      %broadcast_in_dim3A_314 = vector.broadcast %jit3A_313 : f32 to vector<16xf32>
      %select_n3A_315 = arith.select %ge3A_311, %exp3A_312, %broadcast_in_dim3A_314 : vector<16xi1>, vector<16xf32>
      %mul3A_316 = arith.constant 16 : i32
      %mul3A_317 = arith.muli %add3A_304, %mul3A_316 : i32
      %swap3A_318 = arith.index_cast %mul3A_317 : i32 to index
      %swap3A_319 = tpu.vector_load %arg5[%swap3A_318] {strides = array<i32>} : memref<8192xf32, #tpu.memory_space<vmem>>, vector<16xf32>,
      tpu.vector_store %arg5[%swap3A_318], %select_n3A_315 {strides = array<i32>} : memref<8192xf32, #tpu.memory_space<vmem>>, vector<16xf32>,
      %add3A_320 = arith.addf %add3A_300, %select_n3A_315 : vector<16xf32>
      %mul3A_321 = arith.constant 8 : i32
      %mul3A_322 = arith.muli %scan3A_202, %mul3A_321 : i32
      %add3A_323 = arith.constant 6 : i32
      %add3A_324 = arith.addi %mul3A_322, %add3A_323 : i32
      %mul3A_325 = arith.constant 16 : i32
      %mul3A_326 = arith.muli %add3A_324, %mul3A_325 : i32
      %get3A_327 = arith.index_cast %mul3A_326 : i32 to index
      %get3A_328 = tpu.vector_load %arg4[%get3A_327] {strides = array<i32>} : memref<8208xf32, #tpu.memory_space<vmem>>, vector<16xf32>,
      %bitcast3A_329 = vector.bitcast %get3A_328 : vector<16xf32> to vector<16xi32>
      %ge3A_330 = vector.broadcast %scan3A_178#0 : i32 to vector<16xi32>
      %ge3A_331 = arith.cmpi sge, %bitcast3A_329, %ge3A_330 : vector<16xi32>
      %exp3A_332 = math.exp %get3A_328 : vector<16xf32>
      %jit3A_333 = arith.constant 0.000000e+00 : f32
      %broadcast_in_dim3A_334 = vector.broadcast %jit3A_333 : f32 to vector<16xf32>
      %select_n3A_335 = arith.select %ge3A_331, %exp3A_332, %broadcast_in_dim3A_334 : vector<16xi1>, vector<16xf32>
      %mul3A_336 = arith.constant 16 : i32
      %mul3A_337 = arith.muli %add3A_324, %mul3A_336 : i32
      %swap3A_338 = arith.index_cast %mul3A_337 : i32 to index
      %swap3A_339 = tpu.vector_load %arg5[%swap3A_338] {strides = array<i32>} : memref<8192xf32, #tpu.memory_space<vmem>>, vector<16xf32>,
      tpu.vector_store %arg5[%swap3A_338], %select_n3A_335 {strides = array<i32>} : memref<8192xf32, #tpu.memory_space<vmem>>, vector<16xf32>,
      %add3A_340 = arith.addf %add3A_320, %select_n3A_335 : vector<16xf32>
      %mul3A_341 = arith.constant 8 : i32
      %mul3A_342 = arith.muli %scan3A_202, %mul3A_341 : i32
      %add3A_343 = arith.constant 7 : i32
      %add3A_344 = arith.addi %mul3A_342, %add3A_343 : i32
      %mul3A_345 = arith.constant 16 : i32
      %mul3A_346 = arith.muli %add3A_344, %mul3A_345 : i32
      %get3A_347 = arith.index_cast %mul3A_346 : i32 to index
      %get3A_348 = tpu.vector_load %arg4[%get3A_347] {strides = array<i32>} : memref<8208xf32, #tpu.memory_space<vmem>>, vector<16xf32>,
      %bitcast3A_349 = vector.bitcast %get3A_348 : vector<16xf32> to vector<16xi32>
      %ge3A_350 = vector.broadcast %scan3A_178#0 : i32 to vector<16xi32>
      %ge3A_351 = arith.cmpi sge, %bitcast3A_349, %ge3A_350 : vector<16xi32>
      %exp3A_352 = math.exp %get3A_348 : vector<16xf32>
      %jit3A_353 = arith.constant 0.000000e+00 : f32
      %broadcast_in_dim3A_354 = vector.broadcast %jit3A_353 : f32 to vector<16xf32>
      %select_n3A_355 = arith.select %ge3A_351, %exp3A_352, %broadcast_in_dim3A_354 : vector<16xi1>, vector<16xf32>
      %mul3A_356 = arith.constant 16 : i32
      %mul3A_357 = arith.muli %add3A_344, %mul3A_356 : i32
      %swap3A_358 = arith.index_cast %mul3A_357 : i32 to index
      %swap3A_359 = tpu.vector_load %arg5[%swap3A_358] {strides = array<i32>} : memref<8192xf32, #tpu.memory_space<vmem>>, vector<16xf32>,
      tpu.vector_store %arg5[%swap3A_358], %select_n3A_355 {strides = array<i32>} : memref<8192xf32, #tpu.memory_space<vmem>>, vector<16xf32>,
      %add3A_360 = arith.addf %add3A_340, %select_n3A_355 : vector<16xf32>
      scf.yield %add3A_360 : vector<16xf32>
    }
    %scan3A_187 = arith.constant 64 : i32
    %reduce_sum3A_188 = arith.constant true
    %reduce_sum3A_189 = vector.broadcast %reduce_sum3A_188 : i1 to vector<16xi1>
    %reduce_sum3A_190 = tpu.scan <sum>, %scan3A_186 masked %reduce_sum3A_189 : vector<16xf32>, vector<16xi1> -> vector<16xf32>
    %reduce_sum3A_191 = vector.extract %reduce_sum3A_190[15] : f32 from vector<16xf32>
    %broadcast_in_dim3A_192 = vector.broadcast %reduce_sum3A_191 : f32 to vector<16xf32>
    %broadcast_in_dim3A_193 = arith.constant 1.000000e+00 : f32
    %broadcast_in_dim3A_194 = vector.broadcast %broadcast_in_dim3A_193 : f32 to vector<16xf32>
    %div3A_195 = arith.divf %broadcast_in_dim3A_194, %broadcast_in_dim3A_192 : vector<16xf32>
    %scan3A_196 = arith.constant 0 : i32
    %scan3A_197 = arith.constant 0 : i32
    %scan3A_198 = arith.constant 64 : i32
    %scan3A_199 = arith.addi %scan3A_197, %scan3A_198 : i32
    %scan3A_200 = arith.constant 1 : i32
    scf.for %scan3A_202 = %scan3A_197 to %scan3A_199 step %scan3A_200  : i32 {
      %mul3A_203 = arith.constant 8 : i32
      %mul3A_204 = arith.muli %scan3A_202, %mul3A_203 : i32
      %add3A_205 = arith.constant 0 : i32
      %add3A_206 = arith.addi %mul3A_204, %add3A_205 : i32
      %mul3A_207 = arith.constant 16 : i32
      %mul3A_208 = arith.muli %add3A_206, %mul3A_207 : i32
      %get3A = arith.index_cast %mul3A_208 : i32 to index
      %get3A_209 = tpu.vector_load %arg5[%get3A] {strides = array<i32>} : memref<8192xf32, #tpu.memory_space<vmem>>, vector<16xf32>,
      %mul3A_210 = arith.mulf %get3A_209, %div3A_195 : vector<16xf32>
      %mul3A_211 = arith.constant 16 : i32
      %mul3A_212 = arith.muli %add3A_206, %mul3A_211 : i32
      %swap3A_213 = arith.index_cast %mul3A_212 : i32 to index
      %swap3A_214 = tpu.vector_load %arg4[%swap3A_213] {strides = array<i32>} : memref<8208xf32, #tpu.memory_space<vmem>>, vector<16xf32>,
      tpu.vector_store %arg4[%swap3A_213], %mul3A_210 {strides = array<i32>} : memref<8208xf32, #tpu.memory_space<vmem>>, vector<16xf32>,
      %mul3A_215 = arith.constant 8 : i32
      %mul3A_216 = arith.muli %scan3A_202, %mul3A_215 : i32
      %add3A_217 = arith.constant 1 : i32
      %add3A_218 = arith.addi %mul3A_216, %add3A_217 : i32
      %mul3A_219 = arith.constant 16 : i32
      %mul3A_220 = arith.muli %add3A_218, %mul3A_219 : i32
      %get3A_221 = arith.index_cast %mul3A_220 : i32 to index
      %get3A_222 = tpu.vector_load %arg5[%get3A_221] {strides = array<i32>} : memref<8192xf32, #tpu.memory_space<vmem>>, vector<16xf32>,
      %mul3A_223 = arith.mulf %get3A_222, %div3A_195 : vector<16xf32>
      %mul3A_224 = arith.constant 16 : i32
      %mul3A_225 = arith.muli %add3A_218, %mul3A_224 : i32
      %swap3A_226 = arith.index_cast %mul3A_225 : i32 to index
      %swap3A_227 = tpu.vector_load %arg4[%swap3A_226] {strides = array<i32>} : memref<8208xf32, #tpu.memory_space<vmem>>, vector<16xf32>,
      tpu.vector_store %arg4[%swap3A_226], %mul3A_223 {strides = array<i32>} : memref<8208xf32, #tpu.memory_space<vmem>>, vector<16xf32>,
      %mul3A_228 = arith.constant 8 : i32
      %mul3A_229 = arith.muli %scan3A_202, %mul3A_228 : i32
      %add3A_230 = arith.constant 2 : i32
      %add3A_231 = arith.addi %mul3A_229, %add3A_230 : i32
      %mul3A_232 = arith.constant 16 : i32
      %mul3A_233 = arith.muli %add3A_231, %mul3A_232 : i32
      %get3A_234 = arith.index_cast %mul3A_233 : i32 to index
      %get3A_235 = tpu.vector_load %arg5[%get3A_234] {strides = array<i32>} : memref<8192xf32, #tpu.memory_space<vmem>>, vector<16xf32>,
      %mul3A_236 = arith.mulf %get3A_235, %div3A_195 : vector<16xf32>
      %mul3A_237 = arith.constant 16 : i32
      %mul3A_238 = arith.muli %add3A_231, %mul3A_237 : i32
      %swap3A_239 = arith.index_cast %mul3A_238 : i32 to index
      %swap3A_240 = tpu.vector_load %arg4[%swap3A_239] {strides = array<i32>} : memref<8208xf32, #tpu.memory_space<vmem>>, vector<16xf32>,
      tpu.vector_store %arg4[%swap3A_239], %mul3A_236 {strides = array<i32>} : memref<8208xf32, #tpu.memory_space<vmem>>, vector<16xf32>,
      %mul3A_241 = arith.constant 8 : i32
      %mul3A_242 = arith.muli %scan3A_202, %mul3A_241 : i32
      %add3A_243 = arith.constant 3 : i32
      %add3A_244 = arith.addi %mul3A_242, %add3A_243 : i32
      %mul3A_245 = arith.constant 16 : i32
      %mul3A_246 = arith.muli %add3A_244, %mul3A_245 : i32
      %get3A_247 = arith.index_cast %mul3A_246 : i32 to index
      %get3A_248 = tpu.vector_load %arg5[%get3A_247] {strides = array<i32>} : memref<8192xf32, #tpu.memory_space<vmem>>, vector<16xf32>,
      %mul3A_249 = arith.mulf %get3A_248, %div3A_195 : vector<16xf32>
      %mul3A_250 = arith.constant 16 : i32
      %mul3A_251 = arith.muli %add3A_244, %mul3A_250 : i32
      %swap3A_252 = arith.index_cast %mul3A_251 : i32 to index
      %swap3A_253 = tpu.vector_load %arg4[%swap3A_252] {strides = array<i32>} : memref<8208xf32, #tpu.memory_space<vmem>>, vector<16xf32>,
      tpu.vector_store %arg4[%swap3A_252], %mul3A_249 {strides = array<i32>} : memref<8208xf32, #tpu.memory_space<vmem>>, vector<16xf32>,
      %mul3A_254 = arith.constant 8 : i32
      %mul3A_255 = arith.muli %scan3A_202, %mul3A_254 : i32
      %add3A_256 = arith.constant 4 : i32
      %add3A_257 = arith.addi %mul3A_255, %add3A_256 : i32
      %mul3A_258 = arith.constant 16 : i32
      %mul3A_259 = arith.muli %add3A_257, %mul3A_258 : i32
      %get3A_260 = arith.index_cast %mul3A_259 : i32 to index
      %get3A_261 = tpu.vector_load %arg5[%get3A_260] {strides = array<i32>} : memref<8192xf32, #tpu.memory_space<vmem>>, vector<16xf32>,
      %mul3A_262 = arith.mulf %get3A_261, %div3A_195 : vector<16xf32>
      %mul3A_263 = arith.constant 16 : i32
      %mul3A_264 = arith.muli %add3A_257, %mul3A_263 : i32
      %swap3A_265 = arith.index_cast %mul3A_264 : i32 to index
      %swap3A_266 = tpu.vector_load %arg4[%swap3A_265] {strides = array<i32>} : memref<8208xf32, #tpu.memory_space<vmem>>, vector<16xf32>,
      tpu.vector_store %arg4[%swap3A_265], %mul3A_262 {strides = array<i32>} : memref<8208xf32, #tpu.memory_space<vmem>>, vector<16xf32>,
      %mul3A_267 = arith.constant 8 : i32
      %mul3A_268 = arith.muli %scan3A_202, %mul3A_267 : i32
      %add3A_269 = arith.constant 5 : i32
      %add3A_270 = arith.addi %mul3A_268, %add3A_269 : i32
      %mul3A_271 = arith.constant 16 : i32
      %mul3A_272 = arith.muli %add3A_270, %mul3A_271 : i32
      %get3A_273 = arith.index_cast %mul3A_272 : i32 to index
      %get3A_274 = tpu.vector_load %arg5[%get3A_273] {strides = array<i32>} : memref<8192xf32, #tpu.memory_space<vmem>>, vector<16xf32>,
      %mul3A_275 = arith.mulf %get3A_274, %div3A_195 : vector<16xf32>
      %mul3A_276 = arith.constant 16 : i32
      %mul3A_277 = arith.muli %add3A_270, %mul3A_276 : i32
      %swap3A_278 = arith.index_cast %mul3A_277 : i32 to index
      %swap3A_279 = tpu.vector_load %arg4[%swap3A_278] {strides = array<i32>} : memref<8208xf32, #tpu.memory_space<vmem>>, vector<16xf32>,
      tpu.vector_store %arg4[%swap3A_278], %mul3A_275 {strides = array<i32>} : memref<8208xf32, #tpu.memory_space<vmem>>, vector<16xf32>,
      %mul3A_280 = arith.constant 8 : i32
      %mul3A_281 = arith.muli %scan3A_202, %mul3A_280 : i32
      %add3A_282 = arith.constant 6 : i32
      %add3A_283 = arith.addi %mul3A_281, %add3A_282 : i32
      %mul3A_284 = arith.constant 16 : i32
      %mul3A_285 = arith.muli %add3A_283, %mul3A_284 : i32
      %get3A_286 = arith.index_cast %mul3A_285 : i32 to index
      %get3A_287 = tpu.vector_load %arg5[%get3A_286] {strides = array<i32>} : memref<8192xf32, #tpu.memory_space<vmem>>, vector<16xf32>,
      %mul3A_288 = arith.mulf %get3A_287, %div3A_195 : vector<16xf32>
      %mul3A_289 = arith.constant 16 : i32
      %mul3A_290 = arith.muli %add3A_283, %mul3A_289 : i32
      %swap3A_291 = arith.index_cast %mul3A_290 : i32 to index
      %swap3A_292 = tpu.vector_load %arg4[%swap3A_291] {strides = array<i32>} : memref<8208xf32, #tpu.memory_space<vmem>>, vector<16xf32>,
      tpu.vector_store %arg4[%swap3A_291], %mul3A_288 {strides = array<i32>} : memref<8208xf32, #tpu.memory_space<vmem>>, vector<16xf32>,
      %mul3A_293 = arith.constant 8 : i32
      %mul3A_294 = arith.muli %scan3A_202, %mul3A_293 : i32
      %add3A_295 = arith.constant 7 : i32
      %add3A_296 = arith.addi %mul3A_294, %add3A_295 : i32
      %mul3A_297 = arith.constant 16 : i32
      %mul3A_298 = arith.muli %add3A_296, %mul3A_297 : i32
      %get3A_299 = arith.index_cast %mul3A_298 : i32 to index
      %get3A_300 = tpu.vector_load %arg5[%get3A_299] {strides = array<i32>} : memref<8192xf32, #tpu.memory_space<vmem>>, vector<16xf32>,
      %mul3A_301 = arith.mulf %get3A_300, %div3A_195 : vector<16xf32>
      %mul3A_302 = arith.constant 16 : i32
      %mul3A_303 = arith.muli %add3A_296, %mul3A_302 : i32
      %swap3A_304 = arith.index_cast %mul3A_303 : i32 to index
      %swap3A_305 = tpu.vector_load %arg4[%swap3A_304] {strides = array<i32>} : memref<8208xf32, #tpu.memory_space<vmem>>, vector<16xf32>,
      tpu.vector_store %arg4[%swap3A_304], %mul3A_301 {strides = array<i32>} : memref<8208xf32, #tpu.memory_space<vmem>>, vector<16xf32>,
    }
    %scan3A_201 = arith.constant 64 : i32
    "tpu.region"() ({
      %run_scoped3A = tpu.sem_alloc : memref<!tpu.dma_semaphore, #tpu.memory_space<semaphore_mem>>
      %dma_start3A = arith.constant 0 : i32
      %dma_start3A_202 = tpu.memref_slice %arg4[%dma_start3A] : memref<8208xf32, #tpu.memory_space<vmem>> -> memref<8192xf32, #tpu.memory_space<vmem>>
      %dma_start3A_203 = arith.constant 0 : i32
      %dma_start3A_204 = tpu.memref_slice %arg3[%add3A_3, %dma_start3A_203] : memref<32x8192xf32, #tpu.memory_space<hbm>> -> memref<1x8192xf32, #tpu.memory_space<hbm>>
      %dma_start3A_205 = tpu.memref_squeeze %dma_start3A_204 : memref<1x8192xf32, #tpu.memory_space<hbm>> -> memref<8192xf32, #tpu.memory_space<hbm>>
      %dma_start3A_206 = arith.constant 0 : i32
      %dma_start3A_207 = tpu.memref_slice %arg3[%add3A_3, %dma_start3A_206] : memref<32x8192xf32, #tpu.memory_space<hbm>> -> memref<1x8192xf32, #tpu.memory_space<hbm>>
      %dma_start3A_208 = tpu.memref_squeeze %dma_start3A_207 : memref<1x8192xf32, #tpu.memory_space<hbm>> -> memref<8192xf32, #tpu.memory_space<hbm>>
      %dma_start3A_209 = arith.constant 0 : i32
      %dma_start3A_210 = tpu.memref_slice %arg4[%dma_start3A_209] : memref<8208xf32, #tpu.memory_space<vmem>> -> memref<8192xf32, #tpu.memory_space<vmem>>
      tpu.enqueue_dma source(%dma_start3A_210 : memref<8192xf32, #tpu.memory_space<vmem>>) target(%dma_start3A_208 : memref<8192xf32, #tpu.memory_space<hbm>>) target_semaphore(%run_scoped3A : memref<!tpu.dma_semaphore, #tpu.memory_space<semaphore_mem>>)
      %dma_wait3A = arith.constant 0 : i32
      %dma_wait3A_211 = tpu.memref_slice %arg4[%dma_wait3A] : memref<8208xf32, #tpu.memory_space<vmem>> -> memref<8192xf32, #tpu.memory_space<vmem>>
      %dma_wait3A_212 = arith.constant 0 : i32
      %dma_wait3A_213 = tpu.memref_slice %arg3[%add3A_3, %dma_wait3A_212] : memref<32x8192xf32, #tpu.memory_space<hbm>> -> memref<1x8192xf32, #tpu.memory_space<hbm>>
      %dma_wait3A_214 = tpu.memref_squeeze %dma_wait3A_213 : memref<1x8192xf32, #tpu.memory_space<hbm>> -> memref<8192xf32, #tpu.memory_space<hbm>>
      %dma_wait3A_215 = arith.constant 0 : i32
      %dma_wait3A_216 = tpu.memref_slice %arg3[%add3A_3, %dma_wait3A_215] : memref<32x8192xf32, #tpu.memory_space<hbm>> -> memref<1x8192xf32, #tpu.memory_space<hbm>>
      %dma_wait3A_217 = tpu.memref_squeeze %dma_wait3A_216 : memref<1x8192xf32, #tpu.memory_space<hbm>> -> memref<8192xf32, #tpu.memory_space<hbm>>
      %dma_wait3A_218 = arith.constant 0 : i32
      %dma_wait3A_219 = tpu.memref_slice %arg4[%dma_wait3A_218] : memref<8208xf32, #tpu.memory_space<vmem>> -> memref<8192xf32, #tpu.memory_space<vmem>>
      tpu.wait_dma2 semaphore(%run_scoped3A : memref<!tpu.dma_semaphore, #tpu.memory_space<semaphore_mem>>) src(%dma_wait3A_219 : memref<8192xf32, #tpu.memory_space<vmem>>) dst(%dma_wait3A_217 : memref<8192xf32, #tpu.memory_space<hbm>>)
      tpu.yield
    }) : () -> ()
    return
  }
}

module attributes {stable_mosaic.version = 14 : i64} {
  func.func @_matvec_body(%arg0: i32, %arg1: memref<8x64x8192xf32, #tpu.memory_space<vmem>>, %arg2: memref<8x512xf32, #tpu.memory_space<vmem>>, %arg3: memref<8x8192xf32, #tpu.memory_space<vmem>>) attributes {dimension_semantics = [#tpu.dimension_semantics<arbitrary>], iteration_bounds = array<i64: 4>, scalar_prefetch = 0 : i64, scratch_operands = 0 : i64, tpu.core_type = #tpu.core_type<tc>, window_params = [{transform_indices = @transform_0, window_bounds = array<i64: 8, 64, 8192>}, {pipeline_mode = #tpu.pipeline_mode<synchronous>, transform_indices = @transform_1, window_bounds = array<i64: 8, 512>}, {transform_indices = @transform_2, window_bounds = array<i64: 8, 8192>}]} {
    %get3A = arith.constant 0 : index
    %get3A_0 = arith.constant 0 : index
    %get3A_1 = arith.constant 0 : index
    %get3A_2 = vector.load %arg1[%get3A, %get3A_0, %get3A_1] : memref<8x64x8192xf32, #tpu.memory_space<vmem>>, vector<8x64x8192xf32>
    %reshape3A = vector.shape_cast %get3A_2 : vector<8x64x8192xf32> to vector<512x8192xf32>
    %get3A_3 = arith.constant 0 : index
    %get3A_4 = arith.constant 0 : index
    %get3A_5 = vector.load %arg2[%get3A_3, %get3A_4] : memref<8x512xf32, #tpu.memory_space<vmem>>, vector<8x512xf32>
    %dot_general3A = arith.constant dense<0.000000e+00> : vector<8x8192xf32>
    %dot_general3A_6 = tpu.matmul %get3A_5, %reshape3A, %dot_general3A {dimension_numbers = #tpu.dot_dimension_numbers<[1], [0], [0], [1], [0, 0, 1, 1], [], []>, transpose_lhs_hint = false} : vector<8x512xf32>, vector<512x8192xf32>, vector<8x8192xf32> -> vector<8x8192xf32>
    %max3A = arith.constant 0.000000e+00 : f32
    %max3A_7 = vector.broadcast %max3A : f32 to vector<8x8192xf32>
    %max3A_8 = arith.maximumf %dot_general3A_6, %max3A_7 : vector<8x8192xf32>
    %swap3A = arith.constant 0 : index
    %swap3A_9 = arith.constant 0 : index
    %swap3A_10 = vector.load %arg3[%swap3A, %swap3A_9] : memref<8x8192xf32, #tpu.memory_space<vmem>>, vector<8x8192xf32>
    tpu.vector_store %arg3[%swap3A, %swap3A_9], %max3A_8 {strides = array<i32>} : memref<8x8192xf32, #tpu.memory_space<vmem>>, vector<8x8192xf32>,
    return
  }
  func.func @transform_0(%arg0: i32) -> (i32, i32, i32) {
    %add3A = arith.constant 0 : i32
    %add3A_0 = arith.addi %arg0, %add3A : i32
    %c0_i32 = arith.constant 0 : i32
    %c0_i32_1 = arith.constant 0 : i32
    %c0_i32_2 = arith.constant 0 : i32
    return %add3A_0, %c0_i32, %c0_i32_1 : i32, i32, i32
  }
  func.func @transform_1(%arg0: i32) -> (i32, i32) {
    %c0_i32 = arith.constant 0 : i32
    %c0_i32_0 = arith.constant 0 : i32
    %c0_i32_1 = arith.constant 0 : i32
    return %c0_i32, %c0_i32_0 : i32, i32
  }
  func.func @transform_2(%arg0: i32) -> (i32, i32) {
    %c0_i32 = arith.constant 0 : i32
    %c0_i32_0 = arith.constant 0 : i32
    return %arg0, %c0_i32 : i32, i32
  }
}

module attributes {stable_mosaic.version = 14 : i64} {
  func.func @_matvec_body(%arg0: i32, %arg1: memref<8x64x8192xf32, #tpu.memory_space<vmem>>, %arg2: memref<8x512xf32, #tpu.memory_space<vmem>>, %arg3: memref<8x8192xf32, #tpu.memory_space<vmem>>) attributes {dimension_semantics = [#tpu.dimension_semantics<arbitrary>], iteration_bounds = array<i64: 4>, scalar_prefetch = 0 : i64, scratch_operands = 0 : i64, tpu.core_type = #tpu.core_type<tc>, window_params = [{transform_indices = @transform_0, window_bounds = array<i64: 8, 64, 8192>}, {pipeline_mode = #tpu.pipeline_mode<synchronous>, transform_indices = @transform_1, window_bounds = array<i64: 8, 512>}, {transform_indices = @transform_2, window_bounds = array<i64: 8, 8192>}]} {
    %get3A = arith.constant 0 : index
    %get3A_0 = arith.constant 0 : index
    %get3A_1 = arith.constant 0 : index
    %get3A_2 = vector.load %arg1[%get3A, %get3A_0, %get3A_1] : memref<8x64x8192xf32, #tpu.memory_space<vmem>>, vector<8x64x8192xf32>
    %reshape3A = vector.shape_cast %get3A_2 : vector<8x64x8192xf32> to vector<512x8192xf32>
    %get3A_3 = arith.constant 0 : index
    %get3A_4 = arith.constant 0 : index
    %get3A_5 = vector.load %arg2[%get3A_3, %get3A_4] : memref<8x512xf32, #tpu.memory_space<vmem>>, vector<8x512xf32>
    %dot_general3A = arith.constant dense<0.000000e+00> : vector<8x8192xf32>
    %dot_general3A_6 = tpu.matmul %get3A_5, %reshape3A, %dot_general3A {dimension_numbers = #tpu.dot_dimension_numbers<[1], [0], [0], [1], [0, 0, 1, 1], [], []>, transpose_lhs_hint = false} : vector<8x512xf32>, vector<512x8192xf32>, vector<8x8192xf32> -> vector<8x8192xf32>
    %max3A = arith.constant 0.000000e+00 : f32
    %max3A_7 = vector.broadcast %max3A : f32 to vector<8x8192xf32>
    %max3A_8 = arith.maximumf %dot_general3A_6, %max3A_7 : vector<8x8192xf32>
    %swap3A = arith.constant 0 : index
    %swap3A_9 = arith.constant 0 : index
    %swap3A_10 = vector.load %arg3[%swap3A, %swap3A_9] : memref<8x8192xf32, #tpu.memory_space<vmem>>, vector<8x8192xf32>
    tpu.vector_store %arg3[%swap3A, %swap3A_9], %max3A_8 {strides = array<i32>} : memref<8x8192xf32, #tpu.memory_space<vmem>>, vector<8x8192xf32>,
    return
  }
  func.func @transform_0(%arg0: i32) -> (i32, i32, i32) {
    %add3A = arith.constant 4 : i32
    %add3A_0 = arith.addi %arg0, %add3A : i32
    %c0_i32 = arith.constant 0 : i32
    %c0_i32_1 = arith.constant 0 : i32
    %c0_i32_2 = arith.constant 0 : i32
    return %add3A_0, %c0_i32, %c0_i32_1 : i32, i32, i32
  }
  func.func @transform_1(%arg0: i32) -> (i32, i32) {
    %c0_i32 = arith.constant 0 : i32
    %c0_i32_0 = arith.constant 0 : i32
    %c0_i32_1 = arith.constant 0 : i32
    return %c0_i32, %c0_i32_0 : i32, i32
  }
  func.func @transform_2(%arg0: i32) -> (i32, i32) {
    %c0_i32 = arith.constant 0 : i32
    %c0_i32_0 = arith.constant 0 : i32
    return %arg0, %c0_i32 : i32, i32
  }
}

</mosaic_0001>

<sc_bundles>
// kernel: kernel.6.cloned.1.call-start
scs
__scs_entry_jumppad:
0x0: {  	(pc) =	sbr.rel $0x88, $3  }
0x1: {  	(tag) =	ssettag $0x0;
	lr =	simm.s32 $0x1  }
0x2: {  	[smem:$0x3F9F] =	sst lr;
	_ =	strace $0xD0000000  }
0x3: {  	_ = 	snop  }
0x4: {  	_ = 	snop  }
0x5: {  	_ = 	snop  }
0x6: {  	_ = 	snop  }
0x7: {  	_ = 	snop  }
__scs_overlays_trampoline_lowered:
0x8: {  	[smem:$0x3FAE] =	sst s0  }
0x9: {  	[smem:$0x3FAF] =	sst s1  }
0xa: {  	[smem:$0x3FB0] =	sst s2  }
0xb: {  	[smem:$0x3FB1] =	sst s3  }
0xc: {  	[smem:$0x3FB2] =	sst s4  }
0xd: {  	[smem:$0x3FB3] =	sst s5  }
0xe: {  	[smem:$0x3FB4] =	sst s6  }
0xf: {  	[smem:$0x3FB5] =	sst s7  }
0x10: {  	[smem:$0x3FB6] =	sst s8  }
0x11: {  	[smem:$0x3FB7] =	sst s9;
	s0 =	simm.s32 @!p0 $0x0  }
0x12: {  	s1 =	sld [smem:$0x3F9D];
	s0 =	simm.s32 @p0 $0x1  }
0x13: {  	[smem:$0x3FB8] =	sst s0;
	s0 =	simm.s32 @!p1 $0x0  }
0x14: {  	s2 =	sld [smem:$0x3F9C];
	s0 =	simm.s32 @p1 $0x1  }
0x15: {  	[smem:$0x3FB9] =	sst s0;
	s0 =	simm.s32 @!p2 $0x0  }
0x16: {  	s3 =	sld [smem:$0x3FDB];
	s0 =	simm.s32 @p2 $0x1  }
0x17: {  	s4 =	simm.s32 $0x1BF5;
	[smem:$0x3FBB] =	sst s0  }
0x18: {  	s0 =	sld [smem:$0x3F9E];
	_ =	swait.ge [sflag:s4], $0x0  }
0x19: {  	s7 =	sld [smem:$0x3F9F]  }
0x1a: {  	s8 =	sadd.s32 $0xFFFFE003, lr  }
0x1b: {  	s9 =	sadd.s32 $0xFFFFFEF7, lr;
	s5 =	simm.s32 $0xFFFFFFFF;
	p2 =	slt.u32 s8, $0xFFFFF086  }
0x1c: {  	p1 =	slt.u32 s9, $0xF7A;
	s5 =	simm.s32 @!p2 $0x0  }
0x1d: {  	s5 =	simm.s32 @p1 $0x1;
	p0 =	seq.s32 s7, s2  }
0x1e: {  	s7 =	smul.u32 @!p0 $0xF7A, s2;
	p2 =	seq.s32 @!p0 s5, $0x0  }
0x1f: {  	s9 =	smul.u32 $0xF7A, s1;
	s8 =	simm.s32 @!p0 $0x1BF5;
	p2 =	por !p2, p0  }
0x20: {  	[sflag:s8] =	ssyncset.s32 @!p0 $0xFFFFF086;
	s6 =	sadd.s32 @!p0 s3, s7;
	s7 =	simm.s32 @!p0 $0x108  }
0x21: {  	s3 =	sadd.s32 s3, s9;
	s6 =	sadd.s32 @!p0 $0x88, s6;
	s7 =	simm.s32 @p2 $0x1082  }
0x22: {  	[simem:s7], [sflag:s8] =	dma.local @!p0 [hbm:s6], $0xF7A  }
0x23: {  	s9 =	sor.u32 $0xD0000000, s2;
	s6 =	simm.s32 $0x108;
	_ =	swait.ge @!p0 [sflag:s8], $0x0  }
0x24: {  	s3 =	sadd.s32 $0x88, s3;
	s6 =	simm.s32 @!p1 $0x1082;
	[sflag:s4] =	ssyncset.s32 $0xFFFFF086  }
0x25: {  	[simem:s6], [sflag:s4] =	dma.local [hbm:s3], $0xF7A  }
0x26: {  	[smem:$0x3F9F] =	sst s1;
	(tag) =	ssettag s2;
	_ =	strace s9  }
0x27: {  	s1 =	sld [smem:$0x3FAF]  }
0x28: {  	s2 =	sld [smem:$0x3FB0]  }
0x29: {  	s4 =	sld [smem:$0x3FB2]  }
0x2a: {  	p0 =	seq.s32 s5, $0x0;
	s5 =	sld [smem:$0x3FB3]  }
0x2b: {  	s6 =	sld [smem:$0x3FB4]  }
0x2c: {  	s7 =	sld [smem:$0x3FB5]  }
0x2d: {  	s3 =	simm.s32 $0x108;
	s8 =	sld [smem:$0x3FB6]  }
0x2e: {  	s3 =	simm.s32 @!p0 $0x1082;
	s9 =	sld [smem:$0x3FB7]  }
0x2f: {  	lr =	sadd.s32 s0, s3;
	s0 =	sld [smem:$0x3FAE]  }
0x30: {  	s3 =	sld [smem:$0x3FB1]  }
0x31: {  	[smem:$0x3FBA] =	sst s10  }
0x32: {  	s10 =	sld [smem:$0x3FB8];
	_ =	sdelay $0x3  }
0x33: {  	p0 =	seq.s32 s10, $0x1;
	s10 =	sld [smem:$0x3FBA];
	_ =	sdelay $0x3  }
0x34: {  	[smem:$0x3FBA] =	sst s10  }
0x35: {  	s10 =	sld [smem:$0x3FB9];
	_ =	sdelay $0x3  }
0x36: {  	p1 =	seq.s32 s10, $0x1;
	s10 =	sld [smem:$0x3FBA];
	_ =	sdelay $0x3  }
0x37: {  	[smem:$0x3FBA] =	sst s10  }
0x38: {  	s10 =	sld [smem:$0x3FBB]  }
0x39: {  	_ = 	snop;
	(pc) =	sbr.ind lr, $3  }
0x3a: {  	_ = 	snop  }
0x3b: {  	_ = 	snop  }
0x3c: {  	p2 =	seq.s32 s10, $0x1;
	s10 =	sld [smem:$0x3FBA]  }
0x3d: {  	_ =	shalt  }
0x3e: {  	_ =	shalt  }
0x3f: {  	_ =	shalt  }
0x40: {  	_ =	shalt  }
0x41: {  	_ =	shalt  }
0x42: {  	_ =	shalt  }
0x43: {  	_ =	shalt  }
0x44: {  	_ =	shalt  }
0x45: {  	_ =	shalt  }
0x46: {  	_ =	shalt  }
0x47: {  	_ =	shalt  }
0x48: {  	_ =	shalt  }
0x49: {  	_ =	shalt  }
0x4a: {  	_ =	shalt  }
0x4b: {  	_ =	shalt  }
0x4c: {  	_ =	shalt  }
0x4d: {  	_ =	shalt  }
0x4e: {  	_ =	shalt  }
0x4f: {  	_ =	shalt  }
0x50: {  	_ =	shalt  }
0x51: {  	_ =	shalt  }
0x52: {  	_ =	shalt  }
0x53: {  	_ =	shalt  }
0x54: {  	_ =	shalt  }
0x55: {  	_ =	shalt  }
0x56: {  	_ =	shalt  }
0x57: {  	_ =	shalt  }
0x58: {  	_ =	shalt  }
0x59: {  	_ =	shalt  }
0x5a: {  	_ =	shalt  }
0x5b: {  	_ =	shalt  }
0x5c: {  	_ =	shalt  }
0x5d: {  	_ =	shalt  }
0x5e: {  	_ =	shalt  }
0x5f: {  	_ =	shalt  }
0x60: {  	_ =	shalt  }
0x61: {  	_ =	shalt  }
0x62: {  	_ =	shalt  }
0x63: {  	_ =	shalt  }
0x64: {  	_ =	shalt  }
0x65: {  	_ =	shalt  }
0x66: {  	_ =	shalt  }
0x67: {  	_ =	shalt  }
0x68: {  	_ =	shalt  }
0x69: {  	_ =	shalt  }
0x6a: {  	_ =	shalt  }
0x6b: {  	_ =	shalt  }
0x6c: {  	_ =	shalt  }
0x6d: {  	_ =	shalt  }
0x6e: {  	_ =	shalt  }
0x6f: {  	_ =	shalt  }
0x70: {  	_ =	shalt  }
0x71: {  	_ =	shalt  }
0x72: {  	_ =	shalt  }
0x73: {  	_ =	shalt  }
0x74: {  	_ =	shalt  }
0x75: {  	_ =	shalt  }
0x76: {  	_ =	shalt  }
0x77: {  	_ =	shalt  }
0x78: {  	_ =	shalt  }
0x79: {  	_ =	shalt  }
0x7a: {  	_ =	shalt  }
0x7b: {  	_ =	shalt  }
0x7c: {  	_ =	shalt  }
0x7d: {  	_ =	shalt  }
0x7e: {  	_ =	shalt  }
0x7f: {  	_ =	shalt  }
0x80: {  	_ =	shalt  }
0x81: {  	_ =	shalt  }
0x82: {  	_ =	shalt  }
0x83: {  	_ =	shalt  }
0x84: {  	_ =	shalt  }
0x85: {  	_ =	shalt  }
0x86: {  	_ =	shalt  }
0x87: {  	_ =	shalt  }
.Lfunc_end0:
.L_simem_size_0:
called_computation_lowered:
.L_overlay_start_0:
0x88: {  	s2 =	sld [smem:$0x3FD9]  }
0x89: {  	s3 =	sld [smem:$0x3FFE];
	_ =	sdelay $0x1  }
0x8a: {  	s1 =	srdreg.scid  }
0x8b: {  	s0 =	sand.u32 $0x1, s1  }
0x8c: {  	s16 =	sshll.u32 s0, $0xA;
	s2 =	sadd.s32 s3, s2  }
0x8d: {  	s2 =	sadd.s32 s2, s16  }
0x8e: {  	[smem:$0x3FC6] =	sst s2  }
0x8f: {  	_ = 	snop  }
0x90: {  	(tm) =	ssettm $0x1  }
0x91: {  	s17 =	sld [smem:$0x3FFB];
	_ =	sdelay $0x3  }
0x92: {  	_ =	strace s17  }
0x93: {  	s2 =	sld [smem:$0x3FFC];
	_ =	sdelay $0x3  }
0x94: {  	_ =	strace s2  }
0x95: {  	s2 =	sld [smem:$0x3FFD];
	_ =	sdelay $0x3  }
0x96: {  	_ =	strace s2  }
0x97: {  	_ =	strace $0x8FFFFFFF  }
0x98: {  	s18 =	sld [smem:$0x3FDB];
	_ =	sdelay $0x1  }
0x99: {  	s19 =	simm.s32 $_scs_section_size  }
0x9a: {  	s4 =	simm.s32 $_size__tile_overlayer_lowered;
	s5 =	simm.s32 $_tile_overlayer_lowered  }
0x9b: {  	s22 =	simm.s32 $0x1BFF;
	s21 =	sshll.u32 s5, $0x1;
	s2 =	sadd.s32 s19, s18  }
0x9c: {  	s6 =	simm.s32 $0x0;
	s20 =	sshll.u32 s4, $0x1;
	s4 =	sadd.s32 s21, s2  }
0x9d: {  	[timem:s6], [sflag:s22] =	dma.local [hbm:s4], s20  }
0x9e: {  	_ =	swait.ge [sflag:s22], s20  }
0x9f: {  	s3 =	ssub.s32 $0x0, s20;
	[sflag:s22] =	ssyncset.done $0x0  }
0xa0: {  	[sflag:s22] =	ssyncadd.s32 s3;
	_ =	sdelay $0x1  }
0xa1: {  	s23 =	simm.s32 $0x1B8B  }
0xa2: {  	_ =	swait.ge [sflag:s23], $0x1  }
0xa3: {  	[sflag:s23] =	ssyncset.done $0x0  }
0xa4: {  	s25 =	simm.s32 $0x1B8E;
	s24 =	sld [smem:$0x3FFE];
	[sflag:s23] =	ssyncadd.s32 $0xFFFFFFFF  }
0xa5: {  	s26 =	simm.s32 $execute0_lowered;
	[smem:$0x3FD2] =	sst s25  }
0xa6: {  	s4 =	sshll.u32 s26, $0x1;
	_ =	strace $0x80000046;
	[dreg:$0x1] =	wrdreg $0xFFFFFFFF  }
0xa7: {  	s28 =	simm.s32 $_size_execute0_lowered;
	s2 =	sadd.s32 s2, s4;
	[dreg:$0x0] =	wrdreg $0x0  }
0xa8: {  	s4 =	sshll.u32 s28, $0x1;
	[dreg:$0x2] =	wrdreg s2  }
0xa9: {  	[dreg:$0x3] =	wrdreg s4  }
0xaa: {  	[dreg:$0x4] =	wrdreg $0xC0  }
0xab: {  	_ =	task [dreg:s6], $0x5FFFF  }
0xac: {  	[dreg:$0x1] =	wrdreg $0xFFFFFFFF  }
0xad: {  	[dreg:$0x0] =	wrdreg $0x60  }
0xae: {  	[dreg:$0x2] =	wrdreg s24  }
0xaf: {  	[dreg:$0x3] =	wrdreg $0x9  }
0xb0: {  	_ =	task.clear_ibuf [dreg:s6], $0x4FFFF;
	_ =	strace $0x90000046  }
0xb1: {  	s29 =	simm.s32 $0x9;
	_ =	strace $0x80000048  }
0xb2: {  	_ =	swait.ge [sflag:s29], $0x1  }
0xb3: {  	[sflag:s29] =	ssyncadd.s32 $0xFFFFFFFF  }
0xb4: {  	_ =	strace $0x90000048  }
0xb5: {  	_ =	sfence  }
0xb6: {  	s30 =	sld [smem:$0x0];
	_ =	sdelay $0x2  }
0xb7: {  	s31 =	sshll.u32 s1, $0xD;
	s1 =	sshrl.u32 s1, $0x2  }
0xb8: {  	s3 =	sand.u32 $0x4000, s31;
	s1 =	sadd.s32 s1, s30  }
0xb9: {  	s0 =	sor.u32 s3, s0;
	s1 =	sshll.u32 s1, $0x11  }
0xba: {  	s0 =	sor.u32 s1, s0  }
0xbb: {  	s0 =	sadd.s32 $0x8F2B, s0  }
0xbc: {  	[sflag:s0] =	ssyncadd.remote.s32 $0x1  }
0xbd: {  	_ =	sfence.sel $0xFFFF  }
0xbe: {  	[dreg:$0x0] =	wrdreg $0xFFFFFFFF;
	(pc) =	sbr.abs _section_cstart, $3  }
0xbf: {  	[dreg:$0x1] =	wrdreg $0xFFFFFFFF  }
0xc0: {  	_ =	task.clear_ibuf [dreg:s6], $0x2FFFF;
	_ =	strace $0x9FFFFFFF  }
0xc1: {  	(tm) =	ssettm $0x7FFFFFFF  }
tec
execute0_lowered:
.L_overlay_start_1:
0x0: {  	(tag) =	ssettag $0x1  }
0x1: {  	s3 =	rddreg [dreg:$0x0]  }
0x2: {  	s2 =	srdreg.scid;
	s1 =	stileid.u32  }
0x3: {  	s0 =	rddreg [dreg:$0x1];
	s8 =	simm.s32 $0x1;
	s9 =	simm.s32 $0x200  }
0x4: {  	s10 =	simm.s32 $0x0;
	s4 =	sand.u32 $0x1, s2;
	s29 =	sshll.u32 s1, $0x5  }
0x5: {  	s5 =	sshll.u32 s1, $0xB;
	s2 =	simm.s32 $0x0;
	s6 =	sshll.u32 s4, $0x4  }
0x6: {  	s7 =	sand.u32 $0x60, s29;
	s5 =	sand.u32 $0x6000, s5;
	[smem:$0x7FF] =	sst s2  }
0x7: {  	s4 =	ssub.s32 $0x2, s4;
	s6 =	sor.u32 s6, s7;
	_ =	strace $0x80000047  }
0x8: {  	s30 =	sshrl.u32 s4, $0x1;
	s7 =	simm.s32 $0x400;
	s5 =	sor.u32 s5, s6  }
0x9: {  	s31 =	ssub.s32 s4, s30;
	s6 =	simm.s32 $0x80;
	s5 =	sadd.s32 s5, s3  }
0xa: {  	v0 =	vimm.f32 $NaN;
	v1 =	vimm.s32 $0x0;
	s3 =	sadd.s32 $0xC00, s5;
	s4 =	sadd.s32 $0x8C00, s5;
	s5 =	smax.u32 s31, $0x1  }
.LBB2_1:
0xb: {  	[tilespmem:s2], [sflag:$0x1] =	stream.strided.gather [hbm4b:s3+s6], $0x2000, s7, s6, $0x38;
	[tilespmem:$0x4080] =	vst v63  }
0xc: {  	_ =	swait.ge [sflag:s8], $0x2000  }
0xd: {  	[sflag:s8] =	ssyncset.done $0x0  }
0xe: {  	[sflag:s8] =	ssyncadd.s32 $0xFFFFE000  }
0xf: {  	s13 =	simm.s32 $0x7F7FFFFF;
	s11 =	simm.s32 $0x0;
	s12 =	simm.s32 $0x0;
	[tilespmem:$0x2000] =	vst v0  }
.LBB2_2:
0x10: {  	s17 =	simm.s32 $0x0  }
0x11: {  	s14 =	ssub.s32 s13, s11;
	v3 =	vld [tilespmem:s17+$0x0]  }
0x12: {  	s14 =	sadd.s32 $0x1, s14;
	v5 =	vld [tilespmem:s17+$0x10]  }
0x13: {  	v7 =	vld [tilespmem:s17+$0x20];
	s14 =	sshra.s32 s14, $0x1  }
0x14: {  	v6 =	vld [tilespmem:s17+$0x30];
	s15 =	sadd.s32 s11, s14  }
0x15: {  	v4 =	vld [tilespmem:s17+$0x40];
	v2 =	vmov s15  }
0x16: {  	vm0 =	vge.s32 v3, v2;
	v3 =	vld [tilespmem:s17+$0x50]  }
0x17: {  	v8 =	vimm.s32 $0x0;
	v9 =	vsel vm0, $0x1, v1;
	vm0 =	vge.s32 v5, v2;
	v5 =	vld [tilespmem:s17+$0x60]  }
0x18: {  	s16 =	simm.s32 $0x400;
	s14 =	simm.s32 $0x80;
	v8 =	vadd.s32 v9, v8;
	v9 =	vsel vm0, $0x1, v1;
	vm0 =	vge.s32 v7, v2;
	v7 =	vld [tilespmem:s17+$0x70]  }
.LBB2_3:
0x19: {  	p0 =	sne.s32 s16, $0x7E00;
	v10 =	vld [tilespmem:s14+$0x0];
	v8 =	vadd.s32 v9, v8;
	v9 =	vsel vm0, $0x1, v1;
	vm0 =	vge.s32 v6, v2  }
0x1a: {  	v11 =	vld [tilespmem:s14+$0x10];
	v6 =	vadd.s32 v9, v8;
	v8 =	vsel vm0, $0x1, v1;
	vm0 =	vge.s32 v4, v2  }
0x1b: {  	v12 =	vld [tilespmem:s14+$0x20];
	v4 =	vadd.s32 v8, v6;
	v8 =	vsel vm0, $0x1, v1;
	vm0 =	vge.s32 v3, v2  }
.Ltmp0:
0x1c: {  	v6 =	vld [tilespmem:s14+$0x30];
	v3 =	vadd.s32 v8, v4;
	v8 =	vsel vm0, $0x1, v1;
	vm0 =	vge.s32 v5, v2;
	(pc) =	sbr.rel @p0 .LBB2_3-.Ltmp0, $4  }
0x1d: {  	v4 =	vld [tilespmem:s14+$0x40];
	v5 =	vadd.s32 v8, v3;
	v8 =	vsel vm0, $0x1, v1;
	vm0 =	vge.s32 v7, v2  }
0x1e: {  	vm1 =	vge.s32 v10, v2;
	v3 =	vld [tilespmem:s14+$0x50];
	v7 =	vadd.s32 v8, v5;
	v8 =	vsel vm0, $0x1, v1  }
0x1f: {  	v9 =	vsel vm1, $0x1, v1;
	vm0 =	vge.s32 v11, v2;
	v5 =	vld [tilespmem:s14+$0x60];
	v7 =	vadd.s32 v8, v7  }
0x20: {  	v8 =	vadd.s32 v9, v7;
	v9 =	vsel vm0, $0x1, v1;
	vm0 =	vge.s32 v12, v2;
	v7 =	vld [tilespmem:s14+$0x70];
	s14 =	sshra.s32 s16, $0x2;
	s16 =	sadd.s32 $0x200, s16  }
0x21: {  	v10 =	vld [tilespmem:s14+$0x0];
	v8 =	vadd.s32 v9, v8;
	v47 =	vsel vm0, $0x1, v1;
	vm4 =	vge.s32 v6, v2  }
0x22: {  	v48 =	vld [tilespmem:s14+$0x10];
	v8 =	vadd.s32 v47, v8;
	v49 =	vsel vm4, $0x1, v1;
	vm5 =	vge.s32 v4, v2  }
0x23: {  	v50 =	vld [tilespmem:s14+$0x20];
	v8 =	vadd.s32 v49, v8;
	v51 =	vsel vm5, $0x1, v1;
	vm6 =	vge.s32 v3, v2  }
0x24: {  	v3 =	vld [tilespmem:s14+$0x30];
	v8 =	vadd.s32 v51, v8;
	v52 =	vsel vm6, $0x1, v1;
	vm7 =	vge.s32 v5, v2  }
0x25: {  	v53 =	vld [tilespmem:s14+$0x40];
	v8 =	vadd.s32 v52, v8;
	v54 =	vsel vm7, $0x1, v1;
	vm8 =	vge.s32 v7, v2  }
0x26: {  	v55 =	vld [tilespmem:s14+$0x50];
	vm1 =	vge.s32 v10, v2;
	v8 =	vadd.s32 v54, v8;
	v56 =	vsel vm8, $0x1, v1  }
0x27: {  	v57 =	vld [tilespmem:s14+$0x60];
	vm9 =	vge.s32 v48, v2;
	v10 =	vsel vm1, $0x1, v1;
	v8 =	vadd.s32 v56, v8  }
0x28: {  	v59 =	vld [tilespmem:s14+$0x70];
	vm10 =	vge.s32 v50, v2;
	v58 =	vsel vm9, $0x1, v1;
	v8 =	vadd.s32 v10, v8  }
0x29: {  	v60 =	vsel vm10, $0x1, v1;
	vm11 =	vge.s32 v3, v2;
	v8 =	vadd.s32 v58, v8  }
0x2a: {  	vm12 =	vge.s32 v53, v2;
	v61 =	vsel vm11, $0x1, v1;
	v3 =	vadd.s32 v60, v8  }
0x2b: {  	vm13 =	vge.s32 v55, v2;
	v5 =	vsel vm12, $0x1, v1;
	v3 =	vadd.s32 v61, v3  }
0x2c: {  	vm14 =	vge.s32 v57, v2;
	v62 =	vsel vm13, $0x1, v1;
	v3 =	vadd.s32 v5, v3  }
0x2d: {  	vm15 =	vge.s32 v59, v2;
	v63 =	vsel vm14, $0x1, v1;
	v3 =	vadd.s32 v62, v3  }
0x2e: {  	v2 =	vadd.s32 v63, v3;
	v3 =	vsel vm15, $0x1, v1  }
0x2f: {  	v2 =	vadd.s32 v3, v2  }
0x30: {  	(xrf0) =	vadd.scan.msk.s32 $0xffff, v2;
	_ =	sdelay $0x5  }
0x31: {  	v2, _, _ =	vpop (xrf0)  }
0x32: {  	(v2sf) =	vpush v2, $0xF;
	_ =	sdelay $0xb  }
0x33: {  	s12 =	sadd.s32 $0x1, s12  }
0x34: {  	p1 =	seq.s32 s12, $0x6  }
.Ltmp1:
0x35: {  	_ = 	snop;
	(pc) =	sbr.rel @!p1 .LBB2_2-.Ltmp1, $4  }
0x36: {  	s31 =	spop (v2sf)  }
0x37: {  	s14 =	sadd.s32 $0xFFFFFFFF, s15;
	p0 =	sgt.s32 s31, $0x3F  }
0x38: {  	s14 =	smov.u32 @p0 s13  }
0x39: {  	s11 =	smov.u32 @p0 s15;
	s13 =	smov.u32 s14  }
0x3a: {  	s13 =	simm.s32 $0x40  }
0x3b: {  	v5 =	vld [tilespmem:s13+$0xFFFFFFD0]  }
0x3c: {  	v7 =	vld [tilespmem:s13+$0x0]  }
0x3d: {  	v8 =	vld [tilespmem:s13+$0x20]  }
0x3e: {  	v10 =	vld [tilespmem:s13+$0xFFFFFFF0]  }
0x3f: {  	v9 =	vld [tilespmem:s13+$0xFFFFFFE0]  }
0x40: {  	v3 =	vmov s11;
	v11 =	vld [tilespmem:s13+$0xFFFFFFC0]  }
0x41: {  	v2 =	vmov s14;
	v4 =	vimm.s32 $0x0;
	v14 =	vld [tilespmem:s13+$0x30];
	vm0 =	vge.s32 v5, v3  }
0x42: {  	v6 =	vld [tilespmem:s13+$0x10];
	vm1 =	vle.s32 v5, v2;
	vm8 =	vge.s32 v7, v3;
	vm2 =	vle.s32 v7, v2  }
0x43: {  	vm9 =	vge.s32 v8, v3;
	vm3 =	vle.s32 v8, v2;
	vm11 =	vge.s32 v10, v3  }
0x44: {  	vm12 =	vge.s32 v9, v3;
	vm13 =	vle.s32 v10, v2;
	vm0 =	vmand vm0, vm1  }
0x45: {  	vm4 =	vge.s32 v11, v3;
	vm5 =	vle.s32 v11, v2;
	v12 =	vmpcnt.ones.xlane vm0  }
0x46: {  	vm15 =	vle.s32 v9, v2;
	vm7 =	vge.s32 v14, v3;
	vm0 =	vmand vm8, vm2  }
0x47: {  	vm1 =	vle.s32 v6, v2;
	(v2sf) =	vpush v12, $0x0;
	v12 =	vmpcnt.ones.xlane vm0  }
0x48: {  	vm10 =	vmand vm9, vm3;
	vm14 =	vmand vm4, vm5;
	vm5 =	vge.s32 v6, v3  }
0x49: {  	v13 =	vmpcnt.ones.xlane vm10;
	vm0 =	vmand vm11, vm13;
	(v2sf) =	vpush v12, $0x0  }
0x4a: {  	vm6 =	vmand vm12, vm15;
	vm9 =	vgt.s32 v5, v2;
	v12 =	vmpcnt.ones.xlane vm0  }
0x4b: {  	s23 =	simm.s32 $0xC0;
	vm15 =	vgt.s32 v6, v2;
	(v2sf) =	vpush v13, $0x0;
	v13 =	vmpcnt.ones.xlane vm14  }
0x4c: {  	v18 =	vld [tilespmem:s23+$0xFFFFFFC0];
	v15 =	vmpcnt.ones.xlane vm6;
	vm0 =	vmand vm5, vm1;
	(v2sf) =	vpush v12, $0x0  }
0x4d: {  	v6 =	vld [tilespmem:s23+$0xFFFFFFF0];
	vm8 =	vle.s32 v14, v2;
	v12 =	vmpcnt.ones.xlane vm0;
	(v2sf) =	vpush v13, $0x0  }
0x4e: {  	vm12 =	vgt.s32 v8, v2;
	vm1 =	vmand vm7, vm8;
	(v2sf) =	vpush v15, $0x0  }
0x4f: {  	vm10 =	vgt.s32 v11, v2;
	v5 =	vmpcnt.ones.xlane vm1;
	(v2sf) =	vpush v12, $0x0  }
0x50: {  	v11 =	vsel vm9, $0x1, v1;
	vm11 =	vgt.s32 v9, v2;
	vm13 =	vgt.s32 v14, v2  }
0x51: {  	v14 =	vsel vm15, $0x1, v1;
	vm15 =	vge.s32 v18, v3;
	v15 =	vld [tilespmem:s23+$0xFFFFFFD0];
	(v2sf) =	vpush v5, $0x0  }
0x52: {  	v17 =	vsel vm13, $0x1, v1;
	vm8 =	vgt.s32 v10, v2;
	vm2 =	vge.s32 v6, v3  }
0x53: {  	vm4 =	vle.s32 v6, v2;
	vm14 =	vgt.s32 v7, v2;
	v13 =	vsel vm10, $0x1, v1  }
0x54: {  	s18 =	simm.s32 $0x0;
	s12 =	simm.s32 $0x7;
	s21 =	simm.s32 $0x1;
	v16 =	vsel vm8, $0x1, v1;
	vm1 =	vgt.s32 v18, v2;
	v9 =	vadd.s32 v13, v4;
	v13 =	vld [tilespmem:s23+$0xFFFFFFE0]  }
0x55: {  	s20 =	simm.s32 $0x1;
	s22 =	simm.s32 $0x4;
	s19 =	simm.s32 $0x5;
	vm8 =	vle.s32 v18, v2;
	v4 =	vld [tilespmem:s23+$0x0];
	v12 =	vsel vm11, $0x1, v1;
	v11 =	vadd.s32 v11, v9  }
0x56: {  	s31 =	simm.s32 $0x2;
	s25 =	simm.s32 $0x3;
	s26 =	simm.s32 $0x0;
	v11 =	vadd.s32 v12, v11;
	vm10 =	vge.s32 v15, v3;
	vm11 =	vle.s32 v15, v2  }
0x57: {  	s29 =	simm.s32 $0x1;
	s13 =	simm.s32 $0xF;
	vm9 =	vgt.s32 v15, v2;
	v15 =	vsel vm12, $0x1, v1;
	vm12 =	vmand vm10, vm11;
	s15 =	spop (v2sf)  }
0x58: {  	[smem:s18] =	sst s26;
	v8 =	vld [tilespmem:s23+$0x20];
	v10 =	vsel vm14, $0x1, v1;
	v11 =	vadd.s32 v16, v11;
	v9 =	vmpcnt.ones.xlane vm12;
	p0 =	sgt.s32 s15, $0x0;
	s16 =	spop (v2sf)  }
0x59: {  	s18 =	simm.s32 $0x1;
	vm2 =	vmand vm2, vm4;
	v10 =	vadd.s32 v10, v11;
	vm13 =	vgt.s32 v13, v2;
	s21 =	simm.s32 @!p0 $0x0;
	p0 =	sgt.s32 s16, $0x0  }
0x5a: {  	v5 =	vld [tilespmem:s23+$0x10];
	vm6 =	vge.s32 v4, v3;
	vm7 =	vle.s32 v4, v2;
	(v2sf) =	vpush v9, $0x0;
	s15 =	simm.s32 $0x17;
	s17 =	spop (v2sf);
	s20 =	simm.s32 @!p0 $0x0  }
0x5b: {  	vm0 =	vge.s32 v13, v3;
	v10 =	vadd.s32 v14, v10;
	vm6 =	vmand vm6, vm7;
	p0 =	sgt.s32 s17, $0x0;
	s17 =	simm.s32 $0x1;
	s24 =	spop (v2sf)  }
0x5c: {  	v19 =	vsel vm9, $0x1, v1;
	v7 =	vsel vm13, $0x1, v1;
	v63 =	vmpcnt.ones.xlane vm6;
	v9 =	vld [tilespmem:s23+$0x30];
	s16 =	simm.s32 $0x6;
	s17 =	simm.s32 @!p0 $0x0;
	s28 =	spop (v2sf)  }
0x5d: {  	vm9 =	vle.s32 v8, v2;
	vm7 =	vmand vm15, vm8;
	v10 =	vadd.s32 v15, v10;
	p2 =	sgt.s32 s24, $0x0;
	s24 =	simm.s32 $0x1;
	s26 =	spop (v2sf)  }
0x5e: {  	vm15 =	vle.s32 v13, v2;
	vm12 =	vge.s32 v8, v3;
	(v2sf) =	vpush v63, $0x0;
	p0 =	sgt.s32 s28, $0x0;
	p1 =	sgt.s32 s26, $0x0;
	s28 =	spop (v2sf)  }
0x5f: {  	v13 =	vmpcnt.ones.xlane vm2;
	vm3 =	vle.s32 v5, v2;
	vm6 =	vmand vm12, vm9;
	s18 =	simm.s32 @!p0 $0x0;
	s26 =	simm.s32 $0x1;
	p0 =	sgt.s32 s28, $0x0  }
0x60: {  	vm14 =	vge.s32 v5, v3;
	v10 =	vadd.s32 v17, v10;
	v12 =	vmpcnt.ones.xlane vm6;
	s30 =	spop (v2sf);
	s18 =	sadd.s32 $0x0, s18;
	s28 =	simm.s32 $0x1  }
0x61: {  	vm3 =	vmand vm14, vm3;
	vm13 =	vge.s32 v9, v3;
	vm14 =	vle.s32 v9, v2;
	s26 =	simm.s32 @!p1 $0x0;
	s28 =	simm.s32 @!p2 $0x0;
	[smem:s18] =	sst s29  }
0x62: {  	v14 =	vmpcnt.ones.xlane vm7;
	vm5 =	vmand vm13, vm14;
	(v2sf) =	vpush v12, $0x0;
	s18 =	sadd.s32 s21, s18;
	p1 =	sgt.s32 s30, $0x0;
	s24 =	simm.s32 @!p0 $0x0  }
0x63: {  	vm0 =	vmand vm0, vm15;
	v11 =	vmpcnt.ones.xlane vm5;
	v12 =	vsel vm1, $0x1, v1;
	[smem:s18] =	sst s31;
	s21 =	sadd.s32 s26, s18;
	s18 =	simm.s32 $0x140  }
0x64: {  	v10 =	vadd.s32 v12, v10;
	v12 =	vmpcnt.ones.xlane vm0;
	(v2sf) =	vpush v13, $0x0;
	[smem:s21] =	sst s25;
	s31 =	sadd.s32 s28, s21;
	s21 =	simm.s32 $0x1  }
0x65: {  	v13 =	vmpcnt.ones.xlane vm3;
	v10 =	vadd.s32 v19, v10;
	(v2sf) =	vpush v14, $0x0;
	[smem:s31] =	sst s22;
	s20 =	sadd.s32 s20, s31;
	s21 =	simm.s32 @!p1 $0x0  }
.LBB2_6:
0x66: {  	p0 =	sne.s32 s15, $0x1FF  }
0x67: {  	v14 =	vld [tilespmem:s18+$0xFFFFFFD0];
	vm0 =	vgt.s32 v8, v2;
	vm1 =	vgt.s32 v9, v2;
	(v2sf) =	vpush v12, $0x0;
	[smem:s20] =	sst s19;
	s19 =	sadd.s32 s24, s20;
	s22 =	smov.u32 s15  }
0x68: {  	s15 =	sadd.s32 $0x8, s15;
	vm2 =	vgt.s32 v6, v2;
	vm3 =	vgt.s32 v4, v2;
	v4 =	vld [tilespmem:s18+$0x0];
	(v2sf) =	vpush v13, $0x0;
	[smem:s19] =	sst s16;
	s16 =	sadd.s32 s17, s19  }
0x69: {  	vm4 =	vgt.s32 v5, v2;
	v5 =	vld [tilespmem:s18+$0x10];
	s17 =	spop (v2sf);
	(v2sf) =	vpush v11, $0x0;
	[smem:s16] =	sst s12;
	s20 =	sadd.s32 s21, s16  }
0x6a: {  	s12 =	smov.u32 s13;
	s13 =	smov.u32 s22;
	v12 =	vld [tilespmem:s18+$0xFFFFFFE0];
	p1 =	sgt.s32 s17, $0x0  }
0x6b: {  	v13 =	vsel vm4, $0x1, v1;
	v11 =	vsel vm3, $0x1, v1;
	v6 =	vld [tilespmem:s18+$0xFFFFFFF0]  }
0x6c: {  	v16 =	vsel vm2, $0x1, v1;
	v17 =	vsel vm1, $0x1, v1;
	v15 =	vld [tilespmem:s18+$0xFFFFFFC0];
	vm3 =	vgt.s32 v14, v2  }
0x6d: {  	s22 =	simm.s32 $0x1;
	vm1 =	vge.s32 v14, v3;
	vm2 =	vle.s32 v14, v2;
	v14 =	vsel vm0, $0x1, v1;
	s16 =	spop (v2sf)  }
0x6e: {  	s21 =	simm.s32 $0x1;
	s22 =	simm.s32 @!p1 $0x0;
	vm0 =	vmand vm1, vm2;
	v18 =	vsel vm3, $0x1, v1;
	vm3 =	vle.s32 v5, v2;
	p1 =	sgt.s32 s16, $0x0  }
0x6f: {  	v9 =	vmpcnt.ones.xlane vm0;
	vm5 =	vge.s32 v5, v3;
	vm0 =	vgt.s32 v12, v2;
	v8 =	vld [tilespmem:s18+$0x20];
	s21 =	simm.s32 @!p1 $0x0  }
0x70: {  	vm6 =	vge.s32 v4, v3;
	v19 =	vsel vm0, $0x1, v1;
	vm2 =	vge.s32 v6, v3  }
0x71: {  	s23 =	sadd.s32 $0xFFFFFFFD, s12;
	s19 =	sadd.s32 $0xFFFFFFFE, s12;
	vm7 =	vle.s32 v4, v2;
	vm0 =	vge.s32 v12, v3;
	(v2sf) =	vpush v9, $0x0;
	s17 =	spop (v2sf)  }
0x72: {  	vm8 =	vmand vm6, vm7;
	s16 =	sadd.s32 $0xFFFFFFFF, s12;
	vm4 =	vle.s32 v6, v2;
	vm1 =	vgt.s32 v15, v2;
	v9 =	vld [tilespmem:s18+$0x30];
	p1 =	sgt.s32 s17, $0x0;
	s17 =	simm.s32 $0x1  }
0x73: {  	s24 =	sadd.s32 $0xFFFFFFFB, s12;
	s25 =	sadd.s32 $0xFFFFFFFC, s12;
	vm6 =	vge.s32 v15, v3;
	vm7 =	vle.s32 v15, v2;
	v15 =	vmpcnt.ones.xlane vm8;
	s17 =	simm.s32 @!p1 $0x0  }
0x74: {  	v10 =	vadd.s32 v7, v10;
	s28 =	sadd.s32 $0xFFFFFFF9, s12;
	s29 =	sadd.s32 $0xFFFFFFFA, s12;
	v7 =	vmovc v19;
	vm8 =	vge.s32 v8, v3;
	vm9 =	vle.s32 v8, v2;
	s26 =	spop (v2sf)  }
0x75: {  	v10 =	vadd.s32 v16, v10;
	s18 =	sadd.s32 $0x80, s18;
	vm8 =	vmand vm8, vm9;
	(v2sf) =	vpush v15, $0x0;
	s30 =	spop (v2sf);
	p2 =	sgt.s32 s26, $0x0  }
0x76: {  	v10 =	vadd.s32 v11, v10;
	vm3 =	vmand vm5, vm3;
	v15 =	vmpcnt.ones.xlane vm8;
	[smem:s20] =	sst s28;
	p1 =	sgt.s32 s30, $0x0;
	s28 =	spop (v2sf)  }
0x77: {  	p3 =	sgt.s32 s28, $0x0;
	s26 =	spop (v2sf);
	s28 =	simm.s32 $0x1  }
0x78: {  	v10 =	vadd.s32 v13, v10;
	s30 =	simm.s32 $0x1;
	vm5 =	vge.s32 v9, v3;
	vm8 =	vle.s32 v9, v2;
	s28 =	simm.s32 @!p1 $0x0;
	p1 =	sgt.s32 s26, $0x0  }
0x79: {  	v10 =	vadd.s32 v14, v10;
	vm6 =	vmand vm6, vm7;
	vm5 =	vmand vm5, vm8;
	s26 =	spop (v2sf);
	s20 =	sadd.s32 s28, s20;
	s28 =	simm.s32 $0x1  }
0x7a: {  	vm2 =	vmand vm2, vm4;
	s30 =	simm.s32 @!p2 $0x0;
	v11 =	vmpcnt.ones.xlane vm5;
	(v2sf) =	vpush v15, $0x0;
	p2 =	sgt.s32 s26, $0x0;
	s28 =	simm.s32 @!p3 $0x0  }
.Ltmp2:
0x7b: {  	v10 =	vadd.s32 v17, v10;
	vm4 =	vle.s32 v12, v2;
	v13 =	vmpcnt.ones.xlane vm2;
	[smem:s20] =	sst s29;
	s20 =	sadd.s32 s22, s20;
	(pc) =	sbr.rel @p0 .LBB2_6-.Ltmp2, $4  }
0x7c: {  	v12 =	vsel vm1, $0x1, v1;
	vm0 =	vmand vm0, vm4;
	v14 =	vmpcnt.ones.xlane vm6;
	[smem:s20] =	sst s24;
	s20 =	sadd.s32 s28, s20;
	s24 =	simm.s32 $0x1  }
0x7d: {  	v10 =	vadd.s32 v12, v10;
	v12 =	vmpcnt.ones.xlane vm0;
	(v2sf) =	vpush v13, $0x0;
	[smem:s20] =	sst s25;
	s20 =	sadd.s32 s30, s20;
	s24 =	simm.s32 @!p1 $0x0  }
0x7e: {  	[smem:s20] =	sst s23;
	s20 =	sadd.s32 s21, s20;
	s21 =	simm.s32 $0x1  }
0x7f: {  	v10 =	vadd.s32 v18, v10;
	v13 =	vmpcnt.ones.xlane vm3;
	(v2sf) =	vpush v14, $0x0;
	s21 =	simm.s32 @!p2 $0x0  }
0x80: {  	(v2sf) =	vpush v12, $0x0  }
0x81: {  	(v2sf) =	vpush v13, $0x0  }
0x82: {  	(v2sf) =	vpush v11, $0x0;
	_ =	sdelay $0x1  }
0x83: {  	vm0 =	vgt.s32 v6, v2  }
0x84: {  	[smem:s20] =	sst s19;
	s15 =	sadd.s32 s24, s20;
	vm1 =	vgt.s32 v4, v2;
	v59 =	vadd.s32 v7, v10;
	v3 =	vsel vm0, $0x1, v1  }
0x85: {  	s18 =	spop (v2sf);
	vm13 =	vgt.s32 v5, v2;
	s19 =	sadd.s32 $0xFFFFFFFE, s13;
	s20 =	simm.s32 $0x1;
	v60 =	vsel vm1, $0x1, v1;
	v3 =	vadd.s32 v3, v59  }
0x86: {  	vm14 =	vgt.s32 v8, v2;
	s23 =	sadd.s32 $0xFFFFFFFC, s13;
	s28 =	sadd.s32 $0xFFFFFFF9, s13;
	s24 =	simm.s32 $0x1;
	v61 =	vsel vm13, $0x1, v1;
	v3 =	vadd.s32 v60, v3  }
0x87: {  	vm15 =	vgt.s32 v9, v2;
	[smem:s15] =	sst s16;
	s15 =	sadd.s32 s17, s15;
	p0 =	sgt.s32 s18, $0x0;
	v62 =	vsel vm14, $0x1, v1;
	v3 =	vadd.s32 v61, v3  }
0x88: {  	s16 =	simm.s32 $0x1;
	v63 =	vsel vm15, $0x1, v1;
	s18 =	sadd.s32 $0xFFFFFFFF, s13;
	s17 =	sadd.s32 $0xFFFFFFFD, s13;
	v3 =	vadd.s32 v62, v3  }
0x89: {  	[smem:s15] =	sst s12;
	s12 =	simm.s32 $0x1;
	s15 =	sadd.s32 s21, s15;
	v3 =	vadd.s32 v63, v3  }
0x8a: {  	s21 =	sadd.s32 $0xFFFFFFFB, s13;
	s12 =	simm.s32 @!p0 $0x0;
	s25 =	spop (v2sf);
	(xrf0) =	vadd.scan.msk.s32 $0xffff, v3  }
0x8b: {  	[smem:s15] =	sst s28;
	p0 =	sgt.s32 s25, $0x0;
	s26 =	spop (v2sf)  }
0x8c: {  	s16 =	simm.s32 @!p0 $0x0;
	p0 =	sgt.s32 s26, $0x0;
	s22 =	spop (v2sf)  }
0x8d: {  	s26 =	sadd.s32 $0xFFFFFFFA, s13;
	s20 =	simm.s32 @!p0 $0x0;
	s25 =	spop (v2sf)  }
0x8e: {  	p2 =	sgt.s32 s22, $0x0;
	s29 =	spop (v2sf);
	p0 =	sgt.s32 s25, $0x0  }
0x8f: {  	s25 =	simm.s32 $0x1;
	p1 =	sgt.s32 s29, $0x0;
	s30 =	spop (v2sf)  }
0x90: {  	v3, _, _ =	vpop (xrf0);
	s24 =	simm.s32 @!p0 $0x0;
	p0 =	sgt.s32 s30, $0x0;
	s31 =	spop (v2sf)  }
0x91: {  	(v2sf) =	vpush v3, $0xF;
	s15 =	sadd.s32 s24, s15;
	s25 =	simm.s32 @!p1 $0x0;
	s24 =	simm.s32 $0x1  }
0x92: {  	s24 =	simm.s32 @!p2 $0x0;
	[smem:s15] =	sst s26;
	s12 =	sadd.s32 s12, s15  }
0x93: {  	p1 =	sgt.s32 s31, $0x0;
	[smem:s12] =	sst s21;
	s12 =	sadd.s32 s25, s12  }
0x94: {  	s15 =	simm.s32 $0x1;
	[smem:s12] =	sst s23;
	s12 =	sadd.s32 s24, s12  }
0x95: {  	s15 =	simm.s32 @!p0 $0x0;
	[smem:s12] =	sst s17;
	s12 =	sadd.s32 s16, s12  }
0x96: {  	s16 =	simm.s32 $0x1;
	[smem:s12] =	sst s19;
	s12 =	sadd.s32 s15, s12  }
0x97: {  	s16 =	simm.s32 @!p1 $0x0;
	[smem:s12] =	sst s18;
	s12 =	sadd.s32 s20, s12  }
0x98: {  	[smem:s12] =	sst s13;
	s12 =	sadd.s32 s16, s12  }
0x99: {  	[smem:s12] =	sst s9  }
0x9a: {  	s15 =	simm.s32 $0x1;
	s26 =	sadd.s32 $0x7, s12;
	[smem:s12+$0x1] =	sst s9  }
0x9b: {  	s28 =	sand.u32 $0x7, s26;
	s29 =	sshra.s32 s26, $0x1F;
	p5 =	slt.s32 s26, $0x1  }
0x9c: {  	[smem:s12+$0x2] =	sst s9;
	p6 =	sne.s32 s28, $0x0;
	s30 =	sshrl.u32 s29, $0x1D  }
.Ltmp3:
0x9d: {  	[smem:s12+$0x3] =	sst s9;
	p0 =	por !p5, !p6;
	(pc) =	sbr.rel .LBB2_8-.Ltmp3, $4  }
0x9e: {  	s13 =	sadd.s32 s30, s26;
	[smem:s12+$0x4] =	sst s9;
	p0 =	por !p0, !p0  }
0x9f: {  	s31 =	sshra.s32 s13, $0x3;
	[smem:s12+$0x5] =	sst s9;
	s15 =	simm.s32 @!p0 $0x0  }
0xa0: {  	s13 =	spop (v2sf);
	[smem:s12+$0x6] =	sst s9;
	s16 =	ssub.s32 s31, s15  }
0xa1: {  	s15 =	simm.s32 $0x0;
	[smem:s12+$0x7] =	sst s9;
	p0 =	slt.s32 s16, $0x1  }
.LBB2_9:
0xa2: {  	v3 =	vimm.s32 $0x0  }
.LBB2_17:
0xa3: {  	(xrf0) =	vadd.scan.msk.s32 $0xffff, v3;
	_ =	sdelay $0x5  }
0xa4: {  	v3, _, _ =	vpop (xrf0)  }
0xa5: {  	(v2sf) =	vpush v3, $0xF;
	_ =	sdelay $0xc  }
0xa6: {  	s15 =	sadd.s32 $0x1, s15  }
0xa7: {  	p2 =	seq.s32 s15, $0x4  }
.Ltmp4:
0xa8: {  	s12 =	spop (v2sf);
	(pc) =	sbr.rel @p2 .LBB2_10-.Ltmp4, $4  }
0xa9: {  	s12 =	sadd.s32 s13, s12  }
0xaa: {  	p1 =	sgt.s32 s12, $0x3F;
	s12 =	sadd.s32 $0xFFFFFFFF, s17  }
0xab: {  	s12 =	smov.u32 @p1 s14  }
0xac: {  	s11 =	smov.u32 @p1 s17;
	s14 =	smov.u32 s12  }
.LBB2_8:
.Ltmp5:
0xad: {  	(pc) =	sbr.rel @p0 .LBB2_9-.Ltmp5, $4  }
0xae: {  	s12 =	ssub.s32 s14, s11  }
0xaf: {  	s12 =	sadd.s32 $0x1, s12  }
0xb0: {  	s12 =	sshra.s32 s12, $0x1  }
0xb1: {  	s17 =	sadd.s32 s11, s12  }
0xb2: {  	s12 =	sld [smem:$0x7]  }
0xb3: {  	s19 =	sld [smem:$0x6]  }
0xb4: {  	s21 =	sld [smem:$0x5]  }
0xb5: {  	p2 =	sne.s32 s16, $0x1;
	s23 =	sld [smem:$0x4]  }
.Ltmp6:
0xb6: {  	s20 =	sld [smem:$0x3];
	(pc) =	sbr.rel @!p2 .LBB2_13-.Ltmp6, $4  }
0xb7: {  	p1 =	por $0x0, $0x0;
	s22 =	sshll.u32 s12, $0x6;
	s18 =	sld [smem:$0x2]  }
0xb8: {  	s19 =	sshll.u32 s19, $0x6;
	s24 =	sshra.s32 s22, $0x2;
	s12 =	sld [smem:$0x1]  }
0xb9: {  	s21 =	sshll.u32 s21, $0x6;
	s19 =	sshra.s32 s19, $0x2;
	s22 =	sld [smem:$0x0];
	v5 =	vld [tilespmem:s24+$0x0]  }
0xba: {  	v4 =	vmov s17;
	v3 =	vimm.s32 $0x0;
	s23 =	sshll.u32 s23, $0x6;
	s24 =	sshra.s32 s21, $0x2;
	v6 =	vld [tilespmem:s19+$0x0];
	s21 =	sadd.s32 $0xFFFFFFFF, s16  }
0xbb: {  	s19 =	sshll.u32 s20, $0x6;
	s25 =	sshra.s32 s23, $0x2;
	v7 =	vld [tilespmem:s24+$0x0]  }
0xbc: {  	s18 =	sshll.u32 s18, $0x6;
	s19 =	sshra.s32 s19, $0x2;
	v8 =	vld [tilespmem:s25+$0x0]  }
0xbd: {  	s26 =	sshll.u32 s22, $0x6;
	s18 =	sshra.s32 s18, $0x2;
	v9 =	vld [tilespmem:s19+$0x0]  }
0xbe: {  	s12 =	sshll.u32 s12, $0x6;
	s28 =	sshra.s32 s26, $0x2;
	v10 =	vld [tilespmem:s18+$0x0]  }
0xbf: {  	s12 =	sshra.s32 s12, $0x2;
	v11 =	vld [tilespmem:s28+$0x0]  }
0xc0: {  	s29 =	sld [smem:$0xF];
	v12 =	vld [tilespmem:s12+$0x0];
	vm0 =	vge.s32 v5, v4  }
0xc1: {  	vm1 =	vle.s32 v5, v2;
	s30 =	sld [smem:$0xE];
	vm2 =	vge.s32 v6, v4;
	vm3 =	vle.s32 v6, v2  }
0xc2: {  	s31 =	sld [smem:$0xD];
	vm4 =	vge.s32 v7, v4;
	vm5 =	vle.s32 v7, v2;
	vm6 =	vge.s32 v8, v4  }
0xc3: {  	p2 =	sne.s32 s21, $0x1;
	s25 =	sld [smem:$0xC];
	vm7 =	vle.s32 v8, v2;
	vm8 =	vge.s32 v9, v4;
	vm9 =	vle.s32 v9, v2  }
.Ltmp7:
0xc4: {  	s21 =	sadd.s32 $0xFFFFFFFF, s21;
	s20 =	sld [smem:$0xB];
	vm12 =	vge.s32 v10, v4;
	vm10 =	vge.s32 v11, v4;
	vm11 =	vle.s32 v11, v2;
	(pc) =	sbr.rel @!p2 .LBB2_16-.Ltmp7, $4  }
0xc5: {  	p1 =	por $0x1, $0x1;
	s22 =	sshll.u32 s29, $0x6;
	s18 =	sld [smem:$0xA];
	vm13 =	vle.s32 v12, v2;
	vm10 =	vmand vm10, vm11;
	vm11 =	vge.s32 v12, v4  }
0xc6: {  	s23 =	sshll.u32 s30, $0x6;
	s26 =	sshra.s32 s22, $0x2;
	s12 =	sld [smem:$0x9];
	v6 =	vsel vm10, $0x1, v1;
	vm10 =	vmand vm11, vm13;
	vm11 =	vle.s32 v10, v2  }
0xc7: {  	s24 =	sshll.u32 s31, $0x6;
	s28 =	sshra.s32 s23, $0x2;
	s22 =	sld [smem:$0x8];
	v5 =	vld [tilespmem:s26+$0x0];
	v7 =	vadd.s32 v6, v3;
	v8 =	vsel vm10, $0x1, v1;
	vm10 =	vmand vm12, vm11  }
0xc8: {  	s19 =	simm.s32 $0xC;
	vm8 =	vmand vm8, vm9;
	s23 =	sshll.u32 s25, $0x6;
	s24 =	sshra.s32 s24, $0x2;
	v6 =	vld [tilespmem:s28+$0x0];
	v7 =	vadd.s32 v8, v7;
	v8 =	vsel vm10, $0x1, v1  }
.LBB2_15:
0xc9: {  	p2 =	sne.s32 s21, $0x1;
	s20 =	sshll.u32 s20, $0x6;
	s23 =	sshra.s32 s23, $0x2;
	v9 =	vld [tilespmem:s24+$0x0];
	v7 =	vadd.s32 v8, v7;
	v8 =	vsel vm8, $0x1, v1;
	vm6 =	vmand vm6, vm7  }
0xca: {  	s18 =	sshll.u32 s18, $0x6;
	vm4 =	vmand vm4, vm5;
	s20 =	sshra.s32 s20, $0x2;
	v10 =	vld [tilespmem:s23+$0x0];
	v7 =	vadd.s32 v8, v7;
	v8 =	vsel vm6, $0x1, v1  }
0xcb: {  	vm2 =	vmand vm2, vm3;
	s22 =	sshll.u32 s22, $0x6;
	s18 =	sshra.s32 s18, $0x2;
	v11 =	vld [tilespmem:s20+$0x0];
	v7 =	vadd.s32 v8, v7;
	v8 =	vsel vm4, $0x1, v1  }
0xcc: {  	s12 =	sshll.u32 s12, $0x6;
	vm0 =	vmand vm0, vm1;
	s20 =	sshra.s32 s22, $0x2;
	v12 =	vld [tilespmem:s18+$0x0];
	v7 =	vadd.s32 v8, v7;
	v8 =	vsel vm2, $0x1, v1  }
0xcd: {  	s19 =	sadd.s32 $0x8, s19;
	s12 =	sshra.s32 s12, $0x2;
	v13 =	vld [tilespmem:s20+$0x0];
	v7 =	vadd.s32 v8, v7;
	v8 =	vsel vm0, $0x1, v1  }
0xce: {  	vm0 =	vge.s32 v5, v4;
	s22 =	sld [smem:s19+$0x3];
	v14 =	vld [tilespmem:s12+$0x0];
	v7 =	vadd.s32 v8, v7  }
0xcf: {  	vm1 =	vle.s32 v5, v2;
	vm2 =	vge.s32 v6, v4;
	vm3 =	vle.s32 v6, v2;
	s23 =	sld [smem:s19+$0x2]  }
0xd0: {  	vm4 =	vge.s32 v9, v4;
	vm5 =	vle.s32 v9, v2;
	vm6 =	vge.s32 v10, v4;
	s24 =	sld [smem:s19+$0x1]  }
0xd1: {  	vm7 =	vle.s32 v10, v2;
	vm8 =	vge.s32 v11, v4;
	vm9 =	vle.s32 v11, v2;
	s25 =	sld [smem:s19+$0x0]  }
.Ltmp8:
0xd2: {  	vm12 =	vge.s32 v12, v4;
	s20 =	sld [smem:s19+$0xFFFFFFFF];
	vm10 =	vge.s32 v13, v4;
	vm11 =	vle.s32 v13, v2;
	(pc) =	sbr.rel @p2 .LBB2_15-.Ltmp8, $4  }
0xd3: {  	s22 =	sshll.u32 s22, $0x6;
	s18 =	sld [smem:s19+$0xFFFFFFFE];
	vm10 =	vmand vm10, vm11;
	vm11 =	vge.s32 v14, v4;
	vm13 =	vle.s32 v14, v2  }
0xd4: {  	s23 =	sshll.u32 s23, $0x6;
	s26 =	sshra.s32 s22, $0x2;
	s12 =	sld [smem:s19+$0xFFFFFFFD];
	v6 =	vsel vm10, $0x1, v1;
	vm10 =	vmand vm11, vm13;
	vm11 =	vle.s32 v12, v2  }
0xd5: {  	s24 =	sshll.u32 s24, $0x6;
	s28 =	sshra.s32 s23, $0x2;
	s22 =	sld [smem:s19+$0xFFFFFFFC];
	v5 =	vld [tilespmem:s26+$0x0];
	v7 =	vadd.s32 v6, v7;
	v8 =	vsel vm10, $0x1, v1;
	vm10 =	vmand vm12, vm11  }
0xd6: {  	s21 =	sadd.s32 $0xFFFFFFFF, s21;
	vm8 =	vmand vm8, vm9;
	s23 =	sshll.u32 s25, $0x6;
	s24 =	sshra.s32 s24, $0x2;
	v6 =	vld [tilespmem:s28+$0x0];
	v7 =	vadd.s32 v8, v7;
	v8 =	vsel vm10, $0x1, v1  }
.LBB2_16:
0xd7: {  	s19 =	sshll.u32 s20, $0x6;
	s29 =	sshra.s32 s23, $0x2;
	v9 =	vld [tilespmem:s24+$0x0];
	v7 =	vadd.s32 @p1 v8, v7;
	v8 =	vsel @p1 vm8, $0x1, v1;
	vm6 =	vmand @p1 vm6, vm7  }
0xd8: {  	vm4 =	vmand @p1 vm4, vm5;
	s18 =	sshll.u32 s18, $0x6;
	s19 =	sshra.s32 s19, $0x2;
	v10 =	vld [tilespmem:s29+$0x0];
	v7 =	vadd.s32 @p1 v8, v7;
	v8 =	vsel @p1 vm6, $0x1, v1  }
0xd9: {  	vm2 =	vmand @p1 vm2, vm3;
	s30 =	sshll.u32 s22, $0x6;
	s18 =	sshra.s32 s18, $0x2;
	v11 =	vld [tilespmem:s19+$0x0];
	v7 =	vadd.s32 @p1 v8, v7;
	v8 =	vsel @p1 vm4, $0x1, v1  }
0xda: {  	s12 =	sshll.u32 s12, $0x6;
	s31 =	sshra.s32 s30, $0x2;
	v13 =	vld [tilespmem:s18+$0x0];
	v7 =	vadd.s32 @p1 v8, v7;
	v8 =	vsel @p1 vm2, $0x1, v1  }
0xdb: {  	vm0 =	vmand @p1 vm0, vm1;
	s12 =	sshra.s32 s12, $0x2;
	v12 =	vld [tilespmem:s31+$0x0];
	vm1 =	vle.s32 v5, v2;
	v7 =	vadd.s32 @p1 v8, v7  }
0xdc: {  	v14 =	vld [tilespmem:s12+$0x0];
	v8 =	vsel @p1 vm0, $0x1, v1;
	vm0 =	vge.s32 v5, v4;
	vm2 =	vge.s32 v6, v4  }
0xdd: {  	vm3 =	vle.s32 v6, v2;
	v7 =	vadd.s32 @p1 v8, v7;
	vm5 =	vge.s32 v9, v4  }
0xde: {  	vm6 =	vle.s32 v9, v2;
	vm4 =	vge.s32 v10, v4;
	vm11 =	vle.s32 v10, v2  }
0xdf: {  	v3 =	vpsel p1, v7, v3;
	vm7 =	vge.s32 v11, v4;
	vm8 =	vle.s32 v11, v2  }
0xe0: {  	vm12 =	vge.s32 v13, v4;
	vm9 =	vge.s32 v12, v4;
	vm10 =	vle.s32 v12, v2  }
0xe1: {  	vm13 =	vle.s32 v14, v2;
	vm9 =	vmand vm9, vm10;
	vm10 =	vge.s32 v14, v4  }
0xe2: {  	v4 =	vsel vm9, $0x1, v1;
	vm15 =	vmand vm10, vm13;
	vm13 =	vle.s32 v13, v2  }
0xe3: {  	v3 =	vadd.s32 v4, v3;
	v4 =	vsel vm15, $0x1, v1;
	vm14 =	vmand vm12, vm13  }
0xe4: {  	vm7 =	vmand vm7, vm8;
	v3 =	vadd.s32 v4, v3;
	v4 =	vsel vm14, $0x1, v1  }
0xe5: {  	vm4 =	vmand vm4, vm11;
	v3 =	vadd.s32 v4, v3;
	v4 =	vsel vm7, $0x1, v1  }
.Ltmp9:
0xe6: {  	vm15 =	vmand vm5, vm6;
	v3 =	vadd.s32 v4, v3;
	v4 =	vsel vm4, $0x1, v1;
	(pc) =	sbr.rel .LBB2_17-.Ltmp9, $4  }
0xe7: {  	vm2 =	vmand vm2, vm3;
	v3 =	vadd.s32 v4, v3;
	v4 =	vsel vm15, $0x1, v1  }
0xe8: {  	vm0 =	vmand vm0, vm1;
	v3 =	vadd.s32 v4, v3;
	v4 =	vsel vm2, $0x1, v1  }
0xe9: {  	v3 =	vadd.s32 v4, v3;
	v4 =	vsel vm0, $0x1, v1  }
0xea: {  	v3 =	vadd.s32 v4, v3  }
.LBB2_13:
.Ltmp10:
0xeb: {  	(pc) =	sbr.rel .LBB2_16-.Ltmp10, $2  }
0xec: {  	_ =	sdelay $0x2  }
0xed: {  	_ = 	snop  }
.LBB2_10:
0xee: {  	p0 =	sgt.s32 s16, $0x0  }
.Ltmp11:
0xef: {  	_ = 	snop;
	(pc) =	sbr.rel @!p0 .LBB2_11-.Ltmp11, $2  }
0xf0: {  	_ =	sdelay $0x2  }
0xf1: {  	v3 =	vmov s12  }
0xf2: {  	p1 =	sne.s32 s16, $0x1  }
.Ltmp12:
0xf3: {  	_ = 	snop;
	(pc) =	sbr.rel @!p1 .LBB2_19-.Ltmp12, $3  }
0xf4: {  	_ =	sdelay $0x1  }
0xf5: {  	s14 =	simm.s32 $0x0;
	s15 =	simm.s32 $0x4  }
0xf6: {  	v4 =	vmov s11;
	v3 =	vmov s12;
	v5 =	vimm.s32 $0x0;
	s16 =	sadd.s32 $0xFFFFFFFF, s16;
	s18 =	sld [smem:$0x0];
	p0 =	por $0x0, $0x0  }
0xf7: {  	_ =	sdelay $0x1  }
0xf8: {  	s15 =	sshll.u32 s18, $0x6;
	[smem:s14] =	sst s18  }
0xf9: {  	s15 =	sshra.s32 s15, $0x2;
	s17 =	sld [smem:$0x1]  }
0xfa: {  	v6 =	vld [tilespmem:s15+$0x0];
	_ =	sdelay $0x1  }
0xfb: {  	s19 =	sshll.u32 s17, $0x6  }
0xfc: {  	s15 =	sshra.s32 s19, $0x2  }
0xfd: {  	v7 =	vld [tilespmem:s15+$0x0]  }
0xfe: {  	vm0 =	vge.s32 v6, v4;
	vm1 =	vle.s32 v6, v3  }
0xff: {  	vm0 =	vmand vm0, vm1  }
0x100: {  	v8 =	vmpcnt.ones.xlane vm0;
	_ =	sdelay $0x1  }
0x101: {  	vm5 =	vge.s32 v7, v4;
	vm6 =	vle.s32 v7, v3;
	(v2sf) =	vpush v8, $0x0  }
0x102: {  	vm0 =	vmand vm5, vm6  }
0x103: {  	v55 =	vmpcnt.ones.xlane vm0;
	_ =	sdelay $0x1  }
0x104: {  	(v2sf) =	vpush v55, $0x0;
	_ =	sdelay $0xa  }
0x105: {  	s20 =	spop (v2sf)  }
0x106: {  	s15 =	simm.s32 $0x1;
	p0 =	sgt.s32 s20, $0x0  }
0x107: {  	s15 =	simm.s32 @!p0 $0x0  }
0x108: {  	s15 =	sadd.s32 $0x0, s15  }
0x109: {  	[smem:s15] =	sst s17;
	s21 =	spop (v2sf)  }
0x10a: {  	s18 =	simm.s32 $0x1;
	p0 =	sgt.s32 s21, $0x0;
	s22 =	sld [smem:$0x2]  }
0x10b: {  	s18 =	simm.s32 @!p0 $0x0  }
0x10c: {  	s15 =	sadd.s32 s18, s15  }
0x10d: {  	s23 =	sshll.u32 s22, $0x6;
	[smem:s15] =	sst s22  }
0x10e: {  	s24 =	sshra.s32 s23, $0x2;
	s25 =	sld [smem:$0x3]  }
0x10f: {  	v56 =	vld [tilespmem:s24+$0x0];
	_ =	sdelay $0x1  }
0x110: {  	s26 =	sshll.u32 s25, $0x6  }
0x111: {  	s17 =	sshra.s32 s26, $0x2  }
0x112: {  	v9 =	vld [tilespmem:s17+$0x0]  }
0x113: {  	vm7 =	vge.s32 v56, v4;
	vm8 =	vle.s32 v56, v3  }
0x114: {  	vm0 =	vmand vm7, vm8  }
0x115: {  	v10 =	vmpcnt.ones.xlane vm0;
	_ =	sdelay $0x1  }
0x116: {  	vm9 =	vge.s32 v9, v4;
	vm10 =	vle.s32 v9, v3;
	(v2sf) =	vpush v10, $0x0  }
0x117: {  	vm0 =	vmand vm9, vm10  }
0x118: {  	v57 =	vmpcnt.ones.xlane vm0;
	_ =	sdelay $0x1  }
0x119: {  	(v2sf) =	vpush v57, $0x0;
	_ =	sdelay $0xa  }
0x11a: {  	s28 =	spop (v2sf)  }
0x11b: {  	s17 =	simm.s32 $0x1;
	p0 =	sgt.s32 s28, $0x0  }
0x11c: {  	s17 =	simm.s32 @!p0 $0x0  }
0x11d: {  	s15 =	sadd.s32 s17, s15  }
0x11e: {  	[smem:s15] =	sst s25;
	s29 =	spop (v2sf)  }
0x11f: {  	s18 =	simm.s32 $0x1;
	p0 =	sgt.s32 s29, $0x0;
	s30 =	sld [smem:$0x4]  }
0x120: {  	s18 =	simm.s32 @!p0 $0x0  }
0x121: {  	s15 =	sadd.s32 s18, s15  }
0x122: {  	s31 =	sshll.u32 s30, $0x6;
	[smem:s15] =	sst s30  }
0x123: {  	s19 =	sshra.s32 s31, $0x2;
	s20 =	sld [smem:$0x5]  }
0x124: {  	v58 =	vld [tilespmem:s19+$0x0];
	_ =	sdelay $0x1  }
0x125: {  	s21 =	sshll.u32 s20, $0x6  }
0x126: {  	s17 =	sshra.s32 s21, $0x2  }
0x127: {  	v11 =	vld [tilespmem:s17+$0x0]  }
0x128: {  	vm11 =	vge.s32 v58, v4;
	vm12 =	vle.s32 v58, v3  }
0x129: {  	vm0 =	vmand vm11, vm12  }
0x12a: {  	v12 =	vmpcnt.ones.xlane vm0;
	_ =	sdelay $0x1  }
0x12b: {  	vm13 =	vge.s32 v11, v4;
	vm14 =	vle.s32 v11, v3;
	(v2sf) =	vpush v12, $0x0  }
0x12c: {  	vm0 =	vmand vm13, vm14  }
0x12d: {  	v59 =	vmpcnt.ones.xlane vm0;
	_ =	sdelay $0x1  }
0x12e: {  	(v2sf) =	vpush v59, $0x0;
	_ =	sdelay $0xa  }
0x12f: {  	s22 =	spop (v2sf)  }
0x130: {  	s17 =	simm.s32 $0x1;
	p0 =	sgt.s32 s22, $0x0  }
0x131: {  	s17 =	simm.s32 @!p0 $0x0  }
0x132: {  	s15 =	sadd.s32 s17, s15  }
0x133: {  	[smem:s15] =	sst s20;
	s23 =	spop (v2sf)  }
0x134: {  	s18 =	simm.s32 $0x1;
	p0 =	sgt.s32 s23, $0x0;
	s24 =	sld [smem:$0x6]  }
0x135: {  	s18 =	simm.s32 @!p0 $0x0  }
0x136: {  	s15 =	sadd.s32 s18, s15  }
0x137: {  	s25 =	sshll.u32 s24, $0x6;
	[smem:s15] =	sst s24  }
0x138: {  	s26 =	sshra.s32 s25, $0x2;
	s28 =	sld [smem:$0x7]  }
0x139: {  	v60 =	vld [tilespmem:s26+$0x0];
	_ =	sdelay $0x1  }
0x13a: {  	s29 =	sshll.u32 s28, $0x6  }
0x13b: {  	s17 =	sshra.s32 s29, $0x2  }
0x13c: {  	v13 =	vld [tilespmem:s17+$0x0]  }
0x13d: {  	vm15 =	vge.s32 v60, v4;
	vm4 =	vle.s32 v60, v3  }
0x13e: {  	vm0 =	vmand vm15, vm4  }
0x13f: {  	v14 =	vmpcnt.ones.xlane vm0;
	_ =	sdelay $0x1  }
0x140: {  	vm5 =	vge.s32 v13, v4;
	(v2sf) =	vpush v14, $0x0;
	vm6 =	vle.s32 v13, v3  }
0x141: {  	vm0 =	vmand vm5, vm6  }
0x142: {  	v61 =	vmpcnt.ones.xlane vm0;
	_ =	sdelay $0x1  }
0x143: {  	(v2sf) =	vpush v61, $0x0;
	_ =	sdelay $0x2  }
0x144: {  	vm2 =	vgt.s32 v7, v3;
	vm3 =	vle.s32 v7, v2  }
0x145: {  	vm2 =	vmand vm2, vm3;
	vm7 =	vgt.s32 v6, v3  }
0x146: {  	vm8 =	vle.s32 v6, v2;
	vm11 =	vgt.s32 v9, v3;
	vm12 =	vle.s32 v9, v2  }
0x147: {  	vm9 =	vgt.s32 v56, v3;
	vm13 =	vmand vm11, vm12;
	vm14 =	vgt.s32 v58, v3  }
0x148: {  	v62 =	vsel vm13, $0x1, v1;
	vm11 =	vle.s32 v60, v2;
	vm4 =	vle.s32 v56, v2  }
0x149: {  	vm15 =	vle.s32 v58, v2;
	vm10 =	vmand vm9, vm4;
	vm0 =	vmand vm7, vm8  }
0x14a: {  	v7 =	vsel vm10, $0x1, v1;
	vm10 =	vgt.s32 v60, v3;
	v6 =	vsel vm0, $0x1, v1  }
0x14b: {  	vm12 =	vmand vm10, vm11;
	v5 =	vadd.s32 v6, v5;
	v6 =	vsel vm2, $0x1, v1  }
0x14c: {  	vm13 =	vgt.s32 v13, v3;
	vm6 =	vmand vm14, vm15;
	v5 =	vadd.s32 v6, v5;
	s30 =	spop (v2sf)  }
0x14d: {  	p1 =	sne.s32 s16, $0x1;
	s17 =	simm.s32 $0x1;
	vm7 =	vgt.s32 v11, v3;
	vm8 =	vle.s32 v11, v2;
	v5 =	vadd.s32 v7, v5;
	p0 =	sgt.s32 s30, $0x0  }
.Ltmp13:
0x14e: {  	v63 =	vsel vm6, $0x1, v1;
	vm9 =	vmand vm7, vm8;
	v5 =	vadd.s32 v62, v5;
	s17 =	simm.s32 @!p0 $0x0;
	(pc) =	sbr.rel @!p1 .LBB2_22-.Ltmp13, $4  }
0x14f: {  	vm14 =	vle.s32 v13, v2;
	v6 =	vsel vm9, $0x1, v1;
	v5 =	vadd.s32 v63, v5;
	s17 =	sadd.s32 s17, s15  }
0x150: {  	s16 =	sadd.s32 $0xFFFFFFFF, s16;
	vm15 =	vmand vm13, vm14;
	v7 =	vsel vm12, $0x1, v1;
	v5 =	vadd.s32 v6, v5;
	[smem:s17] =	sst s28;
	s31 =	spop (v2sf)  }
0x151: {  	s19 =	simm.s32 $0x1;
	v6 =	vsel vm15, $0x1, v1;
	v5 =	vadd.s32 v7, v5;
	p0 =	sgt.s32 s31, $0x0;
	s18 =	sld [smem:$0x8]  }
0x152: {  	v5 =	vadd.s32 v6, v5;
	s15 =	simm.s32 $0xC;
	s19 =	simm.s32 @!p0 $0x0;
	p0 =	por $0x1, $0x1  }
.LBB2_21:
0x153: {  	p1 =	sne.s32 s16, $0x1;
	s16 =	sadd.s32 $0xFFFFFFFF, s16;
	s17 =	sadd.s32 s19, s17  }
0x154: {  	s19 =	sshll.u32 s18, $0x6;
	[smem:s17] =	sst s18  }
0x155: {  	s18 =	sshra.s32 s19, $0x2;
	s19 =	sld [smem:s15+$0xFFFFFFFD]  }
0x156: {  	v6 =	vld [tilespmem:s18+$0x0];
	_ =	sdelay $0x1  }
0x157: {  	s18 =	sshll.u32 s19, $0x6  }
0x158: {  	s18 =	sshra.s32 s18, $0x2  }
0x159: {  	v7 =	vld [tilespmem:s18+$0x0]  }
0x15a: {  	vm0 =	vge.s32 v6, v4;
	vm1 =	vle.s32 v6, v3;
	vm2 =	vgt.s32 v6, v3  }
0x15b: {  	vm0 =	vmand vm0, vm1;
	vm1 =	vle.s32 v6, v2  }
0x15c: {  	v8 =	vmpcnt.ones.xlane vm0;
	vm0 =	vmand vm2, vm1  }
0x15d: {  	v6 =	vsel vm0, $0x1, v1  }
0x15e: {  	vm0 =	vge.s32 v7, v4;
	vm1 =	vle.s32 v7, v3;
	(v2sf) =	vpush v8, $0x0  }
0x15f: {  	vm2 =	vle.s32 v7, v2;
	vm0 =	vmand vm0, vm1;
	vm1 =	vgt.s32 v7, v3  }
0x160: {  	v7 =	vmpcnt.ones.xlane vm0;
	vm0 =	vmand vm1, vm2;
	_ =	sdelay $0x1  }
0x161: {  	(v2sf) =	vpush v7, $0x0;
	_ =	sdelay $0xa  }
0x162: {  	s18 =	spop (v2sf)  }
0x163: {  	p2 =	sgt.s32 s18, $0x0;
	s18 =	simm.s32 $0x1  }
0x164: {  	s18 =	simm.s32 @!p2 $0x0  }
0x165: {  	s17 =	sadd.s32 s18, s17  }
0x166: {  	[smem:s17] =	sst s19;
	s18 =	spop (v2sf)  }
0x167: {  	s19 =	simm.s32 $0x1;
	p2 =	sgt.s32 s18, $0x0;
	s18 =	sld [smem:s15+$0xFFFFFFFE]  }
0x168: {  	s19 =	simm.s32 @!p2 $0x0  }
0x169: {  	s17 =	sadd.s32 s19, s17  }
0x16a: {  	s19 =	sshll.u32 s18, $0x6;
	[smem:s17] =	sst s18  }
0x16b: {  	s18 =	sshra.s32 s19, $0x2;
	s19 =	sld [smem:s15+$0xFFFFFFFF]  }
0x16c: {  	v7 =	vld [tilespmem:s18+$0x0];
	_ =	sdelay $0x1  }
0x16d: {  	s18 =	sshll.u32 s19, $0x6  }
0x16e: {  	s18 =	sshra.s32 s18, $0x2  }
0x16f: {  	v8 =	vld [tilespmem:s18+$0x0]  }
0x170: {  	vm1 =	vge.s32 v7, v4;
	vm2 =	vle.s32 v7, v3;
	vm3 =	vgt.s32 v7, v3  }
0x171: {  	vm1 =	vmand vm1, vm2;
	vm2 =	vle.s32 v7, v2  }
0x172: {  	v9 =	vmpcnt.ones.xlane vm1;
	vm1 =	vmand vm3, vm2  }
0x173: {  	v7 =	vsel vm1, $0x1, v1  }
0x174: {  	vm1 =	vge.s32 v8, v4;
	vm2 =	vle.s32 v8, v3;
	(v2sf) =	vpush v9, $0x0  }
0x175: {  	vm3 =	vle.s32 v8, v2;
	vm1 =	vmand vm1, vm2;
	vm2 =	vgt.s32 v8, v3  }
0x176: {  	v9 =	vmpcnt.ones.xlane vm1;
	vm1 =	vmand vm2, vm3  }
0x177: {  	v8 =	vsel vm1, $0x1, v1  }
0x178: {  	(v2sf) =	vpush v9, $0x0;
	_ =	sdelay $0xa  }
0x179: {  	s18 =	spop (v2sf)  }
0x17a: {  	p2 =	sgt.s32 s18, $0x0;
	s18 =	simm.s32 $0x1  }
0x17b: {  	s18 =	simm.s32 @!p2 $0x0  }
0x17c: {  	s17 =	sadd.s32 s18, s17  }
0x17d: {  	[smem:s17] =	sst s19;
	s18 =	spop (v2sf)  }
0x17e: {  	s19 =	simm.s32 $0x1;
	p2 =	sgt.s32 s18, $0x0;
	s18 =	sld [smem:s15+$0x0]  }
0x17f: {  	s19 =	simm.s32 @!p2 $0x0  }
0x180: {  	s17 =	sadd.s32 s19, s17  }
0x181: {  	s19 =	sshll.u32 s18, $0x6;
	[smem:s17] =	sst s18  }
0x182: {  	s18 =	sshra.s32 s19, $0x2;
	s19 =	sld [smem:s15+$0x1]  }
0x183: {  	v9 =	vld [tilespmem:s18+$0x0];
	_ =	sdelay $0x1  }
0x184: {  	s18 =	sshll.u32 s19, $0x6  }
0x185: {  	s18 =	sshra.s32 s18, $0x2  }
0x186: {  	v10 =	vld [tilespmem:s18+$0x0]  }
0x187: {  	vm1 =	vge.s32 v9, v4;
	vm2 =	vle.s32 v9, v3;
	vm3 =	vgt.s32 v9, v3  }
0x188: {  	vm1 =	vmand vm1, vm2;
	vm2 =	vle.s32 v9, v2  }
0x189: {  	v9 =	vmpcnt.ones.xlane vm1;
	vm1 =	vmand vm3, vm2  }
0x18a: {  	v11 =	vsel vm1, $0x1, v1  }
0x18b: {  	vm1 =	vge.s32 v10, v4;
	vm2 =	vle.s32 v10, v3;
	(v2sf) =	vpush v9, $0x0  }
0x18c: {  	vm3 =	vle.s32 v10, v2;
	vm1 =	vmand vm1, vm2;
	vm2 =	vgt.s32 v10, v3  }
0x18d: {  	v9 =	vmpcnt.ones.xlane vm1;
	vm1 =	vmand vm2, vm3  }
0x18e: {  	v10 =	vsel vm1, $0x1, v1  }
0x18f: {  	(v2sf) =	vpush v9, $0x0;
	_ =	sdelay $0xa  }
0x190: {  	s18 =	spop (v2sf)  }
0x191: {  	p2 =	sgt.s32 s18, $0x0;
	s18 =	simm.s32 $0x1  }
0x192: {  	s18 =	simm.s32 @!p2 $0x0  }
0x193: {  	s17 =	sadd.s32 s18, s17  }
0x194: {  	[smem:s17] =	sst s19;
	s18 =	spop (v2sf)  }
0x195: {  	s19 =	simm.s32 $0x1;
	p2 =	sgt.s32 s18, $0x0;
	s18 =	sld [smem:s15+$0x2]  }
0x196: {  	s19 =	simm.s32 @!p2 $0x0  }
0x197: {  	s17 =	sadd.s32 s19, s17  }
0x198: {  	s19 =	sshll.u32 s18, $0x6;
	[smem:s17] =	sst s18  }
0x199: {  	s19 =	sshra.s32 s19, $0x2;
	s18 =	sld [smem:s15+$0x3]  }
0x19a: {  	v9 =	vld [tilespmem:s19+$0x0];
	_ =	sdelay $0x1  }
0x19b: {  	s19 =	sshll.u32 s18, $0x6  }
0x19c: {  	v5 =	vadd.s32 v6, v5;
	v6 =	vsel vm0, $0x1, v1;
	s19 =	sshra.s32 s19, $0x2  }
0x19d: {  	v5 =	vadd.s32 v6, v5;
	v6 =	vld [tilespmem:s19+$0x0]  }
0x19e: {  	vm0 =	vge.s32 v9, v4;
	vm1 =	vle.s32 v9, v3;
	vm2 =	vgt.s32 v9, v3  }
0x19f: {  	v5 =	vadd.s32 v7, v5;
	vm0 =	vmand vm0, vm1;
	vm1 =	vle.s32 v9, v2  }
0x1a0: {  	v5 =	vadd.s32 v8, v5;
	v7 =	vmpcnt.ones.xlane vm0;
	vm0 =	vmand vm2, vm1  }
0x1a1: {  	v5 =	vadd.s32 v11, v5;
	v8 =	vsel vm0, $0x1, v1  }
0x1a2: {  	vm0 =	vge.s32 v6, v4;
	vm1 =	vle.s32 v6, v3;
	(v2sf) =	vpush v7, $0x0  }
0x1a3: {  	vm2 =	vle.s32 v6, v2;
	vm0 =	vmand vm0, vm1;
	vm1 =	vgt.s32 v6, v3  }
0x1a4: {  	v5 =	vadd.s32 v10, v5;
	v6 =	vmpcnt.ones.xlane vm0;
	vm0 =	vmand vm1, vm2  }
0x1a5: {  	v5 =	vadd.s32 v8, v5;
	v7 =	vsel vm0, $0x1, v1  }
0x1a6: {  	v5 =	vadd.s32 v7, v5;
	(v2sf) =	vpush v6, $0x0;
	_ =	sdelay $0xa  }
0x1a7: {  	s19 =	spop (v2sf)  }
0x1a8: {  	p2 =	sgt.s32 s19, $0x0;
	s19 =	simm.s32 $0x1  }
.Ltmp14:
0x1a9: {  	s19 =	simm.s32 @!p2 $0x0;
	(pc) =	sbr.rel @p1 .LBB2_21-.Ltmp14, $4  }
0x1aa: {  	s17 =	sadd.s32 s19, s17  }
0x1ab: {  	s15 =	sadd.s32 $0x8, s15;
	[smem:s17] =	sst s18;
	s19 =	spop (v2sf)  }
0x1ac: {  	s18 =	sld [smem:s15+$0xFFFFFFFC];
	p2 =	sgt.s32 s19, $0x0;
	s19 =	simm.s32 $0x1  }
0x1ad: {  	s19 =	simm.s32 @!p2 $0x0  }
.LBB2_22:
0x1ae: {  	s16 =	sadd.s32 @p0 s19, s17  }
0x1af: {  	s14 =	smov.u32 @p0 s16  }
0x1b0: {  	s20 =	sshll.u32 s18, $0x6;
	[smem:s14] =	sst s18  }
0x1b1: {  	s16 =	sshra.s32 s20, $0x2;
	s21 =	sld [smem:s15+$0xFFFFFFFD]  }
0x1b2: {  	v6 =	vld [tilespmem:s16+$0x0];
	_ =	sdelay $0x1  }
0x1b3: {  	s22 =	sshll.u32 s21, $0x6  }
0x1b4: {  	s16 =	sshra.s32 s22, $0x2  }
0x1b5: {  	v7 =	vld [tilespmem:s16+$0x0]  }
0x1b6: {  	vm0 =	vge.s32 v6, v4;
	vm1 =	vle.s32 v6, v3  }
0x1b7: {  	vm0 =	vmand vm0, vm1  }
0x1b8: {  	v8 =	vmpcnt.ones.xlane vm0;
	_ =	sdelay $0x1  }
0x1b9: {  	(v2sf) =	vpush v8, $0x0;
	vm5 =	vge.s32 v7, v4;
	vm6 =	vle.s32 v7, v3  }
0x1ba: {  	vm0 =	vmand vm5, vm6  }
0x1bb: {  	v55 =	vmpcnt.ones.xlane vm0;
	_ =	sdelay $0x1  }
0x1bc: {  	(v2sf) =	vpush v55, $0x0;
	_ =	sdelay $0xa  }
0x1bd: {  	s23 =	spop (v2sf)  }
0x1be: {  	s16 =	simm.s32 $0x1;
	p0 =	sgt.s32 s23, $0x0  }
0x1bf: {  	s16 =	simm.s32 @!p0 $0x0  }
0x1c0: {  	s14 =	sadd.s32 s16, s14  }
0x1c1: {  	[smem:s14] =	sst s21;
	s24 =	spop (v2sf)  }
0x1c2: {  	s17 =	simm.s32 $0x1;
	s25 =	sld [smem:s15+$0xFFFFFFFE];
	p0 =	sgt.s32 s24, $0x0  }
0x1c3: {  	s17 =	simm.s32 @!p0 $0x0  }
0x1c4: {  	s14 =	sadd.s32 s17, s14  }
0x1c5: {  	s26 =	sshll.u32 s25, $0x6;
	[smem:s14] =	sst s25  }
0x1c6: {  	s28 =	sshra.s32 s26, $0x2;
	s29 =	sld [smem:s15+$0xFFFFFFFF]  }
0x1c7: {  	v56 =	vld [tilespmem:s28+$0x0];
	_ =	sdelay $0x1  }
0x1c8: {  	s30 =	sshll.u32 s29, $0x6  }
0x1c9: {  	s16 =	sshra.s32 s30, $0x2  }
0x1ca: {  	v9 =	vld [tilespmem:s16+$0x0]  }
0x1cb: {  	vm7 =	vge.s32 v56, v4;
	vm8 =	vle.s32 v56, v3  }
0x1cc: {  	vm0 =	vmand vm7, vm8  }
0x1cd: {  	v10 =	vmpcnt.ones.xlane vm0;
	_ =	sdelay $0x1  }
0x1ce: {  	(v2sf) =	vpush v10, $0x0;
	vm9 =	vge.s32 v9, v4;
	vm10 =	vle.s32 v9, v3  }
0x1cf: {  	vm0 =	vmand vm9, vm10  }
0x1d0: {  	v57 =	vmpcnt.ones.xlane vm0;
	_ =	sdelay $0x1  }
0x1d1: {  	(v2sf) =	vpush v57, $0x0;
	_ =	sdelay $0xa  }
0x1d2: {  	s31 =	spop (v2sf)  }
0x1d3: {  	s16 =	simm.s32 $0x1;
	p0 =	sgt.s32 s31, $0x0  }
0x1d4: {  	s16 =	simm.s32 @!p0 $0x0  }
0x1d5: {  	s14 =	sadd.s32 s16, s14  }
0x1d6: {  	[smem:s14] =	sst s29;
	s17 =	spop (v2sf)  }
0x1d7: {  	s18 =	sld [smem:s15+$0x0];
	p0 =	sgt.s32 s17, $0x0;
	s17 =	simm.s32 $0x1  }
0x1d8: {  	s17 =	simm.s32 @!p0 $0x0  }
0x1d9: {  	s14 =	sadd.s32 s17, s14  }
0x1da: {  	s19 =	sshll.u32 s18, $0x6;
	[smem:s14] =	sst s18  }
0x1db: {  	s20 =	sshra.s32 s19, $0x2;
	s21 =	sld [smem:s15+$0x1]  }
0x1dc: {  	v58 =	vld [tilespmem:s20+$0x0];
	_ =	sdelay $0x1  }
0x1dd: {  	s22 =	sshll.u32 s21, $0x6  }
0x1de: {  	s16 =	sshra.s32 s22, $0x2  }
0x1df: {  	v11 =	vld [tilespmem:s16+$0x0]  }
0x1e0: {  	vm11 =	vge.s32 v58, v4;
	vm12 =	vle.s32 v58, v3  }
0x1e1: {  	vm0 =	vmand vm11, vm12  }
0x1e2: {  	v12 =	vmpcnt.ones.xlane vm0;
	_ =	sdelay $0x1  }
0x1e3: {  	(v2sf) =	vpush v12, $0x0;
	vm13 =	vge.s32 v11, v4;
	vm14 =	vle.s32 v11, v3  }
0x1e4: {  	vm0 =	vmand vm13, vm14  }
0x1e5: {  	v59 =	vmpcnt.ones.xlane vm0;
	_ =	sdelay $0x1  }
0x1e6: {  	(v2sf) =	vpush v59, $0x0;
	_ =	sdelay $0xa  }
0x1e7: {  	s23 =	spop (v2sf)  }
0x1e8: {  	s16 =	simm.s32 $0x1;
	p0 =	sgt.s32 s23, $0x0  }
0x1e9: {  	s16 =	simm.s32 @!p0 $0x0  }
0x1ea: {  	s14 =	sadd.s32 s16, s14  }
0x1eb: {  	[smem:s14] =	sst s21;
	s24 =	spop (v2sf)  }
0x1ec: {  	s16 =	simm.s32 $0x1;
	s17 =	sld [smem:s15+$0x2];
	p0 =	sgt.s32 s24, $0x0  }
0x1ed: {  	s16 =	simm.s32 @!p0 $0x0  }
0x1ee: {  	s16 =	sadd.s32 s16, s14  }
0x1ef: {  	[smem:s16] =	sst s17  }
0x1f0: {  	s25 =	sld [smem:s15+$0x3];
	_ =	sdelay $0x1  }
0x1f1: {  	s26 =	sshll.u32 s17, $0x6  }
0x1f2: {  	s15 =	sshra.s32 s26, $0x2;
	s28 =	sshll.u32 s25, $0x6  }
0x1f3: {  	v60 =	vld [tilespmem:s15+$0x0];
	s29 =	sshra.s32 s28, $0x2  }
0x1f4: {  	v13 =	vld [tilespmem:s29+$0x0];
	_ =	sdelay $0x3  }
0x1f5: {  	vm15 =	vge.s32 v60, v4;
	vm4 =	vle.s32 v60, v3  }
0x1f6: {  	vm0 =	vmand vm15, vm4;
	vm5 =	vge.s32 v13, v4;
	vm2 =	vle.s32 v13, v3  }
0x1f7: {  	v4 =	vmpcnt.ones.xlane vm0;
	vm1 =	vmand vm5, vm2  }
0x1f8: {  	v14 =	vmpcnt.ones.xlane vm1  }
0x1f9: {  	(v2sf) =	vpush v4, $0x0  }
0x1fa: {  	(v2sf) =	vpush v14, $0x0;
	_ =	sdelay $0x3  }
0x1fb: {  	vm6 =	vgt.s32 v6, v3  }
0x1fc: {  	vm3 =	vgt.s32 v56, v3;
	vm8 =	vgt.s32 v7, v3;
	vm9 =	vle.s32 v7, v2  }
0x1fd: {  	vm7 =	vle.s32 v6, v2;
	vm10 =	vmand vm8, vm9;
	vm12 =	vgt.s32 v9, v3  }
0x1fe: {  	vm8 =	vle.s32 v11, v2;
	vm13 =	vle.s32 v9, v2;
	vm4 =	vle.s32 v56, v2  }
0x1ff: {  	vm14 =	vgt.s32 v58, v3;
	vm15 =	vle.s32 v58, v2;
	vm11 =	vmand vm3, vm4  }
0x200: {  	v61 =	vsel vm11, $0x1, v1;
	vm11 =	vle.s32 v60, v2;
	vm0 =	vmand vm6, vm7  }
0x201: {  	vm6 =	vmand vm14, vm15;
	vm7 =	vgt.s32 v11, v3;
	v4 =	vsel vm0, $0x1, v1  }
0x202: {  	vm14 =	vle.s32 v13, v2;
	v4 =	vadd.s32 v4, v5;
	v5 =	vsel vm10, $0x1, v1  }
0x203: {  	v63 =	vsel vm6, $0x1, v1;
	vm1 =	vmand vm12, vm13;
	v4 =	vadd.s32 v5, v4  }
0x204: {  	vm9 =	vmand vm7, vm8;
	v62 =	vsel vm1, $0x1, v1;
	v4 =	vadd.s32 v61, v4  }
.Ltmp15:
0x205: {  	vm13 =	vgt.s32 v13, v3;
	vm10 =	vgt.s32 v60, v3;
	v4 =	vadd.s32 v62, v4;
	s30 =	spop (v2sf);
	(pc) =	sbr.rel .LBB2_23-.Ltmp15, $4  }
0x206: {  	s15 =	simm.s32 $0x1;
	v5 =	vsel vm9, $0x1, v1;
	vm12 =	vmand vm10, vm11;
	v4 =	vadd.s32 v63, v4;
	p0 =	sgt.s32 s30, $0x0;
	s31 =	spop (v2sf)  }
0x207: {  	s17 =	simm.s32 $0x1;
	vm15 =	vmand vm13, vm14;
	v2 =	vsel vm12, $0x1, v1;
	v4 =	vadd.s32 v5, v4;
	s15 =	simm.s32 @!p0 $0x0;
	p0 =	sgt.s32 s31, $0x0  }
0x208: {  	v2 =	vadd.s32 v2, v4;
	v4 =	vsel vm15, $0x1, v1;
	s15 =	sadd.s32 s15, s16;
	s17 =	simm.s32 @!p0 $0x0  }
0x209: {  	v2 =	vadd.s32 v4, v2;
	[smem:s15] =	sst s25;
	s15 =	sadd.s32 s17, s15  }
.LBB2_11:
0x20a: {  	v2 =	vimm.s32 $0x0;
	s15 =	simm.s32 $0x0  }
.LBB2_23:
0x20b: {  	(xrf0) =	vadd.scan.msk.s32 $0xffff, v2;
	_ =	sdelay $0x5  }
0x20c: {  	v2, _, _ =	vpop (xrf0)  }
0x20d: {  	(v2sf) =	vpush v2, $0xF;
	_ =	sdelay $0x7  }
0x20e: {  	[smem:s15] =	sst s9;
	s14 =	sadd.s32 $0x7, s15  }
0x20f: {  	[smem:s15+$0x1] =	sst s9;
	s17 =	sand.u32 $0x7, s14;
	s31 =	sshra.s32 s14, $0x1F  }
0x210: {  	p1 =	slt.s32 s14, $0x1;
	[smem:s15+$0x2] =	sst s9;
	p0 =	sne.s32 s17, $0x0  }
0x211: {  	s17 =	sshrl.u32 s31, $0x1D;
	[smem:s15+$0x3] =	sst s9;
	p0 =	por !p1, !p0  }
.Ltmp16:
0x212: {  	s14 =	sadd.s32 s17, s14;
	[smem:s15+$0x4] =	sst s9;
	(pc) =	sbr.rel .LBB2_24-.Ltmp16, $4  }
0x213: {  	s17 =	simm.s32 $0x1;
	p0 =	por !p0, !p0;
	[smem:s15+$0x5] =	sst s9  }
0x214: {  	s14 =	sshra.s32 s14, $0x3;
	s17 =	simm.s32 @!p0 $0x0;
	[smem:s15+$0x6] =	sst s9  }
0x215: {  	s14 =	ssub.s32 s14, s17;
	[smem:s15+$0x7] =	sst s9;
	s16 =	spop (v2sf)  }
0x216: {  	s15 =	simm.s32 $0x0;
	p0 =	slt.s32 s14, $0x1;
	s13 =	sadd.s32 s13, s16  }
.LBB2_25:
0x217: {  	v2 =	vimm.s32 $0x0  }
.LBB2_31:
0x218: {  	(xrf0) =	vadd.scan.msk.s32 $0xffff, v2;
	_ =	sdelay $0x5  }
0x219: {  	v2, _, _ =	vpop (xrf0)  }
0x21a: {  	(v2sf) =	vpush v2, $0xF;
	_ =	sdelay $0xc  }
0x21b: {  	s15 =	sadd.s32 $0x1, s15  }
0x21c: {  	p2 =	seq.s32 s15, $0x15  }
.Ltmp17:
0x21d: {  	s17 =	spop (v2sf);
	(pc) =	sbr.rel @p2 .LBB2_32-.Ltmp17, $4  }
0x21e: {  	s17 =	sadd.s32 s17, s13  }
0x21f: {  	p1 =	sgt.s32 s17, $0x3F;
	s17 =	sadd.s32 $0xFFFFFFFF, s16  }
0x220: {  	s17 =	smov.u32 @p1 s12  }
0x221: {  	s11 =	smov.u32 @p1 s16;
	s12 =	smov.u32 s17  }
.LBB2_24:
.Ltmp18:
0x222: {  	(pc) =	sbr.rel @p0 .LBB2_25-.Ltmp18, $4  }
0x223: {  	s16 =	ssub.s32 s12, s11  }
0x224: {  	s16 =	sadd.s32 $0x1, s16  }
0x225: {  	s16 =	sshra.s32 s16, $0x1  }
0x226: {  	s16 =	sadd.s32 s11, s16  }
0x227: {  	s17 =	sld [smem:$0x7]  }
0x228: {  	s19 =	sld [smem:$0x6]  }
0x229: {  	s21 =	sld [smem:$0x5]  }
0x22a: {  	p2 =	sne.s32 s14, $0x1;
	s23 =	sld [smem:$0x4]  }
.Ltmp19:
0x22b: {  	s20 =	sld [smem:$0x3];
	(pc) =	sbr.rel @!p2 .LBB2_27-.Ltmp19, $4  }
0x22c: {  	p1 =	por $0x0, $0x0;
	s22 =	sshll.u32 s17, $0x6;
	s18 =	sld [smem:$0x2]  }
0x22d: {  	s19 =	sshll.u32 s19, $0x6;
	s24 =	sshra.s32 s22, $0x2;
	s17 =	sld [smem:$0x1]  }
0x22e: {  	s21 =	sshll.u32 s21, $0x6;
	s19 =	sshra.s32 s19, $0x2;
	s22 =	sld [smem:$0x0];
	v5 =	vld [tilespmem:s24+$0x0]  }
0x22f: {  	v4 =	vmov s16;
	v2 =	vimm.s32 $0x0;
	s23 =	sshll.u32 s23, $0x6;
	s24 =	sshra.s32 s21, $0x2;
	v6 =	vld [tilespmem:s19+$0x0];
	s21 =	sadd.s32 $0xFFFFFFFF, s14  }
0x230: {  	s19 =	sshll.u32 s20, $0x6;
	s25 =	sshra.s32 s23, $0x2;
	v7 =	vld [tilespmem:s24+$0x0]  }
0x231: {  	s18 =	sshll.u32 s18, $0x6;
	s19 =	sshra.s32 s19, $0x2;
	v8 =	vld [tilespmem:s25+$0x0]  }
0x232: {  	s26 =	sshll.u32 s22, $0x6;
	s18 =	sshra.s32 s18, $0x2;
	v9 =	vld [tilespmem:s19+$0x0]  }
0x233: {  	s17 =	sshll.u32 s17, $0x6;
	s28 =	sshra.s32 s26, $0x2;
	v10 =	vld [tilespmem:s18+$0x0]  }
0x234: {  	s17 =	sshra.s32 s17, $0x2;
	v11 =	vld [tilespmem:s28+$0x0]  }
0x235: {  	s29 =	sld [smem:$0xF];
	v12 =	vld [tilespmem:s17+$0x0];
	vm0 =	vge.s32 v5, v4  }
0x236: {  	vm1 =	vle.s32 v5, v3;
	s30 =	sld [smem:$0xE];
	vm2 =	vge.s32 v6, v4;
	vm3 =	vle.s32 v6, v3  }
0x237: {  	s31 =	sld [smem:$0xD];
	vm4 =	vge.s32 v7, v4;
	vm5 =	vle.s32 v7, v3;
	vm6 =	vge.s32 v8, v4  }
0x238: {  	p2 =	sne.s32 s21, $0x1;
	s25 =	sld [smem:$0xC];
	vm7 =	vle.s32 v8, v3;
	vm8 =	vge.s32 v9, v4;
	vm9 =	vle.s32 v9, v3  }
.Ltmp20:
0x239: {  	s21 =	sadd.s32 $0xFFFFFFFF, s21;
	s20 =	sld [smem:$0xB];
	vm12 =	vge.s32 v10, v4;
	vm10 =	vge.s32 v11, v4;
	vm11 =	vle.s32 v11, v3;
	(pc) =	sbr.rel @!p2 .LBB2_30-.Ltmp20, $4  }
0x23a: {  	p1 =	por $0x1, $0x1;
	s22 =	sshll.u32 s29, $0x6;
	s18 =	sld [smem:$0xA];
	vm13 =	vle.s32 v12, v3;
	vm10 =	vmand vm10, vm11;
	vm11 =	vge.s32 v12, v4  }
0x23b: {  	s23 =	sshll.u32 s30, $0x6;
	s26 =	sshra.s32 s22, $0x2;
	s17 =	sld [smem:$0x9];
	v6 =	vsel vm10, $0x1, v1;
	vm10 =	vmand vm11, vm13;
	vm11 =	vle.s32 v10, v3  }
0x23c: {  	s24 =	sshll.u32 s31, $0x6;
	s28 =	sshra.s32 s23, $0x2;
	s22 =	sld [smem:$0x8];
	v5 =	vld [tilespmem:s26+$0x0];
	v7 =	vadd.s32 v6, v2;
	v8 =	vsel vm10, $0x1, v1;
	vm10 =	vmand vm12, vm11  }
0x23d: {  	s19 =	simm.s32 $0xC;
	vm8 =	vmand vm8, vm9;
	s23 =	sshll.u32 s25, $0x6;
	s24 =	sshra.s32 s24, $0x2;
	v6 =	vld [tilespmem:s28+$0x0];
	v7 =	vadd.s32 v8, v7;
	v8 =	vsel vm10, $0x1, v1  }
.LBB2_29:
0x23e: {  	p2 =	sne.s32 s21, $0x1;
	s20 =	sshll.u32 s20, $0x6;
	s23 =	sshra.s32 s23, $0x2;
	v9 =	vld [tilespmem:s24+$0x0];
	v7 =	vadd.s32 v8, v7;
	v8 =	vsel vm8, $0x1, v1;
	vm6 =	vmand vm6, vm7  }
0x23f: {  	s18 =	sshll.u32 s18, $0x6;
	vm4 =	vmand vm4, vm5;
	s20 =	sshra.s32 s20, $0x2;
	v10 =	vld [tilespmem:s23+$0x0];
	v7 =	vadd.s32 v8, v7;
	v8 =	vsel vm6, $0x1, v1  }
0x240: {  	vm2 =	vmand vm2, vm3;
	s22 =	sshll.u32 s22, $0x6;
	s18 =	sshra.s32 s18, $0x2;
	v11 =	vld [tilespmem:s20+$0x0];
	v7 =	vadd.s32 v8, v7;
	v8 =	vsel vm4, $0x1, v1  }
0x241: {  	s17 =	sshll.u32 s17, $0x6;
	vm0 =	vmand vm0, vm1;
	s20 =	sshra.s32 s22, $0x2;
	v12 =	vld [tilespmem:s18+$0x0];
	v7 =	vadd.s32 v8, v7;
	v8 =	vsel vm2, $0x1, v1  }
0x242: {  	s19 =	sadd.s32 $0x8, s19;
	s17 =	sshra.s32 s17, $0x2;
	v13 =	vld [tilespmem:s20+$0x0];
	v7 =	vadd.s32 v8, v7;
	v8 =	vsel vm0, $0x1, v1  }
0x243: {  	vm0 =	vge.s32 v5, v4;
	s22 =	sld [smem:s19+$0x3];
	v14 =	vld [tilespmem:s17+$0x0];
	v7 =	vadd.s32 v8, v7  }
0x244: {  	vm1 =	vle.s32 v5, v3;
	vm2 =	vge.s32 v6, v4;
	vm3 =	vle.s32 v6, v3;
	s23 =	sld [smem:s19+$0x2]  }
0x245: {  	vm4 =	vge.s32 v9, v4;
	vm5 =	vle.s32 v9, v3;
	vm6 =	vge.s32 v10, v4;
	s24 =	sld [smem:s19+$0x1]  }
0x246: {  	vm7 =	vle.s32 v10, v3;
	vm8 =	vge.s32 v11, v4;
	vm9 =	vle.s32 v11, v3;
	s25 =	sld [smem:s19+$0x0]  }
.Ltmp21:
0x247: {  	vm12 =	vge.s32 v12, v4;
	s20 =	sld [smem:s19+$0xFFFFFFFF];
	vm10 =	vge.s32 v13, v4;
	vm11 =	vle.s32 v13, v3;
	(pc) =	sbr.rel @p2 .LBB2_29-.Ltmp21, $4  }
0x248: {  	s22 =	sshll.u32 s22, $0x6;
	s18 =	sld [smem:s19+$0xFFFFFFFE];
	vm10 =	vmand vm10, vm11;
	vm11 =	vge.s32 v14, v4;
	vm13 =	vle.s32 v14, v3  }
0x249: {  	s23 =	sshll.u32 s23, $0x6;
	s26 =	sshra.s32 s22, $0x2;
	s17 =	sld [smem:s19+$0xFFFFFFFD];
	v6 =	vsel vm10, $0x1, v1;
	vm10 =	vmand vm11, vm13;
	vm11 =	vle.s32 v12, v3  }
0x24a: {  	s24 =	sshll.u32 s24, $0x6;
	s28 =	sshra.s32 s23, $0x2;
	s22 =	sld [smem:s19+$0xFFFFFFFC];
	v5 =	vld [tilespmem:s26+$0x0];
	v7 =	vadd.s32 v6, v7;
	v8 =	vsel vm10, $0x1, v1;
	vm10 =	vmand vm12, vm11  }
0x24b: {  	s21 =	sadd.s32 $0xFFFFFFFF, s21;
	vm8 =	vmand vm8, vm9;
	s23 =	sshll.u32 s25, $0x6;
	s24 =	sshra.s32 s24, $0x2;
	v6 =	vld [tilespmem:s28+$0x0];
	v7 =	vadd.s32 v8, v7;
	v8 =	vsel vm10, $0x1, v1  }
.LBB2_30:
0x24c: {  	s19 =	sshll.u32 s20, $0x6;
	s29 =	sshra.s32 s23, $0x2;
	v9 =	vld [tilespmem:s24+$0x0];
	v7 =	vadd.s32 @p1 v8, v7;
	v8 =	vsel @p1 vm8, $0x1, v1;
	vm6 =	vmand @p1 vm6, vm7  }
0x24d: {  	vm4 =	vmand @p1 vm4, vm5;
	s18 =	sshll.u32 s18, $0x6;
	s19 =	sshra.s32 s19, $0x2;
	v10 =	vld [tilespmem:s29+$0x0];
	v7 =	vadd.s32 @p1 v8, v7;
	v8 =	vsel @p1 vm6, $0x1, v1  }
0x24e: {  	vm2 =	vmand @p1 vm2, vm3;
	s30 =	sshll.u32 s22, $0x6;
	s18 =	sshra.s32 s18, $0x2;
	v11 =	vld [tilespmem:s19+$0x0];
	v7 =	vadd.s32 @p1 v8, v7;
	v8 =	vsel @p1 vm4, $0x1, v1  }
0x24f: {  	s17 =	sshll.u32 s17, $0x6;
	s31 =	sshra.s32 s30, $0x2;
	v13 =	vld [tilespmem:s18+$0x0];
	v7 =	vadd.s32 @p1 v8, v7;
	v8 =	vsel @p1 vm2, $0x1, v1  }
0x250: {  	vm0 =	vmand @p1 vm0, vm1;
	s17 =	sshra.s32 s17, $0x2;
	v12 =	vld [tilespmem:s31+$0x0];
	vm1 =	vle.s32 v5, v3;
	v7 =	vadd.s32 @p1 v8, v7  }
0x251: {  	v14 =	vld [tilespmem:s17+$0x0];
	v8 =	vsel @p1 vm0, $0x1, v1;
	vm0 =	vge.s32 v5, v4;
	vm2 =	vge.s32 v6, v4  }
0x252: {  	vm3 =	vle.s32 v6, v3;
	v7 =	vadd.s32 @p1 v8, v7;
	vm5 =	vge.s32 v9, v4  }
0x253: {  	vm6 =	vle.s32 v9, v3;
	vm4 =	vge.s32 v10, v4;
	vm11 =	vle.s32 v10, v3  }
0x254: {  	v2 =	vpsel p1, v7, v2;
	vm7 =	vge.s32 v11, v4;
	vm8 =	vle.s32 v11, v3  }
0x255: {  	vm12 =	vge.s32 v13, v4;
	vm9 =	vge.s32 v12, v4;
	vm10 =	vle.s32 v12, v3  }
0x256: {  	vm13 =	vle.s32 v14, v3;
	vm9 =	vmand vm9, vm10;
	vm10 =	vge.s32 v14, v4  }
0x257: {  	v4 =	vsel vm9, $0x1, v1;
	vm15 =	vmand vm10, vm13;
	vm13 =	vle.s32 v13, v3  }
0x258: {  	v2 =	vadd.s32 v4, v2;
	v4 =	vsel vm15, $0x1, v1;
	vm14 =	vmand vm12, vm13  }
0x259: {  	vm7 =	vmand vm7, vm8;
	v2 =	vadd.s32 v4, v2;
	v4 =	vsel vm14, $0x1, v1  }
0x25a: {  	vm4 =	vmand vm4, vm11;
	v2 =	vadd.s32 v4, v2;
	v4 =	vsel vm7, $0x1, v1  }
.Ltmp22:
0x25b: {  	vm15 =	vmand vm5, vm6;
	v2 =	vadd.s32 v4, v2;
	v4 =	vsel vm4, $0x1, v1;
	(pc) =	sbr.rel .LBB2_31-.Ltmp22, $4  }
0x25c: {  	vm2 =	vmand vm2, vm3;
	v2 =	vadd.s32 v4, v2;
	v4 =	vsel vm15, $0x1, v1  }
0x25d: {  	vm0 =	vmand vm0, vm1;
	v2 =	vadd.s32 v4, v2;
	v4 =	vsel vm2, $0x1, v1  }
0x25e: {  	v2 =	vadd.s32 v4, v2;
	v4 =	vsel vm0, $0x1, v1  }
0x25f: {  	v2 =	vadd.s32 v4, v2  }
.LBB2_27:
.Ltmp23:
0x260: {  	(pc) =	sbr.rel .LBB2_30-.Ltmp23, $2  }
0x261: {  	_ =	sdelay $0x2  }
0x262: {  	_ = 	snop  }
.LBB2_32:
0x263: {  	s12 =	simm.s32 $0x0  }
0x264: {  	v4 =	vld [tilespmem:s12+$0x0];
	_ =	sdelay $0x1  }
0x265: {  	v5 =	vld [tilespmem:s12+$0x10];
	_ =	sdelay $0x2  }
0x266: {  	v7 =	vmul.f32 $1.442695020e+00, v4  }
0x267: {  	v6 =	vld [tilespmem:s12+$0x20]  }
0x268: {  	v9 =	vmul.f32 $1.442695020e+00, v5;
	(erf) = vpow2.f32 v7  }
0x269: {  	v8 =	vld [tilespmem:s12+$0x30]  }
0x26a: {  	(erf) = vpow2.f32 v9  }
0x26b: {  	v11 =	vld [tilespmem:s12+$0x40]  }
0x26c: {  	v7 =	vmul.f32 $1.442695020e+00, v6;
	_ =	sdelay $0x1  }
0x26d: {  	v9 =	vmul.f32 $1.442695020e+00, v8;
	(erf) = vpow2.f32 v7  }
0x26e: {  	v12 =	vld [tilespmem:s12+$0x50]  }
0x26f: {  	v2 =	vmov s11;
	v7 =	vmul.f32 $1.442695020e+00, v11;
	(erf) = vpow2.f32 v9  }
0x270: {  	v13 =	vld [tilespmem:s12+$0x60];
	vm0 =	vgt.s32 v2, v4;
	v4 =	vpop (erf)  }
0x271: {  	v3 =	vimm.f32 $0.0e+00;
	s11 =	simm.s32 $0x80;
	v14 =	vld [tilespmem:s12+$0x70];
	(erf) = vpow2.f32 v7;
	v4 =	vsel vm0, $0x0, v4  }
0x272: {  	v10 =	vld [tilespmem:s11+$0x0];
	vm9 =	vgt.s32 v2, v5;
	v5 =	vpop (erf);
	v3 =	vadd.f32 v4, v3  }
0x273: {  	v9 =	vmul.f32 $1.442695020e+00, v12;
	v7 =	vld [tilespmem:s11+$0x10];
	[tilespmem:s12+$0x2080] =	vst v4;
	v4 =	vsel vm9, $0x0, v5  }
0x274: {  	v3 =	vadd.f32 v4, v3  }
0x275: {  	v15 =	vmul.f32 $1.442695020e+00, v13;
	(erf) = vpow2.f32 v9  }
0x276: {  	vm10 =	vgt.s32 v2, v6;
	v5 =	vmul.f32 $1.442695020e+00, v14;
	v6 =	vpop (erf)  }
0x277: {  	(erf) = vpow2.f32 v15;
	v9 =	vld [tilespmem:s11+$0x20];
	[tilespmem:s12+$0x2090] =	vst v4;
	v4 =	vsel vm10, $0x0, v6  }
0x278: {  	vm11 =	vgt.s32 v2, v8;
	(erf) = vpow2.f32 v5;
	v5 =	vadd.f32 v4, v3;
	v3 =	vpop (erf)  }
0x279: {  	v8 =	vmul.f32 $1.442695020e+00, v10;
	v6 =	vld [tilespmem:s11+$0x30];
	[tilespmem:s12+$0x20A0] =	vst v4;
	v4 =	vsel vm11, $0x0, v3  }
0x27a: {  	vm12 =	vgt.s32 v2, v11;
	v11 =	vpop (erf);
	v5 =	vadd.f32 v4, v5  }
0x27b: {  	v15 =	vmul.f32 $1.442695020e+00, v7;
	(erf) = vpow2.f32 v8;
	v11 =	vsel vm12, $0x0, v11  }
0x27c: {  	v3 =	vld [tilespmem:s11+$0x40];
	v8 =	vadd.f32 v11, v5  }
0x27d: {  	vm13 =	vgt.s32 v2, v12;
	v12 =	vmul.f32 $1.442695020e+00, v9;
	[tilespmem:s12+$0x20B0] =	vst v4;
	(erf) = vpow2.f32 v15  }
0x27e: {  	v4 =	vld [tilespmem:s11+$0x50];
	v5 =	vpop (erf)  }
0x27f: {  	v15 =	vmul.f32 $1.442695020e+00, v6;
	[tilespmem:s12+$0x20C0] =	vst v11;
	(erf) = vpow2.f32 v12;
	v11 =	vsel vm13, $0x0, v5  }
0x280: {  	vm14 =	vgt.s32 v2, v13;
	v5 =	vld [tilespmem:s11+$0x60];
	v16 =	vadd.f32 v11, v8;
	v8 =	vpop (erf)  }
0x281: {  	v13 =	vmul.f32 $1.442695020e+00, v3;
	(erf) = vpow2.f32 v15;
	[tilespmem:s12+$0x20D0] =	vst v11;
	v12 =	vsel vm14, $0x0, v8  }
0x282: {  	vm15 =	vgt.s32 v2, v14;
	v8 =	vld [tilespmem:s11+$0x70];
	v14 =	vpop (erf);
	v11 =	vadd.f32 v12, v16  }
0x283: {  	s13 =	simm.s32 $0x100;
	s14 =	simm.s32 $0x600;
	(erf) = vpow2.f32 v13;
	[tilespmem:s12+$0x20E0] =	vst v12;
	v12 =	vmul.f32 $1.442695020e+00, v4;
	v13 =	vsel vm15, $0x0, v14  }
.LBB2_33:
0x284: {  	p0 =	sne.s32 s14, $0x7E00;
	vm0 =	vgt.s32 v2, v10;
	v10 =	vld [tilespmem:s13+$0x0];
	v14 =	vpop (erf);
	[tilespmem:s12+$0x20F0] =	vst v13;
	v11 =	vadd.f32 v13, v11;
	s12 =	smov.u32 s11;
	s11 =	smov.u32 s13  }
0x285: {  	v13 =	vsel vm0, $0x0, v14;
	v14 =	vmul.f32 $1.442695020e+00, v5;
	(erf) = vpow2.f32 v12  }
0x286: {  	vm0 =	vgt.s32 v2, v7;
	[tilespmem:s12+$0x2080] =	vst v13;
	v11 =	vadd.f32 v13, v11;
	v7 =	vld [tilespmem:s11+$0x10];
	v12 =	vpop (erf)  }
0x287: {  	v15 =	vsel vm0, $0x0, v12;
	v13 =	vmul.f32 $1.442695020e+00, v8;
	(erf) = vpow2.f32 v14  }
0x288: {  	vm0 =	vgt.s32 v2, v9;
	[tilespmem:s12+$0x2090] =	vst v15;
	v11 =	vadd.f32 v15, v11;
	v9 =	vld [tilespmem:s11+$0x20];
	v12 =	vpop (erf)  }
0x289: {  	v14 =	vmul.f32 $1.442695020e+00, v10;
	v15 =	vsel vm0, $0x0, v12;
	(erf) = vpow2.f32 v13  }
0x28a: {  	vm0 =	vgt.s32 v2, v6;
	[tilespmem:s12+$0x20A0] =	vst v15;
	v11 =	vadd.f32 v15, v11;
	v6 =	vld [tilespmem:s11+$0x30];
	v12 =	vpop (erf)  }
0x28b: {  	v13 =	vmul.f32 $1.442695020e+00, v7;
	(erf) = vpow2.f32 v14;
	v14 =	vsel vm0, $0x0, v12  }
0x28c: {  	vm0 =	vgt.s32 v2, v3;
	[tilespmem:s12+$0x20B0] =	vst v14;
	v11 =	vadd.f32 v14, v11;
	v3 =	vld [tilespmem:s11+$0x40];
	v12 =	vpop (erf)  }
0x28d: {  	v14 =	vmul.f32 $1.442695020e+00, v9;
	(erf) = vpow2.f32 v13;
	v13 =	vsel vm0, $0x0, v12  }
0x28e: {  	vm0 =	vgt.s32 v2, v4;
	[tilespmem:s12+$0x20C0] =	vst v13;
	v11 =	vadd.f32 v13, v11;
	v4 =	vld [tilespmem:s11+$0x50];
	v12 =	vpop (erf)  }
.Ltmp24:
0x28f: {  	v15 =	vmul.f32 $1.442695020e+00, v6;
	(erf) = vpow2.f32 v14;
	v14 =	vsel vm0, $0x0, v12;
	(pc) =	sbr.rel @p0 .LBB2_33-.Ltmp24, $4  }
0x290: {  	vm0 =	vgt.s32 v2, v5;
	[tilespmem:s12+$0x20D0] =	vst v14;
	v11 =	vadd.f32 v14, v11;
	v5 =	vld [tilespmem:s11+$0x60];
	v12 =	vpop (erf)  }
0x291: {  	v14 =	vmul.f32 $1.442695020e+00, v3;
	(erf) = vpow2.f32 v15;
	v12 =	vsel vm0, $0x0, v12  }
0x292: {  	vm0 =	vgt.s32 v2, v8;
	[tilespmem:s12+$0x20E0] =	vst v12;
	v11 =	vadd.f32 v12, v11;
	v8 =	vld [tilespmem:s11+$0x70];
	v13 =	vpop (erf)  }
0x293: {  	s13 =	sshra.s32 s14, $0x2;
	s14 =	sadd.s32 $0x200, s14;
	v12 =	vmul.f32 $1.442695020e+00, v4;
	(erf) = vpow2.f32 v14;
	v13 =	vsel vm0, $0x0, v13  }
0x294: {  	v14 =	vld [tilespmem:s13+$0x0];
	vm0 =	vgt.s32 v2, v10;
	v10 =	vpop (erf);
	v11 =	vadd.f32 v13, v11  }
0x295: {  	[tilespmem:s12+$0x20F0] =	vst v13;
	v10 =	vsel vm0, $0x0, v10;
	v58 =	vmul.f32 $1.442695020e+00, v5;
	(erf) = vpow2.f32 v12  }
0x296: {  	vm13 =	vgt.s32 v2, v7;
	v59 =	vld [tilespmem:s13+$0x10];
	v11 =	vadd.f32 v10, v11;
	v7 =	vpop (erf)  }
0x297: {  	[tilespmem:s11+$0x2080] =	vst v10;
	v7 =	vsel vm13, $0x0, v7;
	v10 =	vmul.f32 $1.442695020e+00, v8;
	(erf) = vpow2.f32 v58  }
0x298: {  	vm14 =	vgt.s32 v2, v9;
	v60 =	vld [tilespmem:s13+$0x20];
	v11 =	vadd.f32 v7, v11;
	v9 =	vpop (erf)  }
0x299: {  	[tilespmem:s11+$0x2090] =	vst v7;
	v7 =	vmul.f32 $1.442695020e+00, v14;
	v9 =	vsel vm14, $0x0, v9;
	(erf) = vpow2.f32 v10  }
0x29a: {  	vm15 =	vgt.s32 v2, v6;
	v10 =	vld [tilespmem:s13+$0x30];
	v11 =	vadd.f32 v9, v11;
	v6 =	vpop (erf)  }
0x29b: {  	[tilespmem:s11+$0x20A0] =	vst v9;
	v9 =	vmul.f32 $1.442695020e+00, v59;
	(erf) = vpow2.f32 v7;
	v6 =	vsel vm15, $0x0, v6  }
0x29c: {  	vm4 =	vgt.s32 v2, v3;
	v7 =	vld [tilespmem:s13+$0x40];
	v11 =	vadd.f32 v6, v11;
	v3 =	vpop (erf)  }
0x29d: {  	[tilespmem:s11+$0x20B0] =	vst v6;
	v6 =	vmul.f32 $1.442695020e+00, v60;
	(erf) = vpow2.f32 v9;
	v3 =	vsel vm4, $0x0, v3  }
0x29e: {  	vm5 =	vgt.s32 v2, v4;
	v9 =	vld [tilespmem:s13+$0x50];
	v11 =	vadd.f32 v3, v11;
	v4 =	vpop (erf)  }
0x29f: {  	[tilespmem:s11+$0x20C0] =	vst v3;
	v3 =	vmul.f32 $1.442695020e+00, v10;
	(erf) = vpow2.f32 v6;
	v4 =	vsel vm5, $0x0, v4  }
0x2a0: {  	vm6 =	vgt.s32 v2, v5;
	v6 =	vld [tilespmem:s13+$0x60];
	v11 =	vadd.f32 v4, v11;
	v5 =	vpop (erf)  }
0x2a1: {  	[tilespmem:s11+$0x20D0] =	vst v4;
	v4 =	vmul.f32 $1.442695020e+00, v7;
	(erf) = vpow2.f32 v3;
	v3 =	vsel vm6, $0x0, v5  }
0x2a2: {  	vm7 =	vgt.s32 v2, v8;
	v5 =	vld [tilespmem:s13+$0x70];
	v11 =	vadd.f32 v3, v11;
	v8 =	vpop (erf)  }
0x2a3: {  	(erf) = vpow2.f32 v4;
	v4 =	vmul.f32 $1.442695020e+00, v9;
	v8 =	vsel vm7, $0x0, v8  }
0x2a4: {  	vm8 =	vgt.s32 v2, v14;
	v61 =	vpop (erf);
	v11 =	vadd.f32 v8, v11  }
0x2a5: {  	(erf) = vpow2.f32 v4;
	v4 =	vmul.f32 $1.442695020e+00, v6;
	v14 =	vsel vm8, $0x0, v61  }
0x2a6: {  	vm9 =	vgt.s32 v2, v59;
	v62 =	vpop (erf);
	v11 =	vadd.f32 v14, v11  }
0x2a7: {  	v12 =	vsel vm9, $0x0, v62;
	(erf) = vpow2.f32 v4;
	v4 =	vmul.f32 $1.442695020e+00, v5  }
0x2a8: {  	vm10 =	vgt.s32 v2, v60;
	v63 =	vpop (erf);
	v11 =	vadd.f32 v12, v11  }
0x2a9: {  	v13 =	vsel vm10, $0x0, v63;
	(erf) = vpow2.f32 v4  }
0x2aa: {  	vm11 =	vgt.s32 v2, v10;
	v10 =	vpop (erf);
	v4 =	vadd.f32 v13, v11  }
0x2ab: {  	v10 =	vsel vm11, $0x0, v10  }
0x2ac: {  	vm12 =	vgt.s32 v2, v7;
	v7 =	vpop (erf);
	v4 =	vadd.f32 v10, v4  }
0x2ad: {  	v7 =	vsel vm12, $0x0, v7  }
0x2ae: {  	vm13 =	vgt.s32 v2, v9;
	v9 =	vpop (erf);
	v4 =	vadd.f32 v7, v4  }
0x2af: {  	v9 =	vsel vm13, $0x0, v9  }
0x2b0: {  	vm14 =	vgt.s32 v2, v6;
	v6 =	vpop (erf);
	v4 =	vadd.f32 v9, v4  }
0x2b1: {  	v6 =	vsel vm14, $0x0, v6  }
0x2b2: {  	vm15 =	vgt.s32 v2, v5;
	v2 =	vpop (erf);
	v4 =	vadd.f32 v6, v4  }
0x2b3: {  	v2 =	vsel vm15, $0x0, v2  }
0x2b4: {  	v4 =	vadd.f32 v2, v4;
	_ =	sdelay $0x1  }
0x2b5: {  	(xrf2) =	vadd.scan.msk.f32 $0xffff, v4;
	_ =	sdelay $0x7  }
0x2b6: {  	[tilespmem:s11+$0x20E0] =	vst v3  }
0x2b7: {  	[tilespmem:s11+$0x20F0] =	vst v8  }
0x2b8: {  	[tilespmem:s13+$0x2080] =	vst v14;
	v3, _, _ =	vpop (xrf2)  }
0x2b9: {  	[tilespmem:s13+$0x2090] =	vst v12;
	v3 =	vbroadcast v3, $0xF  }
0x2ba: {  	[tilespmem:s13+$0x20A0] =	vst v13  }
0x2bb: {  	[tilespmem:s13+$0x20B0] =	vst v10;
	(erf) = vrcp.f32 v3  }
0x2bc: {  	[tilespmem:s13+$0x20C0] =	vst v7  }
0x2bd: {  	[tilespmem:s13+$0x20D0] =	vst v9  }
0x2be: {  	[tilespmem:s13+$0x20E0] =	vst v6  }
0x2bf: {  	s12 =	simm.s32 $0x0;
	[tilespmem:s13+$0x20F0] =	vst v2  }
0x2c0: {  	v4 =	vld [tilespmem:s12+$0x20F0]  }
0x2c1: {  	v8 =	vld [tilespmem:s12+$0x2080]  }
0x2c2: {  	v9 =	vld [tilespmem:s12+$0x2090]  }
0x2c3: {  	v7 =	vld [tilespmem:s12+$0x20A0]  }
0x2c4: {  	v5 =	vld [tilespmem:s12+$0x20B0];
	v2 =	vpop (erf)  }
0x2c5: {  	v3 =	vld [tilespmem:s12+$0x20C0];
	v10 =	vmul.f32 v4, v2  }
0x2c6: {  	v4 =	vld [tilespmem:s12+$0x20D0];
	v8 =	vmul.f32 v8, v2  }
0x2c7: {  	s11 =	simm.s32 $0x80;
	s13 =	simm.s32 $0x400;
	v6 =	vld [tilespmem:s12+$0x20E0];
	v9 =	vmul.f32 v9, v2;
	[tilespmem:s12+$0x70] =	vst v10  }
.LBB2_35:
0x2c8: {  	p0 =	sne.s32 s13, $0x7E00;
	v10 =	vld [tilespmem:s11+$0x20F0];
	[tilespmem:s12+$0x0] =	vst v8;
	v7 =	vmul.f32 v7, v2  }
0x2c9: {  	v8 =	vld [tilespmem:s11+$0x2080];
	[tilespmem:s12+$0x10] =	vst v9;
	v5 =	vmul.f32 v5, v2  }
0x2ca: {  	v9 =	vld [tilespmem:s11+$0x2090];
	[tilespmem:s12+$0x20] =	vst v7;
	v3 =	vmul.f32 v3, v2  }
.Ltmp25:
0x2cb: {  	v7 =	vld [tilespmem:s11+$0x20A0];
	[tilespmem:s12+$0x30] =	vst v5;
	v4 =	vmul.f32 v4, v2;
	(pc) =	sbr.rel @p0 .LBB2_35-.Ltmp25, $4  }
0x2cc: {  	v5 =	vld [tilespmem:s11+$0x20B0];
	[tilespmem:s12+$0x40] =	vst v3;
	v6 =	vmul.f32 v6, v2  }
0x2cd: {  	v3 =	vld [tilespmem:s11+$0x20C0];
	v10 =	vmul.f32 v10, v2;
	[tilespmem:s12+$0x50] =	vst v4  }
0x2ce: {  	v8 =	vmul.f32 v8, v2;
	v4 =	vld [tilespmem:s11+$0x20D0];
	[tilespmem:s12+$0x60] =	vst v6;
	s12 =	smov.u32 s11  }
0x2cf: {  	s11 =	sshra.s32 s13, $0x2;
	s13 =	sadd.s32 $0x200, s13;
	v9 =	vmul.f32 v9, v2;
	v6 =	vld [tilespmem:s12+$0x20E0];
	[tilespmem:s12+$0x70] =	vst v10  }
0x2d0: {  	v10 =	vld [tilespmem:s11+$0x20F0];
	[tilespmem:s12+$0x0] =	vst v8;
	v7 =	vmul.f32 v7, v2  }
0x2d1: {  	v8 =	vld [tilespmem:s11+$0x2080];
	[tilespmem:s12+$0x10] =	vst v9;
	v5 =	vmul.f32 v5, v2  }
0x2d2: {  	v9 =	vld [tilespmem:s11+$0x2090];
	[tilespmem:s12+$0x20] =	vst v7;
	v3 =	vmul.f32 v3, v2  }
0x2d3: {  	v7 =	vld [tilespmem:s11+$0x20A0];
	[tilespmem:s12+$0x30] =	vst v5;
	v4 =	vmul.f32 v4, v2  }
0x2d4: {  	v5 =	vld [tilespmem:s11+$0x20B0];
	[tilespmem:s12+$0x40] =	vst v3;
	v6 =	vmul.f32 v6, v2  }
0x2d5: {  	v3 =	vld [tilespmem:s11+$0x20C0];
	[tilespmem:s12+$0x50] =	vst v4;
	v10 =	vmul.f32 v10, v2  }
0x2d6: {  	v4 =	vld [tilespmem:s11+$0x20D0];
	[tilespmem:s12+$0x60] =	vst v6;
	v61 =	vmul.f32 v8, v2  }
0x2d7: {  	v62 =	vld [tilespmem:s11+$0x20E0];
	v9 =	vmul.f32 v9, v2;
	[tilespmem:s11+$0x70] =	vst v10  }
0x2d8: {  	[tilespmem:s11+$0x0] =	vst v61;
	v63 =	vmul.f32 v7, v2  }
0x2d9: {  	[tilespmem:s11+$0x10] =	vst v9;
	v5 =	vmul.f32 v5, v2  }
0x2da: {  	[tilespmem:s11+$0x20] =	vst v63;
	v3 =	vmul.f32 v3, v2  }
0x2db: {  	[tilespmem:s11+$0x30] =	vst v5;
	v4 =	vmul.f32 v4, v2  }
0x2dc: {  	[tilespmem:s11+$0x40] =	vst v3;
	v2 =	vmul.f32 v62, v2  }
0x2dd: {  	s10 =	sadd.s32 $0x1, s10;
	[tilespmem:s11+$0x50] =	vst v4  }
0x2de: {  	p0 =	sne.s32 s10, s5;
	[tilespmem:s11+$0x60] =	vst v2  }
0x2df: {  	[hbm4b:s4+s6] =	stream.strided.scatter [tilespmem:s2], [sflag:$0x1], $0x2000, s7, s6, $0x38;
	[tilespmem:$0x4080] =	vst v63  }
.Ltmp26:
0x2e0: {  	_ = 	snop;
	(pc) =	sbr.rel @p0 .LBB2_1-.Ltmp26, $4  }
.Ltmp27:
0x2e1: {  	_ = 	snop;
	(pc) =	sbr.rel @!p0 .LBB2_37-.Ltmp27, $4  }
0x2e2: {  	_ =	swait.ge [sflag:s8], $0x2000  }
0x2e3: {  	[sflag:s8] =	ssyncset.done $0x0  }
0x2e4: {  	[sflag:s8] =	ssyncadd.s32 $0xFFFFE000  }
0x2e5: {  	_ = 	snop  }
.LBB2_19:
.Ltmp28:
0x2e6: {  	(pc) =	sbr.rel .LBB2_22-.Ltmp28, $2  }
0x2e7: {  	_ =	sdelay $0x2  }
0x2e8: {  	_ = 	snop  }
.LBB2_37:
0x2e9: {  	_ =	sfence.sel $0x180000  }
0x2ea: {  	[bflag:$0x0] =	sbarrier.arrive $0xFFFF  }
0x2eb: {  	p0 =	sne.s32 s1, $0x0;
	_ =	strace $0x90000047  }
0x2ec: {  	s0 =	sadd.s32 @!p0 $0x100000, s0;
	[bflag:$0x2] =	sbarrier.arrive $0xFFFF  }
0x2ed: {  	[sflag:s0] =	ssyncadd.tile.s32 @!p0 $0x1;
	_ =	shalt  }
.Lfunc_end2:
_tile_overlayer_lowered:
.L_overlay_start_2:
0x2ee: {  	(tag) =	ssettag $0x2  }
0x2ef: {  	s0 =	rddreg [dreg:$0x0];
	s2 =	stileid.u32  }
0x2f0: {  	s1 =	rddreg [dreg:$0x1];
	p0 =	sne.s32 s2, $0x0  }
0x2f1: {  	s3 =	rddreg [dreg:$0x2];
	[bflag:$0x3] =	sbarrier.arrive $0xFFFF;
	s2 =	simm.s32 @!p0 $0x1C01  }
0x2f2: {  	[timem:s3], [sflag:s2] =	dma.local @!p0 [hbm:s0], s1  }
0x2f3: {  	s0 =	simm.s32 @!p0 $0x1  }
0x2f4: {  	_ =	swait.ge @!p0 [sflag:s0], s1  }
0x2f5: {  	s1 =	ssub.s32 @!p0 $0x0, s1;
	[sflag:s0] =	ssyncset.done @!p0 $0x0  }
0x2f6: {  	[sflag:s0] =	ssyncadd.s32 @!p0 s1  }
0x2f7: {  	[bflag:$0x3] =	sbarrier.arrive $0xFFFF  }
0x2f8: {  	_ =	shalt  }

// kernel: kernel.9.cloned.1.call-start
scs
__scs_entry_jumppad:
0x0: {  	(pc) =	sbr.rel $0x88, $3  }
0x1: {  	(tag) =	ssettag $0x0;
	lr =	simm.s32 $0x1  }
0x2: {  	[smem:$0x3F9F] =	sst lr;
	_ =	strace $0xD0000000  }
0x3: {  	_ = 	snop  }
0x4: {  	_ = 	snop  }
0x5: {  	_ = 	snop  }
0x6: {  	_ = 	snop  }
0x7: {  	_ = 	snop  }
__scs_overlays_trampoline_lowered:
0x8: {  	[smem:$0x3FAE] =	sst s0  }
0x9: {  	[smem:$0x3FAF] =	sst s1  }
0xa: {  	[smem:$0x3FB0] =	sst s2  }
0xb: {  	[smem:$0x3FB1] =	sst s3  }
0xc: {  	[smem:$0x3FB2] =	sst s4  }
0xd: {  	[smem:$0x3FB3] =	sst s5  }
0xe: {  	[smem:$0x3FB4] =	sst s6  }
0xf: {  	[smem:$0x3FB5] =	sst s7  }
0x10: {  	[smem:$0x3FB6] =	sst s8  }
0x11: {  	[smem:$0x3FB7] =	sst s9;
	s0 =	simm.s32 @!p0 $0x0  }
0x12: {  	s1 =	sld [smem:$0x3F9D];
	s0 =	simm.s32 @p0 $0x1  }
0x13: {  	[smem:$0x3FB8] =	sst s0;
	s0 =	simm.s32 @!p1 $0x0  }
0x14: {  	s2 =	sld [smem:$0x3F9C];
	s0 =	simm.s32 @p1 $0x1  }
0x15: {  	[smem:$0x3FB9] =	sst s0;
	s0 =	simm.s32 @!p2 $0x0  }
0x16: {  	s3 =	sld [smem:$0x3FDB];
	s0 =	simm.s32 @p2 $0x1  }
0x17: {  	s4 =	simm.s32 $0x1BF5;
	[smem:$0x3FBB] =	sst s0  }
0x18: {  	s0 =	sld [smem:$0x3F9E];
	_ =	swait.ge [sflag:s4], $0x0  }
0x19: {  	s7 =	sld [smem:$0x3F9F]  }
0x1a: {  	s8 =	sadd.s32 $0xFFFFE003, lr  }
0x1b: {  	s9 =	sadd.s32 $0xFFFFFEF7, lr;
	s5 =	simm.s32 $0xFFFFFFFF;
	p2 =	slt.u32 s8, $0xFFFFF086  }
0x1c: {  	p1 =	slt.u32 s9, $0xF7A;
	s5 =	simm.s32 @!p2 $0x0  }
0x1d: {  	s5 =	simm.s32 @p1 $0x1;
	p0 =	seq.s32 s7, s2  }
0x1e: {  	s7 =	smul.u32 @!p0 $0xF7A, s2;
	p2 =	seq.s32 @!p0 s5, $0x0  }
0x1f: {  	s9 =	smul.u32 $0xF7A, s1;
	s8 =	simm.s32 @!p0 $0x1BF5;
	p2 =	por !p2, p0  }
0x20: {  	[sflag:s8] =	ssyncset.s32 @!p0 $0xFFFFF086;
	s6 =	sadd.s32 @!p0 s3, s7;
	s7 =	simm.s32 @!p0 $0x108  }
0x21: {  	s3 =	sadd.s32 s3, s9;
	s6 =	sadd.s32 @!p0 $0x88, s6;
	s7 =	simm.s32 @p2 $0x1082  }
0x22: {  	[simem:s7], [sflag:s8] =	dma.local @!p0 [hbm:s6], $0xF7A  }
0x23: {  	s9 =	sor.u32 $0xD0000000, s2;
	s6 =	simm.s32 $0x108;
	_ =	swait.ge @!p0 [sflag:s8], $0x0  }
0x24: {  	s3 =	sadd.s32 $0x88, s3;
	s6 =	simm.s32 @!p1 $0x1082;
	[sflag:s4] =	ssyncset.s32 $0xFFFFF086  }
0x25: {  	[simem:s6], [sflag:s4] =	dma.local [hbm:s3], $0xF7A  }
0x26: {  	[smem:$0x3F9F] =	sst s1;
	(tag) =	ssettag s2;
	_ =	strace s9  }
0x27: {  	s1 =	sld [smem:$0x3FAF]  }
0x28: {  	s2 =	sld [smem:$0x3FB0]  }
0x29: {  	s4 =	sld [smem:$0x3FB2]  }
0x2a: {  	p0 =	seq.s32 s5, $0x0;
	s5 =	sld [smem:$0x3FB3]  }
0x2b: {  	s6 =	sld [smem:$0x3FB4]  }
0x2c: {  	s7 =	sld [smem:$0x3FB5]  }
0x2d: {  	s3 =	simm.s32 $0x108;
	s8 =	sld [smem:$0x3FB6]  }
0x2e: {  	s3 =	simm.s32 @!p0 $0x1082;
	s9 =	sld [smem:$0x3FB7]  }
0x2f: {  	lr =	sadd.s32 s0, s3;
	s0 =	sld [smem:$0x3FAE]  }
0x30: {  	s3 =	sld [smem:$0x3FB1]  }
0x31: {  	[smem:$0x3FBA] =	sst s10  }
0x32: {  	s10 =	sld [smem:$0x3FB8];
	_ =	sdelay $0x3  }
0x33: {  	p0 =	seq.s32 s10, $0x1;
	s10 =	sld [smem:$0x3FBA];
	_ =	sdelay $0x3  }
0x34: {  	[smem:$0x3FBA] =	sst s10  }
0x35: {  	s10 =	sld [smem:$0x3FB9];
	_ =	sdelay $0x3  }
0x36: {  	p1 =	seq.s32 s10, $0x1;
	s10 =	sld [smem:$0x3FBA];
	_ =	sdelay $0x3  }
0x37: {  	[smem:$0x3FBA] =	sst s10  }
0x38: {  	s10 =	sld [smem:$0x3FBB]  }
0x39: {  	_ = 	snop;
	(pc) =	sbr.ind lr, $3  }
0x3a: {  	_ = 	snop  }
0x3b: {  	_ = 	snop  }
0x3c: {  	p2 =	seq.s32 s10, $0x1;
	s10 =	sld [smem:$0x3FBA]  }
0x3d: {  	_ =	shalt  }
0x3e: {  	_ =	shalt  }
0x3f: {  	_ =	shalt  }
0x40: {  	_ =	shalt  }
0x41: {  	_ =	shalt  }
0x42: {  	_ =	shalt  }
0x43: {  	_ =	shalt  }
0x44: {  	_ =	shalt  }
0x45: {  	_ =	shalt  }
0x46: {  	_ =	shalt  }
0x47: {  	_ =	shalt  }
0x48: {  	_ =	shalt  }
0x49: {  	_ =	shalt  }
0x4a: {  	_ =	shalt  }
0x4b: {  	_ =	shalt  }
0x4c: {  	_ =	shalt  }
0x4d: {  	_ =	shalt  }
0x4e: {  	_ =	shalt  }
0x4f: {  	_ =	shalt  }
0x50: {  	_ =	shalt  }
0x51: {  	_ =	shalt  }
0x52: {  	_ =	shalt  }
0x53: {  	_ =	shalt  }
0x54: {  	_ =	shalt  }
0x55: {  	_ =	shalt  }
0x56: {  	_ =	shalt  }
0x57: {  	_ =	shalt  }
0x58: {  	_ =	shalt  }
0x59: {  	_ =	shalt  }
0x5a: {  	_ =	shalt  }
0x5b: {  	_ =	shalt  }
0x5c: {  	_ =	shalt  }
0x5d: {  	_ =	shalt  }
0x5e: {  	_ =	shalt  }
0x5f: {  	_ =	shalt  }
0x60: {  	_ =	shalt  }
0x61: {  	_ =	shalt  }
0x62: {  	_ =	shalt  }
0x63: {  	_ =	shalt  }
0x64: {  	_ =	shalt  }
0x65: {  	_ =	shalt  }
0x66: {  	_ =	shalt  }
0x67: {  	_ =	shalt  }
0x68: {  	_ =	shalt  }
0x69: {  	_ =	shalt  }
0x6a: {  	_ =	shalt  }
0x6b: {  	_ =	shalt  }
0x6c: {  	_ =	shalt  }
0x6d: {  	_ =	shalt  }
0x6e: {  	_ =	shalt  }
0x6f: {  	_ =	shalt  }
0x70: {  	_ =	shalt  }
0x71: {  	_ =	shalt  }
0x72: {  	_ =	shalt  }
0x73: {  	_ =	shalt  }
0x74: {  	_ =	shalt  }
0x75: {  	_ =	shalt  }
0x76: {  	_ =	shalt  }
0x77: {  	_ =	shalt  }
0x78: {  	_ =	shalt  }
0x79: {  	_ =	shalt  }
0x7a: {  	_ =	shalt  }
0x7b: {  	_ =	shalt  }
0x7c: {  	_ =	shalt  }
0x7d: {  	_ =	shalt  }
0x7e: {  	_ =	shalt  }
0x7f: {  	_ =	shalt  }
0x80: {  	_ =	shalt  }
0x81: {  	_ =	shalt  }
0x82: {  	_ =	shalt  }
0x83: {  	_ =	shalt  }
0x84: {  	_ =	shalt  }
0x85: {  	_ =	shalt  }
0x86: {  	_ =	shalt  }
0x87: {  	_ =	shalt  }
.Lfunc_end0:
.L_simem_size_0:
called_computation.1_lowered:
.L_overlay_start_0:
0x88: {  	s2 =	sld [smem:$0x3FD9]  }
0x89: {  	s3 =	sld [smem:$0x3FFE];
	_ =	sdelay $0x1  }
0x8a: {  	s1 =	srdreg.scid  }
0x8b: {  	s0 =	sand.u32 $0x1, s1  }
0x8c: {  	s17 =	sshll.u32 s0, $0xA;
	s2 =	sadd.s32 s3, s2  }
0x8d: {  	s2 =	sadd.s32 s2, s17  }
0x8e: {  	[smem:$0x3FC6] =	sst s2  }
0x8f: {  	_ = 	snop  }
0x90: {  	s18 =	sld [smem:$0x3FD0];
	(tm) =	ssettm $0x1  }
0x91: {  	s19 =	sld [smem:$0x3FFB];
	_ =	sdelay $0x3  }
0x92: {  	_ =	strace s19  }
0x93: {  	s2 =	sld [smem:$0x3FFC];
	_ =	sdelay $0x3  }
0x94: {  	_ =	strace s2  }
0x95: {  	s2 =	sld [smem:$0x3FFD];
	_ =	sdelay $0x3  }
0x96: {  	_ =	strace s2  }
0x97: {  	_ =	strace $0x8FFFFFFF  }
0x98: {  	s20 =	sld [smem:$0x3FDB];
	_ =	sdelay $0x1  }
0x99: {  	s4 =	simm.s32 $_scs_section_size  }
0x9a: {  	s5 =	simm.s32 $_size__tile_overlayer_lowered;
	s6 =	simm.s32 $_tile_overlayer_lowered  }
0x9b: {  	s7 =	simm.s32 $0x1BFF;
	s21 =	sshll.u32 s6, $0x1;
	s4 =	sadd.s32 s4, s20  }
0x9c: {  	s22 =	simm.s32 $0x0;
	s5 =	sshll.u32 s5, $0x1;
	s6 =	sadd.s32 s21, s4  }
0x9d: {  	[timem:s22], [sflag:s7] =	dma.local [hbm:s6], s5  }
0x9e: {  	_ =	swait.ge [sflag:s7], s5  }
0x9f: {  	s5 =	ssub.s32 $0x0, s5;
	[sflag:s7] =	ssyncset.done $0x0  }
0xa0: {  	[sflag:s7] =	ssyncadd.s32 s5;
	_ =	sdelay $0x1  }
0xa1: {  	s23 =	simm.s32 $0x1B8B  }
0xa2: {  	_ =	swait.ge [sflag:s23], $0x1  }
0xa3: {  	[sflag:s23] =	ssyncset.done $0x0  }
0xa4: {  	[sflag:s23] =	ssyncadd.s32 $0xFFFFFFFF  }
0xa5: {  	s5 =	sld [smem:$0x0]  }
0xa6: {  	s6 =	sand.u32 $0xFFFFFFFE, s1  }
0xa7: {  	p0 =	sne.s32 s1, s6  }
0xa8: {  	s6 =	sshll.u32 @p0 s6, $0xE  }
0xa9: {  	s6 =	sadd.s32 @p0 $0x11B8D, s6;
	s7 =	sshll.u32 @p0 s5, $0x11  }
0xaa: {  	s6 =	sor.u32 @p0 s7, s6  }
0xab: {  	[sflag:s6] =	ssyncadd.remote.s32 @p0 $0x1;
	_ =	sdelay $0x1  }
0xac: {  	s6 =	simm.s32 @p0 $0x1B8D  }
0xad: {  	_ =	swait.eq @p0 [sflag:s6], $0x1  }
0xae: {  	[sflag:s6] =	ssyncadd.s32 @p0 $0xFFFFFFFF  }
0xaf: {  	s7 =	sshll.u32 @!p0 s1, $0xE  }
0xb0: {  	s7 =	sor.u32 @!p0 $0x4000, s7;
	s6 =	simm.s32 @!p0 $0x1B8D  }
0xb1: {  	s5 =	sshll.u32 @!p0 s5, $0x11;
	s7 =	sadd.s32 @!p0 $0x11B8D, s7;
	_ =	swait.eq @!p0 [sflag:s6], $0x1  }
0xb2: {  	s5 =	sor.u32 @!p0 s5, s7;
	[sflag:s6] =	ssyncadd.s32 @!p0 $0xFFFFFFFF  }
0xb3: {  	s25 =	simm.s32 $0x1B8E;
	s24 =	sld [smem:$0x3FFE];
	[sflag:s5] =	ssyncadd.remote.s32 @!p0 $0x1  }
0xb4: {  	s26 =	simm.s32 $execute0_lowered;
	[smem:$0x3FD2] =	sst s25  }
0xb5: {  	s6 =	sshll.u32 s26, $0x1;
	_ =	strace $0x80000049;
	[dreg:$0x1] =	wrdreg $0xFFFFFFFF  }
0xb6: {  	s28 =	simm.s32 $_size_execute0_lowered;
	s4 =	sadd.s32 s4, s6;
	[dreg:$0x0] =	wrdreg $0x0  }
0xb7: {  	s6 =	sshll.u32 s28, $0x1;
	[dreg:$0x2] =	wrdreg s4  }
0xb8: {  	[dreg:$0x3] =	wrdreg s6  }
0xb9: {  	[dreg:$0x4] =	wrdreg $0xC0  }
0xba: {  	_ =	task [dreg:s22], $0x5FFFF  }
0xbb: {  	[dreg:$0x1] =	wrdreg $0xFFFFFFFF  }
0xbc: {  	[dreg:$0x0] =	wrdreg $0x60  }
0xbd: {  	[dreg:$0x2] =	wrdreg s18  }
0xbe: {  	[dreg:$0x3] =	wrdreg s24  }
0xbf: {  	[dreg:$0x4] =	wrdreg $0xA  }
0xc0: {  	_ =	task.clear_ibuf [dreg:s22], $0x5FFFF;
	_ =	strace $0x90000049  }
0xc1: {  	s29 =	simm.s32 $0xA;
	_ =	strace $0x8000004B  }
0xc2: {  	_ =	swait.ge [sflag:s29], $0x1  }
0xc3: {  	[sflag:s29] =	ssyncadd.s32 $0xFFFFFFFF  }
0xc4: {  	_ =	strace $0x9000004B  }
0xc5: {  	_ =	sfence  }
0xc6: {  	s30 =	sld [smem:$0x0];
	_ =	sdelay $0x2  }
0xc7: {  	s31 =	sshll.u32 s1, $0xD;
	s1 =	sshrl.u32 s1, $0x2  }
0xc8: {  	s4 =	sand.u32 $0x4000, s31;
	s1 =	sadd.s32 s1, s30  }
0xc9: {  	s0 =	sor.u32 s4, s0;
	s1 =	sshll.u32 s1, $0x11  }
0xca: {  	s0 =	sor.u32 s1, s0  }
0xcb: {  	s0 =	sadd.s32 $0x8F2B, s0  }
0xcc: {  	[sflag:s0] =	ssyncadd.remote.s32 $0x1  }
0xcd: {  	_ =	sfence.sel $0xFFFF  }
0xce: {  	[dreg:$0x0] =	wrdreg $0xFFFFFFFF;
	(pc) =	sbr.abs _section_cstart, $3  }
0xcf: {  	[dreg:$0x1] =	wrdreg $0xFFFFFFFF  }
0xd0: {  	_ =	task.clear_ibuf [dreg:s22], $0x2FFFF;
	_ =	strace $0x9FFFFFFF  }
0xd1: {  	(tm) =	ssettm $0x7FFFFFFF  }
tec
execute0_lowered:
.L_overlay_start_1:
0x0: {  	(tag) =	ssettag $0x1  }
0x1: {  	s3 =	rddreg [dreg:$0x0]  }
0x2: {  	s4 =	rddreg [dreg:$0x1]  }
0x3: {  	s2 =	srdreg.scid;
	s1 =	stileid.u32  }
0x4: {  	s0 =	rddreg [dreg:$0x2];
	s9 =	simm.s32 $0x200;
	s10 =	simm.s32 $0x0  }
0x5: {  	s5 =	sand.u32 $0x1, s2;
	s30 =	sshll.u32 s1, $0x5;
	s6 =	sshll.u32 s1, $0xB  }
0x6: {  	s2 =	simm.s32 $0x0;
	s7 =	sshll.u32 s5, $0x4;
	s8 =	sand.u32 $0x60, s30  }
0x7: {  	s6 =	sand.u32 $0x6000, s6;
	[smem:$0x7FF] =	sst s2;
	s5 =	ssub.s32 $0x2, s5  }
0x8: {  	s7 =	sor.u32 s7, s8;
	_ =	strace $0x8000004A;
	s31 =	sshrl.u32 s5, $0x1  }
0x9: {  	s8 =	simm.s32 $0x1;
	s6 =	sor.u32 s6, s7;
	s5 =	ssub.s32 s5, s31  }
0xa: {  	s7 =	simm.s32 $0x400;
	s4 =	sadd.s32 s6, s4;
	s3 =	sadd.s32 s3, s6  }
0xb: {  	v0 =	vimm.f32 $NaN;
	v1 =	vimm.s32 $0x0;
	s5 =	smax.u32 s5, $0x1;
	s6 =	simm.s32 $0x80;
	s4 =	sadd.s32 $0x10C00, s4  }
.LBB2_1:
0xc: {  	[tilespmem:s2], [sflag:$0x1] =	stream.strided.gather [hbm4b:s3+s6], $0x2000, s7, s6, $0x38;
	[tilespmem:$0x4080] =	vst v63  }
0xd: {  	_ =	swait.ge [sflag:s8], $0x2000  }
0xe: {  	[sflag:s8] =	ssyncset.done $0x0  }
0xf: {  	[sflag:s8] =	ssyncadd.s32 $0xFFFFE000  }
0x10: {  	s13 =	simm.s32 $0x7F7FFFFF;
	s11 =	simm.s32 $0x0;
	s12 =	simm.s32 $0x0;
	[tilespmem:$0x2000] =	vst v0  }
.LBB2_2:
0x11: {  	s17 =	simm.s32 $0x0  }
0x12: {  	s14 =	ssub.s32 s13, s11;
	v3 =	vld [tilespmem:s17+$0x0]  }
0x13: {  	s14 =	sadd.s32 $0x1, s14;
	v5 =	vld [tilespmem:s17+$0x10]  }
0x14: {  	v7 =	vld [tilespmem:s17+$0x20];
	s14 =	sshra.s32 s14, $0x1  }
0x15: {  	v6 =	vld [tilespmem:s17+$0x30];
	s15 =	sadd.s32 s11, s14  }
0x16: {  	v4 =	vld [tilespmem:s17+$0x40];
	v2 =	vmov s15  }
0x17: {  	vm0 =	vge.s32 v3, v2;
	v3 =	vld [tilespmem:s17+$0x50]  }
0x18: {  	v8 =	vimm.s32 $0x0;
	v9 =	vsel vm0, $0x1, v1;
	vm0 =	vge.s32 v5, v2;
	v5 =	vld [tilespmem:s17+$0x60]  }
0x19: {  	s16 =	simm.s32 $0x400;
	s14 =	simm.s32 $0x80;
	v8 =	vadd.s32 v9, v8;
	v9 =	vsel vm0, $0x1, v1;
	vm0 =	vge.s32 v7, v2;
	v7 =	vld [tilespmem:s17+$0x70]  }
.LBB2_3:
0x1a: {  	p0 =	sne.s32 s16, $0x7E00;
	v10 =	vld [tilespmem:s14+$0x0];
	v8 =	vadd.s32 v9, v8;
	v9 =	vsel vm0, $0x1, v1;
	vm0 =	vge.s32 v6, v2  }
0x1b: {  	v11 =	vld [tilespmem:s14+$0x10];
	v6 =	vadd.s32 v9, v8;
	v8 =	vsel vm0, $0x1, v1;
	vm0 =	vge.s32 v4, v2  }
0x1c: {  	v12 =	vld [tilespmem:s14+$0x20];
	v4 =	vadd.s32 v8, v6;
	v8 =	vsel vm0, $0x1, v1;
	vm0 =	vge.s32 v3, v2  }
.Ltmp0:
0x1d: {  	v6 =	vld [tilespmem:s14+$0x30];
	v3 =	vadd.s32 v8, v4;
	v8 =	vsel vm0, $0x1, v1;
	vm0 =	vge.s32 v5, v2;
	(pc) =	sbr.rel @p0 .LBB2_3-.Ltmp0, $4  }
0x1e: {  	v4 =	vld [tilespmem:s14+$0x40];
	v5 =	vadd.s32 v8, v3;
	v8 =	vsel vm0, $0x1, v1;
	vm0 =	vge.s32 v7, v2  }
0x1f: {  	vm1 =	vge.s32 v10, v2;
	v3 =	vld [tilespmem:s14+$0x50];
	v7 =	vadd.s32 v8, v5;
	v8 =	vsel vm0, $0x1, v1  }
0x20: {  	v9 =	vsel vm1, $0x1, v1;
	vm0 =	vge.s32 v11, v2;
	v5 =	vld [tilespmem:s14+$0x60];
	v7 =	vadd.s32 v8, v7  }
0x21: {  	v8 =	vadd.s32 v9, v7;
	v9 =	vsel vm0, $0x1, v1;
	vm0 =	vge.s32 v12, v2;
	v7 =	vld [tilespmem:s14+$0x70];
	s14 =	sshra.s32 s16, $0x2;
	s16 =	sadd.s32 $0x200, s16  }
0x22: {  	v10 =	vld [tilespmem:s14+$0x0];
	v8 =	vadd.s32 v9, v8;
	v47 =	vsel vm0, $0x1, v1;
	vm4 =	vge.s32 v6, v2  }
0x23: {  	v48 =	vld [tilespmem:s14+$0x10];
	v8 =	vadd.s32 v47, v8;
	v49 =	vsel vm4, $0x1, v1;
	vm5 =	vge.s32 v4, v2  }
0x24: {  	v50 =	vld [tilespmem:s14+$0x20];
	v8 =	vadd.s32 v49, v8;
	v51 =	vsel vm5, $0x1, v1;
	vm6 =	vge.s32 v3, v2  }
0x25: {  	v3 =	vld [tilespmem:s14+$0x30];
	v8 =	vadd.s32 v51, v8;
	v52 =	vsel vm6, $0x1, v1;
	vm7 =	vge.s32 v5, v2  }
0x26: {  	v53 =	vld [tilespmem:s14+$0x40];
	v8 =	vadd.s32 v52, v8;
	v54 =	vsel vm7, $0x1, v1;
	vm8 =	vge.s32 v7, v2  }
0x27: {  	v55 =	vld [tilespmem:s14+$0x50];
	vm1 =	vge.s32 v10, v2;
	v8 =	vadd.s32 v54, v8;
	v56 =	vsel vm8, $0x1, v1  }
0x28: {  	v57 =	vld [tilespmem:s14+$0x60];
	vm9 =	vge.s32 v48, v2;
	v10 =	vsel vm1, $0x1, v1;
	v8 =	vadd.s32 v56, v8  }
0x29: {  	v59 =	vld [tilespmem:s14+$0x70];
	vm10 =	vge.s32 v50, v2;
	v58 =	vsel vm9, $0x1, v1;
	v8 =	vadd.s32 v10, v8  }
0x2a: {  	v60 =	vsel vm10, $0x1, v1;
	vm11 =	vge.s32 v3, v2;
	v8 =	vadd.s32 v58, v8  }
0x2b: {  	vm12 =	vge.s32 v53, v2;
	v61 =	vsel vm11, $0x1, v1;
	v3 =	vadd.s32 v60, v8  }
0x2c: {  	vm13 =	vge.s32 v55, v2;
	v5 =	vsel vm12, $0x1, v1;
	v3 =	vadd.s32 v61, v3  }
0x2d: {  	vm14 =	vge.s32 v57, v2;
	v62 =	vsel vm13, $0x1, v1;
	v3 =	vadd.s32 v5, v3  }
0x2e: {  	vm15 =	vge.s32 v59, v2;
	v63 =	vsel vm14, $0x1, v1;
	v3 =	vadd.s32 v62, v3  }
0x2f: {  	v2 =	vadd.s32 v63, v3;
	v3 =	vsel vm15, $0x1, v1  }
0x30: {  	v2 =	vadd.s32 v3, v2  }
0x31: {  	(xrf0) =	vadd.scan.msk.s32 $0xffff, v2;
	_ =	sdelay $0x5  }
0x32: {  	v2, _, _ =	vpop (xrf0)  }
0x33: {  	(v2sf) =	vpush v2, $0xF;
	_ =	sdelay $0xb  }
0x34: {  	s12 =	sadd.s32 $0x1, s12  }
0x35: {  	p1 =	seq.s32 s12, $0x6  }
.Ltmp1:
0x36: {  	_ = 	snop;
	(pc) =	sbr.rel @!p1 .LBB2_2-.Ltmp1, $4  }
0x37: {  	s31 =	spop (v2sf)  }
0x38: {  	s14 =	sadd.s32 $0xFFFFFFFF, s15;
	p0 =	sgt.s32 s31, $0x3F  }
0x39: {  	s14 =	smov.u32 @p0 s13  }
0x3a: {  	s11 =	smov.u32 @p0 s15;
	s13 =	smov.u32 s14  }
0x3b: {  	s13 =	simm.s32 $0x40  }
0x3c: {  	v5 =	vld [tilespmem:s13+$0xFFFFFFD0]  }
0x3d: {  	v7 =	vld [tilespmem:s13+$0x0]  }
0x3e: {  	v8 =	vld [tilespmem:s13+$0x20]  }
0x3f: {  	v10 =	vld [tilespmem:s13+$0xFFFFFFF0]  }
0x40: {  	v9 =	vld [tilespmem:s13+$0xFFFFFFE0]  }
0x41: {  	v3 =	vmov s11;
	v11 =	vld [tilespmem:s13+$0xFFFFFFC0]  }
0x42: {  	v2 =	vmov s14;
	v4 =	vimm.s32 $0x0;
	v14 =	vld [tilespmem:s13+$0x30];
	vm0 =	vge.s32 v5, v3  }
0x43: {  	v6 =	vld [tilespmem:s13+$0x10];
	vm1 =	vle.s32 v5, v2;
	vm8 =	vge.s32 v7, v3;
	vm2 =	vle.s32 v7, v2  }
0x44: {  	vm9 =	vge.s32 v8, v3;
	vm3 =	vle.s32 v8, v2;
	vm11 =	vge.s32 v10, v3  }
0x45: {  	vm12 =	vge.s32 v9, v3;
	vm13 =	vle.s32 v10, v2;
	vm0 =	vmand vm0, vm1  }
0x46: {  	vm4 =	vge.s32 v11, v3;
	vm5 =	vle.s32 v11, v2;
	v12 =	vmpcnt.ones.xlane vm0  }
0x47: {  	vm15 =	vle.s32 v9, v2;
	vm7 =	vge.s32 v14, v3;
	vm0 =	vmand vm8, vm2  }
0x48: {  	vm1 =	vle.s32 v6, v2;
	(v2sf) =	vpush v12, $0x0;
	v12 =	vmpcnt.ones.xlane vm0  }
0x49: {  	vm10 =	vmand vm9, vm3;
	vm14 =	vmand vm4, vm5;
	vm5 =	vge.s32 v6, v3  }
0x4a: {  	v13 =	vmpcnt.ones.xlane vm10;
	vm0 =	vmand vm11, vm13;
	(v2sf) =	vpush v12, $0x0  }
0x4b: {  	vm6 =	vmand vm12, vm15;
	vm9 =	vgt.s32 v5, v2;
	v12 =	vmpcnt.ones.xlane vm0  }
0x4c: {  	s23 =	simm.s32 $0xC0;
	vm15 =	vgt.s32 v6, v2;
	(v2sf) =	vpush v13, $0x0;
	v13 =	vmpcnt.ones.xlane vm14  }
0x4d: {  	v18 =	vld [tilespmem:s23+$0xFFFFFFC0];
	v15 =	vmpcnt.ones.xlane vm6;
	vm0 =	vmand vm5, vm1;
	(v2sf) =	vpush v12, $0x0  }
0x4e: {  	v6 =	vld [tilespmem:s23+$0xFFFFFFF0];
	vm8 =	vle.s32 v14, v2;
	v12 =	vmpcnt.ones.xlane vm0;
	(v2sf) =	vpush v13, $0x0  }
0x4f: {  	vm12 =	vgt.s32 v8, v2;
	vm1 =	vmand vm7, vm8;
	(v2sf) =	vpush v15, $0x0  }
0x50: {  	vm10 =	vgt.s32 v11, v2;
	v5 =	vmpcnt.ones.xlane vm1;
	(v2sf) =	vpush v12, $0x0  }
0x51: {  	v11 =	vsel vm9, $0x1, v1;
	vm11 =	vgt.s32 v9, v2;
	vm13 =	vgt.s32 v14, v2  }
0x52: {  	v14 =	vsel vm15, $0x1, v1;
	vm15 =	vge.s32 v18, v3;
	v15 =	vld [tilespmem:s23+$0xFFFFFFD0];
	(v2sf) =	vpush v5, $0x0  }
0x53: {  	v17 =	vsel vm13, $0x1, v1;
	vm8 =	vgt.s32 v10, v2;
	vm2 =	vge.s32 v6, v3  }
0x54: {  	vm4 =	vle.s32 v6, v2;
	vm14 =	vgt.s32 v7, v2;
	v13 =	vsel vm10, $0x1, v1  }
0x55: {  	s18 =	simm.s32 $0x0;
	s12 =	simm.s32 $0x7;
	s21 =	simm.s32 $0x1;
	v16 =	vsel vm8, $0x1, v1;
	vm1 =	vgt.s32 v18, v2;
	v9 =	vadd.s32 v13, v4;
	v13 =	vld [tilespmem:s23+$0xFFFFFFE0]  }
0x56: {  	s20 =	simm.s32 $0x1;
	s22 =	simm.s32 $0x4;
	s19 =	simm.s32 $0x5;
	vm8 =	vle.s32 v18, v2;
	v4 =	vld [tilespmem:s23+$0x0];
	v12 =	vsel vm11, $0x1, v1;
	v11 =	vadd.s32 v11, v9  }
0x57: {  	s31 =	simm.s32 $0x2;
	s25 =	simm.s32 $0x3;
	s26 =	simm.s32 $0x0;
	v11 =	vadd.s32 v12, v11;
	vm10 =	vge.s32 v15, v3;
	vm11 =	vle.s32 v15, v2  }
0x58: {  	s29 =	simm.s32 $0x1;
	s13 =	simm.s32 $0xF;
	vm9 =	vgt.s32 v15, v2;
	v15 =	vsel vm12, $0x1, v1;
	vm12 =	vmand vm10, vm11;
	s15 =	spop (v2sf)  }
0x59: {  	[smem:s18] =	sst s26;
	v8 =	vld [tilespmem:s23+$0x20];
	v10 =	vsel vm14, $0x1, v1;
	v11 =	vadd.s32 v16, v11;
	v9 =	vmpcnt.ones.xlane vm12;
	p0 =	sgt.s32 s15, $0x0;
	s16 =	spop (v2sf)  }
0x5a: {  	s18 =	simm.s32 $0x1;
	vm2 =	vmand vm2, vm4;
	v10 =	vadd.s32 v10, v11;
	vm13 =	vgt.s32 v13, v2;
	s21 =	simm.s32 @!p0 $0x0;
	p0 =	sgt.s32 s16, $0x0  }
0x5b: {  	v5 =	vld [tilespmem:s23+$0x10];
	vm6 =	vge.s32 v4, v3;
	vm7 =	vle.s32 v4, v2;
	(v2sf) =	vpush v9, $0x0;
	s15 =	simm.s32 $0x17;
	s17 =	spop (v2sf);
	s20 =	simm.s32 @!p0 $0x0  }
0x5c: {  	vm0 =	vge.s32 v13, v3;
	v10 =	vadd.s32 v14, v10;
	vm6 =	vmand vm6, vm7;
	p0 =	sgt.s32 s17, $0x0;
	s17 =	simm.s32 $0x1;
	s24 =	spop (v2sf)  }
0x5d: {  	v19 =	vsel vm9, $0x1, v1;
	v7 =	vsel vm13, $0x1, v1;
	v63 =	vmpcnt.ones.xlane vm6;
	v9 =	vld [tilespmem:s23+$0x30];
	s16 =	simm.s32 $0x6;
	s17 =	simm.s32 @!p0 $0x0;
	s28 =	spop (v2sf)  }
0x5e: {  	vm9 =	vle.s32 v8, v2;
	vm7 =	vmand vm15, vm8;
	v10 =	vadd.s32 v15, v10;
	p2 =	sgt.s32 s24, $0x0;
	s24 =	simm.s32 $0x1;
	s26 =	spop (v2sf)  }
0x5f: {  	vm15 =	vle.s32 v13, v2;
	vm12 =	vge.s32 v8, v3;
	(v2sf) =	vpush v63, $0x0;
	p0 =	sgt.s32 s28, $0x0;
	p1 =	sgt.s32 s26, $0x0;
	s28 =	spop (v2sf)  }
0x60: {  	v13 =	vmpcnt.ones.xlane vm2;
	vm3 =	vle.s32 v5, v2;
	vm6 =	vmand vm12, vm9;
	s18 =	simm.s32 @!p0 $0x0;
	s26 =	simm.s32 $0x1;
	p0 =	sgt.s32 s28, $0x0  }
0x61: {  	vm14 =	vge.s32 v5, v3;
	v10 =	vadd.s32 v17, v10;
	v12 =	vmpcnt.ones.xlane vm6;
	s30 =	spop (v2sf);
	s18 =	sadd.s32 $0x0, s18;
	s28 =	simm.s32 $0x1  }
0x62: {  	vm3 =	vmand vm14, vm3;
	vm13 =	vge.s32 v9, v3;
	vm14 =	vle.s32 v9, v2;
	s26 =	simm.s32 @!p1 $0x0;
	s28 =	simm.s32 @!p2 $0x0;
	[smem:s18] =	sst s29  }
0x63: {  	v14 =	vmpcnt.ones.xlane vm7;
	vm5 =	vmand vm13, vm14;
	(v2sf) =	vpush v12, $0x0;
	s18 =	sadd.s32 s21, s18;
	p1 =	sgt.s32 s30, $0x0;
	s24 =	simm.s32 @!p0 $0x0  }
0x64: {  	vm0 =	vmand vm0, vm15;
	v11 =	vmpcnt.ones.xlane vm5;
	v12 =	vsel vm1, $0x1, v1;
	[smem:s18] =	sst s31;
	s21 =	sadd.s32 s26, s18;
	s18 =	simm.s32 $0x140  }
0x65: {  	v10 =	vadd.s32 v12, v10;
	v12 =	vmpcnt.ones.xlane vm0;
	(v2sf) =	vpush v13, $0x0;
	[smem:s21] =	sst s25;
	s31 =	sadd.s32 s28, s21;
	s21 =	simm.s32 $0x1  }
0x66: {  	v13 =	vmpcnt.ones.xlane vm3;
	v10 =	vadd.s32 v19, v10;
	(v2sf) =	vpush v14, $0x0;
	[smem:s31] =	sst s22;
	s20 =	sadd.s32 s20, s31;
	s21 =	simm.s32 @!p1 $0x0  }
.LBB2_6:
0x67: {  	p0 =	sne.s32 s15, $0x1FF  }
0x68: {  	v14 =	vld [tilespmem:s18+$0xFFFFFFD0];
	vm0 =	vgt.s32 v8, v2;
	vm1 =	vgt.s32 v9, v2;
	(v2sf) =	vpush v12, $0x0;
	[smem:s20] =	sst s19;
	s19 =	sadd.s32 s24, s20;
	s22 =	smov.u32 s15  }
0x69: {  	s15 =	sadd.s32 $0x8, s15;
	vm2 =	vgt.s32 v6, v2;
	vm3 =	vgt.s32 v4, v2;
	v4 =	vld [tilespmem:s18+$0x0];
	(v2sf) =	vpush v13, $0x0;
	[smem:s19] =	sst s16;
	s16 =	sadd.s32 s17, s19  }
0x6a: {  	vm4 =	vgt.s32 v5, v2;
	v5 =	vld [tilespmem:s18+$0x10];
	s17 =	spop (v2sf);
	(v2sf) =	vpush v11, $0x0;
	[smem:s16] =	sst s12;
	s20 =	sadd.s32 s21, s16  }
0x6b: {  	s12 =	smov.u32 s13;
	s13 =	smov.u32 s22;
	v12 =	vld [tilespmem:s18+$0xFFFFFFE0];
	p1 =	sgt.s32 s17, $0x0  }
0x6c: {  	v13 =	vsel vm4, $0x1, v1;
	v11 =	vsel vm3, $0x1, v1;
	v6 =	vld [tilespmem:s18+$0xFFFFFFF0]  }
0x6d: {  	v16 =	vsel vm2, $0x1, v1;
	v17 =	vsel vm1, $0x1, v1;
	v15 =	vld [tilespmem:s18+$0xFFFFFFC0];
	vm3 =	vgt.s32 v14, v2  }
0x6e: {  	s22 =	simm.s32 $0x1;
	vm1 =	vge.s32 v14, v3;
	vm2 =	vle.s32 v14, v2;
	v14 =	vsel vm0, $0x1, v1;
	s16 =	spop (v2sf)  }
0x6f: {  	s21 =	simm.s32 $0x1;
	s22 =	simm.s32 @!p1 $0x0;
	vm0 =	vmand vm1, vm2;
	v18 =	vsel vm3, $0x1, v1;
	vm3 =	vle.s32 v5, v2;
	p1 =	sgt.s32 s16, $0x0  }
0x70: {  	v9 =	vmpcnt.ones.xlane vm0;
	vm5 =	vge.s32 v5, v3;
	vm0 =	vgt.s32 v12, v2;
	v8 =	vld [tilespmem:s18+$0x20];
	s21 =	simm.s32 @!p1 $0x0  }
0x71: {  	vm6 =	vge.s32 v4, v3;
	v19 =	vsel vm0, $0x1, v1;
	vm2 =	vge.s32 v6, v3  }
0x72: {  	s23 =	sadd.s32 $0xFFFFFFFD, s12;
	s19 =	sadd.s32 $0xFFFFFFFE, s12;
	vm7 =	vle.s32 v4, v2;
	vm0 =	vge.s32 v12, v3;
	(v2sf) =	vpush v9, $0x0;
	s17 =	spop (v2sf)  }
0x73: {  	vm8 =	vmand vm6, vm7;
	s16 =	sadd.s32 $0xFFFFFFFF, s12;
	vm4 =	vle.s32 v6, v2;
	vm1 =	vgt.s32 v15, v2;
	v9 =	vld [tilespmem:s18+$0x30];
	p1 =	sgt.s32 s17, $0x0;
	s17 =	simm.s32 $0x1  }
0x74: {  	s24 =	sadd.s32 $0xFFFFFFFB, s12;
	s25 =	sadd.s32 $0xFFFFFFFC, s12;
	vm6 =	vge.s32 v15, v3;
	vm7 =	vle.s32 v15, v2;
	v15 =	vmpcnt.ones.xlane vm8;
	s17 =	simm.s32 @!p1 $0x0  }
0x75: {  	v10 =	vadd.s32 v7, v10;
	s28 =	sadd.s32 $0xFFFFFFF9, s12;
	s29 =	sadd.s32 $0xFFFFFFFA, s12;
	v7 =	vmovc v19;
	vm8 =	vge.s32 v8, v3;
	vm9 =	vle.s32 v8, v2;
	s26 =	spop (v2sf)  }
0x76: {  	v10 =	vadd.s32 v16, v10;
	s18 =	sadd.s32 $0x80, s18;
	vm8 =	vmand vm8, vm9;
	(v2sf) =	vpush v15, $0x0;
	s30 =	spop (v2sf);
	p2 =	sgt.s32 s26, $0x0  }
0x77: {  	v10 =	vadd.s32 v11, v10;
	vm3 =	vmand vm5, vm3;
	v15 =	vmpcnt.ones.xlane vm8;
	[smem:s20] =	sst s28;
	p1 =	sgt.s32 s30, $0x0;
	s28 =	spop (v2sf)  }
0x78: {  	p3 =	sgt.s32 s28, $0x0;
	s26 =	spop (v2sf);
	s28 =	simm.s32 $0x1  }
0x79: {  	v10 =	vadd.s32 v13, v10;
	s30 =	simm.s32 $0x1;
	vm5 =	vge.s32 v9, v3;
	vm8 =	vle.s32 v9, v2;
	s28 =	simm.s32 @!p1 $0x0;
	p1 =	sgt.s32 s26, $0x0  }
0x7a: {  	v10 =	vadd.s32 v14, v10;
	vm6 =	vmand vm6, vm7;
	vm5 =	vmand vm5, vm8;
	s26 =	spop (v2sf);
	s20 =	sadd.s32 s28, s20;
	s28 =	simm.s32 $0x1  }
0x7b: {  	vm2 =	vmand vm2, vm4;
	s30 =	simm.s32 @!p2 $0x0;
	v11 =	vmpcnt.ones.xlane vm5;
	(v2sf) =	vpush v15, $0x0;
	p2 =	sgt.s32 s26, $0x0;
	s28 =	simm.s32 @!p3 $0x0  }
.Ltmp2:
0x7c: {  	v10 =	vadd.s32 v17, v10;
	vm4 =	vle.s32 v12, v2;
	v13 =	vmpcnt.ones.xlane vm2;
	[smem:s20] =	sst s29;
	s20 =	sadd.s32 s22, s20;
	(pc) =	sbr.rel @p0 .LBB2_6-.Ltmp2, $4  }
0x7d: {  	v12 =	vsel vm1, $0x1, v1;
	vm0 =	vmand vm0, vm4;
	v14 =	vmpcnt.ones.xlane vm6;
	[smem:s20] =	sst s24;
	s20 =	sadd.s32 s28, s20;
	s24 =	simm.s32 $0x1  }
0x7e: {  	v10 =	vadd.s32 v12, v10;
	v12 =	vmpcnt.ones.xlane vm0;
	(v2sf) =	vpush v13, $0x0;
	[smem:s20] =	sst s25;
	s20 =	sadd.s32 s30, s20;
	s24 =	simm.s32 @!p1 $0x0  }
0x7f: {  	[smem:s20] =	sst s23;
	s20 =	sadd.s32 s21, s20;
	s21 =	simm.s32 $0x1  }
0x80: {  	v10 =	vadd.s32 v18, v10;
	v13 =	vmpcnt.ones.xlane vm3;
	(v2sf) =	vpush v14, $0x0;
	s21 =	simm.s32 @!p2 $0x0  }
0x81: {  	(v2sf) =	vpush v12, $0x0  }
0x82: {  	(v2sf) =	vpush v13, $0x0  }
0x83: {  	(v2sf) =	vpush v11, $0x0;
	_ =	sdelay $0x1  }
0x84: {  	vm0 =	vgt.s32 v6, v2  }
0x85: {  	[smem:s20] =	sst s19;
	s15 =	sadd.s32 s24, s20;
	vm1 =	vgt.s32 v4, v2;
	v59 =	vadd.s32 v7, v10;
	v3 =	vsel vm0, $0x1, v1  }
0x86: {  	s18 =	spop (v2sf);
	vm13 =	vgt.s32 v5, v2;
	s19 =	sadd.s32 $0xFFFFFFFE, s13;
	s20 =	simm.s32 $0x1;
	v60 =	vsel vm1, $0x1, v1;
	v3 =	vadd.s32 v3, v59  }
0x87: {  	vm14 =	vgt.s32 v8, v2;
	s23 =	sadd.s32 $0xFFFFFFFC, s13;
	s28 =	sadd.s32 $0xFFFFFFF9, s13;
	s24 =	simm.s32 $0x1;
	v61 =	vsel vm13, $0x1, v1;
	v3 =	vadd.s32 v60, v3  }
0x88: {  	vm15 =	vgt.s32 v9, v2;
	[smem:s15] =	sst s16;
	s15 =	sadd.s32 s17, s15;
	p0 =	sgt.s32 s18, $0x0;
	v62 =	vsel vm14, $0x1, v1;
	v3 =	vadd.s32 v61, v3  }
0x89: {  	s16 =	simm.s32 $0x1;
	v63 =	vsel vm15, $0x1, v1;
	s18 =	sadd.s32 $0xFFFFFFFF, s13;
	s17 =	sadd.s32 $0xFFFFFFFD, s13;
	v3 =	vadd.s32 v62, v3  }
0x8a: {  	[smem:s15] =	sst s12;
	s12 =	simm.s32 $0x1;
	s15 =	sadd.s32 s21, s15;
	v3 =	vadd.s32 v63, v3  }
0x8b: {  	s21 =	sadd.s32 $0xFFFFFFFB, s13;
	s12 =	simm.s32 @!p0 $0x0;
	s25 =	spop (v2sf);
	(xrf0) =	vadd.scan.msk.s32 $0xffff, v3  }
0x8c: {  	[smem:s15] =	sst s28;
	p0 =	sgt.s32 s25, $0x0;
	s26 =	spop (v2sf)  }
0x8d: {  	s16 =	simm.s32 @!p0 $0x0;
	p0 =	sgt.s32 s26, $0x0;
	s22 =	spop (v2sf)  }
0x8e: {  	s26 =	sadd.s32 $0xFFFFFFFA, s13;
	s20 =	simm.s32 @!p0 $0x0;
	s25 =	spop (v2sf)  }
0x8f: {  	p2 =	sgt.s32 s22, $0x0;
	s29 =	spop (v2sf);
	p0 =	sgt.s32 s25, $0x0  }
0x90: {  	s25 =	simm.s32 $0x1;
	p1 =	sgt.s32 s29, $0x0;
	s30 =	spop (v2sf)  }
0x91: {  	v3, _, _ =	vpop (xrf0);
	s24 =	simm.s32 @!p0 $0x0;
	p0 =	sgt.s32 s30, $0x0;
	s31 =	spop (v2sf)  }
0x92: {  	(v2sf) =	vpush v3, $0xF;
	s15 =	sadd.s32 s24, s15;
	s25 =	simm.s32 @!p1 $0x0;
	s24 =	simm.s32 $0x1  }
0x93: {  	s24 =	simm.s32 @!p2 $0x0;
	[smem:s15] =	sst s26;
	s12 =	sadd.s32 s12, s15  }
0x94: {  	p1 =	sgt.s32 s31, $0x0;
	[smem:s12] =	sst s21;
	s12 =	sadd.s32 s25, s12  }
0x95: {  	s15 =	simm.s32 $0x1;
	[smem:s12] =	sst s23;
	s12 =	sadd.s32 s24, s12  }
0x96: {  	s15 =	simm.s32 @!p0 $0x0;
	[smem:s12] =	sst s17;
	s12 =	sadd.s32 s16, s12  }
0x97: {  	s16 =	simm.s32 $0x1;
	[smem:s12] =	sst s19;
	s12 =	sadd.s32 s15, s12  }
0x98: {  	s16 =	simm.s32 @!p1 $0x0;
	[smem:s12] =	sst s18;
	s12 =	sadd.s32 s20, s12  }
0x99: {  	[smem:s12] =	sst s13;
	s12 =	sadd.s32 s16, s12  }
0x9a: {  	[smem:s12] =	sst s9  }
0x9b: {  	s15 =	simm.s32 $0x1;
	s26 =	sadd.s32 $0x7, s12;
	[smem:s12+$0x1] =	sst s9  }
0x9c: {  	s28 =	sand.u32 $0x7, s26;
	s29 =	sshra.s32 s26, $0x1F;
	p5 =	slt.s32 s26, $0x1  }
0x9d: {  	[smem:s12+$0x2] =	sst s9;
	p6 =	sne.s32 s28, $0x0;
	s30 =	sshrl.u32 s29, $0x1D  }
.Ltmp3:
0x9e: {  	[smem:s12+$0x3] =	sst s9;
	p0 =	por !p5, !p6;
	(pc) =	sbr.rel .LBB2_8-.Ltmp3, $4  }
0x9f: {  	s13 =	sadd.s32 s30, s26;
	[smem:s12+$0x4] =	sst s9;
	p0 =	por !p0, !p0  }
0xa0: {  	s31 =	sshra.s32 s13, $0x3;
	[smem:s12+$0x5] =	sst s9;
	s15 =	simm.s32 @!p0 $0x0  }
0xa1: {  	s13 =	spop (v2sf);
	[smem:s12+$0x6] =	sst s9;
	s16 =	ssub.s32 s31, s15  }
0xa2: {  	s15 =	simm.s32 $0x0;
	[smem:s12+$0x7] =	sst s9;
	p0 =	slt.s32 s16, $0x1  }
.LBB2_9:
0xa3: {  	v3 =	vimm.s32 $0x0  }
.LBB2_17:
0xa4: {  	(xrf0) =	vadd.scan.msk.s32 $0xffff, v3;
	_ =	sdelay $0x5  }
0xa5: {  	v3, _, _ =	vpop (xrf0)  }
0xa6: {  	(v2sf) =	vpush v3, $0xF;
	_ =	sdelay $0xc  }
0xa7: {  	s15 =	sadd.s32 $0x1, s15  }
0xa8: {  	p2 =	seq.s32 s15, $0x4  }
.Ltmp4:
0xa9: {  	s12 =	spop (v2sf);
	(pc) =	sbr.rel @p2 .LBB2_10-.Ltmp4, $4  }
0xaa: {  	s12 =	sadd.s32 s13, s12  }
0xab: {  	p1 =	sgt.s32 s12, $0x3F;
	s12 =	sadd.s32 $0xFFFFFFFF, s17  }
0xac: {  	s12 =	smov.u32 @p1 s14  }
0xad: {  	s11 =	smov.u32 @p1 s17;
	s14 =	smov.u32 s12  }
.LBB2_8:
.Ltmp5:
0xae: {  	(pc) =	sbr.rel @p0 .LBB2_9-.Ltmp5, $4  }
0xaf: {  	s12 =	ssub.s32 s14, s11  }
0xb0: {  	s12 =	sadd.s32 $0x1, s12  }
0xb1: {  	s12 =	sshra.s32 s12, $0x1  }
0xb2: {  	s17 =	sadd.s32 s11, s12  }
0xb3: {  	s12 =	sld [smem:$0x7]  }
0xb4: {  	s19 =	sld [smem:$0x6]  }
0xb5: {  	s21 =	sld [smem:$0x5]  }
0xb6: {  	p2 =	sne.s32 s16, $0x1;
	s23 =	sld [smem:$0x4]  }
.Ltmp6:
0xb7: {  	s20 =	sld [smem:$0x3];
	(pc) =	sbr.rel @!p2 .LBB2_13-.Ltmp6, $4  }
0xb8: {  	p1 =	por $0x0, $0x0;
	s22 =	sshll.u32 s12, $0x6;
	s18 =	sld [smem:$0x2]  }
0xb9: {  	s19 =	sshll.u32 s19, $0x6;
	s24 =	sshra.s32 s22, $0x2;
	s12 =	sld [smem:$0x1]  }
0xba: {  	s21 =	sshll.u32 s21, $0x6;
	s19 =	sshra.s32 s19, $0x2;
	s22 =	sld [smem:$0x0];
	v5 =	vld [tilespmem:s24+$0x0]  }
0xbb: {  	v4 =	vmov s17;
	v3 =	vimm.s32 $0x0;
	s23 =	sshll.u32 s23, $0x6;
	s24 =	sshra.s32 s21, $0x2;
	v6 =	vld [tilespmem:s19+$0x0];
	s21 =	sadd.s32 $0xFFFFFFFF, s16  }
0xbc: {  	s19 =	sshll.u32 s20, $0x6;
	s25 =	sshra.s32 s23, $0x2;
	v7 =	vld [tilespmem:s24+$0x0]  }
0xbd: {  	s18 =	sshll.u32 s18, $0x6;
	s19 =	sshra.s32 s19, $0x2;
	v8 =	vld [tilespmem:s25+$0x0]  }
0xbe: {  	s26 =	sshll.u32 s22, $0x6;
	s18 =	sshra.s32 s18, $0x2;
	v9 =	vld [tilespmem:s19+$0x0]  }
0xbf: {  	s12 =	sshll.u32 s12, $0x6;
	s28 =	sshra.s32 s26, $0x2;
	v10 =	vld [tilespmem:s18+$0x0]  }
0xc0: {  	s12 =	sshra.s32 s12, $0x2;
	v11 =	vld [tilespmem:s28+$0x0]  }
0xc1: {  	s29 =	sld [smem:$0xF];
	v12 =	vld [tilespmem:s12+$0x0];
	vm0 =	vge.s32 v5, v4  }
0xc2: {  	vm1 =	vle.s32 v5, v2;
	s30 =	sld [smem:$0xE];
	vm2 =	vge.s32 v6, v4;
	vm3 =	vle.s32 v6, v2  }
0xc3: {  	s31 =	sld [smem:$0xD];
	vm4 =	vge.s32 v7, v4;
	vm5 =	vle.s32 v7, v2;
	vm6 =	vge.s32 v8, v4  }
0xc4: {  	p2 =	sne.s32 s21, $0x1;
	s25 =	sld [smem:$0xC];
	vm7 =	vle.s32 v8, v2;
	vm8 =	vge.s32 v9, v4;
	vm9 =	vle.s32 v9, v2  }
.Ltmp7:
0xc5: {  	s21 =	sadd.s32 $0xFFFFFFFF, s21;
	s20 =	sld [smem:$0xB];
	vm12 =	vge.s32 v10, v4;
	vm10 =	vge.s32 v11, v4;
	vm11 =	vle.s32 v11, v2;
	(pc) =	sbr.rel @!p2 .LBB2_16-.Ltmp7, $4  }
0xc6: {  	p1 =	por $0x1, $0x1;
	s22 =	sshll.u32 s29, $0x6;
	s18 =	sld [smem:$0xA];
	vm13 =	vle.s32 v12, v2;
	vm10 =	vmand vm10, vm11;
	vm11 =	vge.s32 v12, v4  }
0xc7: {  	s23 =	sshll.u32 s30, $0x6;
	s26 =	sshra.s32 s22, $0x2;
	s12 =	sld [smem:$0x9];
	v6 =	vsel vm10, $0x1, v1;
	vm10 =	vmand vm11, vm13;
	vm11 =	vle.s32 v10, v2  }
0xc8: {  	s24 =	sshll.u32 s31, $0x6;
	s28 =	sshra.s32 s23, $0x2;
	s22 =	sld [smem:$0x8];
	v5 =	vld [tilespmem:s26+$0x0];
	v7 =	vadd.s32 v6, v3;
	v8 =	vsel vm10, $0x1, v1;
	vm10 =	vmand vm12, vm11  }
0xc9: {  	s19 =	simm.s32 $0xC;
	vm8 =	vmand vm8, vm9;
	s23 =	sshll.u32 s25, $0x6;
	s24 =	sshra.s32 s24, $0x2;
	v6 =	vld [tilespmem:s28+$0x0];
	v7 =	vadd.s32 v8, v7;
	v8 =	vsel vm10, $0x1, v1  }
.LBB2_15:
0xca: {  	p2 =	sne.s32 s21, $0x1;
	s20 =	sshll.u32 s20, $0x6;
	s23 =	sshra.s32 s23, $0x2;
	v9 =	vld [tilespmem:s24+$0x0];
	v7 =	vadd.s32 v8, v7;
	v8 =	vsel vm8, $0x1, v1;
	vm6 =	vmand vm6, vm7  }
0xcb: {  	s18 =	sshll.u32 s18, $0x6;
	vm4 =	vmand vm4, vm5;
	s20 =	sshra.s32 s20, $0x2;
	v10 =	vld [tilespmem:s23+$0x0];
	v7 =	vadd.s32 v8, v7;
	v8 =	vsel vm6, $0x1, v1  }
0xcc: {  	vm2 =	vmand vm2, vm3;
	s22 =	sshll.u32 s22, $0x6;
	s18 =	sshra.s32 s18, $0x2;
	v11 =	vld [tilespmem:s20+$0x0];
	v7 =	vadd.s32 v8, v7;
	v8 =	vsel vm4, $0x1, v1  }
0xcd: {  	s12 =	sshll.u32 s12, $0x6;
	vm0 =	vmand vm0, vm1;
	s20 =	sshra.s32 s22, $0x2;
	v12 =	vld [tilespmem:s18+$0x0];
	v7 =	vadd.s32 v8, v7;
	v8 =	vsel vm2, $0x1, v1  }
0xce: {  	s19 =	sadd.s32 $0x8, s19;
	s12 =	sshra.s32 s12, $0x2;
	v13 =	vld [tilespmem:s20+$0x0];
	v7 =	vadd.s32 v8, v7;
	v8 =	vsel vm0, $0x1, v1  }
0xcf: {  	vm0 =	vge.s32 v5, v4;
	s22 =	sld [smem:s19+$0x3];
	v14 =	vld [tilespmem:s12+$0x0];
	v7 =	vadd.s32 v8, v7  }
0xd0: {  	vm1 =	vle.s32 v5, v2;
	vm2 =	vge.s32 v6, v4;
	vm3 =	vle.s32 v6, v2;
	s23 =	sld [smem:s19+$0x2]  }
0xd1: {  	vm4 =	vge.s32 v9, v4;
	vm5 =	vle.s32 v9, v2;
	vm6 =	vge.s32 v10, v4;
	s24 =	sld [smem:s19+$0x1]  }
0xd2: {  	vm7 =	vle.s32 v10, v2;
	vm8 =	vge.s32 v11, v4;
	vm9 =	vle.s32 v11, v2;
	s25 =	sld [smem:s19+$0x0]  }
.Ltmp8:
0xd3: {  	vm12 =	vge.s32 v12, v4;
	s20 =	sld [smem:s19+$0xFFFFFFFF];
	vm10 =	vge.s32 v13, v4;
	vm11 =	vle.s32 v13, v2;
	(pc) =	sbr.rel @p2 .LBB2_15-.Ltmp8, $4  }
0xd4: {  	s22 =	sshll.u32 s22, $0x6;
	s18 =	sld [smem:s19+$0xFFFFFFFE];
	vm10 =	vmand vm10, vm11;
	vm11 =	vge.s32 v14, v4;
	vm13 =	vle.s32 v14, v2  }
0xd5: {  	s23 =	sshll.u32 s23, $0x6;
	s26 =	sshra.s32 s22, $0x2;
	s12 =	sld [smem:s19+$0xFFFFFFFD];
	v6 =	vsel vm10, $0x1, v1;
	vm10 =	vmand vm11, vm13;
	vm11 =	vle.s32 v12, v2  }
0xd6: {  	s24 =	sshll.u32 s24, $0x6;
	s28 =	sshra.s32 s23, $0x2;
	s22 =	sld [smem:s19+$0xFFFFFFFC];
	v5 =	vld [tilespmem:s26+$0x0];
	v7 =	vadd.s32 v6, v7;
	v8 =	vsel vm10, $0x1, v1;
	vm10 =	vmand vm12, vm11  }
0xd7: {  	s21 =	sadd.s32 $0xFFFFFFFF, s21;
	vm8 =	vmand vm8, vm9;
	s23 =	sshll.u32 s25, $0x6;
	s24 =	sshra.s32 s24, $0x2;
	v6 =	vld [tilespmem:s28+$0x0];
	v7 =	vadd.s32 v8, v7;
	v8 =	vsel vm10, $0x1, v1  }
.LBB2_16:
0xd8: {  	s19 =	sshll.u32 s20, $0x6;
	s29 =	sshra.s32 s23, $0x2;
	v9 =	vld [tilespmem:s24+$0x0];
	v7 =	vadd.s32 @p1 v8, v7;
	v8 =	vsel @p1 vm8, $0x1, v1;
	vm6 =	vmand @p1 vm6, vm7  }
0xd9: {  	vm4 =	vmand @p1 vm4, vm5;
	s18 =	sshll.u32 s18, $0x6;
	s19 =	sshra.s32 s19, $0x2;
	v10 =	vld [tilespmem:s29+$0x0];
	v7 =	vadd.s32 @p1 v8, v7;
	v8 =	vsel @p1 vm6, $0x1, v1  }
0xda: {  	vm2 =	vmand @p1 vm2, vm3;
	s30 =	sshll.u32 s22, $0x6;
	s18 =	sshra.s32 s18, $0x2;
	v11 =	vld [tilespmem:s19+$0x0];
	v7 =	vadd.s32 @p1 v8, v7;
	v8 =	vsel @p1 vm4, $0x1, v1  }
0xdb: {  	s12 =	sshll.u32 s12, $0x6;
	s31 =	sshra.s32 s30, $0x2;
	v13 =	vld [tilespmem:s18+$0x0];
	v7 =	vadd.s32 @p1 v8, v7;
	v8 =	vsel @p1 vm2, $0x1, v1  }
0xdc: {  	vm0 =	vmand @p1 vm0, vm1;
	s12 =	sshra.s32 s12, $0x2;
	v12 =	vld [tilespmem:s31+$0x0];
	vm1 =	vle.s32 v5, v2;
	v7 =	vadd.s32 @p1 v8, v7  }
0xdd: {  	v14 =	vld [tilespmem:s12+$0x0];
	v8 =	vsel @p1 vm0, $0x1, v1;
	vm0 =	vge.s32 v5, v4;
	vm2 =	vge.s32 v6, v4  }
0xde: {  	vm3 =	vle.s32 v6, v2;
	v7 =	vadd.s32 @p1 v8, v7;
	vm5 =	vge.s32 v9, v4  }
0xdf: {  	vm6 =	vle.s32 v9, v2;
	vm4 =	vge.s32 v10, v4;
	vm11 =	vle.s32 v10, v2  }
0xe0: {  	v3 =	vpsel p1, v7, v3;
	vm7 =	vge.s32 v11, v4;
	vm8 =	vle.s32 v11, v2  }
0xe1: {  	vm12 =	vge.s32 v13, v4;
	vm9 =	vge.s32 v12, v4;
	vm10 =	vle.s32 v12, v2  }
0xe2: {  	vm13 =	vle.s32 v14, v2;
	vm9 =	vmand vm9, vm10;
	vm10 =	vge.s32 v14, v4  }
0xe3: {  	v4 =	vsel vm9, $0x1, v1;
	vm15 =	vmand vm10, vm13;
	vm13 =	vle.s32 v13, v2  }
0xe4: {  	v3 =	vadd.s32 v4, v3;
	v4 =	vsel vm15, $0x1, v1;
	vm14 =	vmand vm12, vm13  }
0xe5: {  	vm7 =	vmand vm7, vm8;
	v3 =	vadd.s32 v4, v3;
	v4 =	vsel vm14, $0x1, v1  }
0xe6: {  	vm4 =	vmand vm4, vm11;
	v3 =	vadd.s32 v4, v3;
	v4 =	vsel vm7, $0x1, v1  }
.Ltmp9:
0xe7: {  	vm15 =	vmand vm5, vm6;
	v3 =	vadd.s32 v4, v3;
	v4 =	vsel vm4, $0x1, v1;
	(pc) =	sbr.rel .LBB2_17-.Ltmp9, $4  }
0xe8: {  	vm2 =	vmand vm2, vm3;
	v3 =	vadd.s32 v4, v3;
	v4 =	vsel vm15, $0x1, v1  }
0xe9: {  	vm0 =	vmand vm0, vm1;
	v3 =	vadd.s32 v4, v3;
	v4 =	vsel vm2, $0x1, v1  }
0xea: {  	v3 =	vadd.s32 v4, v3;
	v4 =	vsel vm0, $0x1, v1  }
0xeb: {  	v3 =	vadd.s32 v4, v3  }
.LBB2_13:
.Ltmp10:
0xec: {  	(pc) =	sbr.rel .LBB2_16-.Ltmp10, $2  }
0xed: {  	_ =	sdelay $0x2  }
0xee: {  	_ = 	snop  }
.LBB2_10:
0xef: {  	p0 =	sgt.s32 s16, $0x0  }
.Ltmp11:
0xf0: {  	_ = 	snop;
	(pc) =	sbr.rel @!p0 .LBB2_11-.Ltmp11, $2  }
0xf1: {  	_ =	sdelay $0x2  }
0xf2: {  	v3 =	vmov s12  }
0xf3: {  	p1 =	sne.s32 s16, $0x1  }
.Ltmp12:
0xf4: {  	_ = 	snop;
	(pc) =	sbr.rel @!p1 .LBB2_19-.Ltmp12, $3  }
0xf5: {  	_ =	sdelay $0x1  }
0xf6: {  	s14 =	simm.s32 $0x0;
	s15 =	simm.s32 $0x4  }
0xf7: {  	v4 =	vmov s11;
	v3 =	vmov s12;
	v5 =	vimm.s32 $0x0;
	s16 =	sadd.s32 $0xFFFFFFFF, s16;
	s18 =	sld [smem:$0x0];
	p0 =	por $0x0, $0x0  }
0xf8: {  	_ =	sdelay $0x1  }
0xf9: {  	s15 =	sshll.u32 s18, $0x6;
	[smem:s14] =	sst s18  }
0xfa: {  	s15 =	sshra.s32 s15, $0x2;
	s17 =	sld [smem:$0x1]  }
0xfb: {  	v6 =	vld [tilespmem:s15+$0x0];
	_ =	sdelay $0x1  }
0xfc: {  	s19 =	sshll.u32 s17, $0x6  }
0xfd: {  	s15 =	sshra.s32 s19, $0x2  }
0xfe: {  	v7 =	vld [tilespmem:s15+$0x0]  }
0xff: {  	vm0 =	vge.s32 v6, v4;
	vm1 =	vle.s32 v6, v3  }
0x100: {  	vm0 =	vmand vm0, vm1  }
0x101: {  	v8 =	vmpcnt.ones.xlane vm0;
	_ =	sdelay $0x1  }
0x102: {  	vm5 =	vge.s32 v7, v4;
	vm6 =	vle.s32 v7, v3;
	(v2sf) =	vpush v8, $0x0  }
0x103: {  	vm0 =	vmand vm5, vm6  }
0x104: {  	v55 =	vmpcnt.ones.xlane vm0;
	_ =	sdelay $0x1  }
0x105: {  	(v2sf) =	vpush v55, $0x0;
	_ =	sdelay $0xa  }
0x106: {  	s20 =	spop (v2sf)  }
0x107: {  	s15 =	simm.s32 $0x1;
	p0 =	sgt.s32 s20, $0x0  }
0x108: {  	s15 =	simm.s32 @!p0 $0x0  }
0x109: {  	s15 =	sadd.s32 $0x0, s15  }
0x10a: {  	[smem:s15] =	sst s17;
	s21 =	spop (v2sf)  }
0x10b: {  	s18 =	simm.s32 $0x1;
	p0 =	sgt.s32 s21, $0x0;
	s22 =	sld [smem:$0x2]  }
0x10c: {  	s18 =	simm.s32 @!p0 $0x0  }
0x10d: {  	s15 =	sadd.s32 s18, s15  }
0x10e: {  	s23 =	sshll.u32 s22, $0x6;
	[smem:s15] =	sst s22  }
0x10f: {  	s24 =	sshra.s32 s23, $0x2;
	s25 =	sld [smem:$0x3]  }
0x110: {  	v56 =	vld [tilespmem:s24+$0x0];
	_ =	sdelay $0x1  }
0x111: {  	s26 =	sshll.u32 s25, $0x6  }
0x112: {  	s17 =	sshra.s32 s26, $0x2  }
0x113: {  	v9 =	vld [tilespmem:s17+$0x0]  }
0x114: {  	vm7 =	vge.s32 v56, v4;
	vm8 =	vle.s32 v56, v3  }
0x115: {  	vm0 =	vmand vm7, vm8  }
0x116: {  	v10 =	vmpcnt.ones.xlane vm0;
	_ =	sdelay $0x1  }
0x117: {  	vm9 =	vge.s32 v9, v4;
	vm10 =	vle.s32 v9, v3;
	(v2sf) =	vpush v10, $0x0  }
0x118: {  	vm0 =	vmand vm9, vm10  }
0x119: {  	v57 =	vmpcnt.ones.xlane vm0;
	_ =	sdelay $0x1  }
0x11a: {  	(v2sf) =	vpush v57, $0x0;
	_ =	sdelay $0xa  }
0x11b: {  	s28 =	spop (v2sf)  }
0x11c: {  	s17 =	simm.s32 $0x1;
	p0 =	sgt.s32 s28, $0x0  }
0x11d: {  	s17 =	simm.s32 @!p0 $0x0  }
0x11e: {  	s15 =	sadd.s32 s17, s15  }
0x11f: {  	[smem:s15] =	sst s25;
	s29 =	spop (v2sf)  }
0x120: {  	s18 =	simm.s32 $0x1;
	p0 =	sgt.s32 s29, $0x0;
	s30 =	sld [smem:$0x4]  }
0x121: {  	s18 =	simm.s32 @!p0 $0x0  }
0x122: {  	s15 =	sadd.s32 s18, s15  }
0x123: {  	s31 =	sshll.u32 s30, $0x6;
	[smem:s15] =	sst s30  }
0x124: {  	s19 =	sshra.s32 s31, $0x2;
	s20 =	sld [smem:$0x5]  }
0x125: {  	v58 =	vld [tilespmem:s19+$0x0];
	_ =	sdelay $0x1  }
0x126: {  	s21 =	sshll.u32 s20, $0x6  }
0x127: {  	s17 =	sshra.s32 s21, $0x2  }
0x128: {  	v11 =	vld [tilespmem:s17+$0x0]  }
0x129: {  	vm11 =	vge.s32 v58, v4;
	vm12 =	vle.s32 v58, v3  }
0x12a: {  	vm0 =	vmand vm11, vm12  }
0x12b: {  	v12 =	vmpcnt.ones.xlane vm0;
	_ =	sdelay $0x1  }
0x12c: {  	vm13 =	vge.s32 v11, v4;
	vm14 =	vle.s32 v11, v3;
	(v2sf) =	vpush v12, $0x0  }
0x12d: {  	vm0 =	vmand vm13, vm14  }
0x12e: {  	v59 =	vmpcnt.ones.xlane vm0;
	_ =	sdelay $0x1  }
0x12f: {  	(v2sf) =	vpush v59, $0x0;
	_ =	sdelay $0xa  }
0x130: {  	s22 =	spop (v2sf)  }
0x131: {  	s17 =	simm.s32 $0x1;
	p0 =	sgt.s32 s22, $0x0  }
0x132: {  	s17 =	simm.s32 @!p0 $0x0  }
0x133: {  	s15 =	sadd.s32 s17, s15  }
0x134: {  	[smem:s15] =	sst s20;
	s23 =	spop (v2sf)  }
0x135: {  	s18 =	simm.s32 $0x1;
	p0 =	sgt.s32 s23, $0x0;
	s24 =	sld [smem:$0x6]  }
0x136: {  	s18 =	simm.s32 @!p0 $0x0  }
0x137: {  	s15 =	sadd.s32 s18, s15  }
0x138: {  	s25 =	sshll.u32 s24, $0x6;
	[smem:s15] =	sst s24  }
0x139: {  	s26 =	sshra.s32 s25, $0x2;
	s28 =	sld [smem:$0x7]  }
0x13a: {  	v60 =	vld [tilespmem:s26+$0x0];
	_ =	sdelay $0x1  }
0x13b: {  	s29 =	sshll.u32 s28, $0x6  }
0x13c: {  	s17 =	sshra.s32 s29, $0x2  }
0x13d: {  	v13 =	vld [tilespmem:s17+$0x0]  }
0x13e: {  	vm15 =	vge.s32 v60, v4;
	vm4 =	vle.s32 v60, v3  }
0x13f: {  	vm0 =	vmand vm15, vm4  }
0x140: {  	v14 =	vmpcnt.ones.xlane vm0;
	_ =	sdelay $0x1  }
0x141: {  	vm5 =	vge.s32 v13, v4;
	(v2sf) =	vpush v14, $0x0;
	vm6 =	vle.s32 v13, v3  }
0x142: {  	vm0 =	vmand vm5, vm6  }
0x143: {  	v61 =	vmpcnt.ones.xlane vm0;
	_ =	sdelay $0x1  }
0x144: {  	(v2sf) =	vpush v61, $0x0;
	_ =	sdelay $0x2  }
0x145: {  	vm2 =	vgt.s32 v7, v3;
	vm3 =	vle.s32 v7, v2  }
0x146: {  	vm2 =	vmand vm2, vm3;
	vm7 =	vgt.s32 v6, v3  }
0x147: {  	vm8 =	vle.s32 v6, v2;
	vm11 =	vgt.s32 v9, v3;
	vm12 =	vle.s32 v9, v2  }
0x148: {  	vm9 =	vgt.s32 v56, v3;
	vm13 =	vmand vm11, vm12;
	vm14 =	vgt.s32 v58, v3  }
0x149: {  	v62 =	vsel vm13, $0x1, v1;
	vm11 =	vle.s32 v60, v2;
	vm4 =	vle.s32 v56, v2  }
0x14a: {  	vm15 =	vle.s32 v58, v2;
	vm10 =	vmand vm9, vm4;
	vm0 =	vmand vm7, vm8  }
0x14b: {  	v7 =	vsel vm10, $0x1, v1;
	vm10 =	vgt.s32 v60, v3;
	v6 =	vsel vm0, $0x1, v1  }
0x14c: {  	vm12 =	vmand vm10, vm11;
	v5 =	vadd.s32 v6, v5;
	v6 =	vsel vm2, $0x1, v1  }
0x14d: {  	vm13 =	vgt.s32 v13, v3;
	vm6 =	vmand vm14, vm15;
	v5 =	vadd.s32 v6, v5;
	s30 =	spop (v2sf)  }
0x14e: {  	p1 =	sne.s32 s16, $0x1;
	s17 =	simm.s32 $0x1;
	vm7 =	vgt.s32 v11, v3;
	vm8 =	vle.s32 v11, v2;
	v5 =	vadd.s32 v7, v5;
	p0 =	sgt.s32 s30, $0x0  }
.Ltmp13:
0x14f: {  	v63 =	vsel vm6, $0x1, v1;
	vm9 =	vmand vm7, vm8;
	v5 =	vadd.s32 v62, v5;
	s17 =	simm.s32 @!p0 $0x0;
	(pc) =	sbr.rel @!p1 .LBB2_22-.Ltmp13, $4  }
0x150: {  	vm14 =	vle.s32 v13, v2;
	v6 =	vsel vm9, $0x1, v1;
	v5 =	vadd.s32 v63, v5;
	s17 =	sadd.s32 s17, s15  }
0x151: {  	s16 =	sadd.s32 $0xFFFFFFFF, s16;
	vm15 =	vmand vm13, vm14;
	v7 =	vsel vm12, $0x1, v1;
	v5 =	vadd.s32 v6, v5;
	[smem:s17] =	sst s28;
	s31 =	spop (v2sf)  }
0x152: {  	s19 =	simm.s32 $0x1;
	v6 =	vsel vm15, $0x1, v1;
	v5 =	vadd.s32 v7, v5;
	p0 =	sgt.s32 s31, $0x0;
	s18 =	sld [smem:$0x8]  }
0x153: {  	v5 =	vadd.s32 v6, v5;
	s15 =	simm.s32 $0xC;
	s19 =	simm.s32 @!p0 $0x0;
	p0 =	por $0x1, $0x1  }
.LBB2_21:
0x154: {  	p1 =	sne.s32 s16, $0x1;
	s16 =	sadd.s32 $0xFFFFFFFF, s16;
	s17 =	sadd.s32 s19, s17  }
0x155: {  	s19 =	sshll.u32 s18, $0x6;
	[smem:s17] =	sst s18  }
0x156: {  	s18 =	sshra.s32 s19, $0x2;
	s19 =	sld [smem:s15+$0xFFFFFFFD]  }
0x157: {  	v6 =	vld [tilespmem:s18+$0x0];
	_ =	sdelay $0x1  }
0x158: {  	s18 =	sshll.u32 s19, $0x6  }
0x159: {  	s18 =	sshra.s32 s18, $0x2  }
0x15a: {  	v7 =	vld [tilespmem:s18+$0x0]  }
0x15b: {  	vm0 =	vge.s32 v6, v4;
	vm1 =	vle.s32 v6, v3;
	vm2 =	vgt.s32 v6, v3  }
0x15c: {  	vm0 =	vmand vm0, vm1;
	vm1 =	vle.s32 v6, v2  }
0x15d: {  	v8 =	vmpcnt.ones.xlane vm0;
	vm0 =	vmand vm2, vm1  }
0x15e: {  	v6 =	vsel vm0, $0x1, v1  }
0x15f: {  	vm0 =	vge.s32 v7, v4;
	vm1 =	vle.s32 v7, v3;
	(v2sf) =	vpush v8, $0x0  }
0x160: {  	vm2 =	vle.s32 v7, v2;
	vm0 =	vmand vm0, vm1;
	vm1 =	vgt.s32 v7, v3  }
0x161: {  	v7 =	vmpcnt.ones.xlane vm0;
	vm0 =	vmand vm1, vm2;
	_ =	sdelay $0x1  }
0x162: {  	(v2sf) =	vpush v7, $0x0;
	_ =	sdelay $0xa  }
0x163: {  	s18 =	spop (v2sf)  }
0x164: {  	p2 =	sgt.s32 s18, $0x0;
	s18 =	simm.s32 $0x1  }
0x165: {  	s18 =	simm.s32 @!p2 $0x0  }
0x166: {  	s17 =	sadd.s32 s18, s17  }
0x167: {  	[smem:s17] =	sst s19;
	s18 =	spop (v2sf)  }
0x168: {  	s19 =	simm.s32 $0x1;
	p2 =	sgt.s32 s18, $0x0;
	s18 =	sld [smem:s15+$0xFFFFFFFE]  }
0x169: {  	s19 =	simm.s32 @!p2 $0x0  }
0x16a: {  	s17 =	sadd.s32 s19, s17  }
0x16b: {  	s19 =	sshll.u32 s18, $0x6;
	[smem:s17] =	sst s18  }
0x16c: {  	s18 =	sshra.s32 s19, $0x2;
	s19 =	sld [smem:s15+$0xFFFFFFFF]  }
0x16d: {  	v7 =	vld [tilespmem:s18+$0x0];
	_ =	sdelay $0x1  }
0x16e: {  	s18 =	sshll.u32 s19, $0x6  }
0x16f: {  	s18 =	sshra.s32 s18, $0x2  }
0x170: {  	v8 =	vld [tilespmem:s18+$0x0]  }
0x171: {  	vm1 =	vge.s32 v7, v4;
	vm2 =	vle.s32 v7, v3;
	vm3 =	vgt.s32 v7, v3  }
0x172: {  	vm1 =	vmand vm1, vm2;
	vm2 =	vle.s32 v7, v2  }
0x173: {  	v9 =	vmpcnt.ones.xlane vm1;
	vm1 =	vmand vm3, vm2  }
0x174: {  	v7 =	vsel vm1, $0x1, v1  }
0x175: {  	vm1 =	vge.s32 v8, v4;
	vm2 =	vle.s32 v8, v3;
	(v2sf) =	vpush v9, $0x0  }
0x176: {  	vm3 =	vle.s32 v8, v2;
	vm1 =	vmand vm1, vm2;
	vm2 =	vgt.s32 v8, v3  }
0x177: {  	v9 =	vmpcnt.ones.xlane vm1;
	vm1 =	vmand vm2, vm3  }
0x178: {  	v8 =	vsel vm1, $0x1, v1  }
0x179: {  	(v2sf) =	vpush v9, $0x0;
	_ =	sdelay $0xa  }
0x17a: {  	s18 =	spop (v2sf)  }
0x17b: {  	p2 =	sgt.s32 s18, $0x0;
	s18 =	simm.s32 $0x1  }
0x17c: {  	s18 =	simm.s32 @!p2 $0x0  }
0x17d: {  	s17 =	sadd.s32 s18, s17  }
0x17e: {  	[smem:s17] =	sst s19;
	s18 =	spop (v2sf)  }
0x17f: {  	s19 =	simm.s32 $0x1;
	p2 =	sgt.s32 s18, $0x0;
	s18 =	sld [smem:s15+$0x0]  }
0x180: {  	s19 =	simm.s32 @!p2 $0x0  }
0x181: {  	s17 =	sadd.s32 s19, s17  }
0x182: {  	s19 =	sshll.u32 s18, $0x6;
	[smem:s17] =	sst s18  }
0x183: {  	s18 =	sshra.s32 s19, $0x2;
	s19 =	sld [smem:s15+$0x1]  }
0x184: {  	v9 =	vld [tilespmem:s18+$0x0];
	_ =	sdelay $0x1  }
0x185: {  	s18 =	sshll.u32 s19, $0x6  }
0x186: {  	s18 =	sshra.s32 s18, $0x2  }
0x187: {  	v10 =	vld [tilespmem:s18+$0x0]  }
0x188: {  	vm1 =	vge.s32 v9, v4;
	vm2 =	vle.s32 v9, v3;
	vm3 =	vgt.s32 v9, v3  }
0x189: {  	vm1 =	vmand vm1, vm2;
	vm2 =	vle.s32 v9, v2  }
0x18a: {  	v9 =	vmpcnt.ones.xlane vm1;
	vm1 =	vmand vm3, vm2  }
0x18b: {  	v11 =	vsel vm1, $0x1, v1  }
0x18c: {  	vm1 =	vge.s32 v10, v4;
	vm2 =	vle.s32 v10, v3;
	(v2sf) =	vpush v9, $0x0  }
0x18d: {  	vm3 =	vle.s32 v10, v2;
	vm1 =	vmand vm1, vm2;
	vm2 =	vgt.s32 v10, v3  }
0x18e: {  	v9 =	vmpcnt.ones.xlane vm1;
	vm1 =	vmand vm2, vm3  }
0x18f: {  	v10 =	vsel vm1, $0x1, v1  }
0x190: {  	(v2sf) =	vpush v9, $0x0;
	_ =	sdelay $0xa  }
0x191: {  	s18 =	spop (v2sf)  }
0x192: {  	p2 =	sgt.s32 s18, $0x0;
	s18 =	simm.s32 $0x1  }
0x193: {  	s18 =	simm.s32 @!p2 $0x0  }
0x194: {  	s17 =	sadd.s32 s18, s17  }
0x195: {  	[smem:s17] =	sst s19;
	s18 =	spop (v2sf)  }
0x196: {  	s19 =	simm.s32 $0x1;
	p2 =	sgt.s32 s18, $0x0;
	s18 =	sld [smem:s15+$0x2]  }
0x197: {  	s19 =	simm.s32 @!p2 $0x0  }
0x198: {  	s17 =	sadd.s32 s19, s17  }
0x199: {  	s19 =	sshll.u32 s18, $0x6;
	[smem:s17] =	sst s18  }
0x19a: {  	s19 =	sshra.s32 s19, $0x2;
	s18 =	sld [smem:s15+$0x3]  }
0x19b: {  	v9 =	vld [tilespmem:s19+$0x0];
	_ =	sdelay $0x1  }
0x19c: {  	s19 =	sshll.u32 s18, $0x6  }
0x19d: {  	v5 =	vadd.s32 v6, v5;
	v6 =	vsel vm0, $0x1, v1;
	s19 =	sshra.s32 s19, $0x2  }
0x19e: {  	v5 =	vadd.s32 v6, v5;
	v6 =	vld [tilespmem:s19+$0x0]  }
0x19f: {  	vm0 =	vge.s32 v9, v4;
	vm1 =	vle.s32 v9, v3;
	vm2 =	vgt.s32 v9, v3  }
0x1a0: {  	v5 =	vadd.s32 v7, v5;
	vm0 =	vmand vm0, vm1;
	vm1 =	vle.s32 v9, v2  }
0x1a1: {  	v5 =	vadd.s32 v8, v5;
	v7 =	vmpcnt.ones.xlane vm0;
	vm0 =	vmand vm2, vm1  }
0x1a2: {  	v5 =	vadd.s32 v11, v5;
	v8 =	vsel vm0, $0x1, v1  }
0x1a3: {  	vm0 =	vge.s32 v6, v4;
	vm1 =	vle.s32 v6, v3;
	(v2sf) =	vpush v7, $0x0  }
0x1a4: {  	vm2 =	vle.s32 v6, v2;
	vm0 =	vmand vm0, vm1;
	vm1 =	vgt.s32 v6, v3  }
0x1a5: {  	v5 =	vadd.s32 v10, v5;
	v6 =	vmpcnt.ones.xlane vm0;
	vm0 =	vmand vm1, vm2  }
0x1a6: {  	v5 =	vadd.s32 v8, v5;
	v7 =	vsel vm0, $0x1, v1  }
0x1a7: {  	v5 =	vadd.s32 v7, v5;
	(v2sf) =	vpush v6, $0x0;
	_ =	sdelay $0xa  }
0x1a8: {  	s19 =	spop (v2sf)  }
0x1a9: {  	p2 =	sgt.s32 s19, $0x0;
	s19 =	simm.s32 $0x1  }
.Ltmp14:
0x1aa: {  	s19 =	simm.s32 @!p2 $0x0;
	(pc) =	sbr.rel @p1 .LBB2_21-.Ltmp14, $4  }
0x1ab: {  	s17 =	sadd.s32 s19, s17  }
0x1ac: {  	s15 =	sadd.s32 $0x8, s15;
	[smem:s17] =	sst s18;
	s19 =	spop (v2sf)  }
0x1ad: {  	s18 =	sld [smem:s15+$0xFFFFFFFC];
	p2 =	sgt.s32 s19, $0x0;
	s19 =	simm.s32 $0x1  }
0x1ae: {  	s19 =	simm.s32 @!p2 $0x0  }
.LBB2_22:
0x1af: {  	s16 =	sadd.s32 @p0 s19, s17  }
0x1b0: {  	s14 =	smov.u32 @p0 s16  }
0x1b1: {  	s20 =	sshll.u32 s18, $0x6;
	[smem:s14] =	sst s18  }
0x1b2: {  	s16 =	sshra.s32 s20, $0x2;
	s21 =	sld [smem:s15+$0xFFFFFFFD]  }
0x1b3: {  	v6 =	vld [tilespmem:s16+$0x0];
	_ =	sdelay $0x1  }
0x1b4: {  	s22 =	sshll.u32 s21, $0x6  }
0x1b5: {  	s16 =	sshra.s32 s22, $0x2  }
0x1b6: {  	v7 =	vld [tilespmem:s16+$0x0]  }
0x1b7: {  	vm0 =	vge.s32 v6, v4;
	vm1 =	vle.s32 v6, v3  }
0x1b8: {  	vm0 =	vmand vm0, vm1  }
0x1b9: {  	v8 =	vmpcnt.ones.xlane vm0;
	_ =	sdelay $0x1  }
0x1ba: {  	(v2sf) =	vpush v8, $0x0;
	vm5 =	vge.s32 v7, v4;
	vm6 =	vle.s32 v7, v3  }
0x1bb: {  	vm0 =	vmand vm5, vm6  }
0x1bc: {  	v55 =	vmpcnt.ones.xlane vm0;
	_ =	sdelay $0x1  }
0x1bd: {  	(v2sf) =	vpush v55, $0x0;
	_ =	sdelay $0xa  }
0x1be: {  	s23 =	spop (v2sf)  }
0x1bf: {  	s16 =	simm.s32 $0x1;
	p0 =	sgt.s32 s23, $0x0  }
0x1c0: {  	s16 =	simm.s32 @!p0 $0x0  }
0x1c1: {  	s14 =	sadd.s32 s16, s14  }
0x1c2: {  	[smem:s14] =	sst s21;
	s24 =	spop (v2sf)  }
0x1c3: {  	s17 =	simm.s32 $0x1;
	s25 =	sld [smem:s15+$0xFFFFFFFE];
	p0 =	sgt.s32 s24, $0x0  }
0x1c4: {  	s17 =	simm.s32 @!p0 $0x0  }
0x1c5: {  	s14 =	sadd.s32 s17, s14  }
0x1c6: {  	s26 =	sshll.u32 s25, $0x6;
	[smem:s14] =	sst s25  }
0x1c7: {  	s28 =	sshra.s32 s26, $0x2;
	s29 =	sld [smem:s15+$0xFFFFFFFF]  }
0x1c8: {  	v56 =	vld [tilespmem:s28+$0x0];
	_ =	sdelay $0x1  }
0x1c9: {  	s30 =	sshll.u32 s29, $0x6  }
0x1ca: {  	s16 =	sshra.s32 s30, $0x2  }
0x1cb: {  	v9 =	vld [tilespmem:s16+$0x0]  }
0x1cc: {  	vm7 =	vge.s32 v56, v4;
	vm8 =	vle.s32 v56, v3  }
0x1cd: {  	vm0 =	vmand vm7, vm8  }
0x1ce: {  	v10 =	vmpcnt.ones.xlane vm0;
	_ =	sdelay $0x1  }
0x1cf: {  	(v2sf) =	vpush v10, $0x0;
	vm9 =	vge.s32 v9, v4;
	vm10 =	vle.s32 v9, v3  }
0x1d0: {  	vm0 =	vmand vm9, vm10  }
0x1d1: {  	v57 =	vmpcnt.ones.xlane vm0;
	_ =	sdelay $0x1  }
0x1d2: {  	(v2sf) =	vpush v57, $0x0;
	_ =	sdelay $0xa  }
0x1d3: {  	s31 =	spop (v2sf)  }
0x1d4: {  	s16 =	simm.s32 $0x1;
	p0 =	sgt.s32 s31, $0x0  }
0x1d5: {  	s16 =	simm.s32 @!p0 $0x0  }
0x1d6: {  	s14 =	sadd.s32 s16, s14  }
0x1d7: {  	[smem:s14] =	sst s29;
	s17 =	spop (v2sf)  }
0x1d8: {  	s18 =	sld [smem:s15+$0x0];
	p0 =	sgt.s32 s17, $0x0;
	s17 =	simm.s32 $0x1  }
0x1d9: {  	s17 =	simm.s32 @!p0 $0x0  }
0x1da: {  	s14 =	sadd.s32 s17, s14  }
0x1db: {  	s19 =	sshll.u32 s18, $0x6;
	[smem:s14] =	sst s18  }
0x1dc: {  	s20 =	sshra.s32 s19, $0x2;
	s21 =	sld [smem:s15+$0x1]  }
0x1dd: {  	v58 =	vld [tilespmem:s20+$0x0];
	_ =	sdelay $0x1  }
0x1de: {  	s22 =	sshll.u32 s21, $0x6  }
0x1df: {  	s16 =	sshra.s32 s22, $0x2  }
0x1e0: {  	v11 =	vld [tilespmem:s16+$0x0]  }
0x1e1: {  	vm11 =	vge.s32 v58, v4;
	vm12 =	vle.s32 v58, v3  }
0x1e2: {  	vm0 =	vmand vm11, vm12  }
0x1e3: {  	v12 =	vmpcnt.ones.xlane vm0;
	_ =	sdelay $0x1  }
0x1e4: {  	(v2sf) =	vpush v12, $0x0;
	vm13 =	vge.s32 v11, v4;
	vm14 =	vle.s32 v11, v3  }
0x1e5: {  	vm0 =	vmand vm13, vm14  }
0x1e6: {  	v59 =	vmpcnt.ones.xlane vm0;
	_ =	sdelay $0x1  }
0x1e7: {  	(v2sf) =	vpush v59, $0x0;
	_ =	sdelay $0xa  }
0x1e8: {  	s23 =	spop (v2sf)  }
0x1e9: {  	s16 =	simm.s32 $0x1;
	p0 =	sgt.s32 s23, $0x0  }
0x1ea: {  	s16 =	simm.s32 @!p0 $0x0  }
0x1eb: {  	s14 =	sadd.s32 s16, s14  }
0x1ec: {  	[smem:s14] =	sst s21;
	s24 =	spop (v2sf)  }
0x1ed: {  	s16 =	simm.s32 $0x1;
	s17 =	sld [smem:s15+$0x2];
	p0 =	sgt.s32 s24, $0x0  }
0x1ee: {  	s16 =	simm.s32 @!p0 $0x0  }
0x1ef: {  	s16 =	sadd.s32 s16, s14  }
0x1f0: {  	[smem:s16] =	sst s17  }
0x1f1: {  	s25 =	sld [smem:s15+$0x3];
	_ =	sdelay $0x1  }
0x1f2: {  	s26 =	sshll.u32 s17, $0x6  }
0x1f3: {  	s15 =	sshra.s32 s26, $0x2;
	s28 =	sshll.u32 s25, $0x6  }
0x1f4: {  	v60 =	vld [tilespmem:s15+$0x0];
	s29 =	sshra.s32 s28, $0x2  }
0x1f5: {  	v13 =	vld [tilespmem:s29+$0x0];
	_ =	sdelay $0x3  }
0x1f6: {  	vm15 =	vge.s32 v60, v4;
	vm4 =	vle.s32 v60, v3  }
0x1f7: {  	vm0 =	vmand vm15, vm4;
	vm5 =	vge.s32 v13, v4;
	vm2 =	vle.s32 v13, v3  }
0x1f8: {  	v4 =	vmpcnt.ones.xlane vm0;
	vm1 =	vmand vm5, vm2  }
0x1f9: {  	v14 =	vmpcnt.ones.xlane vm1  }
0x1fa: {  	(v2sf) =	vpush v4, $0x0  }
0x1fb: {  	(v2sf) =	vpush v14, $0x0;
	_ =	sdelay $0x3  }
0x1fc: {  	vm6 =	vgt.s32 v6, v3  }
0x1fd: {  	vm3 =	vgt.s32 v56, v3;
	vm8 =	vgt.s32 v7, v3;
	vm9 =	vle.s32 v7, v2  }
0x1fe: {  	vm7 =	vle.s32 v6, v2;
	vm10 =	vmand vm8, vm9;
	vm12 =	vgt.s32 v9, v3  }
0x1ff: {  	vm8 =	vle.s32 v11, v2;
	vm13 =	vle.s32 v9, v2;
	vm4 =	vle.s32 v56, v2  }
0x200: {  	vm14 =	vgt.s32 v58, v3;
	vm15 =	vle.s32 v58, v2;
	vm11 =	vmand vm3, vm4  }
0x201: {  	v61 =	vsel vm11, $0x1, v1;
	vm11 =	vle.s32 v60, v2;
	vm0 =	vmand vm6, vm7  }
0x202: {  	vm6 =	vmand vm14, vm15;
	vm7 =	vgt.s32 v11, v3;
	v4 =	vsel vm0, $0x1, v1  }
0x203: {  	vm14 =	vle.s32 v13, v2;
	v4 =	vadd.s32 v4, v5;
	v5 =	vsel vm10, $0x1, v1  }
0x204: {  	v63 =	vsel vm6, $0x1, v1;
	vm1 =	vmand vm12, vm13;
	v4 =	vadd.s32 v5, v4  }
0x205: {  	vm9 =	vmand vm7, vm8;
	v62 =	vsel vm1, $0x1, v1;
	v4 =	vadd.s32 v61, v4  }
.Ltmp15:
0x206: {  	vm13 =	vgt.s32 v13, v3;
	vm10 =	vgt.s32 v60, v3;
	v4 =	vadd.s32 v62, v4;
	s30 =	spop (v2sf);
	(pc) =	sbr.rel .LBB2_23-.Ltmp15, $4  }
0x207: {  	s15 =	simm.s32 $0x1;
	v5 =	vsel vm9, $0x1, v1;
	vm12 =	vmand vm10, vm11;
	v4 =	vadd.s32 v63, v4;
	p0 =	sgt.s32 s30, $0x0;
	s31 =	spop (v2sf)  }
0x208: {  	s17 =	simm.s32 $0x1;
	vm15 =	vmand vm13, vm14;
	v2 =	vsel vm12, $0x1, v1;
	v4 =	vadd.s32 v5, v4;
	s15 =	simm.s32 @!p0 $0x0;
	p0 =	sgt.s32 s31, $0x0  }
0x209: {  	v2 =	vadd.s32 v2, v4;
	v4 =	vsel vm15, $0x1, v1;
	s15 =	sadd.s32 s15, s16;
	s17 =	simm.s32 @!p0 $0x0  }
0x20a: {  	v2 =	vadd.s32 v4, v2;
	[smem:s15] =	sst s25;
	s15 =	sadd.s32 s17, s15  }
.LBB2_11:
0x20b: {  	v2 =	vimm.s32 $0x0;
	s15 =	simm.s32 $0x0  }
.LBB2_23:
0x20c: {  	(xrf0) =	vadd.scan.msk.s32 $0xffff, v2;
	_ =	sdelay $0x5  }
0x20d: {  	v2, _, _ =	vpop (xrf0)  }
0x20e: {  	(v2sf) =	vpush v2, $0xF;
	_ =	sdelay $0x7  }
0x20f: {  	[smem:s15] =	sst s9;
	s14 =	sadd.s32 $0x7, s15  }
0x210: {  	[smem:s15+$0x1] =	sst s9;
	s17 =	sand.u32 $0x7, s14;
	s31 =	sshra.s32 s14, $0x1F  }
0x211: {  	p1 =	slt.s32 s14, $0x1;
	[smem:s15+$0x2] =	sst s9;
	p0 =	sne.s32 s17, $0x0  }
0x212: {  	s17 =	sshrl.u32 s31, $0x1D;
	[smem:s15+$0x3] =	sst s9;
	p0 =	por !p1, !p0  }
.Ltmp16:
0x213: {  	s14 =	sadd.s32 s17, s14;
	[smem:s15+$0x4] =	sst s9;
	(pc) =	sbr.rel .LBB2_24-.Ltmp16, $4  }
0x214: {  	s17 =	simm.s32 $0x1;
	p0 =	por !p0, !p0;
	[smem:s15+$0x5] =	sst s9  }
0x215: {  	s14 =	sshra.s32 s14, $0x3;
	s17 =	simm.s32 @!p0 $0x0;
	[smem:s15+$0x6] =	sst s9  }
0x216: {  	s14 =	ssub.s32 s14, s17;
	[smem:s15+$0x7] =	sst s9;
	s16 =	spop (v2sf)  }
0x217: {  	s15 =	simm.s32 $0x0;
	p0 =	slt.s32 s14, $0x1;
	s13 =	sadd.s32 s13, s16  }
.LBB2_25:
0x218: {  	v2 =	vimm.s32 $0x0  }
.LBB2_31:
0x219: {  	(xrf0) =	vadd.scan.msk.s32 $0xffff, v2;
	_ =	sdelay $0x5  }
0x21a: {  	v2, _, _ =	vpop (xrf0)  }
0x21b: {  	(v2sf) =	vpush v2, $0xF;
	_ =	sdelay $0xc  }
0x21c: {  	s15 =	sadd.s32 $0x1, s15  }
0x21d: {  	p2 =	seq.s32 s15, $0x15  }
.Ltmp17:
0x21e: {  	s17 =	spop (v2sf);
	(pc) =	sbr.rel @p2 .LBB2_32-.Ltmp17, $4  }
0x21f: {  	s17 =	sadd.s32 s17, s13  }
0x220: {  	p1 =	sgt.s32 s17, $0x3F;
	s17 =	sadd.s32 $0xFFFFFFFF, s16  }
0x221: {  	s17 =	smov.u32 @p1 s12  }
0x222: {  	s11 =	smov.u32 @p1 s16;
	s12 =	smov.u32 s17  }
.LBB2_24:
.Ltmp18:
0x223: {  	(pc) =	sbr.rel @p0 .LBB2_25-.Ltmp18, $4  }
0x224: {  	s16 =	ssub.s32 s12, s11  }
0x225: {  	s16 =	sadd.s32 $0x1, s16  }
0x226: {  	s16 =	sshra.s32 s16, $0x1  }
0x227: {  	s16 =	sadd.s32 s11, s16  }
0x228: {  	s17 =	sld [smem:$0x7]  }
0x229: {  	s19 =	sld [smem:$0x6]  }
0x22a: {  	s21 =	sld [smem:$0x5]  }
0x22b: {  	p2 =	sne.s32 s14, $0x1;
	s23 =	sld [smem:$0x4]  }
.Ltmp19:
0x22c: {  	s20 =	sld [smem:$0x3];
	(pc) =	sbr.rel @!p2 .LBB2_27-.Ltmp19, $4  }
0x22d: {  	p1 =	por $0x0, $0x0;
	s22 =	sshll.u32 s17, $0x6;
	s18 =	sld [smem:$0x2]  }
0x22e: {  	s19 =	sshll.u32 s19, $0x6;
	s24 =	sshra.s32 s22, $0x2;
	s17 =	sld [smem:$0x1]  }
0x22f: {  	s21 =	sshll.u32 s21, $0x6;
	s19 =	sshra.s32 s19, $0x2;
	s22 =	sld [smem:$0x0];
	v5 =	vld [tilespmem:s24+$0x0]  }
0x230: {  	v4 =	vmov s16;
	v2 =	vimm.s32 $0x0;
	s23 =	sshll.u32 s23, $0x6;
	s24 =	sshra.s32 s21, $0x2;
	v6 =	vld [tilespmem:s19+$0x0];
	s21 =	sadd.s32 $0xFFFFFFFF, s14  }
0x231: {  	s19 =	sshll.u32 s20, $0x6;
	s25 =	sshra.s32 s23, $0x2;
	v7 =	vld [tilespmem:s24+$0x0]  }
0x232: {  	s18 =	sshll.u32 s18, $0x6;
	s19 =	sshra.s32 s19, $0x2;
	v8 =	vld [tilespmem:s25+$0x0]  }
0x233: {  	s26 =	sshll.u32 s22, $0x6;
	s18 =	sshra.s32 s18, $0x2;
	v9 =	vld [tilespmem:s19+$0x0]  }
0x234: {  	s17 =	sshll.u32 s17, $0x6;
	s28 =	sshra.s32 s26, $0x2;
	v10 =	vld [tilespmem:s18+$0x0]  }
0x235: {  	s17 =	sshra.s32 s17, $0x2;
	v11 =	vld [tilespmem:s28+$0x0]  }
0x236: {  	s29 =	sld [smem:$0xF];
	v12 =	vld [tilespmem:s17+$0x0];
	vm0 =	vge.s32 v5, v4  }
0x237: {  	vm1 =	vle.s32 v5, v3;
	s30 =	sld [smem:$0xE];
	vm2 =	vge.s32 v6, v4;
	vm3 =	vle.s32 v6, v3  }
0x238: {  	s31 =	sld [smem:$0xD];
	vm4 =	vge.s32 v7, v4;
	vm5 =	vle.s32 v7, v3;
	vm6 =	vge.s32 v8, v4  }
0x239: {  	p2 =	sne.s32 s21, $0x1;
	s25 =	sld [smem:$0xC];
	vm7 =	vle.s32 v8, v3;
	vm8 =	vge.s32 v9, v4;
	vm9 =	vle.s32 v9, v3  }
.Ltmp20:
0x23a: {  	s21 =	sadd.s32 $0xFFFFFFFF, s21;
	s20 =	sld [smem:$0xB];
	vm12 =	vge.s32 v10, v4;
	vm10 =	vge.s32 v11, v4;
	vm11 =	vle.s32 v11, v3;
	(pc) =	sbr.rel @!p2 .LBB2_30-.Ltmp20, $4  }
0x23b: {  	p1 =	por $0x1, $0x1;
	s22 =	sshll.u32 s29, $0x6;
	s18 =	sld [smem:$0xA];
	vm13 =	vle.s32 v12, v3;
	vm10 =	vmand vm10, vm11;
	vm11 =	vge.s32 v12, v4  }
0x23c: {  	s23 =	sshll.u32 s30, $0x6;
	s26 =	sshra.s32 s22, $0x2;
	s17 =	sld [smem:$0x9];
	v6 =	vsel vm10, $0x1, v1;
	vm10 =	vmand vm11, vm13;
	vm11 =	vle.s32 v10, v3  }
0x23d: {  	s24 =	sshll.u32 s31, $0x6;
	s28 =	sshra.s32 s23, $0x2;
	s22 =	sld [smem:$0x8];
	v5 =	vld [tilespmem:s26+$0x0];
	v7 =	vadd.s32 v6, v2;
	v8 =	vsel vm10, $0x1, v1;
	vm10 =	vmand vm12, vm11  }
0x23e: {  	s19 =	simm.s32 $0xC;
	vm8 =	vmand vm8, vm9;
	s23 =	sshll.u32 s25, $0x6;
	s24 =	sshra.s32 s24, $0x2;
	v6 =	vld [tilespmem:s28+$0x0];
	v7 =	vadd.s32 v8, v7;
	v8 =	vsel vm10, $0x1, v1  }
.LBB2_29:
0x23f: {  	p2 =	sne.s32 s21, $0x1;
	s20 =	sshll.u32 s20, $0x6;
	s23 =	sshra.s32 s23, $0x2;
	v9 =	vld [tilespmem:s24+$0x0];
	v7 =	vadd.s32 v8, v7;
	v8 =	vsel vm8, $0x1, v1;
	vm6 =	vmand vm6, vm7  }
0x240: {  	s18 =	sshll.u32 s18, $0x6;
	vm4 =	vmand vm4, vm5;
	s20 =	sshra.s32 s20, $0x2;
	v10 =	vld [tilespmem:s23+$0x0];
	v7 =	vadd.s32 v8, v7;
	v8 =	vsel vm6, $0x1, v1  }
0x241: {  	vm2 =	vmand vm2, vm3;
	s22 =	sshll.u32 s22, $0x6;
	s18 =	sshra.s32 s18, $0x2;
	v11 =	vld [tilespmem:s20+$0x0];
	v7 =	vadd.s32 v8, v7;
	v8 =	vsel vm4, $0x1, v1  }
0x242: {  	s17 =	sshll.u32 s17, $0x6;
	vm0 =	vmand vm0, vm1;
	s20 =	sshra.s32 s22, $0x2;
	v12 =	vld [tilespmem:s18+$0x0];
	v7 =	vadd.s32 v8, v7;
	v8 =	vsel vm2, $0x1, v1  }
0x243: {  	s19 =	sadd.s32 $0x8, s19;
	s17 =	sshra.s32 s17, $0x2;
	v13 =	vld [tilespmem:s20+$0x0];
	v7 =	vadd.s32 v8, v7;
	v8 =	vsel vm0, $0x1, v1  }
0x244: {  	vm0 =	vge.s32 v5, v4;
	s22 =	sld [smem:s19+$0x3];
	v14 =	vld [tilespmem:s17+$0x0];
	v7 =	vadd.s32 v8, v7  }
0x245: {  	vm1 =	vle.s32 v5, v3;
	vm2 =	vge.s32 v6, v4;
	vm3 =	vle.s32 v6, v3;
	s23 =	sld [smem:s19+$0x2]  }
0x246: {  	vm4 =	vge.s32 v9, v4;
	vm5 =	vle.s32 v9, v3;
	vm6 =	vge.s32 v10, v4;
	s24 =	sld [smem:s19+$0x1]  }
0x247: {  	vm7 =	vle.s32 v10, v3;
	vm8 =	vge.s32 v11, v4;
	vm9 =	vle.s32 v11, v3;
	s25 =	sld [smem:s19+$0x0]  }
.Ltmp21:
0x248: {  	vm12 =	vge.s32 v12, v4;
	s20 =	sld [smem:s19+$0xFFFFFFFF];
	vm10 =	vge.s32 v13, v4;
	vm11 =	vle.s32 v13, v3;
	(pc) =	sbr.rel @p2 .LBB2_29-.Ltmp21, $4  }
0x249: {  	s22 =	sshll.u32 s22, $0x6;
	s18 =	sld [smem:s19+$0xFFFFFFFE];
	vm10 =	vmand vm10, vm11;
	vm11 =	vge.s32 v14, v4;
	vm13 =	vle.s32 v14, v3  }
0x24a: {  	s23 =	sshll.u32 s23, $0x6;
	s26 =	sshra.s32 s22, $0x2;
	s17 =	sld [smem:s19+$0xFFFFFFFD];
	v6 =	vsel vm10, $0x1, v1;
	vm10 =	vmand vm11, vm13;
	vm11 =	vle.s32 v12, v3  }
0x24b: {  	s24 =	sshll.u32 s24, $0x6;
	s28 =	sshra.s32 s23, $0x2;
	s22 =	sld [smem:s19+$0xFFFFFFFC];
	v5 =	vld [tilespmem:s26+$0x0];
	v7 =	vadd.s32 v6, v7;
	v8 =	vsel vm10, $0x1, v1;
	vm10 =	vmand vm12, vm11  }
0x24c: {  	s21 =	sadd.s32 $0xFFFFFFFF, s21;
	vm8 =	vmand vm8, vm9;
	s23 =	sshll.u32 s25, $0x6;
	s24 =	sshra.s32 s24, $0x2;
	v6 =	vld [tilespmem:s28+$0x0];
	v7 =	vadd.s32 v8, v7;
	v8 =	vsel vm10, $0x1, v1  }
.LBB2_30:
0x24d: {  	s19 =	sshll.u32 s20, $0x6;
	s29 =	sshra.s32 s23, $0x2;
	v9 =	vld [tilespmem:s24+$0x0];
	v7 =	vadd.s32 @p1 v8, v7;
	v8 =	vsel @p1 vm8, $0x1, v1;
	vm6 =	vmand @p1 vm6, vm7  }
0x24e: {  	vm4 =	vmand @p1 vm4, vm5;
	s18 =	sshll.u32 s18, $0x6;
	s19 =	sshra.s32 s19, $0x2;
	v10 =	vld [tilespmem:s29+$0x0];
	v7 =	vadd.s32 @p1 v8, v7;
	v8 =	vsel @p1 vm6, $0x1, v1  }
0x24f: {  	vm2 =	vmand @p1 vm2, vm3;
	s30 =	sshll.u32 s22, $0x6;
	s18 =	sshra.s32 s18, $0x2;
	v11 =	vld [tilespmem:s19+$0x0];
	v7 =	vadd.s32 @p1 v8, v7;
	v8 =	vsel @p1 vm4, $0x1, v1  }
0x250: {  	s17 =	sshll.u32 s17, $0x6;
	s31 =	sshra.s32 s30, $0x2;
	v13 =	vld [tilespmem:s18+$0x0];
	v7 =	vadd.s32 @p1 v8, v7;
	v8 =	vsel @p1 vm2, $0x1, v1  }
0x251: {  	vm0 =	vmand @p1 vm0, vm1;
	s17 =	sshra.s32 s17, $0x2;
	v12 =	vld [tilespmem:s31+$0x0];
	vm1 =	vle.s32 v5, v3;
	v7 =	vadd.s32 @p1 v8, v7  }
0x252: {  	v14 =	vld [tilespmem:s17+$0x0];
	v8 =	vsel @p1 vm0, $0x1, v1;
	vm0 =	vge.s32 v5, v4;
	vm2 =	vge.s32 v6, v4  }
0x253: {  	vm3 =	vle.s32 v6, v3;
	v7 =	vadd.s32 @p1 v8, v7;
	vm5 =	vge.s32 v9, v4  }
0x254: {  	vm6 =	vle.s32 v9, v3;
	vm4 =	vge.s32 v10, v4;
	vm11 =	vle.s32 v10, v3  }
0x255: {  	v2 =	vpsel p1, v7, v2;
	vm7 =	vge.s32 v11, v4;
	vm8 =	vle.s32 v11, v3  }
0x256: {  	vm12 =	vge.s32 v13, v4;
	vm9 =	vge.s32 v12, v4;
	vm10 =	vle.s32 v12, v3  }
0x257: {  	vm13 =	vle.s32 v14, v3;
	vm9 =	vmand vm9, vm10;
	vm10 =	vge.s32 v14, v4  }
0x258: {  	v4 =	vsel vm9, $0x1, v1;
	vm15 =	vmand vm10, vm13;
	vm13 =	vle.s32 v13, v3  }
0x259: {  	v2 =	vadd.s32 v4, v2;
	v4 =	vsel vm15, $0x1, v1;
	vm14 =	vmand vm12, vm13  }
0x25a: {  	vm7 =	vmand vm7, vm8;
	v2 =	vadd.s32 v4, v2;
	v4 =	vsel vm14, $0x1, v1  }
0x25b: {  	vm4 =	vmand vm4, vm11;
	v2 =	vadd.s32 v4, v2;
	v4 =	vsel vm7, $0x1, v1  }
.Ltmp22:
0x25c: {  	vm15 =	vmand vm5, vm6;
	v2 =	vadd.s32 v4, v2;
	v4 =	vsel vm4, $0x1, v1;
	(pc) =	sbr.rel .LBB2_31-.Ltmp22, $4  }
0x25d: {  	vm2 =	vmand vm2, vm3;
	v2 =	vadd.s32 v4, v2;
	v4 =	vsel vm15, $0x1, v1  }
0x25e: {  	vm0 =	vmand vm0, vm1;
	v2 =	vadd.s32 v4, v2;
	v4 =	vsel vm2, $0x1, v1  }
0x25f: {  	v2 =	vadd.s32 v4, v2;
	v4 =	vsel vm0, $0x1, v1  }
0x260: {  	v2 =	vadd.s32 v4, v2  }
.LBB2_27:
.Ltmp23:
0x261: {  	(pc) =	sbr.rel .LBB2_30-.Ltmp23, $2  }
0x262: {  	_ =	sdelay $0x2  }
0x263: {  	_ = 	snop  }
.LBB2_32:
0x264: {  	s12 =	simm.s32 $0x0  }
0x265: {  	v4 =	vld [tilespmem:s12+$0x0];
	_ =	sdelay $0x1  }
0x266: {  	v5 =	vld [tilespmem:s12+$0x10];
	_ =	sdelay $0x2  }
0x267: {  	v7 =	vmul.f32 $1.442695020e+00, v4  }
0x268: {  	v6 =	vld [tilespmem:s12+$0x20]  }
0x269: {  	v9 =	vmul.f32 $1.442695020e+00, v5;
	(erf) = vpow2.f32 v7  }
0x26a: {  	v8 =	vld [tilespmem:s12+$0x30]  }
0x26b: {  	(erf) = vpow2.f32 v9  }
0x26c: {  	v11 =	vld [tilespmem:s12+$0x40]  }
0x26d: {  	v7 =	vmul.f32 $1.442695020e+00, v6;
	_ =	sdelay $0x1  }
0x26e: {  	v9 =	vmul.f32 $1.442695020e+00, v8;
	(erf) = vpow2.f32 v7  }
0x26f: {  	v12 =	vld [tilespmem:s12+$0x50]  }
0x270: {  	v2 =	vmov s11;
	v7 =	vmul.f32 $1.442695020e+00, v11;
	(erf) = vpow2.f32 v9  }
0x271: {  	v13 =	vld [tilespmem:s12+$0x60];
	vm0 =	vgt.s32 v2, v4;
	v4 =	vpop (erf)  }
0x272: {  	v3 =	vimm.f32 $0.0e+00;
	s11 =	simm.s32 $0x80;
	v14 =	vld [tilespmem:s12+$0x70];
	(erf) = vpow2.f32 v7;
	v4 =	vsel vm0, $0x0, v4  }
0x273: {  	v10 =	vld [tilespmem:s11+$0x0];
	vm9 =	vgt.s32 v2, v5;
	v5 =	vpop (erf);
	v3 =	vadd.f32 v4, v3  }
0x274: {  	v9 =	vmul.f32 $1.442695020e+00, v12;
	v7 =	vld [tilespmem:s11+$0x10];
	[tilespmem:s12+$0x2080] =	vst v4;
	v4 =	vsel vm9, $0x0, v5  }
0x275: {  	v3 =	vadd.f32 v4, v3  }
0x276: {  	v15 =	vmul.f32 $1.442695020e+00, v13;
	(erf) = vpow2.f32 v9  }
0x277: {  	vm10 =	vgt.s32 v2, v6;
	v5 =	vmul.f32 $1.442695020e+00, v14;
	v6 =	vpop (erf)  }
0x278: {  	(erf) = vpow2.f32 v15;
	v9 =	vld [tilespmem:s11+$0x20];
	[tilespmem:s12+$0x2090] =	vst v4;
	v4 =	vsel vm10, $0x0, v6  }
0x279: {  	vm11 =	vgt.s32 v2, v8;
	(erf) = vpow2.f32 v5;
	v5 =	vadd.f32 v4, v3;
	v3 =	vpop (erf)  }
0x27a: {  	v8 =	vmul.f32 $1.442695020e+00, v10;
	v6 =	vld [tilespmem:s11+$0x30];
	[tilespmem:s12+$0x20A0] =	vst v4;
	v4 =	vsel vm11, $0x0, v3  }
0x27b: {  	vm12 =	vgt.s32 v2, v11;
	v11 =	vpop (erf);
	v5 =	vadd.f32 v4, v5  }
0x27c: {  	v15 =	vmul.f32 $1.442695020e+00, v7;
	(erf) = vpow2.f32 v8;
	v11 =	vsel vm12, $0x0, v11  }
0x27d: {  	v3 =	vld [tilespmem:s11+$0x40];
	v8 =	vadd.f32 v11, v5  }
0x27e: {  	vm13 =	vgt.s32 v2, v12;
	v12 =	vmul.f32 $1.442695020e+00, v9;
	[tilespmem:s12+$0x20B0] =	vst v4;
	(erf) = vpow2.f32 v15  }
0x27f: {  	v4 =	vld [tilespmem:s11+$0x50];
	v5 =	vpop (erf)  }
0x280: {  	v15 =	vmul.f32 $1.442695020e+00, v6;
	[tilespmem:s12+$0x20C0] =	vst v11;
	(erf) = vpow2.f32 v12;
	v11 =	vsel vm13, $0x0, v5  }
0x281: {  	vm14 =	vgt.s32 v2, v13;
	v5 =	vld [tilespmem:s11+$0x60];
	v16 =	vadd.f32 v11, v8;
	v8 =	vpop (erf)  }
0x282: {  	v13 =	vmul.f32 $1.442695020e+00, v3;
	(erf) = vpow2.f32 v15;
	[tilespmem:s12+$0x20D0] =	vst v11;
	v12 =	vsel vm14, $0x0, v8  }
0x283: {  	vm15 =	vgt.s32 v2, v14;
	v8 =	vld [tilespmem:s11+$0x70];
	v14 =	vpop (erf);
	v11 =	vadd.f32 v12, v16  }
0x284: {  	s13 =	simm.s32 $0x100;
	s14 =	simm.s32 $0x600;
	(erf) = vpow2.f32 v13;
	[tilespmem:s12+$0x20E0] =	vst v12;
	v12 =	vmul.f32 $1.442695020e+00, v4;
	v13 =	vsel vm15, $0x0, v14  }
.LBB2_33:
0x285: {  	p0 =	sne.s32 s14, $0x7E00;
	vm0 =	vgt.s32 v2, v10;
	v10 =	vld [tilespmem:s13+$0x0];
	v14 =	vpop (erf);
	[tilespmem:s12+$0x20F0] =	vst v13;
	v11 =	vadd.f32 v13, v11;
	s12 =	smov.u32 s11;
	s11 =	smov.u32 s13  }
0x286: {  	v13 =	vsel vm0, $0x0, v14;
	v14 =	vmul.f32 $1.442695020e+00, v5;
	(erf) = vpow2.f32 v12  }
0x287: {  	vm0 =	vgt.s32 v2, v7;
	[tilespmem:s12+$0x2080] =	vst v13;
	v11 =	vadd.f32 v13, v11;
	v7 =	vld [tilespmem:s11+$0x10];
	v12 =	vpop (erf)  }
0x288: {  	v15 =	vsel vm0, $0x0, v12;
	v13 =	vmul.f32 $1.442695020e+00, v8;
	(erf) = vpow2.f32 v14  }
0x289: {  	vm0 =	vgt.s32 v2, v9;
	[tilespmem:s12+$0x2090] =	vst v15;
	v11 =	vadd.f32 v15, v11;
	v9 =	vld [tilespmem:s11+$0x20];
	v12 =	vpop (erf)  }
0x28a: {  	v14 =	vmul.f32 $1.442695020e+00, v10;
	v15 =	vsel vm0, $0x0, v12;
	(erf) = vpow2.f32 v13  }
0x28b: {  	vm0 =	vgt.s32 v2, v6;
	[tilespmem:s12+$0x20A0] =	vst v15;
	v11 =	vadd.f32 v15, v11;
	v6 =	vld [tilespmem:s11+$0x30];
	v12 =	vpop (erf)  }
0x28c: {  	v13 =	vmul.f32 $1.442695020e+00, v7;
	(erf) = vpow2.f32 v14;
	v14 =	vsel vm0, $0x0, v12  }
0x28d: {  	vm0 =	vgt.s32 v2, v3;
	[tilespmem:s12+$0x20B0] =	vst v14;
	v11 =	vadd.f32 v14, v11;
	v3 =	vld [tilespmem:s11+$0x40];
	v12 =	vpop (erf)  }
0x28e: {  	v14 =	vmul.f32 $1.442695020e+00, v9;
	(erf) = vpow2.f32 v13;
	v13 =	vsel vm0, $0x0, v12  }
0x28f: {  	vm0 =	vgt.s32 v2, v4;
	[tilespmem:s12+$0x20C0] =	vst v13;
	v11 =	vadd.f32 v13, v11;
	v4 =	vld [tilespmem:s11+$0x50];
	v12 =	vpop (erf)  }
.Ltmp24:
0x290: {  	v15 =	vmul.f32 $1.442695020e+00, v6;
	(erf) = vpow2.f32 v14;
	v14 =	vsel vm0, $0x0, v12;
	(pc) =	sbr.rel @p0 .LBB2_33-.Ltmp24, $4  }
0x291: {  	vm0 =	vgt.s32 v2, v5;
	[tilespmem:s12+$0x20D0] =	vst v14;
	v11 =	vadd.f32 v14, v11;
	v5 =	vld [tilespmem:s11+$0x60];
	v12 =	vpop (erf)  }
0x292: {  	v14 =	vmul.f32 $1.442695020e+00, v3;
	(erf) = vpow2.f32 v15;
	v12 =	vsel vm0, $0x0, v12  }
0x293: {  	vm0 =	vgt.s32 v2, v8;
	[tilespmem:s12+$0x20E0] =	vst v12;
	v11 =	vadd.f32 v12, v11;
	v8 =	vld [tilespmem:s11+$0x70];
	v13 =	vpop (erf)  }
0x294: {  	s13 =	sshra.s32 s14, $0x2;
	s14 =	sadd.s32 $0x200, s14;
	v12 =	vmul.f32 $1.442695020e+00, v4;
	(erf) = vpow2.f32 v14;
	v13 =	vsel vm0, $0x0, v13  }
0x295: {  	v14 =	vld [tilespmem:s13+$0x0];
	vm0 =	vgt.s32 v2, v10;
	v10 =	vpop (erf);
	v11 =	vadd.f32 v13, v11  }
0x296: {  	[tilespmem:s12+$0x20F0] =	vst v13;
	v10 =	vsel vm0, $0x0, v10;
	v58 =	vmul.f32 $1.442695020e+00, v5;
	(erf) = vpow2.f32 v12  }
0x297: {  	vm13 =	vgt.s32 v2, v7;
	v59 =	vld [tilespmem:s13+$0x10];
	v11 =	vadd.f32 v10, v11;
	v7 =	vpop (erf)  }
0x298: {  	[tilespmem:s11+$0x2080] =	vst v10;
	v7 =	vsel vm13, $0x0, v7;
	v10 =	vmul.f32 $1.442695020e+00, v8;
	(erf) = vpow2.f32 v58  }
0x299: {  	vm14 =	vgt.s32 v2, v9;
	v60 =	vld [tilespmem:s13+$0x20];
	v11 =	vadd.f32 v7, v11;
	v9 =	vpop (erf)  }
0x29a: {  	[tilespmem:s11+$0x2090] =	vst v7;
	v7 =	vmul.f32 $1.442695020e+00, v14;
	v9 =	vsel vm14, $0x0, v9;
	(erf) = vpow2.f32 v10  }
0x29b: {  	vm15 =	vgt.s32 v2, v6;
	v10 =	vld [tilespmem:s13+$0x30];
	v11 =	vadd.f32 v9, v11;
	v6 =	vpop (erf)  }
0x29c: {  	[tilespmem:s11+$0x20A0] =	vst v9;
	v9 =	vmul.f32 $1.442695020e+00, v59;
	(erf) = vpow2.f32 v7;
	v6 =	vsel vm15, $0x0, v6  }
0x29d: {  	vm4 =	vgt.s32 v2, v3;
	v7 =	vld [tilespmem:s13+$0x40];
	v11 =	vadd.f32 v6, v11;
	v3 =	vpop (erf)  }
0x29e: {  	[tilespmem:s11+$0x20B0] =	vst v6;
	v6 =	vmul.f32 $1.442695020e+00, v60;
	(erf) = vpow2.f32 v9;
	v3 =	vsel vm4, $0x0, v3  }
0x29f: {  	vm5 =	vgt.s32 v2, v4;
	v9 =	vld [tilespmem:s13+$0x50];
	v11 =	vadd.f32 v3, v11;
	v4 =	vpop (erf)  }
0x2a0: {  	[tilespmem:s11+$0x20C0] =	vst v3;
	v3 =	vmul.f32 $1.442695020e+00, v10;
	(erf) = vpow2.f32 v6;
	v4 =	vsel vm5, $0x0, v4  }
0x2a1: {  	vm6 =	vgt.s32 v2, v5;
	v6 =	vld [tilespmem:s13+$0x60];
	v11 =	vadd.f32 v4, v11;
	v5 =	vpop (erf)  }
0x2a2: {  	[tilespmem:s11+$0x20D0] =	vst v4;
	v4 =	vmul.f32 $1.442695020e+00, v7;
	(erf) = vpow2.f32 v3;
	v3 =	vsel vm6, $0x0, v5  }
0x2a3: {  	vm7 =	vgt.s32 v2, v8;
	v5 =	vld [tilespmem:s13+$0x70];
	v11 =	vadd.f32 v3, v11;
	v8 =	vpop (erf)  }
0x2a4: {  	(erf) = vpow2.f32 v4;
	v4 =	vmul.f32 $1.442695020e+00, v9;
	v8 =	vsel vm7, $0x0, v8  }
0x2a5: {  	vm8 =	vgt.s32 v2, v14;
	v61 =	vpop (erf);
	v11 =	vadd.f32 v8, v11  }
0x2a6: {  	(erf) = vpow2.f32 v4;
	v4 =	vmul.f32 $1.442695020e+00, v6;
	v14 =	vsel vm8, $0x0, v61  }
0x2a7: {  	vm9 =	vgt.s32 v2, v59;
	v62 =	vpop (erf);
	v11 =	vadd.f32 v14, v11  }
0x2a8: {  	v12 =	vsel vm9, $0x0, v62;
	(erf) = vpow2.f32 v4;
	v4 =	vmul.f32 $1.442695020e+00, v5  }
0x2a9: {  	vm10 =	vgt.s32 v2, v60;
	v63 =	vpop (erf);
	v11 =	vadd.f32 v12, v11  }
0x2aa: {  	v13 =	vsel vm10, $0x0, v63;
	(erf) = vpow2.f32 v4  }
0x2ab: {  	vm11 =	vgt.s32 v2, v10;
	v10 =	vpop (erf);
	v4 =	vadd.f32 v13, v11  }
0x2ac: {  	v10 =	vsel vm11, $0x0, v10  }
0x2ad: {  	vm12 =	vgt.s32 v2, v7;
	v7 =	vpop (erf);
	v4 =	vadd.f32 v10, v4  }
0x2ae: {  	v7 =	vsel vm12, $0x0, v7  }
0x2af: {  	vm13 =	vgt.s32 v2, v9;
	v9 =	vpop (erf);
	v4 =	vadd.f32 v7, v4  }
0x2b0: {  	v9 =	vsel vm13, $0x0, v9  }
0x2b1: {  	vm14 =	vgt.s32 v2, v6;
	v6 =	vpop (erf);
	v4 =	vadd.f32 v9, v4  }
0x2b2: {  	v6 =	vsel vm14, $0x0, v6  }
0x2b3: {  	vm15 =	vgt.s32 v2, v5;
	v2 =	vpop (erf);
	v4 =	vadd.f32 v6, v4  }
0x2b4: {  	v2 =	vsel vm15, $0x0, v2  }
0x2b5: {  	v4 =	vadd.f32 v2, v4;
	_ =	sdelay $0x1  }
0x2b6: {  	(xrf2) =	vadd.scan.msk.f32 $0xffff, v4;
	_ =	sdelay $0x7  }
0x2b7: {  	[tilespmem:s11+$0x20E0] =	vst v3  }
0x2b8: {  	[tilespmem:s11+$0x20F0] =	vst v8  }
0x2b9: {  	[tilespmem:s13+$0x2080] =	vst v14;
	v3, _, _ =	vpop (xrf2)  }
0x2ba: {  	[tilespmem:s13+$0x2090] =	vst v12;
	v3 =	vbroadcast v3, $0xF  }
0x2bb: {  	[tilespmem:s13+$0x20A0] =	vst v13  }
0x2bc: {  	[tilespmem:s13+$0x20B0] =	vst v10;
	(erf) = vrcp.f32 v3  }
0x2bd: {  	[tilespmem:s13+$0x20C0] =	vst v7  }
0x2be: {  	[tilespmem:s13+$0x20D0] =	vst v9  }
0x2bf: {  	[tilespmem:s13+$0x20E0] =	vst v6  }
0x2c0: {  	s12 =	simm.s32 $0x0;
	[tilespmem:s13+$0x20F0] =	vst v2  }
0x2c1: {  	v4 =	vld [tilespmem:s12+$0x20F0]  }
0x2c2: {  	v8 =	vld [tilespmem:s12+$0x2080]  }
0x2c3: {  	v9 =	vld [tilespmem:s12+$0x2090]  }
0x2c4: {  	v7 =	vld [tilespmem:s12+$0x20A0]  }
0x2c5: {  	v5 =	vld [tilespmem:s12+$0x20B0];
	v2 =	vpop (erf)  }
0x2c6: {  	v3 =	vld [tilespmem:s12+$0x20C0];
	v10 =	vmul.f32 v4, v2  }
0x2c7: {  	v4 =	vld [tilespmem:s12+$0x20D0];
	v8 =	vmul.f32 v8, v2  }
0x2c8: {  	s11 =	simm.s32 $0x80;
	s13 =	simm.s32 $0x400;
	v6 =	vld [tilespmem:s12+$0x20E0];
	v9 =	vmul.f32 v9, v2;
	[tilespmem:s12+$0x70] =	vst v10  }
.LBB2_35:
0x2c9: {  	p0 =	sne.s32 s13, $0x7E00;
	v10 =	vld [tilespmem:s11+$0x20F0];
	[tilespmem:s12+$0x0] =	vst v8;
	v7 =	vmul.f32 v7, v2  }
0x2ca: {  	v8 =	vld [tilespmem:s11+$0x2080];
	[tilespmem:s12+$0x10] =	vst v9;
	v5 =	vmul.f32 v5, v2  }
0x2cb: {  	v9 =	vld [tilespmem:s11+$0x2090];
	[tilespmem:s12+$0x20] =	vst v7;
	v3 =	vmul.f32 v3, v2  }
.Ltmp25:
0x2cc: {  	v7 =	vld [tilespmem:s11+$0x20A0];
	[tilespmem:s12+$0x30] =	vst v5;
	v4 =	vmul.f32 v4, v2;
	(pc) =	sbr.rel @p0 .LBB2_35-.Ltmp25, $4  }
0x2cd: {  	v5 =	vld [tilespmem:s11+$0x20B0];
	[tilespmem:s12+$0x40] =	vst v3;
	v6 =	vmul.f32 v6, v2  }
0x2ce: {  	v3 =	vld [tilespmem:s11+$0x20C0];
	v10 =	vmul.f32 v10, v2;
	[tilespmem:s12+$0x50] =	vst v4  }
0x2cf: {  	v8 =	vmul.f32 v8, v2;
	v4 =	vld [tilespmem:s11+$0x20D0];
	[tilespmem:s12+$0x60] =	vst v6;
	s12 =	smov.u32 s11  }
0x2d0: {  	s11 =	sshra.s32 s13, $0x2;
	s13 =	sadd.s32 $0x200, s13;
	v9 =	vmul.f32 v9, v2;
	v6 =	vld [tilespmem:s12+$0x20E0];
	[tilespmem:s12+$0x70] =	vst v10  }
0x2d1: {  	v10 =	vld [tilespmem:s11+$0x20F0];
	[tilespmem:s12+$0x0] =	vst v8;
	v7 =	vmul.f32 v7, v2  }
0x2d2: {  	v8 =	vld [tilespmem:s11+$0x2080];
	[tilespmem:s12+$0x10] =	vst v9;
	v5 =	vmul.f32 v5, v2  }
0x2d3: {  	v9 =	vld [tilespmem:s11+$0x2090];
	[tilespmem:s12+$0x20] =	vst v7;
	v3 =	vmul.f32 v3, v2  }
0x2d4: {  	v7 =	vld [tilespmem:s11+$0x20A0];
	[tilespmem:s12+$0x30] =	vst v5;
	v4 =	vmul.f32 v4, v2  }
0x2d5: {  	v5 =	vld [tilespmem:s11+$0x20B0];
	[tilespmem:s12+$0x40] =	vst v3;
	v6 =	vmul.f32 v6, v2  }
0x2d6: {  	v3 =	vld [tilespmem:s11+$0x20C0];
	[tilespmem:s12+$0x50] =	vst v4;
	v10 =	vmul.f32 v10, v2  }
0x2d7: {  	v4 =	vld [tilespmem:s11+$0x20D0];
	[tilespmem:s12+$0x60] =	vst v6;
	v61 =	vmul.f32 v8, v2  }
0x2d8: {  	v62 =	vld [tilespmem:s11+$0x20E0];
	v9 =	vmul.f32 v9, v2;
	[tilespmem:s11+$0x70] =	vst v10  }
0x2d9: {  	[tilespmem:s11+$0x0] =	vst v61;
	v63 =	vmul.f32 v7, v2  }
0x2da: {  	[tilespmem:s11+$0x10] =	vst v9;
	v5 =	vmul.f32 v5, v2  }
0x2db: {  	[tilespmem:s11+$0x20] =	vst v63;
	v3 =	vmul.f32 v3, v2  }
0x2dc: {  	[tilespmem:s11+$0x30] =	vst v5;
	v4 =	vmul.f32 v4, v2  }
0x2dd: {  	[tilespmem:s11+$0x40] =	vst v3;
	v2 =	vmul.f32 v62, v2  }
0x2de: {  	s10 =	sadd.s32 $0x1, s10;
	[tilespmem:s11+$0x50] =	vst v4  }
0x2df: {  	p0 =	sne.s32 s10, s5;
	[tilespmem:s11+$0x60] =	vst v2  }
0x2e0: {  	[hbm4b:s4+s6] =	stream.strided.scatter [tilespmem:s2], [sflag:$0x1], $0x2000, s7, s6, $0x38;
	[tilespmem:$0x4080] =	vst v63  }
.Ltmp26:
0x2e1: {  	_ = 	snop;
	(pc) =	sbr.rel @p0 .LBB2_1-.Ltmp26, $4  }
.Ltmp27:
0x2e2: {  	_ = 	snop;
	(pc) =	sbr.rel @!p0 .LBB2_37-.Ltmp27, $4  }
0x2e3: {  	_ =	swait.ge [sflag:s8], $0x2000  }
0x2e4: {  	[sflag:s8] =	ssyncset.done $0x0  }
0x2e5: {  	[sflag:s8] =	ssyncadd.s32 $0xFFFFE000  }
0x2e6: {  	_ = 	snop  }
.LBB2_19:
.Ltmp28:
0x2e7: {  	(pc) =	sbr.rel .LBB2_22-.Ltmp28, $2  }
0x2e8: {  	_ =	sdelay $0x2  }
0x2e9: {  	_ = 	snop  }
.LBB2_37:
0x2ea: {  	_ =	sfence.sel $0x180000  }
0x2eb: {  	[bflag:$0x0] =	sbarrier.arrive $0xFFFF  }
0x2ec: {  	p0 =	sne.s32 s1, $0x0;
	_ =	strace $0x9000004A  }
0x2ed: {  	s0 =	sadd.s32 @!p0 $0x100000, s0;
	[bflag:$0x2] =	sbarrier.arrive $0xFFFF  }
0x2ee: {  	[sflag:s0] =	ssyncadd.tile.s32 @!p0 $0x1;
	_ =	shalt  }
.Lfunc_end2:
_tile_overlayer_lowered:
.L_overlay_start_2:
0x2ef: {  	(tag) =	ssettag $0x2  }
0x2f0: {  	s0 =	rddreg [dreg:$0x0];
	s2 =	stileid.u32  }
0x2f1: {  	s1 =	rddreg [dreg:$0x1];
	p0 =	sne.s32 s2, $0x0  }
0x2f2: {  	s3 =	rddreg [dreg:$0x2];
	[bflag:$0x3] =	sbarrier.arrive $0xFFFF;
	s2 =	simm.s32 @!p0 $0x1C01  }
0x2f3: {  	[timem:s3], [sflag:s2] =	dma.local @!p0 [hbm:s0], s1  }
0x2f4: {  	s0 =	simm.s32 @!p0 $0x1  }
0x2f5: {  	_ =	swait.ge @!p0 [sflag:s0], s1  }
0x2f6: {  	s1 =	ssub.s32 @!p0 $0x0, s1;
	[sflag:s0] =	ssyncset.done @!p0 $0x0  }
0x2f7: {  	[sflag:s0] =	ssyncadd.s32 @!p0 s1  }
0x2f8: {  	[bflag:$0x3] =	sbarrier.arrive $0xFFFF  }
0x2f9: {  	_ =	shalt  }

</sc_bundles>
